<compile_context>
chip_gen: v7x
topology: tpu7x:2x2x1
jax: 0.10.2.dev20260603
libtpu: 0.0.44.dev20260713+nightly
codegen_flags: <defaults>
</compile_context>

<pallas_src>
import dataclasses

import jax
import jax.numpy as jnp
from jax import lax
from jax.experimental import pallas as pl
from jax.experimental.pallas import tpu as pltpu
from jax.experimental.pallas import tpu_sc as plsc

N = 10000
E = 320000
D = 128

NC = 2
NS = 16
LANES = 16
NW = NC * NS
EPW = E // NW
K = 80
NCHUNK = EPW // K
ECHUNK = E // K
NPAD = 10240
ROWS_PER_SUB = NPAD // NS
EPAD = NPAD

_mesh = plsc.VectorSubcoreMesh(
    core_axis_name="c", subcore_axis_name="s", num_cores=NC, num_subcores=NS
)


def _sc_body(h_hbm, e_hbm, edata_hbm, zeros_hbm, out_hbm,
             e_loc, ed0, ed1, ed2, wn_v, rows0, rows1, rows2, acc,
             g0, g1, g2, s0, s1, s2m):
    ed = (ed0, ed1, ed2)
    rows = (rows0, rows1, rows2)
    gsems = (g0, g1, g2)
    ssems = (s0, s1, s2m)
    cid = lax.axis_index("c")
    sid = lax.axis_index("s")
    wid = cid * NS + sid

    pltpu.sync_copy(zeros_hbm, acc.at[pl.ds(sid * ROWS_PER_SUB, ROWS_PER_SUB)])

    pltpu.sync_copy(e_hbm, e_loc)

    @pl.loop(0, EPAD // LANES)
    def _clip(i):
        sl = pl.ds(i * LANES, LANES)
        e_loc[sl] = jnp.minimum(jnp.maximum(e_loc[sl], 0.0), 10.0)

    plsc.subcore_barrier()

    cbase = wid * NCHUNK

    def half(c, b, prefetch, first):
        b2 = (b + 2) % 3
        pltpu.make_async_copy(h_hbm.at[ed[b].at[0]], rows[b],
                              gsems[b]).wait()

        for v in range(K // LANES):
            sl = pl.ds(v * LANES, LANES)
            es = plsc.load_gather(e_loc, [ed[b][0, sl]])
            edv = plsc.load_gather(e_loc, [ed[b][1, sl]])
            ew = plsc.bitcast(ed[b][2, sl], jnp.float32)
            wn_v[sl] = ew / (1.0 + jnp.exp(es + edv))

        rv = rows[b]

        @plsc.parallel_loop(0, K, unroll=4)
        def _scale(k):
            wk = plsc.load_gather(wn_v, [jnp.full((LANES,), k, jnp.int32)])
            for j in range(D // LANES):
                sl2 = pl.ds(j * LANES, LANES)
                rv[k, sl2] = rv[k, sl2] * wk

        pltpu.async_copy(rows[b], acc.at[ed[b].at[1]], ssems[b], add=True)

        if prefetch:
            if not first:
                pltpu.make_async_copy(rows[b2], acc.at[ed[b2].at[1]],
                                      ssems[b2]).wait()
            pltpu.sync_copy(edata_hbm.at[cbase + c + 2], ed[b2])
            pltpu.async_copy(h_hbm.at[ed[b2].at[0]], rows[b2], gsems[b2])

    pltpu.sync_copy(edata_hbm.at[cbase], ed[0])
    pltpu.sync_copy(edata_hbm.at[cbase + 1], ed[1])
    pltpu.async_copy(h_hbm.at[ed[0].at[0]], rows[0], gsems[0])
    pltpu.async_copy(h_hbm.at[ed[1].at[0]], rows[1], gsems[1])
    half(0, 0, prefetch=True, first=True)
    half(1, 1, prefetch=True, first=False)

    @pl.loop(2, NCHUNK - 3, step=3)
    def _trip(c):
        for q in range(3):
            half(c + q, (2 + q) % 3, prefetch=True, first=False)

    half(NCHUNK - 3, (NCHUNK - 3) % 3, prefetch=True, first=False)
    half(NCHUNK - 2, (NCHUNK - 2) % 3, prefetch=False, first=False)
    half(NCHUNK - 1, (NCHUNK - 1) % 3, prefetch=False, first=False)

    for c in (NCHUNK - 3, NCHUNK - 2, NCHUNK - 1):
        b = c % 3
        pltpu.make_async_copy(rows[b], acc.at[ed[b].at[1]],
                              ssems[b]).wait()

    plsc.subcore_barrier()

    sl = pl.ds(sid * ROWS_PER_SUB, ROWS_PER_SUB)
    pltpu.sync_copy(acc.at[sl], out_hbm.at[cid].at[sl])


_SC_COMPILER_PARAMS = pltpu.CompilerParams()
if "needs_layout_passes" in pltpu.CompilerParams.__dataclass_fields__:
    _SC_COMPILER_PARAMS = dataclasses.replace(
        _SC_COMPILER_PARAMS, needs_layout_passes=False
    )

_sc_call = pl.kernel(
    _sc_body,
    out_type=jax.ShapeDtypeStruct((NC, NPAD, D), jnp.float32),
    mesh=_mesh,
    scratch_types=[
        pltpu.VMEM((EPAD,), jnp.float32),
        pltpu.VMEM((3, K), jnp.int32),
        pltpu.VMEM((3, K), jnp.int32),
        pltpu.VMEM((3, K), jnp.int32),
        pltpu.VMEM((K,), jnp.float32),
        pltpu.VMEM((K, D), jnp.float32),
        pltpu.VMEM((K, D), jnp.float32),
        pltpu.VMEM((K, D), jnp.float32),
        pltpu.VMEM_SHARED((NPAD, D), jnp.float32),
        pltpu.SemaphoreType.DMA,
        pltpu.SemaphoreType.DMA,
        pltpu.SemaphoreType.DMA,
        pltpu.SemaphoreType.DMA,
        pltpu.SemaphoreType.DMA,
        pltpu.SemaphoreType.DMA,
    ],
    compiler_params=_SC_COMPILER_PARAMS,
)


_MM_BLK = 1000


def _matmul_body(x_ref, wt_ref, b_ref, h_ref):
    h_ref[...] = (
        jnp.dot(x_ref[...], wt_ref[...], preferred_element_type=jnp.float32)
        + b_ref[...]
    )


_matmul = pl.pallas_call(
    _matmul_body,
    grid=(N // _MM_BLK,),
    in_specs=[
        pl.BlockSpec((_MM_BLK, D), lambda i: (i, 0)),
        pl.BlockSpec((D, D), lambda i: (0, 0)),
        pl.BlockSpec((1, D), lambda i: (0, 0)),
    ],
    out_specs=pl.BlockSpec((_MM_BLK, D), lambda i: (i, 0)),
    out_shape=jax.ShapeDtypeStruct((N, D), jnp.float32),
)


def _combine_body(p_ref, o_ref):
    o_ref[...] = p_ref[0] + p_ref[1]


_CB_BLK = 1024

_combine = pl.pallas_call(
    _combine_body,
    grid=(NPAD // _CB_BLK,),
    in_specs=[pl.BlockSpec((NC, _CB_BLK, D), lambda i: (0, i, 0))],
    out_specs=pl.BlockSpec((_CB_BLK, D), lambda i: (i, 0)),
    out_shape=jax.ShapeDtypeStruct((NPAD, D), jnp.float32),
)


@jax.jit
def kernel(x, edge_index, edge_weight, energy, W, b):
    src = edge_index[0].astype(jnp.int32)
    dst = edge_index[1].astype(jnp.int32)
    ew_bits = lax.bitcast_convert_type(edge_weight.astype(jnp.float32),
                                       jnp.int32)
    edata = jnp.stack(
        [src.reshape(ECHUNK, K), dst.reshape(ECHUNK, K),
         ew_bits.reshape(ECHUNK, K)], axis=1)
    e_pad = jnp.pad(energy.reshape(-1), (0, EPAD - N))
    zeros = jnp.zeros((ROWS_PER_SUB, D), jnp.float32)
    h = _matmul(x, W.T, b.reshape(1, D))
    partials = _sc_call(h, e_pad, edata, zeros)
    return _combine(partials)[:N]

# --- scband reference (transcript-rebuilt; emitter-appended) ---
"""Pipeline reference for scband-gprconv-dgl-32126355374959 (READ-ONLY COPY).

The authoritative reference and input builder live on the scoring server;
editing this copy changes nothing except your own understanding.
"""

import jax, jax.numpy as jnp
import numpy as np

N = 10000
E = 320000
D_IN = 128
D_OUT = 128

def setup_inputs(seed: int = 0) -> dict:
    key = jax.random.key(seed)
    k1, k2, k3, k4, k5, k6 = jax.random.split(key, 6)
    x = jax.random.normal(k1, (N, D_IN), dtype=jnp.float32)
    edge_index = jax.random.randint(k2, (2, E), 0, N)
    edge_weight = jax.random.uniform(k3, (E,), dtype=jnp.float32)
    energy = jax.random.normal(k4, (N, 1), dtype=jnp.float32)
    W = jax.random.normal(k5, (D_OUT, D_IN), dtype=jnp.float32) * (1.0 / np.sqrt(D_IN))
    b = jax.random.normal(k6, (D_OUT,), dtype=jnp.float32) * 0.01
    return {"x": x, "edge_index": edge_index, "edge_weight": edge_weight, "energy": energy, "W": W, "b": b}

def reference(x, edge_index, edge_weight, energy, W, b):
    src = edge_index[0]
    dst = edge_index[1]
    # g.ndata['e'] = clamp(energy, 0, 10)
    e = jnp.clip(energy, 0.0, 10.0)
    # apply_edges fn.u_add_v('e','e','e_e') : per-edge sum of src and dst node energies
    e_e = e[src] + e[dst]  # [E, 1]
    # w_new = w * 1/(1+exp(e_e.squeeze(1)))
    w_new = edge_weight * (1.0 / (1.0 + jnp.exp(jnp.squeeze(e_e, axis=1))))  # [E]
    # h = linear(x)
    h = x @ W.T + b  # [N, D_OUT]
    # update_all(u_mul_e('h','w_new','m'), sum('m','h')) : scatter-add messages to dst
    m = h[src] * w_new[:, None]  # [E, D_OUT]
    out = jax.ops.segment_sum(m, dst, num_segments=N)  # [N, D_OUT]
    return out

if __name__ == "__main__":
    import jax
    _d = setup_inputs()
    print(jax.jit(kernel)(*tuple(_d.values())))

</pallas_src>

<mosaic_0001>
#map = affine_map<(d0, d1) -> (0, 0)>
#map1 = affine_map<(d0, d1) -> (0)>
#map2 = affine_map<(d0, d1) -> (0, 0, 0)>
module attributes {stable_mosaic.version = 14 : i64} {
  func.func @_sc_body(%arg0: i32, %arg1: i32, %arg2: memref<10000x128xf32, #tpu.memory_space<hbm>>, %arg3: memref<10240xf32, #tpu.memory_space<hbm>>, %arg4: memref<4000x3x80xi32, #tpu.memory_space<hbm>>, %arg5: memref<640x128xf32, #tpu.memory_space<hbm>>, %arg6: memref<2x10240x128xf32, #tpu.memory_space<hbm>>, %arg7: memref<10240xf32, #tpu.memory_space<vmem>>, %arg8: memref<3x80xi32, #tpu.memory_space<vmem>>, %arg9: memref<3x80xi32, #tpu.memory_space<vmem>>, %arg10: memref<3x80xi32, #tpu.memory_space<vmem>>, %arg11: memref<80xf32, #tpu.memory_space<vmem>>, %arg12: memref<80x128xf32, #tpu.memory_space<vmem>>, %arg13: memref<80x128xf32, #tpu.memory_space<vmem>>, %arg14: memref<80x128xf32, #tpu.memory_space<vmem>>, %arg15: memref<10240x128xf32, #tpu.memory_space<vmem_shared>>, %arg16: memref<!tpu.dma_semaphore, #tpu.memory_space<semaphore_mem>>, %arg17: memref<!tpu.dma_semaphore, #tpu.memory_space<semaphore_mem>>, %arg18: memref<!tpu.dma_semaphore, #tpu.memory_space<semaphore_mem>>, %arg19: memref<!tpu.dma_semaphore, #tpu.memory_space<semaphore_mem>>, %arg20: memref<!tpu.dma_semaphore, #tpu.memory_space<semaphore_mem>>, %arg21: memref<!tpu.dma_semaphore, #tpu.memory_space<semaphore_mem>>) attributes {dimension_semantics = [#tpu.dimension_semantics<core_parallel>, #tpu.dimension_semantics<subcore_parallel>], iteration_bounds = array<i64: 2, 16>, scalar_prefetch = 0 : i64, scratch_operands = 15 : i64, tpu.core_type = #tpu.core_type<sc_vector_subcore>, window_params = [{transform_indices = #map}, {transform_indices = #map1}, {transform_indices = #map2}, {transform_indices = #map}, {transform_indices = #map2}]} {
    %mul3A = arith.constant 16 : i32
    %mul3A_0 = arith.muli %arg0, %mul3A : i32
    %add3A = arith.addi %mul3A_0, %arg1 : i32
    %mul3A_1 = arith.constant 640 : i32
    %mul3A_2 = arith.muli %arg1, %mul3A_1 : i32
    "tpu.region"() ({
      %run_scoped3A = tpu.sem_alloc : memref<!tpu.dma_semaphore, #tpu.memory_space<semaphore_mem>>
      %dma_start3A_752 = arith.constant 0 : i32
      %dma_start3A_753 = tpu.memref_slice %arg15[%mul3A_2, %dma_start3A_752] : memref<10240x128xf32, #tpu.memory_space<vmem_shared>> -> memref<640x128xf32, #tpu.memory_space<vmem_shared>>
      tpu.enqueue_dma source(%arg5 : memref<640x128xf32, #tpu.memory_space<hbm>>) target(%dma_start3A_753 : memref<640x128xf32, #tpu.memory_space<vmem_shared>>) target_semaphore(%run_scoped3A : memref<!tpu.dma_semaphore, #tpu.memory_space<semaphore_mem>>)
      %dma_wait3A_754 = arith.constant 0 : i32
      %dma_wait3A_755 = tpu.memref_slice %arg15[%mul3A_2, %dma_wait3A_754] : memref<10240x128xf32, #tpu.memory_space<vmem_shared>> -> memref<640x128xf32, #tpu.memory_space<vmem_shared>>
      tpu.wait_dma2 semaphore(%run_scoped3A : memref<!tpu.dma_semaphore, #tpu.memory_space<semaphore_mem>>) src(%arg5 : memref<640x128xf32, #tpu.memory_space<hbm>>) dst(%dma_wait3A_755 : memref<640x128xf32, #tpu.memory_space<vmem_shared>>)
      tpu.yield
    }) : () -> ()
    "tpu.region"() ({
      %run_scoped3A = tpu.sem_alloc : memref<!tpu.dma_semaphore, #tpu.memory_space<semaphore_mem>>
      tpu.enqueue_dma source(%arg3 : memref<10240xf32, #tpu.memory_space<hbm>>) target(%arg7 : memref<10240xf32, #tpu.memory_space<vmem>>) target_semaphore(%run_scoped3A : memref<!tpu.dma_semaphore, #tpu.memory_space<semaphore_mem>>)
      tpu.wait_dma2 semaphore(%run_scoped3A : memref<!tpu.dma_semaphore, #tpu.memory_space<semaphore_mem>>) src(%arg3 : memref<10240xf32, #tpu.memory_space<hbm>>) dst(%arg7 : memref<10240xf32, #tpu.memory_space<vmem>>)
      tpu.yield
    }) : () -> ()
    %scan3A = arith.constant 0 : i32
    %scan3A_3 = arith.constant 640 : i32
    %scan3A_4 = arith.addi %scan3A, %scan3A_3 : i32
    %scan3A_5 = arith.constant 1 : i32
    scf.for %scan3A_752 = %scan3A to %scan3A_4 step %scan3A_5  : i32 {
      %mul3A_753 = arith.constant 1 : i32
      %mul3A_754 = arith.muli %scan3A_752, %mul3A_753 : i32
      %add3A_755 = arith.constant 0 : i32
      %add3A_756 = arith.addi %add3A_755, %mul3A_754 : i32
      %mul3A_757 = arith.constant 16 : i32
      %mul3A_758 = arith.muli %add3A_756, %mul3A_757 : i32
      %get3A_759 = arith.index_cast %mul3A_758 : i32 to index
      %get3A_760 = tpu.vector_load %arg7[%get3A_759] {strides = array<i32>} : memref<10240xf32, #tpu.memory_space<vmem>>, vector<16xf32>,
      %max3A = arith.constant 0.000000e+00 : f32
      %max3A_761 = vector.broadcast %max3A : f32 to vector<16xf32>
      %max3A_762 = arith.maximumf %get3A_760, %max3A_761 : vector<16xf32>
      %min3A = arith.constant 1.000000e+01 : f32
      %min3A_763 = vector.broadcast %min3A : f32 to vector<16xf32>
      %min3A_764 = arith.minimumf %max3A_762, %min3A_763 : vector<16xf32>
      %swap3A_765 = arith.index_cast %mul3A_758 : i32 to index
      %swap3A_766 = tpu.vector_load %arg7[%swap3A_765] {strides = array<i32>} : memref<10240xf32, #tpu.memory_space<vmem>>, vector<16xf32>,
      tpu.vector_store %arg7[%swap3A_765], %min3A_764 {strides = array<i32>} : memref<10240xf32, #tpu.memory_space<vmem>>, vector<16xf32>,
    }
    %scan3A_6 = arith.constant 640 : i32
    %barrier3A = arith.constant 0 : index
    tpu.barrier barrier_id(%barrier3A)
    %mul3A_7 = arith.constant 125 : i32
    %mul3A_8 = arith.muli %add3A, %mul3A_7 : i32
    "tpu.region"() ({
      %run_scoped3A = tpu.sem_alloc : memref<!tpu.dma_semaphore, #tpu.memory_space<semaphore_mem>>
      %dma_start3A_752 = arith.constant 0 : i32
      %dma_start3A_753 = arith.constant 0 : i32
      %dma_start3A_754 = tpu.memref_slice %arg4[%mul3A_8, %dma_start3A_752, %dma_start3A_753] : memref<4000x3x80xi32, #tpu.memory_space<hbm>> -> memref<1x3x80xi32, #tpu.memory_space<hbm>>
      %dma_start3A_755 = tpu.memref_squeeze %dma_start3A_754 : memref<1x3x80xi32, #tpu.memory_space<hbm>> -> memref<3x80xi32, #tpu.memory_space<hbm>>
      %dma_start3A_756 = arith.constant 0 : i32
      %dma_start3A_757 = arith.constant 0 : i32
      %dma_start3A_758 = tpu.memref_slice %arg4[%mul3A_8, %dma_start3A_756, %dma_start3A_757] : memref<4000x3x80xi32, #tpu.memory_space<hbm>> -> memref<1x3x80xi32, #tpu.memory_space<hbm>>
      %dma_start3A_759 = tpu.memref_squeeze %dma_start3A_758 : memref<1x3x80xi32, #tpu.memory_space<hbm>> -> memref<3x80xi32, #tpu.memory_space<hbm>>
      tpu.enqueue_dma source(%dma_start3A_759 : memref<3x80xi32, #tpu.memory_space<hbm>>) target(%arg8 : memref<3x80xi32, #tpu.memory_space<vmem>>) target_semaphore(%run_scoped3A : memref<!tpu.dma_semaphore, #tpu.memory_space<semaphore_mem>>)
      %dma_wait3A_760 = arith.constant 0 : i32
      %dma_wait3A_761 = arith.constant 0 : i32
      %dma_wait3A_762 = tpu.memref_slice %arg4[%mul3A_8, %dma_wait3A_760, %dma_wait3A_761] : memref<4000x3x80xi32, #tpu.memory_space<hbm>> -> memref<1x3x80xi32, #tpu.memory_space<hbm>>
      %dma_wait3A_763 = tpu.memref_squeeze %dma_wait3A_762 : memref<1x3x80xi32, #tpu.memory_space<hbm>> -> memref<3x80xi32, #tpu.memory_space<hbm>>
      %dma_wait3A_764 = arith.constant 0 : i32
      %dma_wait3A_765 = arith.constant 0 : i32
      %dma_wait3A_766 = tpu.memref_slice %arg4[%mul3A_8, %dma_wait3A_764, %dma_wait3A_765] : memref<4000x3x80xi32, #tpu.memory_space<hbm>> -> memref<1x3x80xi32, #tpu.memory_space<hbm>>
      %dma_wait3A_767 = tpu.memref_squeeze %dma_wait3A_766 : memref<1x3x80xi32, #tpu.memory_space<hbm>> -> memref<3x80xi32, #tpu.memory_space<hbm>>
      tpu.wait_dma2 semaphore(%run_scoped3A : memref<!tpu.dma_semaphore, #tpu.memory_space<semaphore_mem>>) src(%dma_wait3A_767 : memref<3x80xi32, #tpu.memory_space<hbm>>) dst(%arg8 : memref<3x80xi32, #tpu.memory_space<vmem>>)
      tpu.yield
    }) : () -> ()
    %add3A_9 = arith.constant 1 : i32
    %add3A_10 = arith.addi %mul3A_8, %add3A_9 : i32
    "tpu.region"() ({
      %run_scoped3A = tpu.sem_alloc : memref<!tpu.dma_semaphore, #tpu.memory_space<semaphore_mem>>
      %dma_start3A_752 = arith.constant 0 : i32
      %dma_start3A_753 = arith.constant 0 : i32
      %dma_start3A_754 = tpu.memref_slice %arg4[%add3A_10, %dma_start3A_752, %dma_start3A_753] : memref<4000x3x80xi32, #tpu.memory_space<hbm>> -> memref<1x3x80xi32, #tpu.memory_space<hbm>>
      %dma_start3A_755 = tpu.memref_squeeze %dma_start3A_754 : memref<1x3x80xi32, #tpu.memory_space<hbm>> -> memref<3x80xi32, #tpu.memory_space<hbm>>
      %dma_start3A_756 = arith.constant 0 : i32
      %dma_start3A_757 = arith.constant 0 : i32
      %dma_start3A_758 = tpu.memref_slice %arg4[%add3A_10, %dma_start3A_756, %dma_start3A_757] : memref<4000x3x80xi32, #tpu.memory_space<hbm>> -> memref<1x3x80xi32, #tpu.memory_space<hbm>>
      %dma_start3A_759 = tpu.memref_squeeze %dma_start3A_758 : memref<1x3x80xi32, #tpu.memory_space<hbm>> -> memref<3x80xi32, #tpu.memory_space<hbm>>
      tpu.enqueue_dma source(%dma_start3A_759 : memref<3x80xi32, #tpu.memory_space<hbm>>) target(%arg9 : memref<3x80xi32, #tpu.memory_space<vmem>>) target_semaphore(%run_scoped3A : memref<!tpu.dma_semaphore, #tpu.memory_space<semaphore_mem>>)
      %dma_wait3A_760 = arith.constant 0 : i32
      %dma_wait3A_761 = arith.constant 0 : i32
      %dma_wait3A_762 = tpu.memref_slice %arg4[%add3A_10, %dma_wait3A_760, %dma_wait3A_761] : memref<4000x3x80xi32, #tpu.memory_space<hbm>> -> memref<1x3x80xi32, #tpu.memory_space<hbm>>
      %dma_wait3A_763 = tpu.memref_squeeze %dma_wait3A_762 : memref<1x3x80xi32, #tpu.memory_space<hbm>> -> memref<3x80xi32, #tpu.memory_space<hbm>>
      %dma_wait3A_764 = arith.constant 0 : i32
      %dma_wait3A_765 = arith.constant 0 : i32
      %dma_wait3A_766 = tpu.memref_slice %arg4[%add3A_10, %dma_wait3A_764, %dma_wait3A_765] : memref<4000x3x80xi32, #tpu.memory_space<hbm>> -> memref<1x3x80xi32, #tpu.memory_space<hbm>>
      %dma_wait3A_767 = tpu.memref_squeeze %dma_wait3A_766 : memref<1x3x80xi32, #tpu.memory_space<hbm>> -> memref<3x80xi32, #tpu.memory_space<hbm>>
      tpu.wait_dma2 semaphore(%run_scoped3A : memref<!tpu.dma_semaphore, #tpu.memory_space<semaphore_mem>>) src(%dma_wait3A_767 : memref<3x80xi32, #tpu.memory_space<hbm>>) dst(%arg9 : memref<3x80xi32, #tpu.memory_space<vmem>>)
      tpu.yield
    }) : () -> ()
    %dma_start3A = arith.constant 0 : i32
    %dma_start3A_11 = arith.constant 0 : i32
    %dma_start3A_12 = tpu.memref_slice %arg8[%dma_start3A, %dma_start3A_11] : memref<3x80xi32, #tpu.memory_space<vmem>> -> memref<1x80xi32, #tpu.memory_space<vmem>>
    %dma_start3A_13 = tpu.memref_squeeze %dma_start3A_12 : memref<1x80xi32, #tpu.memory_space<vmem>> -> memref<80xi32, #tpu.memory_space<vmem>>
    %dma_start3A_14 = arith.constant 0 : i32
    %dma_start3A_15 = arith.constant 0 : i32
    %dma_start3A_16 = tpu.memref_slice %arg2[%dma_start3A_14, %dma_start3A_15] : memref<10000x128xf32, #tpu.memory_space<hbm>> -> memref<10000x128xf32, #tpu.memory_space<hbm>>
    tpu.enqueue_indirect_dma source(%dma_start3A_16 : memref<10000x128xf32, #tpu.memory_space<hbm>>) target(%arg12 : memref<80x128xf32, #tpu.memory_space<vmem>>) offsets(%dma_start3A_13 : memref<80xi32, #tpu.memory_space<vmem>>) semaphore(%arg16 : memref<!tpu.dma_semaphore, #tpu.memory_space<semaphore_mem>>)
    %dma_start3A_17 = arith.constant 0 : i32
    %dma_start3A_18 = arith.constant 0 : i32
    %dma_start3A_19 = tpu.memref_slice %arg9[%dma_start3A_17, %dma_start3A_18] : memref<3x80xi32, #tpu.memory_space<vmem>> -> memref<1x80xi32, #tpu.memory_space<vmem>>
    %dma_start3A_20 = tpu.memref_squeeze %dma_start3A_19 : memref<1x80xi32, #tpu.memory_space<vmem>> -> memref<80xi32, #tpu.memory_space<vmem>>
    %dma_start3A_21 = arith.constant 0 : i32
    %dma_start3A_22 = arith.constant 0 : i32
    %dma_start3A_23 = tpu.memref_slice %arg2[%dma_start3A_21, %dma_start3A_22] : memref<10000x128xf32, #tpu.memory_space<hbm>> -> memref<10000x128xf32, #tpu.memory_space<hbm>>
    tpu.enqueue_indirect_dma source(%dma_start3A_23 : memref<10000x128xf32, #tpu.memory_space<hbm>>) target(%arg13 : memref<80x128xf32, #tpu.memory_space<vmem>>) offsets(%dma_start3A_20 : memref<80xi32, #tpu.memory_space<vmem>>) semaphore(%arg17 : memref<!tpu.dma_semaphore, #tpu.memory_space<semaphore_mem>>)
    %dma_wait3A = arith.constant 0 : i32
    %dma_wait3A_24 = arith.constant 0 : i32
    %dma_wait3A_25 = tpu.memref_slice %arg8[%dma_wait3A, %dma_wait3A_24] : memref<3x80xi32, #tpu.memory_space<vmem>> -> memref<1x80xi32, #tpu.memory_space<vmem>>
    %dma_wait3A_26 = tpu.memref_squeeze %dma_wait3A_25 : memref<1x80xi32, #tpu.memory_space<vmem>> -> memref<80xi32, #tpu.memory_space<vmem>>
    %dma_wait3A_27 = arith.constant 0 : i32
    %dma_wait3A_28 = arith.constant 0 : i32
    %dma_wait3A_29 = tpu.memref_slice %arg2[%dma_wait3A_27, %dma_wait3A_28] : memref<10000x128xf32, #tpu.memory_space<hbm>> -> memref<10000x128xf32, #tpu.memory_space<hbm>>
    tpu.wait_indirect_dma semaphore(%arg16 : memref<!tpu.dma_semaphore, #tpu.memory_space<semaphore_mem>>) src(%dma_wait3A_29 : memref<10000x128xf32, #tpu.memory_space<hbm>>) dst(%arg12 : memref<80x128xf32, #tpu.memory_space<vmem>>)
    %get3A = arith.constant 0 : i32
    %get3A_30 = arith.index_cast %get3A : i32 to index
    %get3A_31 = arith.constant 0 : index
    %get3A_32 = tpu.vector_load %arg8[%get3A_30, %get3A_31] {strides = array<i32>} : memref<3x80xi32, #tpu.memory_space<vmem>>, vector<16xi32>,
    %gather3A = tpu.vector_load_idx %arg7[%get3A_32] : memref<10240xf32, #tpu.memory_space<vmem>>[vector<16xi32>], vector<16xf32>,
    %get3A_33 = arith.constant 1 : i32
    %get3A_34 = arith.index_cast %get3A_33 : i32 to index
    %get3A_35 = arith.constant 0 : index
    %get3A_36 = tpu.vector_load %arg8[%get3A_34, %get3A_35] {strides = array<i32>} : memref<3x80xi32, #tpu.memory_space<vmem>>, vector<16xi32>,
    %gather3A_37 = tpu.vector_load_idx %arg7[%get3A_36] : memref<10240xf32, #tpu.memory_space<vmem>>[vector<16xi32>], vector<16xf32>,
    %get3A_38 = arith.constant 2 : i32
    %get3A_39 = arith.index_cast %get3A_38 : i32 to index
    %get3A_40 = arith.constant 0 : index
    %get3A_41 = tpu.vector_load %arg8[%get3A_39, %get3A_40] {strides = array<i32>} : memref<3x80xi32, #tpu.memory_space<vmem>>, vector<16xi32>,
    %bitcast3A = vector.bitcast %get3A_41 : vector<16xi32> to vector<16xf32>
    %add3A_42 = arith.addf %gather3A, %gather3A_37 : vector<16xf32>
    %exp3A = math.exp %add3A_42 : vector<16xf32>
    %add3A_43 = arith.constant 1.000000e+00 : f32
    %add3A_44 = vector.broadcast %add3A_43 : f32 to vector<16xf32>
    %add3A_45 = arith.addf %add3A_44, %exp3A : vector<16xf32>
    %div3A = arith.divf %bitcast3A, %add3A_45 : vector<16xf32>
    %swap3A = arith.constant 0 : index
    %swap3A_46 = tpu.vector_load %arg11[%swap3A] {strides = array<i32>} : memref<80xf32, #tpu.memory_space<vmem>>, vector<16xf32>,
    tpu.vector_store %arg11[%swap3A], %div3A {strides = array<i32>} : memref<80xf32, #tpu.memory_space<vmem>>, vector<16xf32>,
    %get3A_47 = arith.constant 0 : i32
    %get3A_48 = arith.index_cast %get3A_47 : i32 to index
    %get3A_49 = arith.constant 16 : index
    %get3A_50 = tpu.vector_load %arg8[%get3A_48, %get3A_49] {strides = array<i32>} : memref<3x80xi32, #tpu.memory_space<vmem>>, vector<16xi32>,
    %gather3A_51 = tpu.vector_load_idx %arg7[%get3A_50] : memref<10240xf32, #tpu.memory_space<vmem>>[vector<16xi32>], vector<16xf32>,
    %get3A_52 = arith.constant 1 : i32
    %get3A_53 = arith.index_cast %get3A_52 : i32 to index
    %get3A_54 = arith.constant 16 : index
    %get3A_55 = tpu.vector_load %arg8[%get3A_53, %get3A_54] {strides = array<i32>} : memref<3x80xi32, #tpu.memory_space<vmem>>, vector<16xi32>,
    %gather3A_56 = tpu.vector_load_idx %arg7[%get3A_55] : memref<10240xf32, #tpu.memory_space<vmem>>[vector<16xi32>], vector<16xf32>,
    %get3A_57 = arith.constant 2 : i32
    %get3A_58 = arith.index_cast %get3A_57 : i32 to index
    %get3A_59 = arith.constant 16 : index
    %get3A_60 = tpu.vector_load %arg8[%get3A_58, %get3A_59] {strides = array<i32>} : memref<3x80xi32, #tpu.memory_space<vmem>>, vector<16xi32>,
    %bitcast3A_61 = vector.bitcast %get3A_60 : vector<16xi32> to vector<16xf32>
    %add3A_62 = arith.addf %gather3A_51, %gather3A_56 : vector<16xf32>
    %exp3A_63 = math.exp %add3A_62 : vector<16xf32>
    %add3A_64 = arith.constant 1.000000e+00 : f32
    %add3A_65 = vector.broadcast %add3A_64 : f32 to vector<16xf32>
    %add3A_66 = arith.addf %add3A_65, %exp3A_63 : vector<16xf32>
    %div3A_67 = arith.divf %bitcast3A_61, %add3A_66 : vector<16xf32>
    %swap3A_68 = arith.constant 16 : index
    %swap3A_69 = tpu.vector_load %arg11[%swap3A_68] {strides = array<i32>} : memref<80xf32, #tpu.memory_space<vmem>>, vector<16xf32>,
    tpu.vector_store %arg11[%swap3A_68], %div3A_67 {strides = array<i32>} : memref<80xf32, #tpu.memory_space<vmem>>, vector<16xf32>,
    %get3A_70 = arith.constant 0 : i32
    %get3A_71 = arith.index_cast %get3A_70 : i32 to index
    %get3A_72 = arith.constant 32 : index
    %get3A_73 = tpu.vector_load %arg8[%get3A_71, %get3A_72] {strides = array<i32>} : memref<3x80xi32, #tpu.memory_space<vmem>>, vector<16xi32>,
    %gather3A_74 = tpu.vector_load_idx %arg7[%get3A_73] : memref<10240xf32, #tpu.memory_space<vmem>>[vector<16xi32>], vector<16xf32>,
    %get3A_75 = arith.constant 1 : i32
    %get3A_76 = arith.index_cast %get3A_75 : i32 to index
    %get3A_77 = arith.constant 32 : index
    %get3A_78 = tpu.vector_load %arg8[%get3A_76, %get3A_77] {strides = array<i32>} : memref<3x80xi32, #tpu.memory_space<vmem>>, vector<16xi32>,
    %gather3A_79 = tpu.vector_load_idx %arg7[%get3A_78] : memref<10240xf32, #tpu.memory_space<vmem>>[vector<16xi32>], vector<16xf32>,
    %get3A_80 = arith.constant 2 : i32
    %get3A_81 = arith.index_cast %get3A_80 : i32 to index
    %get3A_82 = arith.constant 32 : index
    %get3A_83 = tpu.vector_load %arg8[%get3A_81, %get3A_82] {strides = array<i32>} : memref<3x80xi32, #tpu.memory_space<vmem>>, vector<16xi32>,
    %bitcast3A_84 = vector.bitcast %get3A_83 : vector<16xi32> to vector<16xf32>
    %add3A_85 = arith.addf %gather3A_74, %gather3A_79 : vector<16xf32>
    %exp3A_86 = math.exp %add3A_85 : vector<16xf32>
    %add3A_87 = arith.constant 1.000000e+00 : f32
    %add3A_88 = vector.broadcast %add3A_87 : f32 to vector<16xf32>
    %add3A_89 = arith.addf %add3A_88, %exp3A_86 : vector<16xf32>
    %div3A_90 = arith.divf %bitcast3A_84, %add3A_89 : vector<16xf32>
    %swap3A_91 = arith.constant 32 : index
    %swap3A_92 = tpu.vector_load %arg11[%swap3A_91] {strides = array<i32>} : memref<80xf32, #tpu.memory_space<vmem>>, vector<16xf32>,
    tpu.vector_store %arg11[%swap3A_91], %div3A_90 {strides = array<i32>} : memref<80xf32, #tpu.memory_space<vmem>>, vector<16xf32>,
    %get3A_93 = arith.constant 0 : i32
    %get3A_94 = arith.index_cast %get3A_93 : i32 to index
    %get3A_95 = arith.constant 48 : index
    %get3A_96 = tpu.vector_load %arg8[%get3A_94, %get3A_95] {strides = array<i32>} : memref<3x80xi32, #tpu.memory_space<vmem>>, vector<16xi32>,
    %gather3A_97 = tpu.vector_load_idx %arg7[%get3A_96] : memref<10240xf32, #tpu.memory_space<vmem>>[vector<16xi32>], vector<16xf32>,
    %get3A_98 = arith.constant 1 : i32
    %get3A_99 = arith.index_cast %get3A_98 : i32 to index
    %get3A_100 = arith.constant 48 : index
    %get3A_101 = tpu.vector_load %arg8[%get3A_99, %get3A_100] {strides = array<i32>} : memref<3x80xi32, #tpu.memory_space<vmem>>, vector<16xi32>,
    %gather3A_102 = tpu.vector_load_idx %arg7[%get3A_101] : memref<10240xf32, #tpu.memory_space<vmem>>[vector<16xi32>], vector<16xf32>,
    %get3A_103 = arith.constant 2 : i32
    %get3A_104 = arith.index_cast %get3A_103 : i32 to index
    %get3A_105 = arith.constant 48 : index
    %get3A_106 = tpu.vector_load %arg8[%get3A_104, %get3A_105] {strides = array<i32>} : memref<3x80xi32, #tpu.memory_space<vmem>>, vector<16xi32>,
    %bitcast3A_107 = vector.bitcast %get3A_106 : vector<16xi32> to vector<16xf32>
    %add3A_108 = arith.addf %gather3A_97, %gather3A_102 : vector<16xf32>
    %exp3A_109 = math.exp %add3A_108 : vector<16xf32>
    %add3A_110 = arith.constant 1.000000e+00 : f32
    %add3A_111 = vector.broadcast %add3A_110 : f32 to vector<16xf32>
    %add3A_112 = arith.addf %add3A_111, %exp3A_109 : vector<16xf32>
    %div3A_113 = arith.divf %bitcast3A_107, %add3A_112 : vector<16xf32>
    %swap3A_114 = arith.constant 48 : index
    %swap3A_115 = tpu.vector_load %arg11[%swap3A_114] {strides = array<i32>} : memref<80xf32, #tpu.memory_space<vmem>>, vector<16xf32>,
    tpu.vector_store %arg11[%swap3A_114], %div3A_113 {strides = array<i32>} : memref<80xf32, #tpu.memory_space<vmem>>, vector<16xf32>,
    %get3A_116 = arith.constant 0 : i32
    %get3A_117 = arith.index_cast %get3A_116 : i32 to index
    %get3A_118 = arith.constant 64 : index
    %get3A_119 = tpu.vector_load %arg8[%get3A_117, %get3A_118] {strides = array<i32>} : memref<3x80xi32, #tpu.memory_space<vmem>>, vector<16xi32>,
    %gather3A_120 = tpu.vector_load_idx %arg7[%get3A_119] : memref<10240xf32, #tpu.memory_space<vmem>>[vector<16xi32>], vector<16xf32>,
    %get3A_121 = arith.constant 1 : i32
    %get3A_122 = arith.index_cast %get3A_121 : i32 to index
    %get3A_123 = arith.constant 64 : index
    %get3A_124 = tpu.vector_load %arg8[%get3A_122, %get3A_123] {strides = array<i32>} : memref<3x80xi32, #tpu.memory_space<vmem>>, vector<16xi32>,
    %gather3A_125 = tpu.vector_load_idx %arg7[%get3A_124] : memref<10240xf32, #tpu.memory_space<vmem>>[vector<16xi32>], vector<16xf32>,
    %get3A_126 = arith.constant 2 : i32
    %get3A_127 = arith.index_cast %get3A_126 : i32 to index
    %get3A_128 = arith.constant 64 : index
    %get3A_129 = tpu.vector_load %arg8[%get3A_127, %get3A_128] {strides = array<i32>} : memref<3x80xi32, #tpu.memory_space<vmem>>, vector<16xi32>,
    %bitcast3A_130 = vector.bitcast %get3A_129 : vector<16xi32> to vector<16xf32>
    %add3A_131 = arith.addf %gather3A_120, %gather3A_125 : vector<16xf32>
    %exp3A_132 = math.exp %add3A_131 : vector<16xf32>
    %add3A_133 = arith.constant 1.000000e+00 : f32
    %add3A_134 = vector.broadcast %add3A_133 : f32 to vector<16xf32>
    %add3A_135 = arith.addf %add3A_134, %exp3A_132 : vector<16xf32>
    %div3A_136 = arith.divf %bitcast3A_130, %add3A_135 : vector<16xf32>
    %swap3A_137 = arith.constant 64 : index
    %swap3A_138 = tpu.vector_load %arg11[%swap3A_137] {strides = array<i32>} : memref<80xf32, #tpu.memory_space<vmem>>, vector<16xf32>,
    tpu.vector_store %arg11[%swap3A_137], %div3A_136 {strides = array<i32>} : memref<80xf32, #tpu.memory_space<vmem>>, vector<16xf32>,
    %parallel_loop3A = arith.constant 0 : i32
    %parallel_loop3A_139 = arith.constant 80 : i32
    %parallel_loop3A_140 = arith.constant 1 : i32
    scf.for %parallel_loop3A_752 = %parallel_loop3A to %parallel_loop3A_139 step %parallel_loop3A_140  : i32 {
      %parallel_loop3A_753 = vector.broadcast %parallel_loop3A_752 : i32 to vector<16xi32>
      %parallel_loop3A_754 = tpu.vector_load_idx %arg11[%parallel_loop3A_753] : memref<80xf32, #tpu.memory_space<vmem>>[vector<16xi32>], vector<16xf32>,
      %parallel_loop3A_755 = arith.index_cast %parallel_loop3A_752 : i32 to index
      %parallel_loop3A_756 = arith.constant 0 : index
      %parallel_loop3A_757 = tpu.vector_load %arg12[%parallel_loop3A_755, %parallel_loop3A_756] {strides = array<i32>} : memref<80x128xf32, #tpu.memory_space<vmem>>, vector<16xf32>,
      %parallel_loop3A_758 = arith.mulf %parallel_loop3A_757, %parallel_loop3A_754 : vector<16xf32>
      %parallel_loop3A_759 = arith.index_cast %parallel_loop3A_752 : i32 to index
      %parallel_loop3A_760 = arith.constant 0 : index
      %parallel_loop3A_761 = tpu.vector_load %arg12[%parallel_loop3A_759, %parallel_loop3A_760] {strides = array<i32>} : memref<80x128xf32, #tpu.memory_space<vmem>>, vector<16xf32>,
      tpu.vector_store %arg12[%parallel_loop3A_759, %parallel_loop3A_760], %parallel_loop3A_758 {strides = array<i32>} : memref<80x128xf32, #tpu.memory_space<vmem>>, vector<16xf32>,
      %parallel_loop3A_762 = arith.index_cast %parallel_loop3A_752 : i32 to index
      %parallel_loop3A_763 = arith.constant 16 : index
      %parallel_loop3A_764 = tpu.vector_load %arg12[%parallel_loop3A_762, %parallel_loop3A_763] {strides = array<i32>} : memref<80x128xf32, #tpu.memory_space<vmem>>, vector<16xf32>,
      %parallel_loop3A_765 = arith.mulf %parallel_loop3A_764, %parallel_loop3A_754 : vector<16xf32>
      %parallel_loop3A_766 = arith.index_cast %parallel_loop3A_752 : i32 to index
      %parallel_loop3A_767 = arith.constant 16 : index
      %parallel_loop3A_768 = tpu.vector_load %arg12[%parallel_loop3A_766, %parallel_loop3A_767] {strides = array<i32>} : memref<80x128xf32, #tpu.memory_space<vmem>>, vector<16xf32>,
      tpu.vector_store %arg12[%parallel_loop3A_766, %parallel_loop3A_767], %parallel_loop3A_765 {strides = array<i32>} : memref<80x128xf32, #tpu.memory_space<vmem>>, vector<16xf32>,
      %parallel_loop3A_769 = arith.index_cast %parallel_loop3A_752 : i32 to index
      %parallel_loop3A_770 = arith.constant 32 : index
      %parallel_loop3A_771 = tpu.vector_load %arg12[%parallel_loop3A_769, %parallel_loop3A_770] {strides = array<i32>} : memref<80x128xf32, #tpu.memory_space<vmem>>, vector<16xf32>,
      %parallel_loop3A_772 = arith.mulf %parallel_loop3A_771, %parallel_loop3A_754 : vector<16xf32>
      %parallel_loop3A_773 = arith.index_cast %parallel_loop3A_752 : i32 to index
      %parallel_loop3A_774 = arith.constant 32 : index
      %parallel_loop3A_775 = tpu.vector_load %arg12[%parallel_loop3A_773, %parallel_loop3A_774] {strides = array<i32>} : memref<80x128xf32, #tpu.memory_space<vmem>>, vector<16xf32>,
      tpu.vector_store %arg12[%parallel_loop3A_773, %parallel_loop3A_774], %parallel_loop3A_772 {strides = array<i32>} : memref<80x128xf32, #tpu.memory_space<vmem>>, vector<16xf32>,
      %parallel_loop3A_776 = arith.index_cast %parallel_loop3A_752 : i32 to index
      %parallel_loop3A_777 = arith.constant 48 : index
      %parallel_loop3A_778 = tpu.vector_load %arg12[%parallel_loop3A_776, %parallel_loop3A_777] {strides = array<i32>} : memref<80x128xf32, #tpu.memory_space<vmem>>, vector<16xf32>,
      %parallel_loop3A_779 = arith.mulf %parallel_loop3A_778, %parallel_loop3A_754 : vector<16xf32>
      %parallel_loop3A_780 = arith.index_cast %parallel_loop3A_752 : i32 to index
      %parallel_loop3A_781 = arith.constant 48 : index
      %parallel_loop3A_782 = tpu.vector_load %arg12[%parallel_loop3A_780, %parallel_loop3A_781] {strides = array<i32>} : memref<80x128xf32, #tpu.memory_space<vmem>>, vector<16xf32>,
      tpu.vector_store %arg12[%parallel_loop3A_780, %parallel_loop3A_781], %parallel_loop3A_779 {strides = array<i32>} : memref<80x128xf32, #tpu.memory_space<vmem>>, vector<16xf32>,
      %parallel_loop3A_783 = arith.index_cast %parallel_loop3A_752 : i32 to index
      %parallel_loop3A_784 = arith.constant 64 : index
      %parallel_loop3A_785 = tpu.vector_load %arg12[%parallel_loop3A_783, %parallel_loop3A_784] {strides = array<i32>} : memref<80x128xf32, #tpu.memory_space<vmem>>, vector<16xf32>,
      %parallel_loop3A_786 = arith.mulf %parallel_loop3A_785, %parallel_loop3A_754 : vector<16xf32>
      %parallel_loop3A_787 = arith.index_cast %parallel_loop3A_752 : i32 to index
      %parallel_loop3A_788 = arith.constant 64 : index
      %parallel_loop3A_789 = tpu.vector_load %arg12[%parallel_loop3A_787, %parallel_loop3A_788] {strides = array<i32>} : memref<80x128xf32, #tpu.memory_space<vmem>>, vector<16xf32>,
      tpu.vector_store %arg12[%parallel_loop3A_787, %parallel_loop3A_788], %parallel_loop3A_786 {strides = array<i32>} : memref<80x128xf32, #tpu.memory_space<vmem>>, vector<16xf32>,
      %parallel_loop3A_790 = arith.index_cast %parallel_loop3A_752 : i32 to index
      %parallel_loop3A_791 = arith.constant 80 : index
      %parallel_loop3A_792 = tpu.vector_load %arg12[%parallel_loop3A_790, %parallel_loop3A_791] {strides = array<i32>} : memref<80x128xf32, #tpu.memory_space<vmem>>, vector<16xf32>,
      %parallel_loop3A_793 = arith.mulf %parallel_loop3A_792, %parallel_loop3A_754 : vector<16xf32>
      %parallel_loop3A_794 = arith.index_cast %parallel_loop3A_752 : i32 to index
      %parallel_loop3A_795 = arith.constant 80 : index
      %parallel_loop3A_796 = tpu.vector_load %arg12[%parallel_loop3A_794, %parallel_loop3A_795] {strides = array<i32>} : memref<80x128xf32, #tpu.memory_space<vmem>>, vector<16xf32>,
      tpu.vector_store %arg12[%parallel_loop3A_794, %parallel_loop3A_795], %parallel_loop3A_793 {strides = array<i32>} : memref<80x128xf32, #tpu.memory_space<vmem>>, vector<16xf32>,
      %parallel_loop3A_797 = arith.index_cast %parallel_loop3A_752 : i32 to index
      %parallel_loop3A_798 = arith.constant 96 : index
      %parallel_loop3A_799 = tpu.vector_load %arg12[%parallel_loop3A_797, %parallel_loop3A_798] {strides = array<i32>} : memref<80x128xf32, #tpu.memory_space<vmem>>, vector<16xf32>,
      %parallel_loop3A_800 = arith.mulf %parallel_loop3A_799, %parallel_loop3A_754 : vector<16xf32>
      %parallel_loop3A_801 = arith.index_cast %parallel_loop3A_752 : i32 to index
      %parallel_loop3A_802 = arith.constant 96 : index
      %parallel_loop3A_803 = tpu.vector_load %arg12[%parallel_loop3A_801, %parallel_loop3A_802] {strides = array<i32>} : memref<80x128xf32, #tpu.memory_space<vmem>>, vector<16xf32>,
      tpu.vector_store %arg12[%parallel_loop3A_801, %parallel_loop3A_802], %parallel_loop3A_800 {strides = array<i32>} : memref<80x128xf32, #tpu.memory_space<vmem>>, vector<16xf32>,
      %parallel_loop3A_804 = arith.index_cast %parallel_loop3A_752 : i32 to index
      %parallel_loop3A_805 = arith.constant 112 : index
      %parallel_loop3A_806 = tpu.vector_load %arg12[%parallel_loop3A_804, %parallel_loop3A_805] {strides = array<i32>} : memref<80x128xf32, #tpu.memory_space<vmem>>, vector<16xf32>,
      %parallel_loop3A_807 = arith.mulf %parallel_loop3A_806, %parallel_loop3A_754 : vector<16xf32>
      %parallel_loop3A_808 = arith.index_cast %parallel_loop3A_752 : i32 to index
      %parallel_loop3A_809 = arith.constant 112 : index
      %parallel_loop3A_810 = tpu.vector_load %arg12[%parallel_loop3A_808, %parallel_loop3A_809] {strides = array<i32>} : memref<80x128xf32, #tpu.memory_space<vmem>>, vector<16xf32>,
      tpu.vector_store %arg12[%parallel_loop3A_808, %parallel_loop3A_809], %parallel_loop3A_807 {strides = array<i32>} : memref<80x128xf32, #tpu.memory_space<vmem>>, vector<16xf32>,
    } {sc.loop_unroll_factor = 4 : i64, sc.parallel_access}
    %dma_start3A_141 = arith.constant 1 : i32
    %dma_start3A_142 = arith.constant 0 : i32
    %dma_start3A_143 = tpu.memref_slice %arg8[%dma_start3A_141, %dma_start3A_142] : memref<3x80xi32, #tpu.memory_space<vmem>> -> memref<1x80xi32, #tpu.memory_space<vmem>>
    %dma_start3A_144 = tpu.memref_squeeze %dma_start3A_143 : memref<1x80xi32, #tpu.memory_space<vmem>> -> memref<80xi32, #tpu.memory_space<vmem>>
    %dma_start3A_145 = arith.constant 0 : i32
    %dma_start3A_146 = arith.constant 0 : i32
    %dma_start3A_147 = tpu.memref_slice %arg15[%dma_start3A_145, %dma_start3A_146] : memref<10240x128xf32, #tpu.memory_space<vmem_shared>> -> memref<10240x128xf32, #tpu.memory_space<vmem_shared>>
    tpu.enqueue_indirect_dma source(%arg12 : memref<80x128xf32, #tpu.memory_space<vmem>>) target(%dma_start3A_147 : memref<10240x128xf32, #tpu.memory_space<vmem_shared>>) offsets(%dma_start3A_144 : memref<80xi32, #tpu.memory_space<vmem>>) semaphore(%arg19 : memref<!tpu.dma_semaphore, #tpu.memory_space<semaphore_mem>>) {add = true}
    %add3A_148 = arith.constant 0 : i32
    %add3A_149 = arith.addi %mul3A_8, %add3A_148 : i32
    %add3A_150 = arith.constant 2 : i32
    %add3A_151 = arith.addi %add3A_149, %add3A_150 : i32
    "tpu.region"() ({
      %run_scoped3A = tpu.sem_alloc : memref<!tpu.dma_semaphore, #tpu.memory_space<semaphore_mem>>
      %dma_start3A_752 = arith.constant 0 : i32
      %dma_start3A_753 = arith.constant 0 : i32
      %dma_start3A_754 = tpu.memref_slice %arg4[%add3A_151, %dma_start3A_752, %dma_start3A_753] : memref<4000x3x80xi32, #tpu.memory_space<hbm>> -> memref<1x3x80xi32, #tpu.memory_space<hbm>>
      %dma_start3A_755 = tpu.memref_squeeze %dma_start3A_754 : memref<1x3x80xi32, #tpu.memory_space<hbm>> -> memref<3x80xi32, #tpu.memory_space<hbm>>
      %dma_start3A_756 = arith.constant 0 : i32
      %dma_start3A_757 = arith.constant 0 : i32
      %dma_start3A_758 = tpu.memref_slice %arg4[%add3A_151, %dma_start3A_756, %dma_start3A_757] : memref<4000x3x80xi32, #tpu.memory_space<hbm>> -> memref<1x3x80xi32, #tpu.memory_space<hbm>>
      %dma_start3A_759 = tpu.memref_squeeze %dma_start3A_758 : memref<1x3x80xi32, #tpu.memory_space<hbm>> -> memref<3x80xi32, #tpu.memory_space<hbm>>
      tpu.enqueue_dma source(%dma_start3A_759 : memref<3x80xi32, #tpu.memory_space<hbm>>) target(%arg10 : memref<3x80xi32, #tpu.memory_space<vmem>>) target_semaphore(%run_scoped3A : memref<!tpu.dma_semaphore, #tpu.memory_space<semaphore_mem>>)
      %dma_wait3A_760 = arith.constant 0 : i32
      %dma_wait3A_761 = arith.constant 0 : i32
      %dma_wait3A_762 = tpu.memref_slice %arg4[%add3A_151, %dma_wait3A_760, %dma_wait3A_761] : memref<4000x3x80xi32, #tpu.memory_space<hbm>> -> memref<1x3x80xi32, #tpu.memory_space<hbm>>
      %dma_wait3A_763 = tpu.memref_squeeze %dma_wait3A_762 : memref<1x3x80xi32, #tpu.memory_space<hbm>> -> memref<3x80xi32, #tpu.memory_space<hbm>>
      %dma_wait3A_764 = arith.constant 0 : i32
      %dma_wait3A_765 = arith.constant 0 : i32
      %dma_wait3A_766 = tpu.memref_slice %arg4[%add3A_151, %dma_wait3A_764, %dma_wait3A_765] : memref<4000x3x80xi32, #tpu.memory_space<hbm>> -> memref<1x3x80xi32, #tpu.memory_space<hbm>>
      %dma_wait3A_767 = tpu.memref_squeeze %dma_wait3A_766 : memref<1x3x80xi32, #tpu.memory_space<hbm>> -> memref<3x80xi32, #tpu.memory_space<hbm>>
      tpu.wait_dma2 semaphore(%run_scoped3A : memref<!tpu.dma_semaphore, #tpu.memory_space<semaphore_mem>>) src(%dma_wait3A_767 : memref<3x80xi32, #tpu.memory_space<hbm>>) dst(%arg10 : memref<3x80xi32, #tpu.memory_space<vmem>>)
      tpu.yield
    }) : () -> ()
    %dma_start3A_152 = arith.constant 0 : i32
    %dma_start3A_153 = arith.constant 0 : i32
    %dma_start3A_154 = tpu.memref_slice %arg10[%dma_start3A_152, %dma_start3A_153] : memref<3x80xi32, #tpu.memory_space<vmem>> -> memref<1x80xi32, #tpu.memory_space<vmem>>
    %dma_start3A_155 = tpu.memref_squeeze %dma_start3A_154 : memref<1x80xi32, #tpu.memory_space<vmem>> -> memref<80xi32, #tpu.memory_space<vmem>>
    %dma_start3A_156 = arith.constant 0 : i32
    %dma_start3A_157 = arith.constant 0 : i32
    %dma_start3A_158 = tpu.memref_slice %arg2[%dma_start3A_156, %dma_start3A_157] : memref<10000x128xf32, #tpu.memory_space<hbm>> -> memref<10000x128xf32, #tpu.memory_space<hbm>>
    tpu.enqueue_indirect_dma source(%dma_start3A_158 : memref<10000x128xf32, #tpu.memory_space<hbm>>) target(%arg14 : memref<80x128xf32, #tpu.memory_space<vmem>>) offsets(%dma_start3A_155 : memref<80xi32, #tpu.memory_space<vmem>>) semaphore(%arg18 : memref<!tpu.dma_semaphore, #tpu.memory_space<semaphore_mem>>)
    %dma_wait3A_159 = arith.constant 0 : i32
    %dma_wait3A_160 = arith.constant 0 : i32
    %dma_wait3A_161 = tpu.memref_slice %arg9[%dma_wait3A_159, %dma_wait3A_160] : memref<3x80xi32, #tpu.memory_space<vmem>> -> memref<1x80xi32, #tpu.memory_space<vmem>>
    %dma_wait3A_162 = tpu.memref_squeeze %dma_wait3A_161 : memref<1x80xi32, #tpu.memory_space<vmem>> -> memref<80xi32, #tpu.memory_space<vmem>>
    %dma_wait3A_163 = arith.constant 0 : i32
    %dma_wait3A_164 = arith.constant 0 : i32
    %dma_wait3A_165 = tpu.memref_slice %arg2[%dma_wait3A_163, %dma_wait3A_164] : memref<10000x128xf32, #tpu.memory_space<hbm>> -> memref<10000x128xf32, #tpu.memory_space<hbm>>
    tpu.wait_indirect_dma semaphore(%arg17 : memref<!tpu.dma_semaphore, #tpu.memory_space<semaphore_mem>>) src(%dma_wait3A_165 : memref<10000x128xf32, #tpu.memory_space<hbm>>) dst(%arg13 : memref<80x128xf32, #tpu.memory_space<vmem>>)
    %get3A_166 = arith.constant 0 : i32
    %get3A_167 = arith.index_cast %get3A_166 : i32 to index
    %get3A_168 = arith.constant 0 : index
    %get3A_169 = tpu.vector_load %arg9[%get3A_167, %get3A_168] {strides = array<i32>} : memref<3x80xi32, #tpu.memory_space<vmem>>, vector<16xi32>,
    %gather3A_170 = tpu.vector_load_idx %arg7[%get3A_169] : memref<10240xf32, #tpu.memory_space<vmem>>[vector<16xi32>], vector<16xf32>,
    %get3A_171 = arith.constant 1 : i32
    %get3A_172 = arith.index_cast %get3A_171 : i32 to index
    %get3A_173 = arith.constant 0 : index
    %get3A_174 = tpu.vector_load %arg9[%get3A_172, %get3A_173] {strides = array<i32>} : memref<3x80xi32, #tpu.memory_space<vmem>>, vector<16xi32>,
    %gather3A_175 = tpu.vector_load_idx %arg7[%get3A_174] : memref<10240xf32, #tpu.memory_space<vmem>>[vector<16xi32>], vector<16xf32>,
    %get3A_176 = arith.constant 2 : i32
    %get3A_177 = arith.index_cast %get3A_176 : i32 to index
    %get3A_178 = arith.constant 0 : index
    %get3A_179 = tpu.vector_load %arg9[%get3A_177, %get3A_178] {strides = array<i32>} : memref<3x80xi32, #tpu.memory_space<vmem>>, vector<16xi32>,
    %bitcast3A_180 = vector.bitcast %get3A_179 : vector<16xi32> to vector<16xf32>
    %add3A_181 = arith.addf %gather3A_170, %gather3A_175 : vector<16xf32>
    %exp3A_182 = math.exp %add3A_181 : vector<16xf32>
    %add3A_183 = arith.constant 1.000000e+00 : f32
    %add3A_184 = vector.broadcast %add3A_183 : f32 to vector<16xf32>
    %add3A_185 = arith.addf %add3A_184, %exp3A_182 : vector<16xf32>
    %div3A_186 = arith.divf %bitcast3A_180, %add3A_185 : vector<16xf32>
    %swap3A_187 = arith.constant 0 : index
    %swap3A_188 = tpu.vector_load %arg11[%swap3A_187] {strides = array<i32>} : memref<80xf32, #tpu.memory_space<vmem>>, vector<16xf32>,
    tpu.vector_store %arg11[%swap3A_187], %div3A_186 {strides = array<i32>} : memref<80xf32, #tpu.memory_space<vmem>>, vector<16xf32>,
    %get3A_189 = arith.constant 0 : i32
    %get3A_190 = arith.index_cast %get3A_189 : i32 to index
    %get3A_191 = arith.constant 16 : index
    %get3A_192 = tpu.vector_load %arg9[%get3A_190, %get3A_191] {strides = array<i32>} : memref<3x80xi32, #tpu.memory_space<vmem>>, vector<16xi32>,
    %gather3A_193 = tpu.vector_load_idx %arg7[%get3A_192] : memref<10240xf32, #tpu.memory_space<vmem>>[vector<16xi32>], vector<16xf32>,
    %get3A_194 = arith.constant 1 : i32
    %get3A_195 = arith.index_cast %get3A_194 : i32 to index
    %get3A_196 = arith.constant 16 : index
    %get3A_197 = tpu.vector_load %arg9[%get3A_195, %get3A_196] {strides = array<i32>} : memref<3x80xi32, #tpu.memory_space<vmem>>, vector<16xi32>,
    %gather3A_198 = tpu.vector_load_idx %arg7[%get3A_197] : memref<10240xf32, #tpu.memory_space<vmem>>[vector<16xi32>], vector<16xf32>,
    %get3A_199 = arith.constant 2 : i32
    %get3A_200 = arith.index_cast %get3A_199 : i32 to index
    %get3A_201 = arith.constant 16 : index
    %get3A_202 = tpu.vector_load %arg9[%get3A_200, %get3A_201] {strides = array<i32>} : memref<3x80xi32, #tpu.memory_space<vmem>>, vector<16xi32>,
    %bitcast3A_203 = vector.bitcast %get3A_202 : vector<16xi32> to vector<16xf32>
    %add3A_204 = arith.addf %gather3A_193, %gather3A_198 : vector<16xf32>
    %exp3A_205 = math.exp %add3A_204 : vector<16xf32>
    %add3A_206 = arith.constant 1.000000e+00 : f32
    %add3A_207 = vector.broadcast %add3A_206 : f32 to vector<16xf32>
    %add3A_208 = arith.addf %add3A_207, %exp3A_205 : vector<16xf32>
    %div3A_209 = arith.divf %bitcast3A_203, %add3A_208 : vector<16xf32>
    %swap3A_210 = arith.constant 16 : index
    %swap3A_211 = tpu.vector_load %arg11[%swap3A_210] {strides = array<i32>} : memref<80xf32, #tpu.memory_space<vmem>>, vector<16xf32>,
    tpu.vector_store %arg11[%swap3A_210], %div3A_209 {strides = array<i32>} : memref<80xf32, #tpu.memory_space<vmem>>, vector<16xf32>,
    %get3A_212 = arith.constant 0 : i32
    %get3A_213 = arith.index_cast %get3A_212 : i32 to index
    %get3A_214 = arith.constant 32 : index
    %get3A_215 = tpu.vector_load %arg9[%get3A_213, %get3A_214] {strides = array<i32>} : memref<3x80xi32, #tpu.memory_space<vmem>>, vector<16xi32>,
    %gather3A_216 = tpu.vector_load_idx %arg7[%get3A_215] : memref<10240xf32, #tpu.memory_space<vmem>>[vector<16xi32>], vector<16xf32>,
    %get3A_217 = arith.constant 1 : i32
    %get3A_218 = arith.index_cast %get3A_217 : i32 to index
    %get3A_219 = arith.constant 32 : index
    %get3A_220 = tpu.vector_load %arg9[%get3A_218, %get3A_219] {strides = array<i32>} : memref<3x80xi32, #tpu.memory_space<vmem>>, vector<16xi32>,
    %gather3A_221 = tpu.vector_load_idx %arg7[%get3A_220] : memref<10240xf32, #tpu.memory_space<vmem>>[vector<16xi32>], vector<16xf32>,
    %get3A_222 = arith.constant 2 : i32
    %get3A_223 = arith.index_cast %get3A_222 : i32 to index
    %get3A_224 = arith.constant 32 : index
    %get3A_225 = tpu.vector_load %arg9[%get3A_223, %get3A_224] {strides = array<i32>} : memref<3x80xi32, #tpu.memory_space<vmem>>, vector<16xi32>,
    %bitcast3A_226 = vector.bitcast %get3A_225 : vector<16xi32> to vector<16xf32>
    %add3A_227 = arith.addf %gather3A_216, %gather3A_221 : vector<16xf32>
    %exp3A_228 = math.exp %add3A_227 : vector<16xf32>
    %add3A_229 = arith.constant 1.000000e+00 : f32
    %add3A_230 = vector.broadcast %add3A_229 : f32 to vector<16xf32>
    %add3A_231 = arith.addf %add3A_230, %exp3A_228 : vector<16xf32>
    %div3A_232 = arith.divf %bitcast3A_226, %add3A_231 : vector<16xf32>
    %swap3A_233 = arith.constant 32 : index
    %swap3A_234 = tpu.vector_load %arg11[%swap3A_233] {strides = array<i32>} : memref<80xf32, #tpu.memory_space<vmem>>, vector<16xf32>,
    tpu.vector_store %arg11[%swap3A_233], %div3A_232 {strides = array<i32>} : memref<80xf32, #tpu.memory_space<vmem>>, vector<16xf32>,
    %get3A_235 = arith.constant 0 : i32
    %get3A_236 = arith.index_cast %get3A_235 : i32 to index
    %get3A_237 = arith.constant 48 : index
    %get3A_238 = tpu.vector_load %arg9[%get3A_236, %get3A_237] {strides = array<i32>} : memref<3x80xi32, #tpu.memory_space<vmem>>, vector<16xi32>,
    %gather3A_239 = tpu.vector_load_idx %arg7[%get3A_238] : memref<10240xf32, #tpu.memory_space<vmem>>[vector<16xi32>], vector<16xf32>,
    %get3A_240 = arith.constant 1 : i32
    %get3A_241 = arith.index_cast %get3A_240 : i32 to index
    %get3A_242 = arith.constant 48 : index
    %get3A_243 = tpu.vector_load %arg9[%get3A_241, %get3A_242] {strides = array<i32>} : memref<3x80xi32, #tpu.memory_space<vmem>>, vector<16xi32>,
    %gather3A_244 = tpu.vector_load_idx %arg7[%get3A_243] : memref<10240xf32, #tpu.memory_space<vmem>>[vector<16xi32>], vector<16xf32>,
    %get3A_245 = arith.constant 2 : i32
    %get3A_246 = arith.index_cast %get3A_245 : i32 to index
    %get3A_247 = arith.constant 48 : index
    %get3A_248 = tpu.vector_load %arg9[%get3A_246, %get3A_247] {strides = array<i32>} : memref<3x80xi32, #tpu.memory_space<vmem>>, vector<16xi32>,
    %bitcast3A_249 = vector.bitcast %get3A_248 : vector<16xi32> to vector<16xf32>
    %add3A_250 = arith.addf %gather3A_239, %gather3A_244 : vector<16xf32>
    %exp3A_251 = math.exp %add3A_250 : vector<16xf32>
    %add3A_252 = arith.constant 1.000000e+00 : f32
    %add3A_253 = vector.broadcast %add3A_252 : f32 to vector<16xf32>
    %add3A_254 = arith.addf %add3A_253, %exp3A_251 : vector<16xf32>
    %div3A_255 = arith.divf %bitcast3A_249, %add3A_254 : vector<16xf32>
    %swap3A_256 = arith.constant 48 : index
    %swap3A_257 = tpu.vector_load %arg11[%swap3A_256] {strides = array<i32>} : memref<80xf32, #tpu.memory_space<vmem>>, vector<16xf32>,
    tpu.vector_store %arg11[%swap3A_256], %div3A_255 {strides = array<i32>} : memref<80xf32, #tpu.memory_space<vmem>>, vector<16xf32>,
    %get3A_258 = arith.constant 0 : i32
    %get3A_259 = arith.index_cast %get3A_258 : i32 to index
    %get3A_260 = arith.constant 64 : index
    %get3A_261 = tpu.vector_load %arg9[%get3A_259, %get3A_260] {strides = array<i32>} : memref<3x80xi32, #tpu.memory_space<vmem>>, vector<16xi32>,
    %gather3A_262 = tpu.vector_load_idx %arg7[%get3A_261] : memref<10240xf32, #tpu.memory_space<vmem>>[vector<16xi32>], vector<16xf32>,
    %get3A_263 = arith.constant 1 : i32
    %get3A_264 = arith.index_cast %get3A_263 : i32 to index
    %get3A_265 = arith.constant 64 : index
    %get3A_266 = tpu.vector_load %arg9[%get3A_264, %get3A_265] {strides = array<i32>} : memref<3x80xi32, #tpu.memory_space<vmem>>, vector<16xi32>,
    %gather3A_267 = tpu.vector_load_idx %arg7[%get3A_266] : memref<10240xf32, #tpu.memory_space<vmem>>[vector<16xi32>], vector<16xf32>,
    %get3A_268 = arith.constant 2 : i32
    %get3A_269 = arith.index_cast %get3A_268 : i32 to index
    %get3A_270 = arith.constant 64 : index
    %get3A_271 = tpu.vector_load %arg9[%get3A_269, %get3A_270] {strides = array<i32>} : memref<3x80xi32, #tpu.memory_space<vmem>>, vector<16xi32>,
    %bitcast3A_272 = vector.bitcast %get3A_271 : vector<16xi32> to vector<16xf32>
    %add3A_273 = arith.addf %gather3A_262, %gather3A_267 : vector<16xf32>
    %exp3A_274 = math.exp %add3A_273 : vector<16xf32>
    %add3A_275 = arith.constant 1.000000e+00 : f32
    %add3A_276 = vector.broadcast %add3A_275 : f32 to vector<16xf32>
    %add3A_277 = arith.addf %add3A_276, %exp3A_274 : vector<16xf32>
    %div3A_278 = arith.divf %bitcast3A_272, %add3A_277 : vector<16xf32>
    %swap3A_279 = arith.constant 64 : index
    %swap3A_280 = tpu.vector_load %arg11[%swap3A_279] {strides = array<i32>} : memref<80xf32, #tpu.memory_space<vmem>>, vector<16xf32>,
    tpu.vector_store %arg11[%swap3A_279], %div3A_278 {strides = array<i32>} : memref<80xf32, #tpu.memory_space<vmem>>, vector<16xf32>,
    %parallel_loop3A_281 = arith.constant 0 : i32
    %parallel_loop3A_282 = arith.constant 80 : i32
    %parallel_loop3A_283 = arith.constant 1 : i32
    scf.for %parallel_loop3A_752 = %parallel_loop3A_281 to %parallel_loop3A_282 step %parallel_loop3A_283  : i32 {
      %parallel_loop3A_753 = vector.broadcast %parallel_loop3A_752 : i32 to vector<16xi32>
      %parallel_loop3A_754 = tpu.vector_load_idx %arg11[%parallel_loop3A_753] : memref<80xf32, #tpu.memory_space<vmem>>[vector<16xi32>], vector<16xf32>,
      %parallel_loop3A_755 = arith.index_cast %parallel_loop3A_752 : i32 to index
      %parallel_loop3A_756 = arith.constant 0 : index
      %parallel_loop3A_757 = tpu.vector_load %arg13[%parallel_loop3A_755, %parallel_loop3A_756] {strides = array<i32>} : memref<80x128xf32, #tpu.memory_space<vmem>>, vector<16xf32>,
      %parallel_loop3A_758 = arith.mulf %parallel_loop3A_757, %parallel_loop3A_754 : vector<16xf32>
      %parallel_loop3A_759 = arith.index_cast %parallel_loop3A_752 : i32 to index
      %parallel_loop3A_760 = arith.constant 0 : index
      %parallel_loop3A_761 = tpu.vector_load %arg13[%parallel_loop3A_759, %parallel_loop3A_760] {strides = array<i32>} : memref<80x128xf32, #tpu.memory_space<vmem>>, vector<16xf32>,
      tpu.vector_store %arg13[%parallel_loop3A_759, %parallel_loop3A_760], %parallel_loop3A_758 {strides = array<i32>} : memref<80x128xf32, #tpu.memory_space<vmem>>, vector<16xf32>,
      %parallel_loop3A_762 = arith.index_cast %parallel_loop3A_752 : i32 to index
      %parallel_loop3A_763 = arith.constant 16 : index
      %parallel_loop3A_764 = tpu.vector_load %arg13[%parallel_loop3A_762, %parallel_loop3A_763] {strides = array<i32>} : memref<80x128xf32, #tpu.memory_space<vmem>>, vector<16xf32>,
      %parallel_loop3A_765 = arith.mulf %parallel_loop3A_764, %parallel_loop3A_754 : vector<16xf32>
      %parallel_loop3A_766 = arith.index_cast %parallel_loop3A_752 : i32 to index
      %parallel_loop3A_767 = arith.constant 16 : index
      %parallel_loop3A_768 = tpu.vector_load %arg13[%parallel_loop3A_766, %parallel_loop3A_767] {strides = array<i32>} : memref<80x128xf32, #tpu.memory_space<vmem>>, vector<16xf32>,
      tpu.vector_store %arg13[%parallel_loop3A_766, %parallel_loop3A_767], %parallel_loop3A_765 {strides = array<i32>} : memref<80x128xf32, #tpu.memory_space<vmem>>, vector<16xf32>,
      %parallel_loop3A_769 = arith.index_cast %parallel_loop3A_752 : i32 to index
      %parallel_loop3A_770 = arith.constant 32 : index
      %parallel_loop3A_771 = tpu.vector_load %arg13[%parallel_loop3A_769, %parallel_loop3A_770] {strides = array<i32>} : memref<80x128xf32, #tpu.memory_space<vmem>>, vector<16xf32>,
      %parallel_loop3A_772 = arith.mulf %parallel_loop3A_771, %parallel_loop3A_754 : vector<16xf32>
      %parallel_loop3A_773 = arith.index_cast %parallel_loop3A_752 : i32 to index
      %parallel_loop3A_774 = arith.constant 32 : index
      %parallel_loop3A_775 = tpu.vector_load %arg13[%parallel_loop3A_773, %parallel_loop3A_774] {strides = array<i32>} : memref<80x128xf32, #tpu.memory_space<vmem>>, vector<16xf32>,
      tpu.vector_store %arg13[%parallel_loop3A_773, %parallel_loop3A_774], %parallel_loop3A_772 {strides = array<i32>} : memref<80x128xf32, #tpu.memory_space<vmem>>, vector<16xf32>,
      %parallel_loop3A_776 = arith.index_cast %parallel_loop3A_752 : i32 to index
      %parallel_loop3A_777 = arith.constant 48 : index
      %parallel_loop3A_778 = tpu.vector_load %arg13[%parallel_loop3A_776, %parallel_loop3A_777] {strides = array<i32>} : memref<80x128xf32, #tpu.memory_space<vmem>>, vector<16xf32>,
      %parallel_loop3A_779 = arith.mulf %parallel_loop3A_778, %parallel_loop3A_754 : vector<16xf32>
      %parallel_loop3A_780 = arith.index_cast %parallel_loop3A_752 : i32 to index
      %parallel_loop3A_781 = arith.constant 48 : index
      %parallel_loop3A_782 = tpu.vector_load %arg13[%parallel_loop3A_780, %parallel_loop3A_781] {strides = array<i32>} : memref<80x128xf32, #tpu.memory_space<vmem>>, vector<16xf32>,
      tpu.vector_store %arg13[%parallel_loop3A_780, %parallel_loop3A_781], %parallel_loop3A_779 {strides = array<i32>} : memref<80x128xf32, #tpu.memory_space<vmem>>, vector<16xf32>,
      %parallel_loop3A_783 = arith.index_cast %parallel_loop3A_752 : i32 to index
      %parallel_loop3A_784 = arith.constant 64 : index
      %parallel_loop3A_785 = tpu.vector_load %arg13[%parallel_loop3A_783, %parallel_loop3A_784] {strides = array<i32>} : memref<80x128xf32, #tpu.memory_space<vmem>>, vector<16xf32>,
      %parallel_loop3A_786 = arith.mulf %parallel_loop3A_785, %parallel_loop3A_754 : vector<16xf32>
      %parallel_loop3A_787 = arith.index_cast %parallel_loop3A_752 : i32 to index
      %parallel_loop3A_788 = arith.constant 64 : index
      %parallel_loop3A_789 = tpu.vector_load %arg13[%parallel_loop3A_787, %parallel_loop3A_788] {strides = array<i32>} : memref<80x128xf32, #tpu.memory_space<vmem>>, vector<16xf32>,
      tpu.vector_store %arg13[%parallel_loop3A_787, %parallel_loop3A_788], %parallel_loop3A_786 {strides = array<i32>} : memref<80x128xf32, #tpu.memory_space<vmem>>, vector<16xf32>,
      %parallel_loop3A_790 = arith.index_cast %parallel_loop3A_752 : i32 to index
      %parallel_loop3A_791 = arith.constant 80 : index
      %parallel_loop3A_792 = tpu.vector_load %arg13[%parallel_loop3A_790, %parallel_loop3A_791] {strides = array<i32>} : memref<80x128xf32, #tpu.memory_space<vmem>>, vector<16xf32>,
      %parallel_loop3A_793 = arith.mulf %parallel_loop3A_792, %parallel_loop3A_754 : vector<16xf32>
      %parallel_loop3A_794 = arith.index_cast %parallel_loop3A_752 : i32 to index
      %parallel_loop3A_795 = arith.constant 80 : index
      %parallel_loop3A_796 = tpu.vector_load %arg13[%parallel_loop3A_794, %parallel_loop3A_795] {strides = array<i32>} : memref<80x128xf32, #tpu.memory_space<vmem>>, vector<16xf32>,
      tpu.vector_store %arg13[%parallel_loop3A_794, %parallel_loop3A_795], %parallel_loop3A_793 {strides = array<i32>} : memref<80x128xf32, #tpu.memory_space<vmem>>, vector<16xf32>,
      %parallel_loop3A_797 = arith.index_cast %parallel_loop3A_752 : i32 to index
      %parallel_loop3A_798 = arith.constant 96 : index
      %parallel_loop3A_799 = tpu.vector_load %arg13[%parallel_loop3A_797, %parallel_loop3A_798] {strides = array<i32>} : memref<80x128xf32, #tpu.memory_space<vmem>>, vector<16xf32>,
      %parallel_loop3A_800 = arith.mulf %parallel_loop3A_799, %parallel_loop3A_754 : vector<16xf32>
      %parallel_loop3A_801 = arith.index_cast %parallel_loop3A_752 : i32 to index
      %parallel_loop3A_802 = arith.constant 96 : index
      %parallel_loop3A_803 = tpu.vector_load %arg13[%parallel_loop3A_801, %parallel_loop3A_802] {strides = array<i32>} : memref<80x128xf32, #tpu.memory_space<vmem>>, vector<16xf32>,
      tpu.vector_store %arg13[%parallel_loop3A_801, %parallel_loop3A_802], %parallel_loop3A_800 {strides = array<i32>} : memref<80x128xf32, #tpu.memory_space<vmem>>, vector<16xf32>,
      %parallel_loop3A_804 = arith.index_cast %parallel_loop3A_752 : i32 to index
      %parallel_loop3A_805 = arith.constant 112 : index
      %parallel_loop3A_806 = tpu.vector_load %arg13[%parallel_loop3A_804, %parallel_loop3A_805] {strides = array<i32>} : memref<80x128xf32, #tpu.memory_space<vmem>>, vector<16xf32>,
      %parallel_loop3A_807 = arith.mulf %parallel_loop3A_806, %parallel_loop3A_754 : vector<16xf32>
      %parallel_loop3A_808 = arith.index_cast %parallel_loop3A_752 : i32 to index
      %parallel_loop3A_809 = arith.constant 112 : index
      %parallel_loop3A_810 = tpu.vector_load %arg13[%parallel_loop3A_808, %parallel_loop3A_809] {strides = array<i32>} : memref<80x128xf32, #tpu.memory_space<vmem>>, vector<16xf32>,
      tpu.vector_store %arg13[%parallel_loop3A_808, %parallel_loop3A_809], %parallel_loop3A_807 {strides = array<i32>} : memref<80x128xf32, #tpu.memory_space<vmem>>, vector<16xf32>,
    } {sc.loop_unroll_factor = 4 : i64, sc.parallel_access}
    %dma_start3A_284 = arith.constant 1 : i32
    %dma_start3A_285 = arith.constant 0 : i32
    %dma_start3A_286 = tpu.memref_slice %arg9[%dma_start3A_284, %dma_start3A_285] : memref<3x80xi32, #tpu.memory_space<vmem>> -> memref<1x80xi32, #tpu.memory_space<vmem>>
    %dma_start3A_287 = tpu.memref_squeeze %dma_start3A_286 : memref<1x80xi32, #tpu.memory_space<vmem>> -> memref<80xi32, #tpu.memory_space<vmem>>
    %dma_start3A_288 = arith.constant 0 : i32
    %dma_start3A_289 = arith.constant 0 : i32
    %dma_start3A_290 = tpu.memref_slice %arg15[%dma_start3A_288, %dma_start3A_289] : memref<10240x128xf32, #tpu.memory_space<vmem_shared>> -> memref<10240x128xf32, #tpu.memory_space<vmem_shared>>
    tpu.enqueue_indirect_dma source(%arg13 : memref<80x128xf32, #tpu.memory_space<vmem>>) target(%dma_start3A_290 : memref<10240x128xf32, #tpu.memory_space<vmem_shared>>) offsets(%dma_start3A_287 : memref<80xi32, #tpu.memory_space<vmem>>) semaphore(%arg20 : memref<!tpu.dma_semaphore, #tpu.memory_space<semaphore_mem>>) {add = true}
    %dma_wait3A_291 = arith.constant 1 : i32
    %dma_wait3A_292 = arith.constant 0 : i32
    %dma_wait3A_293 = tpu.memref_slice %arg8[%dma_wait3A_291, %dma_wait3A_292] : memref<3x80xi32, #tpu.memory_space<vmem>> -> memref<1x80xi32, #tpu.memory_space<vmem>>
    %dma_wait3A_294 = tpu.memref_squeeze %dma_wait3A_293 : memref<1x80xi32, #tpu.memory_space<vmem>> -> memref<80xi32, #tpu.memory_space<vmem>>
    %dma_wait3A_295 = arith.constant 0 : i32
    %dma_wait3A_296 = arith.constant 0 : i32
    %dma_wait3A_297 = tpu.memref_slice %arg15[%dma_wait3A_295, %dma_wait3A_296] : memref<10240x128xf32, #tpu.memory_space<vmem_shared>> -> memref<10240x128xf32, #tpu.memory_space<vmem_shared>>
    tpu.wait_indirect_dma semaphore(%arg19 : memref<!tpu.dma_semaphore, #tpu.memory_space<semaphore_mem>>) src(%arg12 : memref<80x128xf32, #tpu.memory_space<vmem>>) dst(%dma_wait3A_297 : memref<10240x128xf32, #tpu.memory_space<vmem_shared>>)
    %add3A_298 = arith.constant 1 : i32
    %add3A_299 = arith.addi %mul3A_8, %add3A_298 : i32
    %add3A_300 = arith.constant 2 : i32
    %add3A_301 = arith.addi %add3A_299, %add3A_300 : i32
    "tpu.region"() ({
      %run_scoped3A = tpu.sem_alloc : memref<!tpu.dma_semaphore, #tpu.memory_space<semaphore_mem>>
      %dma_start3A_752 = arith.constant 0 : i32
      %dma_start3A_753 = arith.constant 0 : i32
      %dma_start3A_754 = tpu.memref_slice %arg4[%add3A_301, %dma_start3A_752, %dma_start3A_753] : memref<4000x3x80xi32, #tpu.memory_space<hbm>> -> memref<1x3x80xi32, #tpu.memory_space<hbm>>
      %dma_start3A_755 = tpu.memref_squeeze %dma_start3A_754 : memref<1x3x80xi32, #tpu.memory_space<hbm>> -> memref<3x80xi32, #tpu.memory_space<hbm>>
      %dma_start3A_756 = arith.constant 0 : i32
      %dma_start3A_757 = arith.constant 0 : i32
      %dma_start3A_758 = tpu.memref_slice %arg4[%add3A_301, %dma_start3A_756, %dma_start3A_757] : memref<4000x3x80xi32, #tpu.memory_space<hbm>> -> memref<1x3x80xi32, #tpu.memory_space<hbm>>
      %dma_start3A_759 = tpu.memref_squeeze %dma_start3A_758 : memref<1x3x80xi32, #tpu.memory_space<hbm>> -> memref<3x80xi32, #tpu.memory_space<hbm>>
      tpu.enqueue_dma source(%dma_start3A_759 : memref<3x80xi32, #tpu.memory_space<hbm>>) target(%arg8 : memref<3x80xi32, #tpu.memory_space<vmem>>) target_semaphore(%run_scoped3A : memref<!tpu.dma_semaphore, #tpu.memory_space<semaphore_mem>>)
      %dma_wait3A_760 = arith.constant 0 : i32
      %dma_wait3A_761 = arith.constant 0 : i32
      %dma_wait3A_762 = tpu.memref_slice %arg4[%add3A_301, %dma_wait3A_760, %dma_wait3A_761] : memref<4000x3x80xi32, #tpu.memory_space<hbm>> -> memref<1x3x80xi32, #tpu.memory_space<hbm>>
      %dma_wait3A_763 = tpu.memref_squeeze %dma_wait3A_762 : memref<1x3x80xi32, #tpu.memory_space<hbm>> -> memref<3x80xi32, #tpu.memory_space<hbm>>
      %dma_wait3A_764 = arith.constant 0 : i32
      %dma_wait3A_765 = arith.constant 0 : i32
      %dma_wait3A_766 = tpu.memref_slice %arg4[%add3A_301, %dma_wait3A_764, %dma_wait3A_765] : memref<4000x3x80xi32, #tpu.memory_space<hbm>> -> memref<1x3x80xi32, #tpu.memory_space<hbm>>
      %dma_wait3A_767 = tpu.memref_squeeze %dma_wait3A_766 : memref<1x3x80xi32, #tpu.memory_space<hbm>> -> memref<3x80xi32, #tpu.memory_space<hbm>>
      tpu.wait_dma2 semaphore(%run_scoped3A : memref<!tpu.dma_semaphore, #tpu.memory_space<semaphore_mem>>) src(%dma_wait3A_767 : memref<3x80xi32, #tpu.memory_space<hbm>>) dst(%arg8 : memref<3x80xi32, #tpu.memory_space<vmem>>)
      tpu.yield
    }) : () -> ()
    %dma_start3A_302 = arith.constant 0 : i32
    %dma_start3A_303 = arith.constant 0 : i32
    %dma_start3A_304 = tpu.memref_slice %arg8[%dma_start3A_302, %dma_start3A_303] : memref<3x80xi32, #tpu.memory_space<vmem>> -> memref<1x80xi32, #tpu.memory_space<vmem>>
    %dma_start3A_305 = tpu.memref_squeeze %dma_start3A_304 : memref<1x80xi32, #tpu.memory_space<vmem>> -> memref<80xi32, #tpu.memory_space<vmem>>
    %dma_start3A_306 = arith.constant 0 : i32
    %dma_start3A_307 = arith.constant 0 : i32
    %dma_start3A_308 = tpu.memref_slice %arg2[%dma_start3A_306, %dma_start3A_307] : memref<10000x128xf32, #tpu.memory_space<hbm>> -> memref<10000x128xf32, #tpu.memory_space<hbm>>
    tpu.enqueue_indirect_dma source(%dma_start3A_308 : memref<10000x128xf32, #tpu.memory_space<hbm>>) target(%arg12 : memref<80x128xf32, #tpu.memory_space<vmem>>) offsets(%dma_start3A_305 : memref<80xi32, #tpu.memory_space<vmem>>) semaphore(%arg16 : memref<!tpu.dma_semaphore, #tpu.memory_space<semaphore_mem>>)
    %scan3A_309 = arith.constant 0 : i32
    %scan3A_310 = arith.constant 40 : i32
    %scan3A_311 = arith.addi %scan3A_309, %scan3A_310 : i32
    %scan3A_312 = arith.constant 1 : i32
    scf.for %scan3A_752 = %scan3A_309 to %scan3A_311 step %scan3A_312  : i32 {
      %mul3A_753 = arith.constant 3 : i32
      %mul3A_754 = arith.muli %scan3A_752, %mul3A_753 : i32
      %add3A_755 = arith.constant 2 : i32
      %add3A_756 = arith.addi %add3A_755, %mul3A_754 : i32
      %add3A_757 = arith.constant 0 : i32
      %add3A_758 = arith.addi %add3A_756, %add3A_757 : i32
      %dma_wait3A_759 = arith.constant 0 : i32
      %dma_wait3A_760 = arith.constant 0 : i32
      %dma_wait3A_761 = tpu.memref_slice %arg10[%dma_wait3A_759, %dma_wait3A_760] : memref<3x80xi32, #tpu.memory_space<vmem>> -> memref<1x80xi32, #tpu.memory_space<vmem>>
      %dma_wait3A_762 = tpu.memref_squeeze %dma_wait3A_761 : memref<1x80xi32, #tpu.memory_space<vmem>> -> memref<80xi32, #tpu.memory_space<vmem>>
      %dma_wait3A_763 = arith.constant 0 : i32
      %dma_wait3A_764 = arith.constant 0 : i32
      %dma_wait3A_765 = tpu.memref_slice %arg2[%dma_wait3A_763, %dma_wait3A_764] : memref<10000x128xf32, #tpu.memory_space<hbm>> -> memref<10000x128xf32, #tpu.memory_space<hbm>>
      tpu.wait_indirect_dma semaphore(%arg18 : memref<!tpu.dma_semaphore, #tpu.memory_space<semaphore_mem>>) src(%dma_wait3A_765 : memref<10000x128xf32, #tpu.memory_space<hbm>>) dst(%arg14 : memref<80x128xf32, #tpu.memory_space<vmem>>)
      %get3A_766 = arith.constant 0 : i32
      %get3A_767 = arith.index_cast %get3A_766 : i32 to index
      %get3A_768 = arith.constant 0 : index
      %get3A_769 = tpu.vector_load %arg10[%get3A_767, %get3A_768] {strides = array<i32>} : memref<3x80xi32, #tpu.memory_space<vmem>>, vector<16xi32>,
      %gather3A_770 = tpu.vector_load_idx %arg7[%get3A_769] : memref<10240xf32, #tpu.memory_space<vmem>>[vector<16xi32>], vector<16xf32>,
      %get3A_771 = arith.constant 1 : i32
      %get3A_772 = arith.index_cast %get3A_771 : i32 to index
      %get3A_773 = arith.constant 0 : index
      %get3A_774 = tpu.vector_load %arg10[%get3A_772, %get3A_773] {strides = array<i32>} : memref<3x80xi32, #tpu.memory_space<vmem>>, vector<16xi32>,
      %gather3A_775 = tpu.vector_load_idx %arg7[%get3A_774] : memref<10240xf32, #tpu.memory_space<vmem>>[vector<16xi32>], vector<16xf32>,
      %get3A_776 = arith.constant 2 : i32
      %get3A_777 = arith.index_cast %get3A_776 : i32 to index
      %get3A_778 = arith.constant 0 : index
      %get3A_779 = tpu.vector_load %arg10[%get3A_777, %get3A_778] {strides = array<i32>} : memref<3x80xi32, #tpu.memory_space<vmem>>, vector<16xi32>,
      %bitcast3A_780 = vector.bitcast %get3A_779 : vector<16xi32> to vector<16xf32>
      %add3A_781 = arith.addf %gather3A_770, %gather3A_775 : vector<16xf32>
      %exp3A_782 = math.exp %add3A_781 : vector<16xf32>
      %add3A_783 = arith.constant 1.000000e+00 : f32
      %add3A_784 = vector.broadcast %add3A_783 : f32 to vector<16xf32>
      %add3A_785 = arith.addf %add3A_784, %exp3A_782 : vector<16xf32>
      %div3A_786 = arith.divf %bitcast3A_780, %add3A_785 : vector<16xf32>
      %swap3A_787 = arith.constant 0 : index
      %swap3A_788 = tpu.vector_load %arg11[%swap3A_787] {strides = array<i32>} : memref<80xf32, #tpu.memory_space<vmem>>, vector<16xf32>,
      tpu.vector_store %arg11[%swap3A_787], %div3A_786 {strides = array<i32>} : memref<80xf32, #tpu.memory_space<vmem>>, vector<16xf32>,
      %get3A_789 = arith.constant 0 : i32
      %get3A_790 = arith.index_cast %get3A_789 : i32 to index
      %get3A_791 = arith.constant 16 : index
      %get3A_792 = tpu.vector_load %arg10[%get3A_790, %get3A_791] {strides = array<i32>} : memref<3x80xi32, #tpu.memory_space<vmem>>, vector<16xi32>,
      %gather3A_793 = tpu.vector_load_idx %arg7[%get3A_792] : memref<10240xf32, #tpu.memory_space<vmem>>[vector<16xi32>], vector<16xf32>,
      %get3A_794 = arith.constant 1 : i32
      %get3A_795 = arith.index_cast %get3A_794 : i32 to index
      %get3A_796 = arith.constant 16 : index
      %get3A_797 = tpu.vector_load %arg10[%get3A_795, %get3A_796] {strides = array<i32>} : memref<3x80xi32, #tpu.memory_space<vmem>>, vector<16xi32>,
      %gather3A_798 = tpu.vector_load_idx %arg7[%get3A_797] : memref<10240xf32, #tpu.memory_space<vmem>>[vector<16xi32>], vector<16xf32>,
      %get3A_799 = arith.constant 2 : i32
      %get3A_800 = arith.index_cast %get3A_799 : i32 to index
      %get3A_801 = arith.constant 16 : index
      %get3A_802 = tpu.vector_load %arg10[%get3A_800, %get3A_801] {strides = array<i32>} : memref<3x80xi32, #tpu.memory_space<vmem>>, vector<16xi32>,
      %bitcast3A_803 = vector.bitcast %get3A_802 : vector<16xi32> to vector<16xf32>
      %add3A_804 = arith.addf %gather3A_793, %gather3A_798 : vector<16xf32>
      %exp3A_805 = math.exp %add3A_804 : vector<16xf32>
      %add3A_806 = arith.constant 1.000000e+00 : f32
      %add3A_807 = vector.broadcast %add3A_806 : f32 to vector<16xf32>
      %add3A_808 = arith.addf %add3A_807, %exp3A_805 : vector<16xf32>
      %div3A_809 = arith.divf %bitcast3A_803, %add3A_808 : vector<16xf32>
      %swap3A_810 = arith.constant 16 : index
      %swap3A_811 = tpu.vector_load %arg11[%swap3A_810] {strides = array<i32>} : memref<80xf32, #tpu.memory_space<vmem>>, vector<16xf32>,
      tpu.vector_store %arg11[%swap3A_810], %div3A_809 {strides = array<i32>} : memref<80xf32, #tpu.memory_space<vmem>>, vector<16xf32>,
      %get3A_812 = arith.constant 0 : i32
      %get3A_813 = arith.index_cast %get3A_812 : i32 to index
      %get3A_814 = arith.constant 32 : index
      %get3A_815 = tpu.vector_load %arg10[%get3A_813, %get3A_814] {strides = array<i32>} : memref<3x80xi32, #tpu.memory_space<vmem>>, vector<16xi32>,
      %gather3A_816 = tpu.vector_load_idx %arg7[%get3A_815] : memref<10240xf32, #tpu.memory_space<vmem>>[vector<16xi32>], vector<16xf32>,
      %get3A_817 = arith.constant 1 : i32
      %get3A_818 = arith.index_cast %get3A_817 : i32 to index
      %get3A_819 = arith.constant 32 : index
      %get3A_820 = tpu.vector_load %arg10[%get3A_818, %get3A_819] {strides = array<i32>} : memref<3x80xi32, #tpu.memory_space<vmem>>, vector<16xi32>,
      %gather3A_821 = tpu.vector_load_idx %arg7[%get3A_820] : memref<10240xf32, #tpu.memory_space<vmem>>[vector<16xi32>], vector<16xf32>,
      %get3A_822 = arith.constant 2 : i32
      %get3A_823 = arith.index_cast %get3A_822 : i32 to index
      %get3A_824 = arith.constant 32 : index
      %get3A_825 = tpu.vector_load %arg10[%get3A_823, %get3A_824] {strides = array<i32>} : memref<3x80xi32, #tpu.memory_space<vmem>>, vector<16xi32>,
      %bitcast3A_826 = vector.bitcast %get3A_825 : vector<16xi32> to vector<16xf32>
      %add3A_827 = arith.addf %gather3A_816, %gather3A_821 : vector<16xf32>
      %exp3A_828 = math.exp %add3A_827 : vector<16xf32>
      %add3A_829 = arith.constant 1.000000e+00 : f32
      %add3A_830 = vector.broadcast %add3A_829 : f32 to vector<16xf32>
      %add3A_831 = arith.addf %add3A_830, %exp3A_828 : vector<16xf32>
      %div3A_832 = arith.divf %bitcast3A_826, %add3A_831 : vector<16xf32>
      %swap3A_833 = arith.constant 32 : index
      %swap3A_834 = tpu.vector_load %arg11[%swap3A_833] {strides = array<i32>} : memref<80xf32, #tpu.memory_space<vmem>>, vector<16xf32>,
      tpu.vector_store %arg11[%swap3A_833], %div3A_832 {strides = array<i32>} : memref<80xf32, #tpu.memory_space<vmem>>, vector<16xf32>,
      %get3A_835 = arith.constant 0 : i32
      %get3A_836 = arith.index_cast %get3A_835 : i32 to index
      %get3A_837 = arith.constant 48 : index
      %get3A_838 = tpu.vector_load %arg10[%get3A_836, %get3A_837] {strides = array<i32>} : memref<3x80xi32, #tpu.memory_space<vmem>>, vector<16xi32>,
      %gather3A_839 = tpu.vector_load_idx %arg7[%get3A_838] : memref<10240xf32, #tpu.memory_space<vmem>>[vector<16xi32>], vector<16xf32>,
      %get3A_840 = arith.constant 1 : i32
      %get3A_841 = arith.index_cast %get3A_840 : i32 to index
      %get3A_842 = arith.constant 48 : index
      %get3A_843 = tpu.vector_load %arg10[%get3A_841, %get3A_842] {strides = array<i32>} : memref<3x80xi32, #tpu.memory_space<vmem>>, vector<16xi32>,
      %gather3A_844 = tpu.vector_load_idx %arg7[%get3A_843] : memref<10240xf32, #tpu.memory_space<vmem>>[vector<16xi32>], vector<16xf32>,
      %get3A_845 = arith.constant 2 : i32
      %get3A_846 = arith.index_cast %get3A_845 : i32 to index
      %get3A_847 = arith.constant 48 : index
      %get3A_848 = tpu.vector_load %arg10[%get3A_846, %get3A_847] {strides = array<i32>} : memref<3x80xi32, #tpu.memory_space<vmem>>, vector<16xi32>,
      %bitcast3A_849 = vector.bitcast %get3A_848 : vector<16xi32> to vector<16xf32>
      %add3A_850 = arith.addf %gather3A_839, %gather3A_844 : vector<16xf32>
      %exp3A_851 = math.exp %add3A_850 : vector<16xf32>
      %add3A_852 = arith.constant 1.000000e+00 : f32
      %add3A_853 = vector.broadcast %add3A_852 : f32 to vector<16xf32>
      %add3A_854 = arith.addf %add3A_853, %exp3A_851 : vector<16xf32>
      %div3A_855 = arith.divf %bitcast3A_849, %add3A_854 : vector<16xf32>
      %swap3A_856 = arith.constant 48 : index
      %swap3A_857 = tpu.vector_load %arg11[%swap3A_856] {strides = array<i32>} : memref<80xf32, #tpu.memory_space<vmem>>, vector<16xf32>,
      tpu.vector_store %arg11[%swap3A_856], %div3A_855 {strides = array<i32>} : memref<80xf32, #tpu.memory_space<vmem>>, vector<16xf32>,
      %get3A_858 = arith.constant 0 : i32
      %get3A_859 = arith.index_cast %get3A_858 : i32 to index
      %get3A_860 = arith.constant 64 : index
      %get3A_861 = tpu.vector_load %arg10[%get3A_859, %get3A_860] {strides = array<i32>} : memref<3x80xi32, #tpu.memory_space<vmem>>, vector<16xi32>,
      %gather3A_862 = tpu.vector_load_idx %arg7[%get3A_861] : memref<10240xf32, #tpu.memory_space<vmem>>[vector<16xi32>], vector<16xf32>,
      %get3A_863 = arith.constant 1 : i32
      %get3A_864 = arith.index_cast %get3A_863 : i32 to index
      %get3A_865 = arith.constant 64 : index
      %get3A_866 = tpu.vector_load %arg10[%get3A_864, %get3A_865] {strides = array<i32>} : memref<3x80xi32, #tpu.memory_space<vmem>>, vector<16xi32>,
      %gather3A_867 = tpu.vector_load_idx %arg7[%get3A_866] : memref<10240xf32, #tpu.memory_space<vmem>>[vector<16xi32>], vector<16xf32>,
      %get3A_868 = arith.constant 2 : i32
      %get3A_869 = arith.index_cast %get3A_868 : i32 to index
      %get3A_870 = arith.constant 64 : index
      %get3A_871 = tpu.vector_load %arg10[%get3A_869, %get3A_870] {strides = array<i32>} : memref<3x80xi32, #tpu.memory_space<vmem>>, vector<16xi32>,
      %bitcast3A_872 = vector.bitcast %get3A_871 : vector<16xi32> to vector<16xf32>
      %add3A_873 = arith.addf %gather3A_862, %gather3A_867 : vector<16xf32>
      %exp3A_874 = math.exp %add3A_873 : vector<16xf32>
      %add3A_875 = arith.constant 1.000000e+00 : f32
      %add3A_876 = vector.broadcast %add3A_875 : f32 to vector<16xf32>
      %add3A_877 = arith.addf %add3A_876, %exp3A_874 : vector<16xf32>
      %div3A_878 = arith.divf %bitcast3A_872, %add3A_877 : vector<16xf32>
      %swap3A_879 = arith.constant 64 : index
      %swap3A_880 = tpu.vector_load %arg11[%swap3A_879] {strides = array<i32>} : memref<80xf32, #tpu.memory_space<vmem>>, vector<16xf32>,
      tpu.vector_store %arg11[%swap3A_879], %div3A_878 {strides = array<i32>} : memref<80xf32, #tpu.memory_space<vmem>>, vector<16xf32>,
      %parallel_loop3A_881 = arith.constant 0 : i32
      %parallel_loop3A_882 = arith.constant 80 : i32
      %parallel_loop3A_883 = arith.constant 1 : i32
      scf.for %parallel_loop3A_1210 = %parallel_loop3A_881 to %parallel_loop3A_882 step %parallel_loop3A_883  : i32 {
        %parallel_loop3A_1211 = vector.broadcast %parallel_loop3A_1210 : i32 to vector<16xi32>
        %parallel_loop3A_1212 = tpu.vector_load_idx %arg11[%parallel_loop3A_1211] : memref<80xf32, #tpu.memory_space<vmem>>[vector<16xi32>], vector<16xf32>,
        %parallel_loop3A_1213 = arith.index_cast %parallel_loop3A_1210 : i32 to index
        %parallel_loop3A_1214 = arith.constant 0 : index
        %parallel_loop3A_1215 = tpu.vector_load %arg14[%parallel_loop3A_1213, %parallel_loop3A_1214] {strides = array<i32>} : memref<80x128xf32, #tpu.memory_space<vmem>>, vector<16xf32>,
        %parallel_loop3A_1216 = arith.mulf %parallel_loop3A_1215, %parallel_loop3A_1212 : vector<16xf32>
        %parallel_loop3A_1217 = arith.index_cast %parallel_loop3A_1210 : i32 to index
        %parallel_loop3A_1218 = arith.constant 0 : index
        %parallel_loop3A_1219 = tpu.vector_load %arg14[%parallel_loop3A_1217, %parallel_loop3A_1218] {strides = array<i32>} : memref<80x128xf32, #tpu.memory_space<vmem>>, vector<16xf32>,
        tpu.vector_store %arg14[%parallel_loop3A_1217, %parallel_loop3A_1218], %parallel_loop3A_1216 {strides = array<i32>} : memref<80x128xf32, #tpu.memory_space<vmem>>, vector<16xf32>,
        %parallel_loop3A_1220 = arith.index_cast %parallel_loop3A_1210 : i32 to index
        %parallel_loop3A_1221 = arith.constant 16 : index
        %parallel_loop3A_1222 = tpu.vector_load %arg14[%parallel_loop3A_1220, %parallel_loop3A_1221] {strides = array<i32>} : memref<80x128xf32, #tpu.memory_space<vmem>>, vector<16xf32>,
        %parallel_loop3A_1223 = arith.mulf %parallel_loop3A_1222, %parallel_loop3A_1212 : vector<16xf32>
        %parallel_loop3A_1224 = arith.index_cast %parallel_loop3A_1210 : i32 to index
        %parallel_loop3A_1225 = arith.constant 16 : index
        %parallel_loop3A_1226 = tpu.vector_load %arg14[%parallel_loop3A_1224, %parallel_loop3A_1225] {strides = array<i32>} : memref<80x128xf32, #tpu.memory_space<vmem>>, vector<16xf32>,
        tpu.vector_store %arg14[%parallel_loop3A_1224, %parallel_loop3A_1225], %parallel_loop3A_1223 {strides = array<i32>} : memref<80x128xf32, #tpu.memory_space<vmem>>, vector<16xf32>,
        %parallel_loop3A_1227 = arith.index_cast %parallel_loop3A_1210 : i32 to index
        %parallel_loop3A_1228 = arith.constant 32 : index
        %parallel_loop3A_1229 = tpu.vector_load %arg14[%parallel_loop3A_1227, %parallel_loop3A_1228] {strides = array<i32>} : memref<80x128xf32, #tpu.memory_space<vmem>>, vector<16xf32>,
        %parallel_loop3A_1230 = arith.mulf %parallel_loop3A_1229, %parallel_loop3A_1212 : vector<16xf32>
        %parallel_loop3A_1231 = arith.index_cast %parallel_loop3A_1210 : i32 to index
        %parallel_loop3A_1232 = arith.constant 32 : index
        %parallel_loop3A_1233 = tpu.vector_load %arg14[%parallel_loop3A_1231, %parallel_loop3A_1232] {strides = array<i32>} : memref<80x128xf32, #tpu.memory_space<vmem>>, vector<16xf32>,
        tpu.vector_store %arg14[%parallel_loop3A_1231, %parallel_loop3A_1232], %parallel_loop3A_1230 {strides = array<i32>} : memref<80x128xf32, #tpu.memory_space<vmem>>, vector<16xf32>,
        %parallel_loop3A_1234 = arith.index_cast %parallel_loop3A_1210 : i32 to index
        %parallel_loop3A_1235 = arith.constant 48 : index
        %parallel_loop3A_1236 = tpu.vector_load %arg14[%parallel_loop3A_1234, %parallel_loop3A_1235] {strides = array<i32>} : memref<80x128xf32, #tpu.memory_space<vmem>>, vector<16xf32>,
        %parallel_loop3A_1237 = arith.mulf %parallel_loop3A_1236, %parallel_loop3A_1212 : vector<16xf32>
        %parallel_loop3A_1238 = arith.index_cast %parallel_loop3A_1210 : i32 to index
        %parallel_loop3A_1239 = arith.constant 48 : index
        %parallel_loop3A_1240 = tpu.vector_load %arg14[%parallel_loop3A_1238, %parallel_loop3A_1239] {strides = array<i32>} : memref<80x128xf32, #tpu.memory_space<vmem>>, vector<16xf32>,
        tpu.vector_store %arg14[%parallel_loop3A_1238, %parallel_loop3A_1239], %parallel_loop3A_1237 {strides = array<i32>} : memref<80x128xf32, #tpu.memory_space<vmem>>, vector<16xf32>,
        %parallel_loop3A_1241 = arith.index_cast %parallel_loop3A_1210 : i32 to index
        %parallel_loop3A_1242 = arith.constant 64 : index
        %parallel_loop3A_1243 = tpu.vector_load %arg14[%parallel_loop3A_1241, %parallel_loop3A_1242] {strides = array<i32>} : memref<80x128xf32, #tpu.memory_space<vmem>>, vector<16xf32>,
        %parallel_loop3A_1244 = arith.mulf %parallel_loop3A_1243, %parallel_loop3A_1212 : vector<16xf32>
        %parallel_loop3A_1245 = arith.index_cast %parallel_loop3A_1210 : i32 to index
        %parallel_loop3A_1246 = arith.constant 64 : index
        %parallel_loop3A_1247 = tpu.vector_load %arg14[%parallel_loop3A_1245, %parallel_loop3A_1246] {strides = array<i32>} : memref<80x128xf32, #tpu.memory_space<vmem>>, vector<16xf32>,
        tpu.vector_store %arg14[%parallel_loop3A_1245, %parallel_loop3A_1246], %parallel_loop3A_1244 {strides = array<i32>} : memref<80x128xf32, #tpu.memory_space<vmem>>, vector<16xf32>,
        %parallel_loop3A_1248 = arith.index_cast %parallel_loop3A_1210 : i32 to index
        %parallel_loop3A_1249 = arith.constant 80 : index
        %parallel_loop3A_1250 = tpu.vector_load %arg14[%parallel_loop3A_1248, %parallel_loop3A_1249] {strides = array<i32>} : memref<80x128xf32, #tpu.memory_space<vmem>>, vector<16xf32>,
        %parallel_loop3A_1251 = arith.mulf %parallel_loop3A_1250, %parallel_loop3A_1212 : vector<16xf32>
        %parallel_loop3A_1252 = arith.index_cast %parallel_loop3A_1210 : i32 to index
        %parallel_loop3A_1253 = arith.constant 80 : index
        %parallel_loop3A_1254 = tpu.vector_load %arg14[%parallel_loop3A_1252, %parallel_loop3A_1253] {strides = array<i32>} : memref<80x128xf32, #tpu.memory_space<vmem>>, vector<16xf32>,
        tpu.vector_store %arg14[%parallel_loop3A_1252, %parallel_loop3A_1253], %parallel_loop3A_1251 {strides = array<i32>} : memref<80x128xf32, #tpu.memory_space<vmem>>, vector<16xf32>,
        %parallel_loop3A_1255 = arith.index_cast %parallel_loop3A_1210 : i32 to index
        %parallel_loop3A_1256 = arith.constant 96 : index
        %parallel_loop3A_1257 = tpu.vector_load %arg14[%parallel_loop3A_1255, %parallel_loop3A_1256] {strides = array<i32>} : memref<80x128xf32, #tpu.memory_space<vmem>>, vector<16xf32>,
        %parallel_loop3A_1258 = arith.mulf %parallel_loop3A_1257, %parallel_loop3A_1212 : vector<16xf32>
        %parallel_loop3A_1259 = arith.index_cast %parallel_loop3A_1210 : i32 to index
        %parallel_loop3A_1260 = arith.constant 96 : index
        %parallel_loop3A_1261 = tpu.vector_load %arg14[%parallel_loop3A_1259, %parallel_loop3A_1260] {strides = array<i32>} : memref<80x128xf32, #tpu.memory_space<vmem>>, vector<16xf32>,
        tpu.vector_store %arg14[%parallel_loop3A_1259, %parallel_loop3A_1260], %parallel_loop3A_1258 {strides = array<i32>} : memref<80x128xf32, #tpu.memory_space<vmem>>, vector<16xf32>,
        %parallel_loop3A_1262 = arith.index_cast %parallel_loop3A_1210 : i32 to index
        %parallel_loop3A_1263 = arith.constant 112 : index
        %parallel_loop3A_1264 = tpu.vector_load %arg14[%parallel_loop3A_1262, %parallel_loop3A_1263] {strides = array<i32>} : memref<80x128xf32, #tpu.memory_space<vmem>>, vector<16xf32>,
        %parallel_loop3A_1265 = arith.mulf %parallel_loop3A_1264, %parallel_loop3A_1212 : vector<16xf32>
        %parallel_loop3A_1266 = arith.index_cast %parallel_loop3A_1210 : i32 to index
        %parallel_loop3A_1267 = arith.constant 112 : index
        %parallel_loop3A_1268 = tpu.vector_load %arg14[%parallel_loop3A_1266, %parallel_loop3A_1267] {strides = array<i32>} : memref<80x128xf32, #tpu.memory_space<vmem>>, vector<16xf32>,
        tpu.vector_store %arg14[%parallel_loop3A_1266, %parallel_loop3A_1267], %parallel_loop3A_1265 {strides = array<i32>} : memref<80x128xf32, #tpu.memory_space<vmem>>, vector<16xf32>,
      } {sc.loop_unroll_factor = 4 : i64, sc.parallel_access}
      %dma_start3A_884 = arith.constant 1 : i32
      %dma_start3A_885 = arith.constant 0 : i32
      %dma_start3A_886 = tpu.memref_slice %arg10[%dma_start3A_884, %dma_start3A_885] : memref<3x80xi32, #tpu.memory_space<vmem>> -> memref<1x80xi32, #tpu.memory_space<vmem>>
      %dma_start3A_887 = tpu.memref_squeeze %dma_start3A_886 : memref<1x80xi32, #tpu.memory_space<vmem>> -> memref<80xi32, #tpu.memory_space<vmem>>
      %dma_start3A_888 = arith.constant 0 : i32
      %dma_start3A_889 = arith.constant 0 : i32
      %dma_start3A_890 = tpu.memref_slice %arg15[%dma_start3A_888, %dma_start3A_889] : memref<10240x128xf32, #tpu.memory_space<vmem_shared>> -> memref<10240x128xf32, #tpu.memory_space<vmem_shared>>
      tpu.enqueue_indirect_dma source(%arg14 : memref<80x128xf32, #tpu.memory_space<vmem>>) target(%dma_start3A_890 : memref<10240x128xf32, #tpu.memory_space<vmem_shared>>) offsets(%dma_start3A_887 : memref<80xi32, #tpu.memory_space<vmem>>) semaphore(%arg21 : memref<!tpu.dma_semaphore, #tpu.memory_space<semaphore_mem>>) {add = true}
      %dma_wait3A_891 = arith.constant 1 : i32
      %dma_wait3A_892 = arith.constant 0 : i32
      %dma_wait3A_893 = tpu.memref_slice %arg9[%dma_wait3A_891, %dma_wait3A_892] : memref<3x80xi32, #tpu.memory_space<vmem>> -> memref<1x80xi32, #tpu.memory_space<vmem>>
      %dma_wait3A_894 = tpu.memref_squeeze %dma_wait3A_893 : memref<1x80xi32, #tpu.memory_space<vmem>> -> memref<80xi32, #tpu.memory_space<vmem>>
      %dma_wait3A_895 = arith.constant 0 : i32
      %dma_wait3A_896 = arith.constant 0 : i32
      %dma_wait3A_897 = tpu.memref_slice %arg15[%dma_wait3A_895, %dma_wait3A_896] : memref<10240x128xf32, #tpu.memory_space<vmem_shared>> -> memref<10240x128xf32, #tpu.memory_space<vmem_shared>>
      tpu.wait_indirect_dma semaphore(%arg20 : memref<!tpu.dma_semaphore, #tpu.memory_space<semaphore_mem>>) src(%arg13 : memref<80x128xf32, #tpu.memory_space<vmem>>) dst(%dma_wait3A_897 : memref<10240x128xf32, #tpu.memory_space<vmem_shared>>)
      %add3A_898 = arith.addi %mul3A_8, %add3A_758 : i32
      %add3A_899 = arith.constant 2 : i32
      %add3A_900 = arith.addi %add3A_898, %add3A_899 : i32
      "tpu.region"() ({
        %run_scoped3A = tpu.sem_alloc : memref<!tpu.dma_semaphore, #tpu.memory_space<semaphore_mem>>
        %dma_start3A_1210 = arith.constant 0 : i32
        %dma_start3A_1211 = arith.constant 0 : i32
        %dma_start3A_1212 = tpu.memref_slice %arg4[%add3A_900, %dma_start3A_1210, %dma_start3A_1211] : memref<4000x3x80xi32, #tpu.memory_space<hbm>> -> memref<1x3x80xi32, #tpu.memory_space<hbm>>
        %dma_start3A_1213 = tpu.memref_squeeze %dma_start3A_1212 : memref<1x3x80xi32, #tpu.memory_space<hbm>> -> memref<3x80xi32, #tpu.memory_space<hbm>>
        %dma_start3A_1214 = arith.constant 0 : i32
        %dma_start3A_1215 = arith.constant 0 : i32
        %dma_start3A_1216 = tpu.memref_slice %arg4[%add3A_900, %dma_start3A_1214, %dma_start3A_1215] : memref<4000x3x80xi32, #tpu.memory_space<hbm>> -> memref<1x3x80xi32, #tpu.memory_space<hbm>>
        %dma_start3A_1217 = tpu.memref_squeeze %dma_start3A_1216 : memref<1x3x80xi32, #tpu.memory_space<hbm>> -> memref<3x80xi32, #tpu.memory_space<hbm>>
        tpu.enqueue_dma source(%dma_start3A_1217 : memref<3x80xi32, #tpu.memory_space<hbm>>) target(%arg9 : memref<3x80xi32, #tpu.memory_space<vmem>>) target_semaphore(%run_scoped3A : memref<!tpu.dma_semaphore, #tpu.memory_space<semaphore_mem>>)
        %dma_wait3A_1218 = arith.constant 0 : i32
        %dma_wait3A_1219 = arith.constant 0 : i32
        %dma_wait3A_1220 = tpu.memref_slice %arg4[%add3A_900, %dma_wait3A_1218, %dma_wait3A_1219] : memref<4000x3x80xi32, #tpu.memory_space<hbm>> -> memref<1x3x80xi32, #tpu.memory_space<hbm>>
        %dma_wait3A_1221 = tpu.memref_squeeze %dma_wait3A_1220 : memref<1x3x80xi32, #tpu.memory_space<hbm>> -> memref<3x80xi32, #tpu.memory_space<hbm>>
        %dma_wait3A_1222 = arith.constant 0 : i32
        %dma_wait3A_1223 = arith.constant 0 : i32
        %dma_wait3A_1224 = tpu.memref_slice %arg4[%add3A_900, %dma_wait3A_1222, %dma_wait3A_1223] : memref<4000x3x80xi32, #tpu.memory_space<hbm>> -> memref<1x3x80xi32, #tpu.memory_space<hbm>>
        %dma_wait3A_1225 = tpu.memref_squeeze %dma_wait3A_1224 : memref<1x3x80xi32, #tpu.memory_space<hbm>> -> memref<3x80xi32, #tpu.memory_space<hbm>>
        tpu.wait_dma2 semaphore(%run_scoped3A : memref<!tpu.dma_semaphore, #tpu.memory_space<semaphore_mem>>) src(%dma_wait3A_1225 : memref<3x80xi32, #tpu.memory_space<hbm>>) dst(%arg9 : memref<3x80xi32, #tpu.memory_space<vmem>>)
        tpu.yield
      }) : () -> ()
      %dma_start3A_901 = arith.constant 0 : i32
      %dma_start3A_902 = arith.constant 0 : i32
      %dma_start3A_903 = tpu.memref_slice %arg9[%dma_start3A_901, %dma_start3A_902] : memref<3x80xi32, #tpu.memory_space<vmem>> -> memref<1x80xi32, #tpu.memory_space<vmem>>
      %dma_start3A_904 = tpu.memref_squeeze %dma_start3A_903 : memref<1x80xi32, #tpu.memory_space<vmem>> -> memref<80xi32, #tpu.memory_space<vmem>>
      %dma_start3A_905 = arith.constant 0 : i32
      %dma_start3A_906 = arith.constant 0 : i32
      %dma_start3A_907 = tpu.memref_slice %arg2[%dma_start3A_905, %dma_start3A_906] : memref<10000x128xf32, #tpu.memory_space<hbm>> -> memref<10000x128xf32, #tpu.memory_space<hbm>>
      tpu.enqueue_indirect_dma source(%dma_start3A_907 : memref<10000x128xf32, #tpu.memory_space<hbm>>) target(%arg13 : memref<80x128xf32, #tpu.memory_space<vmem>>) offsets(%dma_start3A_904 : memref<80xi32, #tpu.memory_space<vmem>>) semaphore(%arg17 : memref<!tpu.dma_semaphore, #tpu.memory_space<semaphore_mem>>)
      %add3A_908 = arith.constant 1 : i32
      %add3A_909 = arith.addi %add3A_756, %add3A_908 : i32
      %dma_wait3A_910 = arith.constant 0 : i32
      %dma_wait3A_911 = arith.constant 0 : i32
      %dma_wait3A_912 = tpu.memref_slice %arg8[%dma_wait3A_910, %dma_wait3A_911] : memref<3x80xi32, #tpu.memory_space<vmem>> -> memref<1x80xi32, #tpu.memory_space<vmem>>
      %dma_wait3A_913 = tpu.memref_squeeze %dma_wait3A_912 : memref<1x80xi32, #tpu.memory_space<vmem>> -> memref<80xi32, #tpu.memory_space<vmem>>
      %dma_wait3A_914 = arith.constant 0 : i32
      %dma_wait3A_915 = arith.constant 0 : i32
      %dma_wait3A_916 = tpu.memref_slice %arg2[%dma_wait3A_914, %dma_wait3A_915] : memref<10000x128xf32, #tpu.memory_space<hbm>> -> memref<10000x128xf32, #tpu.memory_space<hbm>>
      tpu.wait_indirect_dma semaphore(%arg16 : memref<!tpu.dma_semaphore, #tpu.memory_space<semaphore_mem>>) src(%dma_wait3A_916 : memref<10000x128xf32, #tpu.memory_space<hbm>>) dst(%arg12 : memref<80x128xf32, #tpu.memory_space<vmem>>)
      %get3A_917 = arith.constant 0 : i32
      %get3A_918 = arith.index_cast %get3A_917 : i32 to index
      %get3A_919 = arith.constant 0 : index
      %get3A_920 = tpu.vector_load %arg8[%get3A_918, %get3A_919] {strides = array<i32>} : memref<3x80xi32, #tpu.memory_space<vmem>>, vector<16xi32>,
      %gather3A_921 = tpu.vector_load_idx %arg7[%get3A_920] : memref<10240xf32, #tpu.memory_space<vmem>>[vector<16xi32>], vector<16xf32>,
      %get3A_922 = arith.constant 1 : i32
      %get3A_923 = arith.index_cast %get3A_922 : i32 to index
      %get3A_924 = arith.constant 0 : index
      %get3A_925 = tpu.vector_load %arg8[%get3A_923, %get3A_924] {strides = array<i32>} : memref<3x80xi32, #tpu.memory_space<vmem>>, vector<16xi32>,
      %gather3A_926 = tpu.vector_load_idx %arg7[%get3A_925] : memref<10240xf32, #tpu.memory_space<vmem>>[vector<16xi32>], vector<16xf32>,
      %get3A_927 = arith.constant 2 : i32
      %get3A_928 = arith.index_cast %get3A_927 : i32 to index
      %get3A_929 = arith.constant 0 : index
      %get3A_930 = tpu.vector_load %arg8[%get3A_928, %get3A_929] {strides = array<i32>} : memref<3x80xi32, #tpu.memory_space<vmem>>, vector<16xi32>,
      %bitcast3A_931 = vector.bitcast %get3A_930 : vector<16xi32> to vector<16xf32>
      %add3A_932 = arith.addf %gather3A_921, %gather3A_926 : vector<16xf32>
      %exp3A_933 = math.exp %add3A_932 : vector<16xf32>
      %add3A_934 = arith.constant 1.000000e+00 : f32
      %add3A_935 = vector.broadcast %add3A_934 : f32 to vector<16xf32>
      %add3A_936 = arith.addf %add3A_935, %exp3A_933 : vector<16xf32>
      %div3A_937 = arith.divf %bitcast3A_931, %add3A_936 : vector<16xf32>
      %swap3A_938 = arith.constant 0 : index
      %swap3A_939 = tpu.vector_load %arg11[%swap3A_938] {strides = array<i32>} : memref<80xf32, #tpu.memory_space<vmem>>, vector<16xf32>,
      tpu.vector_store %arg11[%swap3A_938], %div3A_937 {strides = array<i32>} : memref<80xf32, #tpu.memory_space<vmem>>, vector<16xf32>,
      %get3A_940 = arith.constant 0 : i32
      %get3A_941 = arith.index_cast %get3A_940 : i32 to index
      %get3A_942 = arith.constant 16 : index
      %get3A_943 = tpu.vector_load %arg8[%get3A_941, %get3A_942] {strides = array<i32>} : memref<3x80xi32, #tpu.memory_space<vmem>>, vector<16xi32>,
      %gather3A_944 = tpu.vector_load_idx %arg7[%get3A_943] : memref<10240xf32, #tpu.memory_space<vmem>>[vector<16xi32>], vector<16xf32>,
      %get3A_945 = arith.constant 1 : i32
      %get3A_946 = arith.index_cast %get3A_945 : i32 to index
      %get3A_947 = arith.constant 16 : index
      %get3A_948 = tpu.vector_load %arg8[%get3A_946, %get3A_947] {strides = array<i32>} : memref<3x80xi32, #tpu.memory_space<vmem>>, vector<16xi32>,
      %gather3A_949 = tpu.vector_load_idx %arg7[%get3A_948] : memref<10240xf32, #tpu.memory_space<vmem>>[vector<16xi32>], vector<16xf32>,
      %get3A_950 = arith.constant 2 : i32
      %get3A_951 = arith.index_cast %get3A_950 : i32 to index
      %get3A_952 = arith.constant 16 : index
      %get3A_953 = tpu.vector_load %arg8[%get3A_951, %get3A_952] {strides = array<i32>} : memref<3x80xi32, #tpu.memory_space<vmem>>, vector<16xi32>,
      %bitcast3A_954 = vector.bitcast %get3A_953 : vector<16xi32> to vector<16xf32>
      %add3A_955 = arith.addf %gather3A_944, %gather3A_949 : vector<16xf32>
      %exp3A_956 = math.exp %add3A_955 : vector<16xf32>
      %add3A_957 = arith.constant 1.000000e+00 : f32
      %add3A_958 = vector.broadcast %add3A_957 : f32 to vector<16xf32>
      %add3A_959 = arith.addf %add3A_958, %exp3A_956 : vector<16xf32>
      %div3A_960 = arith.divf %bitcast3A_954, %add3A_959 : vector<16xf32>
      %swap3A_961 = arith.constant 16 : index
      %swap3A_962 = tpu.vector_load %arg11[%swap3A_961] {strides = array<i32>} : memref<80xf32, #tpu.memory_space<vmem>>, vector<16xf32>,
      tpu.vector_store %arg11[%swap3A_961], %div3A_960 {strides = array<i32>} : memref<80xf32, #tpu.memory_space<vmem>>, vector<16xf32>,
      %get3A_963 = arith.constant 0 : i32
      %get3A_964 = arith.index_cast %get3A_963 : i32 to index
      %get3A_965 = arith.constant 32 : index
      %get3A_966 = tpu.vector_load %arg8[%get3A_964, %get3A_965] {strides = array<i32>} : memref<3x80xi32, #tpu.memory_space<vmem>>, vector<16xi32>,
      %gather3A_967 = tpu.vector_load_idx %arg7[%get3A_966] : memref<10240xf32, #tpu.memory_space<vmem>>[vector<16xi32>], vector<16xf32>,
      %get3A_968 = arith.constant 1 : i32
      %get3A_969 = arith.index_cast %get3A_968 : i32 to index
      %get3A_970 = arith.constant 32 : index
      %get3A_971 = tpu.vector_load %arg8[%get3A_969, %get3A_970] {strides = array<i32>} : memref<3x80xi32, #tpu.memory_space<vmem>>, vector<16xi32>,
      %gather3A_972 = tpu.vector_load_idx %arg7[%get3A_971] : memref<10240xf32, #tpu.memory_space<vmem>>[vector<16xi32>], vector<16xf32>,
      %get3A_973 = arith.constant 2 : i32
      %get3A_974 = arith.index_cast %get3A_973 : i32 to index
      %get3A_975 = arith.constant 32 : index
      %get3A_976 = tpu.vector_load %arg8[%get3A_974, %get3A_975] {strides = array<i32>} : memref<3x80xi32, #tpu.memory_space<vmem>>, vector<16xi32>,
      %bitcast3A_977 = vector.bitcast %get3A_976 : vector<16xi32> to vector<16xf32>
      %add3A_978 = arith.addf %gather3A_967, %gather3A_972 : vector<16xf32>
      %exp3A_979 = math.exp %add3A_978 : vector<16xf32>
      %add3A_980 = arith.constant 1.000000e+00 : f32
      %add3A_981 = vector.broadcast %add3A_980 : f32 to vector<16xf32>
      %add3A_982 = arith.addf %add3A_981, %exp3A_979 : vector<16xf32>
      %div3A_983 = arith.divf %bitcast3A_977, %add3A_982 : vector<16xf32>
      %swap3A_984 = arith.constant 32 : index
      %swap3A_985 = tpu.vector_load %arg11[%swap3A_984] {strides = array<i32>} : memref<80xf32, #tpu.memory_space<vmem>>, vector<16xf32>,
      tpu.vector_store %arg11[%swap3A_984], %div3A_983 {strides = array<i32>} : memref<80xf32, #tpu.memory_space<vmem>>, vector<16xf32>,
      %get3A_986 = arith.constant 0 : i32
      %get3A_987 = arith.index_cast %get3A_986 : i32 to index
      %get3A_988 = arith.constant 48 : index
      %get3A_989 = tpu.vector_load %arg8[%get3A_987, %get3A_988] {strides = array<i32>} : memref<3x80xi32, #tpu.memory_space<vmem>>, vector<16xi32>,
      %gather3A_990 = tpu.vector_load_idx %arg7[%get3A_989] : memref<10240xf32, #tpu.memory_space<vmem>>[vector<16xi32>], vector<16xf32>,
      %get3A_991 = arith.constant 1 : i32
      %get3A_992 = arith.index_cast %get3A_991 : i32 to index
      %get3A_993 = arith.constant 48 : index
      %get3A_994 = tpu.vector_load %arg8[%get3A_992, %get3A_993] {strides = array<i32>} : memref<3x80xi32, #tpu.memory_space<vmem>>, vector<16xi32>,
      %gather3A_995 = tpu.vector_load_idx %arg7[%get3A_994] : memref<10240xf32, #tpu.memory_space<vmem>>[vector<16xi32>], vector<16xf32>,
      %get3A_996 = arith.constant 2 : i32
      %get3A_997 = arith.index_cast %get3A_996 : i32 to index
      %get3A_998 = arith.constant 48 : index
      %get3A_999 = tpu.vector_load %arg8[%get3A_997, %get3A_998] {strides = array<i32>} : memref<3x80xi32, #tpu.memory_space<vmem>>, vector<16xi32>,
      %bitcast3A_1000 = vector.bitcast %get3A_999 : vector<16xi32> to vector<16xf32>
      %add3A_1001 = arith.addf %gather3A_990, %gather3A_995 : vector<16xf32>
      %exp3A_1002 = math.exp %add3A_1001 : vector<16xf32>
      %add3A_1003 = arith.constant 1.000000e+00 : f32
      %add3A_1004 = vector.broadcast %add3A_1003 : f32 to vector<16xf32>
      %add3A_1005 = arith.addf %add3A_1004, %exp3A_1002 : vector<16xf32>
      %div3A_1006 = arith.divf %bitcast3A_1000, %add3A_1005 : vector<16xf32>
      %swap3A_1007 = arith.constant 48 : index
      %swap3A_1008 = tpu.vector_load %arg11[%swap3A_1007] {strides = array<i32>} : memref<80xf32, #tpu.memory_space<vmem>>, vector<16xf32>,
      tpu.vector_store %arg11[%swap3A_1007], %div3A_1006 {strides = array<i32>} : memref<80xf32, #tpu.memory_space<vmem>>, vector<16xf32>,
      %get3A_1009 = arith.constant 0 : i32
      %get3A_1010 = arith.index_cast %get3A_1009 : i32 to index
      %get3A_1011 = arith.constant 64 : index
      %get3A_1012 = tpu.vector_load %arg8[%get3A_1010, %get3A_1011] {strides = array<i32>} : memref<3x80xi32, #tpu.memory_space<vmem>>, vector<16xi32>,
      %gather3A_1013 = tpu.vector_load_idx %arg7[%get3A_1012] : memref<10240xf32, #tpu.memory_space<vmem>>[vector<16xi32>], vector<16xf32>,
      %get3A_1014 = arith.constant 1 : i32
      %get3A_1015 = arith.index_cast %get3A_1014 : i32 to index
      %get3A_1016 = arith.constant 64 : index
      %get3A_1017 = tpu.vector_load %arg8[%get3A_1015, %get3A_1016] {strides = array<i32>} : memref<3x80xi32, #tpu.memory_space<vmem>>, vector<16xi32>,
      %gather3A_1018 = tpu.vector_load_idx %arg7[%get3A_1017] : memref<10240xf32, #tpu.memory_space<vmem>>[vector<16xi32>], vector<16xf32>,
      %get3A_1019 = arith.constant 2 : i32
      %get3A_1020 = arith.index_cast %get3A_1019 : i32 to index
      %get3A_1021 = arith.constant 64 : index
      %get3A_1022 = tpu.vector_load %arg8[%get3A_1020, %get3A_1021] {strides = array<i32>} : memref<3x80xi32, #tpu.memory_space<vmem>>, vector<16xi32>,
      %bitcast3A_1023 = vector.bitcast %get3A_1022 : vector<16xi32> to vector<16xf32>
      %add3A_1024 = arith.addf %gather3A_1013, %gather3A_1018 : vector<16xf32>
      %exp3A_1025 = math.exp %add3A_1024 : vector<16xf32>
      %add3A_1026 = arith.constant 1.000000e+00 : f32
      %add3A_1027 = vector.broadcast %add3A_1026 : f32 to vector<16xf32>
      %add3A_1028 = arith.addf %add3A_1027, %exp3A_1025 : vector<16xf32>
      %div3A_1029 = arith.divf %bitcast3A_1023, %add3A_1028 : vector<16xf32>
      %swap3A_1030 = arith.constant 64 : index
      %swap3A_1031 = tpu.vector_load %arg11[%swap3A_1030] {strides = array<i32>} : memref<80xf32, #tpu.memory_space<vmem>>, vector<16xf32>,
      tpu.vector_store %arg11[%swap3A_1030], %div3A_1029 {strides = array<i32>} : memref<80xf32, #tpu.memory_space<vmem>>, vector<16xf32>,
      %parallel_loop3A_1032 = arith.constant 0 : i32
      %parallel_loop3A_1033 = arith.constant 80 : i32
      %parallel_loop3A_1034 = arith.constant 1 : i32
      scf.for %parallel_loop3A_1210 = %parallel_loop3A_1032 to %parallel_loop3A_1033 step %parallel_loop3A_1034  : i32 {
        %parallel_loop3A_1211 = vector.broadcast %parallel_loop3A_1210 : i32 to vector<16xi32>
        %parallel_loop3A_1212 = tpu.vector_load_idx %arg11[%parallel_loop3A_1211] : memref<80xf32, #tpu.memory_space<vmem>>[vector<16xi32>], vector<16xf32>,
        %parallel_loop3A_1213 = arith.index_cast %parallel_loop3A_1210 : i32 to index
        %parallel_loop3A_1214 = arith.constant 0 : index
        %parallel_loop3A_1215 = tpu.vector_load %arg12[%parallel_loop3A_1213, %parallel_loop3A_1214] {strides = array<i32>} : memref<80x128xf32, #tpu.memory_space<vmem>>, vector<16xf32>,
        %parallel_loop3A_1216 = arith.mulf %parallel_loop3A_1215, %parallel_loop3A_1212 : vector<16xf32>
        %parallel_loop3A_1217 = arith.index_cast %parallel_loop3A_1210 : i32 to index
        %parallel_loop3A_1218 = arith.constant 0 : index
        %parallel_loop3A_1219 = tpu.vector_load %arg12[%parallel_loop3A_1217, %parallel_loop3A_1218] {strides = array<i32>} : memref<80x128xf32, #tpu.memory_space<vmem>>, vector<16xf32>,
        tpu.vector_store %arg12[%parallel_loop3A_1217, %parallel_loop3A_1218], %parallel_loop3A_1216 {strides = array<i32>} : memref<80x128xf32, #tpu.memory_space<vmem>>, vector<16xf32>,
        %parallel_loop3A_1220 = arith.index_cast %parallel_loop3A_1210 : i32 to index
        %parallel_loop3A_1221 = arith.constant 16 : index
        %parallel_loop3A_1222 = tpu.vector_load %arg12[%parallel_loop3A_1220, %parallel_loop3A_1221] {strides = array<i32>} : memref<80x128xf32, #tpu.memory_space<vmem>>, vector<16xf32>,
        %parallel_loop3A_1223 = arith.mulf %parallel_loop3A_1222, %parallel_loop3A_1212 : vector<16xf32>
        %parallel_loop3A_1224 = arith.index_cast %parallel_loop3A_1210 : i32 to index
        %parallel_loop3A_1225 = arith.constant 16 : index
        %parallel_loop3A_1226 = tpu.vector_load %arg12[%parallel_loop3A_1224, %parallel_loop3A_1225] {strides = array<i32>} : memref<80x128xf32, #tpu.memory_space<vmem>>, vector<16xf32>,
        tpu.vector_store %arg12[%parallel_loop3A_1224, %parallel_loop3A_1225], %parallel_loop3A_1223 {strides = array<i32>} : memref<80x128xf32, #tpu.memory_space<vmem>>, vector<16xf32>,
        %parallel_loop3A_1227 = arith.index_cast %parallel_loop3A_1210 : i32 to index
        %parallel_loop3A_1228 = arith.constant 32 : index
        %parallel_loop3A_1229 = tpu.vector_load %arg12[%parallel_loop3A_1227, %parallel_loop3A_1228] {strides = array<i32>} : memref<80x128xf32, #tpu.memory_space<vmem>>, vector<16xf32>,
        %parallel_loop3A_1230 = arith.mulf %parallel_loop3A_1229, %parallel_loop3A_1212 : vector<16xf32>
        %parallel_loop3A_1231 = arith.index_cast %parallel_loop3A_1210 : i32 to index
        %parallel_loop3A_1232 = arith.constant 32 : index
        %parallel_loop3A_1233 = tpu.vector_load %arg12[%parallel_loop3A_1231, %parallel_loop3A_1232] {strides = array<i32>} : memref<80x128xf32, #tpu.memory_space<vmem>>, vector<16xf32>,
        tpu.vector_store %arg12[%parallel_loop3A_1231, %parallel_loop3A_1232], %parallel_loop3A_1230 {strides = array<i32>} : memref<80x128xf32, #tpu.memory_space<vmem>>, vector<16xf32>,
        %parallel_loop3A_1234 = arith.index_cast %parallel_loop3A_1210 : i32 to index
        %parallel_loop3A_1235 = arith.constant 48 : index
        %parallel_loop3A_1236 = tpu.vector_load %arg12[%parallel_loop3A_1234, %parallel_loop3A_1235] {strides = array<i32>} : memref<80x128xf32, #tpu.memory_space<vmem>>, vector<16xf32>,
        %parallel_loop3A_1237 = arith.mulf %parallel_loop3A_1236, %parallel_loop3A_1212 : vector<16xf32>
        %parallel_loop3A_1238 = arith.index_cast %parallel_loop3A_1210 : i32 to index
        %parallel_loop3A_1239 = arith.constant 48 : index
        %parallel_loop3A_1240 = tpu.vector_load %arg12[%parallel_loop3A_1238, %parallel_loop3A_1239] {strides = array<i32>} : memref<80x128xf32, #tpu.memory_space<vmem>>, vector<16xf32>,
        tpu.vector_store %arg12[%parallel_loop3A_1238, %parallel_loop3A_1239], %parallel_loop3A_1237 {strides = array<i32>} : memref<80x128xf32, #tpu.memory_space<vmem>>, vector<16xf32>,
        %parallel_loop3A_1241 = arith.index_cast %parallel_loop3A_1210 : i32 to index
        %parallel_loop3A_1242 = arith.constant 64 : index
        %parallel_loop3A_1243 = tpu.vector_load %arg12[%parallel_loop3A_1241, %parallel_loop3A_1242] {strides = array<i32>} : memref<80x128xf32, #tpu.memory_space<vmem>>, vector<16xf32>,
        %parallel_loop3A_1244 = arith.mulf %parallel_loop3A_1243, %parallel_loop3A_1212 : vector<16xf32>
        %parallel_loop3A_1245 = arith.index_cast %parallel_loop3A_1210 : i32 to index
        %parallel_loop3A_1246 = arith.constant 64 : index
        %parallel_loop3A_1247 = tpu.vector_load %arg12[%parallel_loop3A_1245, %parallel_loop3A_1246] {strides = array<i32>} : memref<80x128xf32, #tpu.memory_space<vmem>>, vector<16xf32>,
        tpu.vector_store %arg12[%parallel_loop3A_1245, %parallel_loop3A_1246], %parallel_loop3A_1244 {strides = array<i32>} : memref<80x128xf32, #tpu.memory_space<vmem>>, vector<16xf32>,
        %parallel_loop3A_1248 = arith.index_cast %parallel_loop3A_1210 : i32 to index
        %parallel_loop3A_1249 = arith.constant 80 : index
        %parallel_loop3A_1250 = tpu.vector_load %arg12[%parallel_loop3A_1248, %parallel_loop3A_1249] {strides = array<i32>} : memref<80x128xf32, #tpu.memory_space<vmem>>, vector<16xf32>,
        %parallel_loop3A_1251 = arith.mulf %parallel_loop3A_1250, %parallel_loop3A_1212 : vector<16xf32>
        %parallel_loop3A_1252 = arith.index_cast %parallel_loop3A_1210 : i32 to index
        %parallel_loop3A_1253 = arith.constant 80 : index
        %parallel_loop3A_1254 = tpu.vector_load %arg12[%parallel_loop3A_1252, %parallel_loop3A_1253] {strides = array<i32>} : memref<80x128xf32, #tpu.memory_space<vmem>>, vector<16xf32>,
        tpu.vector_store %arg12[%parallel_loop3A_1252, %parallel_loop3A_1253], %parallel_loop3A_1251 {strides = array<i32>} : memref<80x128xf32, #tpu.memory_space<vmem>>, vector<16xf32>,
        %parallel_loop3A_1255 = arith.index_cast %parallel_loop3A_1210 : i32 to index
        %parallel_loop3A_1256 = arith.constant 96 : index
        %parallel_loop3A_1257 = tpu.vector_load %arg12[%parallel_loop3A_1255, %parallel_loop3A_1256] {strides = array<i32>} : memref<80x128xf32, #tpu.memory_space<vmem>>, vector<16xf32>,
        %parallel_loop3A_1258 = arith.mulf %parallel_loop3A_1257, %parallel_loop3A_1212 : vector<16xf32>
        %parallel_loop3A_1259 = arith.index_cast %parallel_loop3A_1210 : i32 to index
        %parallel_loop3A_1260 = arith.constant 96 : index
        %parallel_loop3A_1261 = tpu.vector_load %arg12[%parallel_loop3A_1259, %parallel_loop3A_1260] {strides = array<i32>} : memref<80x128xf32, #tpu.memory_space<vmem>>, vector<16xf32>,
        tpu.vector_store %arg12[%parallel_loop3A_1259, %parallel_loop3A_1260], %parallel_loop3A_1258 {strides = array<i32>} : memref<80x128xf32, #tpu.memory_space<vmem>>, vector<16xf32>,
        %parallel_loop3A_1262 = arith.index_cast %parallel_loop3A_1210 : i32 to index
        %parallel_loop3A_1263 = arith.constant 112 : index
        %parallel_loop3A_1264 = tpu.vector_load %arg12[%parallel_loop3A_1262, %parallel_loop3A_1263] {strides = array<i32>} : memref<80x128xf32, #tpu.memory_space<vmem>>, vector<16xf32>,
        %parallel_loop3A_1265 = arith.mulf %parallel_loop3A_1264, %parallel_loop3A_1212 : vector<16xf32>
        %parallel_loop3A_1266 = arith.index_cast %parallel_loop3A_1210 : i32 to index
        %parallel_loop3A_1267 = arith.constant 112 : index
        %parallel_loop3A_1268 = tpu.vector_load %arg12[%parallel_loop3A_1266, %parallel_loop3A_1267] {strides = array<i32>} : memref<80x128xf32, #tpu.memory_space<vmem>>, vector<16xf32>,
        tpu.vector_store %arg12[%parallel_loop3A_1266, %parallel_loop3A_1267], %parallel_loop3A_1265 {strides = array<i32>} : memref<80x128xf32, #tpu.memory_space<vmem>>, vector<16xf32>,
      } {sc.loop_unroll_factor = 4 : i64, sc.parallel_access}
      %dma_start3A_1035 = arith.constant 1 : i32
      %dma_start3A_1036 = arith.constant 0 : i32
      %dma_start3A_1037 = tpu.memref_slice %arg8[%dma_start3A_1035, %dma_start3A_1036] : memref<3x80xi32, #tpu.memory_space<vmem>> -> memref<1x80xi32, #tpu.memory_space<vmem>>
      %dma_start3A_1038 = tpu.memref_squeeze %dma_start3A_1037 : memref<1x80xi32, #tpu.memory_space<vmem>> -> memref<80xi32, #tpu.memory_space<vmem>>
      %dma_start3A_1039 = arith.constant 0 : i32
      %dma_start3A_1040 = arith.constant 0 : i32
      %dma_start3A_1041 = tpu.memref_slice %arg15[%dma_start3A_1039, %dma_start3A_1040] : memref<10240x128xf32, #tpu.memory_space<vmem_shared>> -> memref<10240x128xf32, #tpu.memory_space<vmem_shared>>
      tpu.enqueue_indirect_dma source(%arg12 : memref<80x128xf32, #tpu.memory_space<vmem>>) target(%dma_start3A_1041 : memref<10240x128xf32, #tpu.memory_space<vmem_shared>>) offsets(%dma_start3A_1038 : memref<80xi32, #tpu.memory_space<vmem>>) semaphore(%arg19 : memref<!tpu.dma_semaphore, #tpu.memory_space<semaphore_mem>>) {add = true}
      %dma_wait3A_1042 = arith.constant 1 : i32
      %dma_wait3A_1043 = arith.constant 0 : i32
      %dma_wait3A_1044 = tpu.memref_slice %arg10[%dma_wait3A_1042, %dma_wait3A_1043] : memref<3x80xi32, #tpu.memory_space<vmem>> -> memref<1x80xi32, #tpu.memory_space<vmem>>
      %dma_wait3A_1045 = tpu.memref_squeeze %dma_wait3A_1044 : memref<1x80xi32, #tpu.memory_space<vmem>> -> memref<80xi32, #tpu.memory_space<vmem>>
      %dma_wait3A_1046 = arith.constant 0 : i32
      %dma_wait3A_1047 = arith.constant 0 : i32
      %dma_wait3A_1048 = tpu.memref_slice %arg15[%dma_wait3A_1046, %dma_wait3A_1047] : memref<10240x128xf32, #tpu.memory_space<vmem_shared>> -> memref<10240x128xf32, #tpu.memory_space<vmem_shared>>
      tpu.wait_indirect_dma semaphore(%arg21 : memref<!tpu.dma_semaphore, #tpu.memory_space<semaphore_mem>>) src(%arg14 : memref<80x128xf32, #tpu.memory_space<vmem>>) dst(%dma_wait3A_1048 : memref<10240x128xf32, #tpu.memory_space<vmem_shared>>)
      %add3A_1049 = arith.addi %mul3A_8, %add3A_909 : i32
      %add3A_1050 = arith.constant 2 : i32
      %add3A_1051 = arith.addi %add3A_1049, %add3A_1050 : i32
      "tpu.region"() ({
        %run_scoped3A = tpu.sem_alloc : memref<!tpu.dma_semaphore, #tpu.memory_space<semaphore_mem>>
        %dma_start3A_1210 = arith.constant 0 : i32
        %dma_start3A_1211 = arith.constant 0 : i32
        %dma_start3A_1212 = tpu.memref_slice %arg4[%add3A_1051, %dma_start3A_1210, %dma_start3A_1211] : memref<4000x3x80xi32, #tpu.memory_space<hbm>> -> memref<1x3x80xi32, #tpu.memory_space<hbm>>
        %dma_start3A_1213 = tpu.memref_squeeze %dma_start3A_1212 : memref<1x3x80xi32, #tpu.memory_space<hbm>> -> memref<3x80xi32, #tpu.memory_space<hbm>>
        %dma_start3A_1214 = arith.constant 0 : i32
        %dma_start3A_1215 = arith.constant 0 : i32
        %dma_start3A_1216 = tpu.memref_slice %arg4[%add3A_1051, %dma_start3A_1214, %dma_start3A_1215] : memref<4000x3x80xi32, #tpu.memory_space<hbm>> -> memref<1x3x80xi32, #tpu.memory_space<hbm>>
        %dma_start3A_1217 = tpu.memref_squeeze %dma_start3A_1216 : memref<1x3x80xi32, #tpu.memory_space<hbm>> -> memref<3x80xi32, #tpu.memory_space<hbm>>
        tpu.enqueue_dma source(%dma_start3A_1217 : memref<3x80xi32, #tpu.memory_space<hbm>>) target(%arg10 : memref<3x80xi32, #tpu.memory_space<vmem>>) target_semaphore(%run_scoped3A : memref<!tpu.dma_semaphore, #tpu.memory_space<semaphore_mem>>)
        %dma_wait3A_1218 = arith.constant 0 : i32
        %dma_wait3A_1219 = arith.constant 0 : i32
        %dma_wait3A_1220 = tpu.memref_slice %arg4[%add3A_1051, %dma_wait3A_1218, %dma_wait3A_1219] : memref<4000x3x80xi32, #tpu.memory_space<hbm>> -> memref<1x3x80xi32, #tpu.memory_space<hbm>>
        %dma_wait3A_1221 = tpu.memref_squeeze %dma_wait3A_1220 : memref<1x3x80xi32, #tpu.memory_space<hbm>> -> memref<3x80xi32, #tpu.memory_space<hbm>>
        %dma_wait3A_1222 = arith.constant 0 : i32
        %dma_wait3A_1223 = arith.constant 0 : i32
        %dma_wait3A_1224 = tpu.memref_slice %arg4[%add3A_1051, %dma_wait3A_1222, %dma_wait3A_1223] : memref<4000x3x80xi32, #tpu.memory_space<hbm>> -> memref<1x3x80xi32, #tpu.memory_space<hbm>>
        %dma_wait3A_1225 = tpu.memref_squeeze %dma_wait3A_1224 : memref<1x3x80xi32, #tpu.memory_space<hbm>> -> memref<3x80xi32, #tpu.memory_space<hbm>>
        tpu.wait_dma2 semaphore(%run_scoped3A : memref<!tpu.dma_semaphore, #tpu.memory_space<semaphore_mem>>) src(%dma_wait3A_1225 : memref<3x80xi32, #tpu.memory_space<hbm>>) dst(%arg10 : memref<3x80xi32, #tpu.memory_space<vmem>>)
        tpu.yield
      }) : () -> ()
      %dma_start3A_1052 = arith.constant 0 : i32
      %dma_start3A_1053 = arith.constant 0 : i32
      %dma_start3A_1054 = tpu.memref_slice %arg10[%dma_start3A_1052, %dma_start3A_1053] : memref<3x80xi32, #tpu.memory_space<vmem>> -> memref<1x80xi32, #tpu.memory_space<vmem>>
      %dma_start3A_1055 = tpu.memref_squeeze %dma_start3A_1054 : memref<1x80xi32, #tpu.memory_space<vmem>> -> memref<80xi32, #tpu.memory_space<vmem>>
      %dma_start3A_1056 = arith.constant 0 : i32
      %dma_start3A_1057 = arith.constant 0 : i32
      %dma_start3A_1058 = tpu.memref_slice %arg2[%dma_start3A_1056, %dma_start3A_1057] : memref<10000x128xf32, #tpu.memory_space<hbm>> -> memref<10000x128xf32, #tpu.memory_space<hbm>>
      tpu.enqueue_indirect_dma source(%dma_start3A_1058 : memref<10000x128xf32, #tpu.memory_space<hbm>>) target(%arg14 : memref<80x128xf32, #tpu.memory_space<vmem>>) offsets(%dma_start3A_1055 : memref<80xi32, #tpu.memory_space<vmem>>) semaphore(%arg18 : memref<!tpu.dma_semaphore, #tpu.memory_space<semaphore_mem>>)
      %add3A_1059 = arith.constant 2 : i32
      %add3A_1060 = arith.addi %add3A_756, %add3A_1059 : i32
      %dma_wait3A_1061 = arith.constant 0 : i32
      %dma_wait3A_1062 = arith.constant 0 : i32
      %dma_wait3A_1063 = tpu.memref_slice %arg9[%dma_wait3A_1061, %dma_wait3A_1062] : memref<3x80xi32, #tpu.memory_space<vmem>> -> memref<1x80xi32, #tpu.memory_space<vmem>>
      %dma_wait3A_1064 = tpu.memref_squeeze %dma_wait3A_1063 : memref<1x80xi32, #tpu.memory_space<vmem>> -> memref<80xi32, #tpu.memory_space<vmem>>
      %dma_wait3A_1065 = arith.constant 0 : i32
      %dma_wait3A_1066 = arith.constant 0 : i32
      %dma_wait3A_1067 = tpu.memref_slice %arg2[%dma_wait3A_1065, %dma_wait3A_1066] : memref<10000x128xf32, #tpu.memory_space<hbm>> -> memref<10000x128xf32, #tpu.memory_space<hbm>>
      tpu.wait_indirect_dma semaphore(%arg17 : memref<!tpu.dma_semaphore, #tpu.memory_space<semaphore_mem>>) src(%dma_wait3A_1067 : memref<10000x128xf32, #tpu.memory_space<hbm>>) dst(%arg13 : memref<80x128xf32, #tpu.memory_space<vmem>>)
      %get3A_1068 = arith.constant 0 : i32
      %get3A_1069 = arith.index_cast %get3A_1068 : i32 to index
      %get3A_1070 = arith.constant 0 : index
      %get3A_1071 = tpu.vector_load %arg9[%get3A_1069, %get3A_1070] {strides = array<i32>} : memref<3x80xi32, #tpu.memory_space<vmem>>, vector<16xi32>,
      %gather3A_1072 = tpu.vector_load_idx %arg7[%get3A_1071] : memref<10240xf32, #tpu.memory_space<vmem>>[vector<16xi32>], vector<16xf32>,
      %get3A_1073 = arith.constant 1 : i32
      %get3A_1074 = arith.index_cast %get3A_1073 : i32 to index
      %get3A_1075 = arith.constant 0 : index
      %get3A_1076 = tpu.vector_load %arg9[%get3A_1074, %get3A_1075] {strides = array<i32>} : memref<3x80xi32, #tpu.memory_space<vmem>>, vector<16xi32>,
      %gather3A_1077 = tpu.vector_load_idx %arg7[%get3A_1076] : memref<10240xf32, #tpu.memory_space<vmem>>[vector<16xi32>], vector<16xf32>,
      %get3A_1078 = arith.constant 2 : i32
      %get3A_1079 = arith.index_cast %get3A_1078 : i32 to index
      %get3A_1080 = arith.constant 0 : index
      %get3A_1081 = tpu.vector_load %arg9[%get3A_1079, %get3A_1080] {strides = array<i32>} : memref<3x80xi32, #tpu.memory_space<vmem>>, vector<16xi32>,
      %bitcast3A_1082 = vector.bitcast %get3A_1081 : vector<16xi32> to vector<16xf32>
      %add3A_1083 = arith.addf %gather3A_1072, %gather3A_1077 : vector<16xf32>
      %exp3A_1084 = math.exp %add3A_1083 : vector<16xf32>
      %add3A_1085 = arith.constant 1.000000e+00 : f32
      %add3A_1086 = vector.broadcast %add3A_1085 : f32 to vector<16xf32>
      %add3A_1087 = arith.addf %add3A_1086, %exp3A_1084 : vector<16xf32>
      %div3A_1088 = arith.divf %bitcast3A_1082, %add3A_1087 : vector<16xf32>
      %swap3A_1089 = arith.constant 0 : index
      %swap3A_1090 = tpu.vector_load %arg11[%swap3A_1089] {strides = array<i32>} : memref<80xf32, #tpu.memory_space<vmem>>, vector<16xf32>,
      tpu.vector_store %arg11[%swap3A_1089], %div3A_1088 {strides = array<i32>} : memref<80xf32, #tpu.memory_space<vmem>>, vector<16xf32>,
      %get3A_1091 = arith.constant 0 : i32
      %get3A_1092 = arith.index_cast %get3A_1091 : i32 to index
      %get3A_1093 = arith.constant 16 : index
      %get3A_1094 = tpu.vector_load %arg9[%get3A_1092, %get3A_1093] {strides = array<i32>} : memref<3x80xi32, #tpu.memory_space<vmem>>, vector<16xi32>,
      %gather3A_1095 = tpu.vector_load_idx %arg7[%get3A_1094] : memref<10240xf32, #tpu.memory_space<vmem>>[vector<16xi32>], vector<16xf32>,
      %get3A_1096 = arith.constant 1 : i32
      %get3A_1097 = arith.index_cast %get3A_1096 : i32 to index
      %get3A_1098 = arith.constant 16 : index
      %get3A_1099 = tpu.vector_load %arg9[%get3A_1097, %get3A_1098] {strides = array<i32>} : memref<3x80xi32, #tpu.memory_space<vmem>>, vector<16xi32>,
      %gather3A_1100 = tpu.vector_load_idx %arg7[%get3A_1099] : memref<10240xf32, #tpu.memory_space<vmem>>[vector<16xi32>], vector<16xf32>,
      %get3A_1101 = arith.constant 2 : i32
      %get3A_1102 = arith.index_cast %get3A_1101 : i32 to index
      %get3A_1103 = arith.constant 16 : index
      %get3A_1104 = tpu.vector_load %arg9[%get3A_1102, %get3A_1103] {strides = array<i32>} : memref<3x80xi32, #tpu.memory_space<vmem>>, vector<16xi32>,
      %bitcast3A_1105 = vector.bitcast %get3A_1104 : vector<16xi32> to vector<16xf32>
      %add3A_1106 = arith.addf %gather3A_1095, %gather3A_1100 : vector<16xf32>
      %exp3A_1107 = math.exp %add3A_1106 : vector<16xf32>
      %add3A_1108 = arith.constant 1.000000e+00 : f32
      %add3A_1109 = vector.broadcast %add3A_1108 : f32 to vector<16xf32>
      %add3A_1110 = arith.addf %add3A_1109, %exp3A_1107 : vector<16xf32>
      %div3A_1111 = arith.divf %bitcast3A_1105, %add3A_1110 : vector<16xf32>
      %swap3A_1112 = arith.constant 16 : index
      %swap3A_1113 = tpu.vector_load %arg11[%swap3A_1112] {strides = array<i32>} : memref<80xf32, #tpu.memory_space<vmem>>, vector<16xf32>,
      tpu.vector_store %arg11[%swap3A_1112], %div3A_1111 {strides = array<i32>} : memref<80xf32, #tpu.memory_space<vmem>>, vector<16xf32>,
      %get3A_1114 = arith.constant 0 : i32
      %get3A_1115 = arith.index_cast %get3A_1114 : i32 to index
      %get3A_1116 = arith.constant 32 : index
      %get3A_1117 = tpu.vector_load %arg9[%get3A_1115, %get3A_1116] {strides = array<i32>} : memref<3x80xi32, #tpu.memory_space<vmem>>, vector<16xi32>,
      %gather3A_1118 = tpu.vector_load_idx %arg7[%get3A_1117] : memref<10240xf32, #tpu.memory_space<vmem>>[vector<16xi32>], vector<16xf32>,
      %get3A_1119 = arith.constant 1 : i32
      %get3A_1120 = arith.index_cast %get3A_1119 : i32 to index
      %get3A_1121 = arith.constant 32 : index
      %get3A_1122 = tpu.vector_load %arg9[%get3A_1120, %get3A_1121] {strides = array<i32>} : memref<3x80xi32, #tpu.memory_space<vmem>>, vector<16xi32>,
      %gather3A_1123 = tpu.vector_load_idx %arg7[%get3A_1122] : memref<10240xf32, #tpu.memory_space<vmem>>[vector<16xi32>], vector<16xf32>,
      %get3A_1124 = arith.constant 2 : i32
      %get3A_1125 = arith.index_cast %get3A_1124 : i32 to index
      %get3A_1126 = arith.constant 32 : index
      %get3A_1127 = tpu.vector_load %arg9[%get3A_1125, %get3A_1126] {strides = array<i32>} : memref<3x80xi32, #tpu.memory_space<vmem>>, vector<16xi32>,
      %bitcast3A_1128 = vector.bitcast %get3A_1127 : vector<16xi32> to vector<16xf32>
      %add3A_1129 = arith.addf %gather3A_1118, %gather3A_1123 : vector<16xf32>
      %exp3A_1130 = math.exp %add3A_1129 : vector<16xf32>
      %add3A_1131 = arith.constant 1.000000e+00 : f32
      %add3A_1132 = vector.broadcast %add3A_1131 : f32 to vector<16xf32>
      %add3A_1133 = arith.addf %add3A_1132, %exp3A_1130 : vector<16xf32>
      %div3A_1134 = arith.divf %bitcast3A_1128, %add3A_1133 : vector<16xf32>
      %swap3A_1135 = arith.constant 32 : index
      %swap3A_1136 = tpu.vector_load %arg11[%swap3A_1135] {strides = array<i32>} : memref<80xf32, #tpu.memory_space<vmem>>, vector<16xf32>,
      tpu.vector_store %arg11[%swap3A_1135], %div3A_1134 {strides = array<i32>} : memref<80xf32, #tpu.memory_space<vmem>>, vector<16xf32>,
      %get3A_1137 = arith.constant 0 : i32
      %get3A_1138 = arith.index_cast %get3A_1137 : i32 to index
      %get3A_1139 = arith.constant 48 : index
      %get3A_1140 = tpu.vector_load %arg9[%get3A_1138, %get3A_1139] {strides = array<i32>} : memref<3x80xi32, #tpu.memory_space<vmem>>, vector<16xi32>,
      %gather3A_1141 = tpu.vector_load_idx %arg7[%get3A_1140] : memref<10240xf32, #tpu.memory_space<vmem>>[vector<16xi32>], vector<16xf32>,
      %get3A_1142 = arith.constant 1 : i32
      %get3A_1143 = arith.index_cast %get3A_1142 : i32 to index
      %get3A_1144 = arith.constant 48 : index
      %get3A_1145 = tpu.vector_load %arg9[%get3A_1143, %get3A_1144] {strides = array<i32>} : memref<3x80xi32, #tpu.memory_space<vmem>>, vector<16xi32>,
      %gather3A_1146 = tpu.vector_load_idx %arg7[%get3A_1145] : memref<10240xf32, #tpu.memory_space<vmem>>[vector<16xi32>], vector<16xf32>,
      %get3A_1147 = arith.constant 2 : i32
      %get3A_1148 = arith.index_cast %get3A_1147 : i32 to index
      %get3A_1149 = arith.constant 48 : index
      %get3A_1150 = tpu.vector_load %arg9[%get3A_1148, %get3A_1149] {strides = array<i32>} : memref<3x80xi32, #tpu.memory_space<vmem>>, vector<16xi32>,
      %bitcast3A_1151 = vector.bitcast %get3A_1150 : vector<16xi32> to vector<16xf32>
      %add3A_1152 = arith.addf %gather3A_1141, %gather3A_1146 : vector<16xf32>
      %exp3A_1153 = math.exp %add3A_1152 : vector<16xf32>
      %add3A_1154 = arith.constant 1.000000e+00 : f32
      %add3A_1155 = vector.broadcast %add3A_1154 : f32 to vector<16xf32>
      %add3A_1156 = arith.addf %add3A_1155, %exp3A_1153 : vector<16xf32>
      %div3A_1157 = arith.divf %bitcast3A_1151, %add3A_1156 : vector<16xf32>
      %swap3A_1158 = arith.constant 48 : index
      %swap3A_1159 = tpu.vector_load %arg11[%swap3A_1158] {strides = array<i32>} : memref<80xf32, #tpu.memory_space<vmem>>, vector<16xf32>,
      tpu.vector_store %arg11[%swap3A_1158], %div3A_1157 {strides = array<i32>} : memref<80xf32, #tpu.memory_space<vmem>>, vector<16xf32>,
      %get3A_1160 = arith.constant 0 : i32
      %get3A_1161 = arith.index_cast %get3A_1160 : i32 to index
      %get3A_1162 = arith.constant 64 : index
      %get3A_1163 = tpu.vector_load %arg9[%get3A_1161, %get3A_1162] {strides = array<i32>} : memref<3x80xi32, #tpu.memory_space<vmem>>, vector<16xi32>,
      %gather3A_1164 = tpu.vector_load_idx %arg7[%get3A_1163] : memref<10240xf32, #tpu.memory_space<vmem>>[vector<16xi32>], vector<16xf32>,
      %get3A_1165 = arith.constant 1 : i32
      %get3A_1166 = arith.index_cast %get3A_1165 : i32 to index
      %get3A_1167 = arith.constant 64 : index
      %get3A_1168 = tpu.vector_load %arg9[%get3A_1166, %get3A_1167] {strides = array<i32>} : memref<3x80xi32, #tpu.memory_space<vmem>>, vector<16xi32>,
      %gather3A_1169 = tpu.vector_load_idx %arg7[%get3A_1168] : memref<10240xf32, #tpu.memory_space<vmem>>[vector<16xi32>], vector<16xf32>,
      %get3A_1170 = arith.constant 2 : i32
      %get3A_1171 = arith.index_cast %get3A_1170 : i32 to index
      %get3A_1172 = arith.constant 64 : index
      %get3A_1173 = tpu.vector_load %arg9[%get3A_1171, %get3A_1172] {strides = array<i32>} : memref<3x80xi32, #tpu.memory_space<vmem>>, vector<16xi32>,
      %bitcast3A_1174 = vector.bitcast %get3A_1173 : vector<16xi32> to vector<16xf32>
      %add3A_1175 = arith.addf %gather3A_1164, %gather3A_1169 : vector<16xf32>
      %exp3A_1176 = math.exp %add3A_1175 : vector<16xf32>
      %add3A_1177 = arith.constant 1.000000e+00 : f32
      %add3A_1178 = vector.broadcast %add3A_1177 : f32 to vector<16xf32>
      %add3A_1179 = arith.addf %add3A_1178, %exp3A_1176 : vector<16xf32>
      %div3A_1180 = arith.divf %bitcast3A_1174, %add3A_1179 : vector<16xf32>
      %swap3A_1181 = arith.constant 64 : index
      %swap3A_1182 = tpu.vector_load %arg11[%swap3A_1181] {strides = array<i32>} : memref<80xf32, #tpu.memory_space<vmem>>, vector<16xf32>,
      tpu.vector_store %arg11[%swap3A_1181], %div3A_1180 {strides = array<i32>} : memref<80xf32, #tpu.memory_space<vmem>>, vector<16xf32>,
      %parallel_loop3A_1183 = arith.constant 0 : i32
      %parallel_loop3A_1184 = arith.constant 80 : i32
      %parallel_loop3A_1185 = arith.constant 1 : i32
      scf.for %parallel_loop3A_1210 = %parallel_loop3A_1183 to %parallel_loop3A_1184 step %parallel_loop3A_1185  : i32 {
        %parallel_loop3A_1211 = vector.broadcast %parallel_loop3A_1210 : i32 to vector<16xi32>
        %parallel_loop3A_1212 = tpu.vector_load_idx %arg11[%parallel_loop3A_1211] : memref<80xf32, #tpu.memory_space<vmem>>[vector<16xi32>], vector<16xf32>,
        %parallel_loop3A_1213 = arith.index_cast %parallel_loop3A_1210 : i32 to index
        %parallel_loop3A_1214 = arith.constant 0 : index
        %parallel_loop3A_1215 = tpu.vector_load %arg13[%parallel_loop3A_1213, %parallel_loop3A_1214] {strides = array<i32>} : memref<80x128xf32, #tpu.memory_space<vmem>>, vector<16xf32>,
        %parallel_loop3A_1216 = arith.mulf %parallel_loop3A_1215, %parallel_loop3A_1212 : vector<16xf32>
        %parallel_loop3A_1217 = arith.index_cast %parallel_loop3A_1210 : i32 to index
        %parallel_loop3A_1218 = arith.constant 0 : index
        %parallel_loop3A_1219 = tpu.vector_load %arg13[%parallel_loop3A_1217, %parallel_loop3A_1218] {strides = array<i32>} : memref<80x128xf32, #tpu.memory_space<vmem>>, vector<16xf32>,
        tpu.vector_store %arg13[%parallel_loop3A_1217, %parallel_loop3A_1218], %parallel_loop3A_1216 {strides = array<i32>} : memref<80x128xf32, #tpu.memory_space<vmem>>, vector<16xf32>,
        %parallel_loop3A_1220 = arith.index_cast %parallel_loop3A_1210 : i32 to index
        %parallel_loop3A_1221 = arith.constant 16 : index
        %parallel_loop3A_1222 = tpu.vector_load %arg13[%parallel_loop3A_1220, %parallel_loop3A_1221] {strides = array<i32>} : memref<80x128xf32, #tpu.memory_space<vmem>>, vector<16xf32>,
        %parallel_loop3A_1223 = arith.mulf %parallel_loop3A_1222, %parallel_loop3A_1212 : vector<16xf32>
        %parallel_loop3A_1224 = arith.index_cast %parallel_loop3A_1210 : i32 to index
        %parallel_loop3A_1225 = arith.constant 16 : index
        %parallel_loop3A_1226 = tpu.vector_load %arg13[%parallel_loop3A_1224, %parallel_loop3A_1225] {strides = array<i32>} : memref<80x128xf32, #tpu.memory_space<vmem>>, vector<16xf32>,
        tpu.vector_store %arg13[%parallel_loop3A_1224, %parallel_loop3A_1225], %parallel_loop3A_1223 {strides = array<i32>} : memref<80x128xf32, #tpu.memory_space<vmem>>, vector<16xf32>,
        %parallel_loop3A_1227 = arith.index_cast %parallel_loop3A_1210 : i32 to index
        %parallel_loop3A_1228 = arith.constant 32 : index
        %parallel_loop3A_1229 = tpu.vector_load %arg13[%parallel_loop3A_1227, %parallel_loop3A_1228] {strides = array<i32>} : memref<80x128xf32, #tpu.memory_space<vmem>>, vector<16xf32>,
        %parallel_loop3A_1230 = arith.mulf %parallel_loop3A_1229, %parallel_loop3A_1212 : vector<16xf32>
        %parallel_loop3A_1231 = arith.index_cast %parallel_loop3A_1210 : i32 to index
        %parallel_loop3A_1232 = arith.constant 32 : index
        %parallel_loop3A_1233 = tpu.vector_load %arg13[%parallel_loop3A_1231, %parallel_loop3A_1232] {strides = array<i32>} : memref<80x128xf32, #tpu.memory_space<vmem>>, vector<16xf32>,
        tpu.vector_store %arg13[%parallel_loop3A_1231, %parallel_loop3A_1232], %parallel_loop3A_1230 {strides = array<i32>} : memref<80x128xf32, #tpu.memory_space<vmem>>, vector<16xf32>,
        %parallel_loop3A_1234 = arith.index_cast %parallel_loop3A_1210 : i32 to index
        %parallel_loop3A_1235 = arith.constant 48 : index
        %parallel_loop3A_1236 = tpu.vector_load %arg13[%parallel_loop3A_1234, %parallel_loop3A_1235] {strides = array<i32>} : memref<80x128xf32, #tpu.memory_space<vmem>>, vector<16xf32>,
        %parallel_loop3A_1237 = arith.mulf %parallel_loop3A_1236, %parallel_loop3A_1212 : vector<16xf32>
        %parallel_loop3A_1238 = arith.index_cast %parallel_loop3A_1210 : i32 to index
        %parallel_loop3A_1239 = arith.constant 48 : index
        %parallel_loop3A_1240 = tpu.vector_load %arg13[%parallel_loop3A_1238, %parallel_loop3A_1239] {strides = array<i32>} : memref<80x128xf32, #tpu.memory_space<vmem>>, vector<16xf32>,
        tpu.vector_store %arg13[%parallel_loop3A_1238, %parallel_loop3A_1239], %parallel_loop3A_1237 {strides = array<i32>} : memref<80x128xf32, #tpu.memory_space<vmem>>, vector<16xf32>,
        %parallel_loop3A_1241 = arith.index_cast %parallel_loop3A_1210 : i32 to index
        %parallel_loop3A_1242 = arith.constant 64 : index
        %parallel_loop3A_1243 = tpu.vector_load %arg13[%parallel_loop3A_1241, %parallel_loop3A_1242] {strides = array<i32>} : memref<80x128xf32, #tpu.memory_space<vmem>>, vector<16xf32>,
        %parallel_loop3A_1244 = arith.mulf %parallel_loop3A_1243, %parallel_loop3A_1212 : vector<16xf32>
        %parallel_loop3A_1245 = arith.index_cast %parallel_loop3A_1210 : i32 to index
        %parallel_loop3A_1246 = arith.constant 64 : index
        %parallel_loop3A_1247 = tpu.vector_load %arg13[%parallel_loop3A_1245, %parallel_loop3A_1246] {strides = array<i32>} : memref<80x128xf32, #tpu.memory_space<vmem>>, vector<16xf32>,
        tpu.vector_store %arg13[%parallel_loop3A_1245, %parallel_loop3A_1246], %parallel_loop3A_1244 {strides = array<i32>} : memref<80x128xf32, #tpu.memory_space<vmem>>, vector<16xf32>,
        %parallel_loop3A_1248 = arith.index_cast %parallel_loop3A_1210 : i32 to index
        %parallel_loop3A_1249 = arith.constant 80 : index
        %parallel_loop3A_1250 = tpu.vector_load %arg13[%parallel_loop3A_1248, %parallel_loop3A_1249] {strides = array<i32>} : memref<80x128xf32, #tpu.memory_space<vmem>>, vector<16xf32>,
        %parallel_loop3A_1251 = arith.mulf %parallel_loop3A_1250, %parallel_loop3A_1212 : vector<16xf32>
        %parallel_loop3A_1252 = arith.index_cast %parallel_loop3A_1210 : i32 to index
        %parallel_loop3A_1253 = arith.constant 80 : index
        %parallel_loop3A_1254 = tpu.vector_load %arg13[%parallel_loop3A_1252, %parallel_loop3A_1253] {strides = array<i32>} : memref<80x128xf32, #tpu.memory_space<vmem>>, vector<16xf32>,
        tpu.vector_store %arg13[%parallel_loop3A_1252, %parallel_loop3A_1253], %parallel_loop3A_1251 {strides = array<i32>} : memref<80x128xf32, #tpu.memory_space<vmem>>, vector<16xf32>,
        %parallel_loop3A_1255 = arith.index_cast %parallel_loop3A_1210 : i32 to index
        %parallel_loop3A_1256 = arith.constant 96 : index
        %parallel_loop3A_1257 = tpu.vector_load %arg13[%parallel_loop3A_1255, %parallel_loop3A_1256] {strides = array<i32>} : memref<80x128xf32, #tpu.memory_space<vmem>>, vector<16xf32>,
        %parallel_loop3A_1258 = arith.mulf %parallel_loop3A_1257, %parallel_loop3A_1212 : vector<16xf32>
        %parallel_loop3A_1259 = arith.index_cast %parallel_loop3A_1210 : i32 to index
        %parallel_loop3A_1260 = arith.constant 96 : index
        %parallel_loop3A_1261 = tpu.vector_load %arg13[%parallel_loop3A_1259, %parallel_loop3A_1260] {strides = array<i32>} : memref<80x128xf32, #tpu.memory_space<vmem>>, vector<16xf32>,
        tpu.vector_store %arg13[%parallel_loop3A_1259, %parallel_loop3A_1260], %parallel_loop3A_1258 {strides = array<i32>} : memref<80x128xf32, #tpu.memory_space<vmem>>, vector<16xf32>,
        %parallel_loop3A_1262 = arith.index_cast %parallel_loop3A_1210 : i32 to index
        %parallel_loop3A_1263 = arith.constant 112 : index
        %parallel_loop3A_1264 = tpu.vector_load %arg13[%parallel_loop3A_1262, %parallel_loop3A_1263] {strides = array<i32>} : memref<80x128xf32, #tpu.memory_space<vmem>>, vector<16xf32>,
        %parallel_loop3A_1265 = arith.mulf %parallel_loop3A_1264, %parallel_loop3A_1212 : vector<16xf32>
        %parallel_loop3A_1266 = arith.index_cast %parallel_loop3A_1210 : i32 to index
        %parallel_loop3A_1267 = arith.constant 112 : index
        %parallel_loop3A_1268 = tpu.vector_load %arg13[%parallel_loop3A_1266, %parallel_loop3A_1267] {strides = array<i32>} : memref<80x128xf32, #tpu.memory_space<vmem>>, vector<16xf32>,
        tpu.vector_store %arg13[%parallel_loop3A_1266, %parallel_loop3A_1267], %parallel_loop3A_1265 {strides = array<i32>} : memref<80x128xf32, #tpu.memory_space<vmem>>, vector<16xf32>,
      } {sc.loop_unroll_factor = 4 : i64, sc.parallel_access}
      %dma_start3A_1186 = arith.constant 1 : i32
      %dma_start3A_1187 = arith.constant 0 : i32
      %dma_start3A_1188 = tpu.memref_slice %arg9[%dma_start3A_1186, %dma_start3A_1187] : memref<3x80xi32, #tpu.memory_space<vmem>> -> memref<1x80xi32, #tpu.memory_space<vmem>>
      %dma_start3A_1189 = tpu.memref_squeeze %dma_start3A_1188 : memref<1x80xi32, #tpu.memory_space<vmem>> -> memref<80xi32, #tpu.memory_space<vmem>>
      %dma_start3A_1190 = arith.constant 0 : i32
      %dma_start3A_1191 = arith.constant 0 : i32
      %dma_start3A_1192 = tpu.memref_slice %arg15[%dma_start3A_1190, %dma_start3A_1191] : memref<10240x128xf32, #tpu.memory_space<vmem_shared>> -> memref<10240x128xf32, #tpu.memory_space<vmem_shared>>
      tpu.enqueue_indirect_dma source(%arg13 : memref<80x128xf32, #tpu.memory_space<vmem>>) target(%dma_start3A_1192 : memref<10240x128xf32, #tpu.memory_space<vmem_shared>>) offsets(%dma_start3A_1189 : memref<80xi32, #tpu.memory_space<vmem>>) semaphore(%arg20 : memref<!tpu.dma_semaphore, #tpu.memory_space<semaphore_mem>>) {add = true}
      %dma_wait3A_1193 = arith.constant 1 : i32
      %dma_wait3A_1194 = arith.constant 0 : i32
      %dma_wait3A_1195 = tpu.memref_slice %arg8[%dma_wait3A_1193, %dma_wait3A_1194] : memref<3x80xi32, #tpu.memory_space<vmem>> -> memref<1x80xi32, #tpu.memory_space<vmem>>
      %dma_wait3A_1196 = tpu.memref_squeeze %dma_wait3A_1195 : memref<1x80xi32, #tpu.memory_space<vmem>> -> memref<80xi32, #tpu.memory_space<vmem>>
      %dma_wait3A_1197 = arith.constant 0 : i32
      %dma_wait3A_1198 = arith.constant 0 : i32
      %dma_wait3A_1199 = tpu.memref_slice %arg15[%dma_wait3A_1197, %dma_wait3A_1198] : memref<10240x128xf32, #tpu.memory_space<vmem_shared>> -> memref<10240x128xf32, #tpu.memory_space<vmem_shared>>
      tpu.wait_indirect_dma semaphore(%arg19 : memref<!tpu.dma_semaphore, #tpu.memory_space<semaphore_mem>>) src(%arg12 : memref<80x128xf32, #tpu.memory_space<vmem>>) dst(%dma_wait3A_1199 : memref<10240x128xf32, #tpu.memory_space<vmem_shared>>)
      %add3A_1200 = arith.addi %mul3A_8, %add3A_1060 : i32
      %add3A_1201 = arith.constant 2 : i32
      %add3A_1202 = arith.addi %add3A_1200, %add3A_1201 : i32
      "tpu.region"() ({
        %run_scoped3A = tpu.sem_alloc : memref<!tpu.dma_semaphore, #tpu.memory_space<semaphore_mem>>
        %dma_start3A_1210 = arith.constant 0 : i32
        %dma_start3A_1211 = arith.constant 0 : i32
        %dma_start3A_1212 = tpu.memref_slice %arg4[%add3A_1202, %dma_start3A_1210, %dma_start3A_1211] : memref<4000x3x80xi32, #tpu.memory_space<hbm>> -> memref<1x3x80xi32, #tpu.memory_space<hbm>>
        %dma_start3A_1213 = tpu.memref_squeeze %dma_start3A_1212 : memref<1x3x80xi32, #tpu.memory_space<hbm>> -> memref<3x80xi32, #tpu.memory_space<hbm>>
        %dma_start3A_1214 = arith.constant 0 : i32
        %dma_start3A_1215 = arith.constant 0 : i32
        %dma_start3A_1216 = tpu.memref_slice %arg4[%add3A_1202, %dma_start3A_1214, %dma_start3A_1215] : memref<4000x3x80xi32, #tpu.memory_space<hbm>> -> memref<1x3x80xi32, #tpu.memory_space<hbm>>
        %dma_start3A_1217 = tpu.memref_squeeze %dma_start3A_1216 : memref<1x3x80xi32, #tpu.memory_space<hbm>> -> memref<3x80xi32, #tpu.memory_space<hbm>>
        tpu.enqueue_dma source(%dma_start3A_1217 : memref<3x80xi32, #tpu.memory_space<hbm>>) target(%arg8 : memref<3x80xi32, #tpu.memory_space<vmem>>) target_semaphore(%run_scoped3A : memref<!tpu.dma_semaphore, #tpu.memory_space<semaphore_mem>>)
        %dma_wait3A_1218 = arith.constant 0 : i32
        %dma_wait3A_1219 = arith.constant 0 : i32
        %dma_wait3A_1220 = tpu.memref_slice %arg4[%add3A_1202, %dma_wait3A_1218, %dma_wait3A_1219] : memref<4000x3x80xi32, #tpu.memory_space<hbm>> -> memref<1x3x80xi32, #tpu.memory_space<hbm>>
        %dma_wait3A_1221 = tpu.memref_squeeze %dma_wait3A_1220 : memref<1x3x80xi32, #tpu.memory_space<hbm>> -> memref<3x80xi32, #tpu.memory_space<hbm>>
        %dma_wait3A_1222 = arith.constant 0 : i32
        %dma_wait3A_1223 = arith.constant 0 : i32
        %dma_wait3A_1224 = tpu.memref_slice %arg4[%add3A_1202, %dma_wait3A_1222, %dma_wait3A_1223] : memref<4000x3x80xi32, #tpu.memory_space<hbm>> -> memref<1x3x80xi32, #tpu.memory_space<hbm>>
        %dma_wait3A_1225 = tpu.memref_squeeze %dma_wait3A_1224 : memref<1x3x80xi32, #tpu.memory_space<hbm>> -> memref<3x80xi32, #tpu.memory_space<hbm>>
        tpu.wait_dma2 semaphore(%run_scoped3A : memref<!tpu.dma_semaphore, #tpu.memory_space<semaphore_mem>>) src(%dma_wait3A_1225 : memref<3x80xi32, #tpu.memory_space<hbm>>) dst(%arg8 : memref<3x80xi32, #tpu.memory_space<vmem>>)
        tpu.yield
      }) : () -> ()
      %dma_start3A_1203 = arith.constant 0 : i32
      %dma_start3A_1204 = arith.constant 0 : i32
      %dma_start3A_1205 = tpu.memref_slice %arg8[%dma_start3A_1203, %dma_start3A_1204] : memref<3x80xi32, #tpu.memory_space<vmem>> -> memref<1x80xi32, #tpu.memory_space<vmem>>
      %dma_start3A_1206 = tpu.memref_squeeze %dma_start3A_1205 : memref<1x80xi32, #tpu.memory_space<vmem>> -> memref<80xi32, #tpu.memory_space<vmem>>
      %dma_start3A_1207 = arith.constant 0 : i32
      %dma_start3A_1208 = arith.constant 0 : i32
      %dma_start3A_1209 = tpu.memref_slice %arg2[%dma_start3A_1207, %dma_start3A_1208] : memref<10000x128xf32, #tpu.memory_space<hbm>> -> memref<10000x128xf32, #tpu.memory_space<hbm>>
      tpu.enqueue_indirect_dma source(%dma_start3A_1209 : memref<10000x128xf32, #tpu.memory_space<hbm>>) target(%arg12 : memref<80x128xf32, #tpu.memory_space<vmem>>) offsets(%dma_start3A_1206 : memref<80xi32, #tpu.memory_space<vmem>>) semaphore(%arg16 : memref<!tpu.dma_semaphore, #tpu.memory_space<semaphore_mem>>)
    }
    %scan3A_313 = arith.constant 40 : i32
    %dma_wait3A_314 = arith.constant 0 : i32
    %dma_wait3A_315 = arith.constant 0 : i32
    %dma_wait3A_316 = tpu.memref_slice %arg10[%dma_wait3A_314, %dma_wait3A_315] : memref<3x80xi32, #tpu.memory_space<vmem>> -> memref<1x80xi32, #tpu.memory_space<vmem>>
    %dma_wait3A_317 = tpu.memref_squeeze %dma_wait3A_316 : memref<1x80xi32, #tpu.memory_space<vmem>> -> memref<80xi32, #tpu.memory_space<vmem>>
    %dma_wait3A_318 = arith.constant 0 : i32
    %dma_wait3A_319 = arith.constant 0 : i32
    %dma_wait3A_320 = tpu.memref_slice %arg2[%dma_wait3A_318, %dma_wait3A_319] : memref<10000x128xf32, #tpu.memory_space<hbm>> -> memref<10000x128xf32, #tpu.memory_space<hbm>>
    tpu.wait_indirect_dma semaphore(%arg18 : memref<!tpu.dma_semaphore, #tpu.memory_space<semaphore_mem>>) src(%dma_wait3A_320 : memref<10000x128xf32, #tpu.memory_space<hbm>>) dst(%arg14 : memref<80x128xf32, #tpu.memory_space<vmem>>)
    %get3A_321 = arith.constant 0 : i32
    %get3A_322 = arith.index_cast %get3A_321 : i32 to index
    %get3A_323 = arith.constant 0 : index
    %get3A_324 = tpu.vector_load %arg10[%get3A_322, %get3A_323] {strides = array<i32>} : memref<3x80xi32, #tpu.memory_space<vmem>>, vector<16xi32>,
    %gather3A_325 = tpu.vector_load_idx %arg7[%get3A_324] : memref<10240xf32, #tpu.memory_space<vmem>>[vector<16xi32>], vector<16xf32>,
    %get3A_326 = arith.constant 1 : i32
    %get3A_327 = arith.index_cast %get3A_326 : i32 to index
    %get3A_328 = arith.constant 0 : index
    %get3A_329 = tpu.vector_load %arg10[%get3A_327, %get3A_328] {strides = array<i32>} : memref<3x80xi32, #tpu.memory_space<vmem>>, vector<16xi32>,
    %gather3A_330 = tpu.vector_load_idx %arg7[%get3A_329] : memref<10240xf32, #tpu.memory_space<vmem>>[vector<16xi32>], vector<16xf32>,
    %get3A_331 = arith.constant 2 : i32
    %get3A_332 = arith.index_cast %get3A_331 : i32 to index
    %get3A_333 = arith.constant 0 : index
    %get3A_334 = tpu.vector_load %arg10[%get3A_332, %get3A_333] {strides = array<i32>} : memref<3x80xi32, #tpu.memory_space<vmem>>, vector<16xi32>,
    %bitcast3A_335 = vector.bitcast %get3A_334 : vector<16xi32> to vector<16xf32>
    %add3A_336 = arith.addf %gather3A_325, %gather3A_330 : vector<16xf32>
    %exp3A_337 = math.exp %add3A_336 : vector<16xf32>
    %add3A_338 = arith.constant 1.000000e+00 : f32
    %add3A_339 = vector.broadcast %add3A_338 : f32 to vector<16xf32>
    %add3A_340 = arith.addf %add3A_339, %exp3A_337 : vector<16xf32>
    %div3A_341 = arith.divf %bitcast3A_335, %add3A_340 : vector<16xf32>
    %swap3A_342 = arith.constant 0 : index
    %swap3A_343 = tpu.vector_load %arg11[%swap3A_342] {strides = array<i32>} : memref<80xf32, #tpu.memory_space<vmem>>, vector<16xf32>,
    tpu.vector_store %arg11[%swap3A_342], %div3A_341 {strides = array<i32>} : memref<80xf32, #tpu.memory_space<vmem>>, vector<16xf32>,
    %get3A_344 = arith.constant 0 : i32
    %get3A_345 = arith.index_cast %get3A_344 : i32 to index
    %get3A_346 = arith.constant 16 : index
    %get3A_347 = tpu.vector_load %arg10[%get3A_345, %get3A_346] {strides = array<i32>} : memref<3x80xi32, #tpu.memory_space<vmem>>, vector<16xi32>,
    %gather3A_348 = tpu.vector_load_idx %arg7[%get3A_347] : memref<10240xf32, #tpu.memory_space<vmem>>[vector<16xi32>], vector<16xf32>,
    %get3A_349 = arith.constant 1 : i32
    %get3A_350 = arith.index_cast %get3A_349 : i32 to index
    %get3A_351 = arith.constant 16 : index
    %get3A_352 = tpu.vector_load %arg10[%get3A_350, %get3A_351] {strides = array<i32>} : memref<3x80xi32, #tpu.memory_space<vmem>>, vector<16xi32>,
    %gather3A_353 = tpu.vector_load_idx %arg7[%get3A_352] : memref<10240xf32, #tpu.memory_space<vmem>>[vector<16xi32>], vector<16xf32>,
    %get3A_354 = arith.constant 2 : i32
    %get3A_355 = arith.index_cast %get3A_354 : i32 to index
    %get3A_356 = arith.constant 16 : index
    %get3A_357 = tpu.vector_load %arg10[%get3A_355, %get3A_356] {strides = array<i32>} : memref<3x80xi32, #tpu.memory_space<vmem>>, vector<16xi32>,
    %bitcast3A_358 = vector.bitcast %get3A_357 : vector<16xi32> to vector<16xf32>
    %add3A_359 = arith.addf %gather3A_348, %gather3A_353 : vector<16xf32>
    %exp3A_360 = math.exp %add3A_359 : vector<16xf32>
    %add3A_361 = arith.constant 1.000000e+00 : f32
    %add3A_362 = vector.broadcast %add3A_361 : f32 to vector<16xf32>
    %add3A_363 = arith.addf %add3A_362, %exp3A_360 : vector<16xf32>
    %div3A_364 = arith.divf %bitcast3A_358, %add3A_363 : vector<16xf32>
    %swap3A_365 = arith.constant 16 : index
    %swap3A_366 = tpu.vector_load %arg11[%swap3A_365] {strides = array<i32>} : memref<80xf32, #tpu.memory_space<vmem>>, vector<16xf32>,
    tpu.vector_store %arg11[%swap3A_365], %div3A_364 {strides = array<i32>} : memref<80xf32, #tpu.memory_space<vmem>>, vector<16xf32>,
    %get3A_367 = arith.constant 0 : i32
    %get3A_368 = arith.index_cast %get3A_367 : i32 to index
    %get3A_369 = arith.constant 32 : index
    %get3A_370 = tpu.vector_load %arg10[%get3A_368, %get3A_369] {strides = array<i32>} : memref<3x80xi32, #tpu.memory_space<vmem>>, vector<16xi32>,
    %gather3A_371 = tpu.vector_load_idx %arg7[%get3A_370] : memref<10240xf32, #tpu.memory_space<vmem>>[vector<16xi32>], vector<16xf32>,
    %get3A_372 = arith.constant 1 : i32
    %get3A_373 = arith.index_cast %get3A_372 : i32 to index
    %get3A_374 = arith.constant 32 : index
    %get3A_375 = tpu.vector_load %arg10[%get3A_373, %get3A_374] {strides = array<i32>} : memref<3x80xi32, #tpu.memory_space<vmem>>, vector<16xi32>,
    %gather3A_376 = tpu.vector_load_idx %arg7[%get3A_375] : memref<10240xf32, #tpu.memory_space<vmem>>[vector<16xi32>], vector<16xf32>,
    %get3A_377 = arith.constant 2 : i32
    %get3A_378 = arith.index_cast %get3A_377 : i32 to index
    %get3A_379 = arith.constant 32 : index
    %get3A_380 = tpu.vector_load %arg10[%get3A_378, %get3A_379] {strides = array<i32>} : memref<3x80xi32, #tpu.memory_space<vmem>>, vector<16xi32>,
    %bitcast3A_381 = vector.bitcast %get3A_380 : vector<16xi32> to vector<16xf32>
    %add3A_382 = arith.addf %gather3A_371, %gather3A_376 : vector<16xf32>
    %exp3A_383 = math.exp %add3A_382 : vector<16xf32>
    %add3A_384 = arith.constant 1.000000e+00 : f32
    %add3A_385 = vector.broadcast %add3A_384 : f32 to vector<16xf32>
    %add3A_386 = arith.addf %add3A_385, %exp3A_383 : vector<16xf32>
    %div3A_387 = arith.divf %bitcast3A_381, %add3A_386 : vector<16xf32>
    %swap3A_388 = arith.constant 32 : index
    %swap3A_389 = tpu.vector_load %arg11[%swap3A_388] {strides = array<i32>} : memref<80xf32, #tpu.memory_space<vmem>>, vector<16xf32>,
    tpu.vector_store %arg11[%swap3A_388], %div3A_387 {strides = array<i32>} : memref<80xf32, #tpu.memory_space<vmem>>, vector<16xf32>,
    %get3A_390 = arith.constant 0 : i32
    %get3A_391 = arith.index_cast %get3A_390 : i32 to index
    %get3A_392 = arith.constant 48 : index
    %get3A_393 = tpu.vector_load %arg10[%get3A_391, %get3A_392] {strides = array<i32>} : memref<3x80xi32, #tpu.memory_space<vmem>>, vector<16xi32>,
    %gather3A_394 = tpu.vector_load_idx %arg7[%get3A_393] : memref<10240xf32, #tpu.memory_space<vmem>>[vector<16xi32>], vector<16xf32>,
    %get3A_395 = arith.constant 1 : i32
    %get3A_396 = arith.index_cast %get3A_395 : i32 to index
    %get3A_397 = arith.constant 48 : index
    %get3A_398 = tpu.vector_load %arg10[%get3A_396, %get3A_397] {strides = array<i32>} : memref<3x80xi32, #tpu.memory_space<vmem>>, vector<16xi32>,
    %gather3A_399 = tpu.vector_load_idx %arg7[%get3A_398] : memref<10240xf32, #tpu.memory_space<vmem>>[vector<16xi32>], vector<16xf32>,
    %get3A_400 = arith.constant 2 : i32
    %get3A_401 = arith.index_cast %get3A_400 : i32 to index
    %get3A_402 = arith.constant 48 : index
    %get3A_403 = tpu.vector_load %arg10[%get3A_401, %get3A_402] {strides = array<i32>} : memref<3x80xi32, #tpu.memory_space<vmem>>, vector<16xi32>,
    %bitcast3A_404 = vector.bitcast %get3A_403 : vector<16xi32> to vector<16xf32>
    %add3A_405 = arith.addf %gather3A_394, %gather3A_399 : vector<16xf32>
    %exp3A_406 = math.exp %add3A_405 : vector<16xf32>
    %add3A_407 = arith.constant 1.000000e+00 : f32
    %add3A_408 = vector.broadcast %add3A_407 : f32 to vector<16xf32>
    %add3A_409 = arith.addf %add3A_408, %exp3A_406 : vector<16xf32>
    %div3A_410 = arith.divf %bitcast3A_404, %add3A_409 : vector<16xf32>
    %swap3A_411 = arith.constant 48 : index
    %swap3A_412 = tpu.vector_load %arg11[%swap3A_411] {strides = array<i32>} : memref<80xf32, #tpu.memory_space<vmem>>, vector<16xf32>,
    tpu.vector_store %arg11[%swap3A_411], %div3A_410 {strides = array<i32>} : memref<80xf32, #tpu.memory_space<vmem>>, vector<16xf32>,
    %get3A_413 = arith.constant 0 : i32
    %get3A_414 = arith.index_cast %get3A_413 : i32 to index
    %get3A_415 = arith.constant 64 : index
    %get3A_416 = tpu.vector_load %arg10[%get3A_414, %get3A_415] {strides = array<i32>} : memref<3x80xi32, #tpu.memory_space<vmem>>, vector<16xi32>,
    %gather3A_417 = tpu.vector_load_idx %arg7[%get3A_416] : memref<10240xf32, #tpu.memory_space<vmem>>[vector<16xi32>], vector<16xf32>,
    %get3A_418 = arith.constant 1 : i32
    %get3A_419 = arith.index_cast %get3A_418 : i32 to index
    %get3A_420 = arith.constant 64 : index
    %get3A_421 = tpu.vector_load %arg10[%get3A_419, %get3A_420] {strides = array<i32>} : memref<3x80xi32, #tpu.memory_space<vmem>>, vector<16xi32>,
    %gather3A_422 = tpu.vector_load_idx %arg7[%get3A_421] : memref<10240xf32, #tpu.memory_space<vmem>>[vector<16xi32>], vector<16xf32>,
    %get3A_423 = arith.constant 2 : i32
    %get3A_424 = arith.index_cast %get3A_423 : i32 to index
    %get3A_425 = arith.constant 64 : index
    %get3A_426 = tpu.vector_load %arg10[%get3A_424, %get3A_425] {strides = array<i32>} : memref<3x80xi32, #tpu.memory_space<vmem>>, vector<16xi32>,
    %bitcast3A_427 = vector.bitcast %get3A_426 : vector<16xi32> to vector<16xf32>
    %add3A_428 = arith.addf %gather3A_417, %gather3A_422 : vector<16xf32>
    %exp3A_429 = math.exp %add3A_428 : vector<16xf32>
    %add3A_430 = arith.constant 1.000000e+00 : f32
    %add3A_431 = vector.broadcast %add3A_430 : f32 to vector<16xf32>
    %add3A_432 = arith.addf %add3A_431, %exp3A_429 : vector<16xf32>
    %div3A_433 = arith.divf %bitcast3A_427, %add3A_432 : vector<16xf32>
    %swap3A_434 = arith.constant 64 : index
    %swap3A_435 = tpu.vector_load %arg11[%swap3A_434] {strides = array<i32>} : memref<80xf32, #tpu.memory_space<vmem>>, vector<16xf32>,
    tpu.vector_store %arg11[%swap3A_434], %div3A_433 {strides = array<i32>} : memref<80xf32, #tpu.memory_space<vmem>>, vector<16xf32>,
    %parallel_loop3A_436 = arith.constant 0 : i32
    %parallel_loop3A_437 = arith.constant 80 : i32
    %parallel_loop3A_438 = arith.constant 1 : i32
    scf.for %parallel_loop3A_752 = %parallel_loop3A_436 to %parallel_loop3A_437 step %parallel_loop3A_438  : i32 {
      %parallel_loop3A_753 = vector.broadcast %parallel_loop3A_752 : i32 to vector<16xi32>
      %parallel_loop3A_754 = tpu.vector_load_idx %arg11[%parallel_loop3A_753] : memref<80xf32, #tpu.memory_space<vmem>>[vector<16xi32>], vector<16xf32>,
      %parallel_loop3A_755 = arith.index_cast %parallel_loop3A_752 : i32 to index
      %parallel_loop3A_756 = arith.constant 0 : index
      %parallel_loop3A_757 = tpu.vector_load %arg14[%parallel_loop3A_755, %parallel_loop3A_756] {strides = array<i32>} : memref<80x128xf32, #tpu.memory_space<vmem>>, vector<16xf32>,
      %parallel_loop3A_758 = arith.mulf %parallel_loop3A_757, %parallel_loop3A_754 : vector<16xf32>
      %parallel_loop3A_759 = arith.index_cast %parallel_loop3A_752 : i32 to index
      %parallel_loop3A_760 = arith.constant 0 : index
      %parallel_loop3A_761 = tpu.vector_load %arg14[%parallel_loop3A_759, %parallel_loop3A_760] {strides = array<i32>} : memref<80x128xf32, #tpu.memory_space<vmem>>, vector<16xf32>,
      tpu.vector_store %arg14[%parallel_loop3A_759, %parallel_loop3A_760], %parallel_loop3A_758 {strides = array<i32>} : memref<80x128xf32, #tpu.memory_space<vmem>>, vector<16xf32>,
      %parallel_loop3A_762 = arith.index_cast %parallel_loop3A_752 : i32 to index
      %parallel_loop3A_763 = arith.constant 16 : index
      %parallel_loop3A_764 = tpu.vector_load %arg14[%parallel_loop3A_762, %parallel_loop3A_763] {strides = array<i32>} : memref<80x128xf32, #tpu.memory_space<vmem>>, vector<16xf32>,
      %parallel_loop3A_765 = arith.mulf %parallel_loop3A_764, %parallel_loop3A_754 : vector<16xf32>
      %parallel_loop3A_766 = arith.index_cast %parallel_loop3A_752 : i32 to index
      %parallel_loop3A_767 = arith.constant 16 : index
      %parallel_loop3A_768 = tpu.vector_load %arg14[%parallel_loop3A_766, %parallel_loop3A_767] {strides = array<i32>} : memref<80x128xf32, #tpu.memory_space<vmem>>, vector<16xf32>,
      tpu.vector_store %arg14[%parallel_loop3A_766, %parallel_loop3A_767], %parallel_loop3A_765 {strides = array<i32>} : memref<80x128xf32, #tpu.memory_space<vmem>>, vector<16xf32>,
      %parallel_loop3A_769 = arith.index_cast %parallel_loop3A_752 : i32 to index
      %parallel_loop3A_770 = arith.constant 32 : index
      %parallel_loop3A_771 = tpu.vector_load %arg14[%parallel_loop3A_769, %parallel_loop3A_770] {strides = array<i32>} : memref<80x128xf32, #tpu.memory_space<vmem>>, vector<16xf32>,
      %parallel_loop3A_772 = arith.mulf %parallel_loop3A_771, %parallel_loop3A_754 : vector<16xf32>
      %parallel_loop3A_773 = arith.index_cast %parallel_loop3A_752 : i32 to index
      %parallel_loop3A_774 = arith.constant 32 : index
      %parallel_loop3A_775 = tpu.vector_load %arg14[%parallel_loop3A_773, %parallel_loop3A_774] {strides = array<i32>} : memref<80x128xf32, #tpu.memory_space<vmem>>, vector<16xf32>,
      tpu.vector_store %arg14[%parallel_loop3A_773, %parallel_loop3A_774], %parallel_loop3A_772 {strides = array<i32>} : memref<80x128xf32, #tpu.memory_space<vmem>>, vector<16xf32>,
      %parallel_loop3A_776 = arith.index_cast %parallel_loop3A_752 : i32 to index
      %parallel_loop3A_777 = arith.constant 48 : index
      %parallel_loop3A_778 = tpu.vector_load %arg14[%parallel_loop3A_776, %parallel_loop3A_777] {strides = array<i32>} : memref<80x128xf32, #tpu.memory_space<vmem>>, vector<16xf32>,
      %parallel_loop3A_779 = arith.mulf %parallel_loop3A_778, %parallel_loop3A_754 : vector<16xf32>
      %parallel_loop3A_780 = arith.index_cast %parallel_loop3A_752 : i32 to index
      %parallel_loop3A_781 = arith.constant 48 : index
      %parallel_loop3A_782 = tpu.vector_load %arg14[%parallel_loop3A_780, %parallel_loop3A_781] {strides = array<i32>} : memref<80x128xf32, #tpu.memory_space<vmem>>, vector<16xf32>,
      tpu.vector_store %arg14[%parallel_loop3A_780, %parallel_loop3A_781], %parallel_loop3A_779 {strides = array<i32>} : memref<80x128xf32, #tpu.memory_space<vmem>>, vector<16xf32>,
      %parallel_loop3A_783 = arith.index_cast %parallel_loop3A_752 : i32 to index
      %parallel_loop3A_784 = arith.constant 64 : index
      %parallel_loop3A_785 = tpu.vector_load %arg14[%parallel_loop3A_783, %parallel_loop3A_784] {strides = array<i32>} : memref<80x128xf32, #tpu.memory_space<vmem>>, vector<16xf32>,
      %parallel_loop3A_786 = arith.mulf %parallel_loop3A_785, %parallel_loop3A_754 : vector<16xf32>
      %parallel_loop3A_787 = arith.index_cast %parallel_loop3A_752 : i32 to index
      %parallel_loop3A_788 = arith.constant 64 : index
      %parallel_loop3A_789 = tpu.vector_load %arg14[%parallel_loop3A_787, %parallel_loop3A_788] {strides = array<i32>} : memref<80x128xf32, #tpu.memory_space<vmem>>, vector<16xf32>,
      tpu.vector_store %arg14[%parallel_loop3A_787, %parallel_loop3A_788], %parallel_loop3A_786 {strides = array<i32>} : memref<80x128xf32, #tpu.memory_space<vmem>>, vector<16xf32>,
      %parallel_loop3A_790 = arith.index_cast %parallel_loop3A_752 : i32 to index
      %parallel_loop3A_791 = arith.constant 80 : index
      %parallel_loop3A_792 = tpu.vector_load %arg14[%parallel_loop3A_790, %parallel_loop3A_791] {strides = array<i32>} : memref<80x128xf32, #tpu.memory_space<vmem>>, vector<16xf32>,
      %parallel_loop3A_793 = arith.mulf %parallel_loop3A_792, %parallel_loop3A_754 : vector<16xf32>
      %parallel_loop3A_794 = arith.index_cast %parallel_loop3A_752 : i32 to index
      %parallel_loop3A_795 = arith.constant 80 : index
      %parallel_loop3A_796 = tpu.vector_load %arg14[%parallel_loop3A_794, %parallel_loop3A_795] {strides = array<i32>} : memref<80x128xf32, #tpu.memory_space<vmem>>, vector<16xf32>,
      tpu.vector_store %arg14[%parallel_loop3A_794, %parallel_loop3A_795], %parallel_loop3A_793 {strides = array<i32>} : memref<80x128xf32, #tpu.memory_space<vmem>>, vector<16xf32>,
      %parallel_loop3A_797 = arith.index_cast %parallel_loop3A_752 : i32 to index
      %parallel_loop3A_798 = arith.constant 96 : index
      %parallel_loop3A_799 = tpu.vector_load %arg14[%parallel_loop3A_797, %parallel_loop3A_798] {strides = array<i32>} : memref<80x128xf32, #tpu.memory_space<vmem>>, vector<16xf32>,
      %parallel_loop3A_800 = arith.mulf %parallel_loop3A_799, %parallel_loop3A_754 : vector<16xf32>
      %parallel_loop3A_801 = arith.index_cast %parallel_loop3A_752 : i32 to index
      %parallel_loop3A_802 = arith.constant 96 : index
      %parallel_loop3A_803 = tpu.vector_load %arg14[%parallel_loop3A_801, %parallel_loop3A_802] {strides = array<i32>} : memref<80x128xf32, #tpu.memory_space<vmem>>, vector<16xf32>,
      tpu.vector_store %arg14[%parallel_loop3A_801, %parallel_loop3A_802], %parallel_loop3A_800 {strides = array<i32>} : memref<80x128xf32, #tpu.memory_space<vmem>>, vector<16xf32>,
      %parallel_loop3A_804 = arith.index_cast %parallel_loop3A_752 : i32 to index
      %parallel_loop3A_805 = arith.constant 112 : index
      %parallel_loop3A_806 = tpu.vector_load %arg14[%parallel_loop3A_804, %parallel_loop3A_805] {strides = array<i32>} : memref<80x128xf32, #tpu.memory_space<vmem>>, vector<16xf32>,
      %parallel_loop3A_807 = arith.mulf %parallel_loop3A_806, %parallel_loop3A_754 : vector<16xf32>
      %parallel_loop3A_808 = arith.index_cast %parallel_loop3A_752 : i32 to index
      %parallel_loop3A_809 = arith.constant 112 : index
      %parallel_loop3A_810 = tpu.vector_load %arg14[%parallel_loop3A_808, %parallel_loop3A_809] {strides = array<i32>} : memref<80x128xf32, #tpu.memory_space<vmem>>, vector<16xf32>,
      tpu.vector_store %arg14[%parallel_loop3A_808, %parallel_loop3A_809], %parallel_loop3A_807 {strides = array<i32>} : memref<80x128xf32, #tpu.memory_space<vmem>>, vector<16xf32>,
    } {sc.loop_unroll_factor = 4 : i64, sc.parallel_access}
    %dma_start3A_439 = arith.constant 1 : i32
    %dma_start3A_440 = arith.constant 0 : i32
    %dma_start3A_441 = tpu.memref_slice %arg10[%dma_start3A_439, %dma_start3A_440] : memref<3x80xi32, #tpu.memory_space<vmem>> -> memref<1x80xi32, #tpu.memory_space<vmem>>
    %dma_start3A_442 = tpu.memref_squeeze %dma_start3A_441 : memref<1x80xi32, #tpu.memory_space<vmem>> -> memref<80xi32, #tpu.memory_space<vmem>>
    %dma_start3A_443 = arith.constant 0 : i32
    %dma_start3A_444 = arith.constant 0 : i32
    %dma_start3A_445 = tpu.memref_slice %arg15[%dma_start3A_443, %dma_start3A_444] : memref<10240x128xf32, #tpu.memory_space<vmem_shared>> -> memref<10240x128xf32, #tpu.memory_space<vmem_shared>>
    tpu.enqueue_indirect_dma source(%arg14 : memref<80x128xf32, #tpu.memory_space<vmem>>) target(%dma_start3A_445 : memref<10240x128xf32, #tpu.memory_space<vmem_shared>>) offsets(%dma_start3A_442 : memref<80xi32, #tpu.memory_space<vmem>>) semaphore(%arg21 : memref<!tpu.dma_semaphore, #tpu.memory_space<semaphore_mem>>) {add = true}
    %dma_wait3A_446 = arith.constant 1 : i32
    %dma_wait3A_447 = arith.constant 0 : i32
    %dma_wait3A_448 = tpu.memref_slice %arg9[%dma_wait3A_446, %dma_wait3A_447] : memref<3x80xi32, #tpu.memory_space<vmem>> -> memref<1x80xi32, #tpu.memory_space<vmem>>
    %dma_wait3A_449 = tpu.memref_squeeze %dma_wait3A_448 : memref<1x80xi32, #tpu.memory_space<vmem>> -> memref<80xi32, #tpu.memory_space<vmem>>
    %dma_wait3A_450 = arith.constant 0 : i32
    %dma_wait3A_451 = arith.constant 0 : i32
    %dma_wait3A_452 = tpu.memref_slice %arg15[%dma_wait3A_450, %dma_wait3A_451] : memref<10240x128xf32, #tpu.memory_space<vmem_shared>> -> memref<10240x128xf32, #tpu.memory_space<vmem_shared>>
    tpu.wait_indirect_dma semaphore(%arg20 : memref<!tpu.dma_semaphore, #tpu.memory_space<semaphore_mem>>) src(%arg13 : memref<80x128xf32, #tpu.memory_space<vmem>>) dst(%dma_wait3A_452 : memref<10240x128xf32, #tpu.memory_space<vmem_shared>>)
    %add3A_453 = arith.constant 122 : i32
    %add3A_454 = arith.addi %mul3A_8, %add3A_453 : i32
    %add3A_455 = arith.constant 2 : i32
    %add3A_456 = arith.addi %add3A_454, %add3A_455 : i32
    "tpu.region"() ({
      %run_scoped3A = tpu.sem_alloc : memref<!tpu.dma_semaphore, #tpu.memory_space<semaphore_mem>>
      %dma_start3A_752 = arith.constant 0 : i32
      %dma_start3A_753 = arith.constant 0 : i32
      %dma_start3A_754 = tpu.memref_slice %arg4[%add3A_456, %dma_start3A_752, %dma_start3A_753] : memref<4000x3x80xi32, #tpu.memory_space<hbm>> -> memref<1x3x80xi32, #tpu.memory_space<hbm>>
      %dma_start3A_755 = tpu.memref_squeeze %dma_start3A_754 : memref<1x3x80xi32, #tpu.memory_space<hbm>> -> memref<3x80xi32, #tpu.memory_space<hbm>>
      %dma_start3A_756 = arith.constant 0 : i32
      %dma_start3A_757 = arith.constant 0 : i32
      %dma_start3A_758 = tpu.memref_slice %arg4[%add3A_456, %dma_start3A_756, %dma_start3A_757] : memref<4000x3x80xi32, #tpu.memory_space<hbm>> -> memref<1x3x80xi32, #tpu.memory_space<hbm>>
      %dma_start3A_759 = tpu.memref_squeeze %dma_start3A_758 : memref<1x3x80xi32, #tpu.memory_space<hbm>> -> memref<3x80xi32, #tpu.memory_space<hbm>>
      tpu.enqueue_dma source(%dma_start3A_759 : memref<3x80xi32, #tpu.memory_space<hbm>>) target(%arg9 : memref<3x80xi32, #tpu.memory_space<vmem>>) target_semaphore(%run_scoped3A : memref<!tpu.dma_semaphore, #tpu.memory_space<semaphore_mem>>)
      %dma_wait3A_760 = arith.constant 0 : i32
      %dma_wait3A_761 = arith.constant 0 : i32
      %dma_wait3A_762 = tpu.memref_slice %arg4[%add3A_456, %dma_wait3A_760, %dma_wait3A_761] : memref<4000x3x80xi32, #tpu.memory_space<hbm>> -> memref<1x3x80xi32, #tpu.memory_space<hbm>>
      %dma_wait3A_763 = tpu.memref_squeeze %dma_wait3A_762 : memref<1x3x80xi32, #tpu.memory_space<hbm>> -> memref<3x80xi32, #tpu.memory_space<hbm>>
      %dma_wait3A_764 = arith.constant 0 : i32
      %dma_wait3A_765 = arith.constant 0 : i32
      %dma_wait3A_766 = tpu.memref_slice %arg4[%add3A_456, %dma_wait3A_764, %dma_wait3A_765] : memref<4000x3x80xi32, #tpu.memory_space<hbm>> -> memref<1x3x80xi32, #tpu.memory_space<hbm>>
      %dma_wait3A_767 = tpu.memref_squeeze %dma_wait3A_766 : memref<1x3x80xi32, #tpu.memory_space<hbm>> -> memref<3x80xi32, #tpu.memory_space<hbm>>
      tpu.wait_dma2 semaphore(%run_scoped3A : memref<!tpu.dma_semaphore, #tpu.memory_space<semaphore_mem>>) src(%dma_wait3A_767 : memref<3x80xi32, #tpu.memory_space<hbm>>) dst(%arg9 : memref<3x80xi32, #tpu.memory_space<vmem>>)
      tpu.yield
    }) : () -> ()
    %dma_start3A_457 = arith.constant 0 : i32
    %dma_start3A_458 = arith.constant 0 : i32
    %dma_start3A_459 = tpu.memref_slice %arg9[%dma_start3A_457, %dma_start3A_458] : memref<3x80xi32, #tpu.memory_space<vmem>> -> memref<1x80xi32, #tpu.memory_space<vmem>>
    %dma_start3A_460 = tpu.memref_squeeze %dma_start3A_459 : memref<1x80xi32, #tpu.memory_space<vmem>> -> memref<80xi32, #tpu.memory_space<vmem>>
    %dma_start3A_461 = arith.constant 0 : i32
    %dma_start3A_462 = arith.constant 0 : i32
    %dma_start3A_463 = tpu.memref_slice %arg2[%dma_start3A_461, %dma_start3A_462] : memref<10000x128xf32, #tpu.memory_space<hbm>> -> memref<10000x128xf32, #tpu.memory_space<hbm>>
    tpu.enqueue_indirect_dma source(%dma_start3A_463 : memref<10000x128xf32, #tpu.memory_space<hbm>>) target(%arg13 : memref<80x128xf32, #tpu.memory_space<vmem>>) offsets(%dma_start3A_460 : memref<80xi32, #tpu.memory_space<vmem>>) semaphore(%arg17 : memref<!tpu.dma_semaphore, #tpu.memory_space<semaphore_mem>>)
    %dma_wait3A_464 = arith.constant 0 : i32
    %dma_wait3A_465 = arith.constant 0 : i32
    %dma_wait3A_466 = tpu.memref_slice %arg8[%dma_wait3A_464, %dma_wait3A_465] : memref<3x80xi32, #tpu.memory_space<vmem>> -> memref<1x80xi32, #tpu.memory_space<vmem>>
    %dma_wait3A_467 = tpu.memref_squeeze %dma_wait3A_466 : memref<1x80xi32, #tpu.memory_space<vmem>> -> memref<80xi32, #tpu.memory_space<vmem>>
    %dma_wait3A_468 = arith.constant 0 : i32
    %dma_wait3A_469 = arith.constant 0 : i32
    %dma_wait3A_470 = tpu.memref_slice %arg2[%dma_wait3A_468, %dma_wait3A_469] : memref<10000x128xf32, #tpu.memory_space<hbm>> -> memref<10000x128xf32, #tpu.memory_space<hbm>>
    tpu.wait_indirect_dma semaphore(%arg16 : memref<!tpu.dma_semaphore, #tpu.memory_space<semaphore_mem>>) src(%dma_wait3A_470 : memref<10000x128xf32, #tpu.memory_space<hbm>>) dst(%arg12 : memref<80x128xf32, #tpu.memory_space<vmem>>)
    %get3A_471 = arith.constant 0 : i32
    %get3A_472 = arith.index_cast %get3A_471 : i32 to index
    %get3A_473 = arith.constant 0 : index
    %get3A_474 = tpu.vector_load %arg8[%get3A_472, %get3A_473] {strides = array<i32>} : memref<3x80xi32, #tpu.memory_space<vmem>>, vector<16xi32>,
    %gather3A_475 = tpu.vector_load_idx %arg7[%get3A_474] : memref<10240xf32, #tpu.memory_space<vmem>>[vector<16xi32>], vector<16xf32>,
    %get3A_476 = arith.constant 1 : i32
    %get3A_477 = arith.index_cast %get3A_476 : i32 to index
    %get3A_478 = arith.constant 0 : index
    %get3A_479 = tpu.vector_load %arg8[%get3A_477, %get3A_478] {strides = array<i32>} : memref<3x80xi32, #tpu.memory_space<vmem>>, vector<16xi32>,
    %gather3A_480 = tpu.vector_load_idx %arg7[%get3A_479] : memref<10240xf32, #tpu.memory_space<vmem>>[vector<16xi32>], vector<16xf32>,
    %get3A_481 = arith.constant 2 : i32
    %get3A_482 = arith.index_cast %get3A_481 : i32 to index
    %get3A_483 = arith.constant 0 : index
    %get3A_484 = tpu.vector_load %arg8[%get3A_482, %get3A_483] {strides = array<i32>} : memref<3x80xi32, #tpu.memory_space<vmem>>, vector<16xi32>,
    %bitcast3A_485 = vector.bitcast %get3A_484 : vector<16xi32> to vector<16xf32>
    %add3A_486 = arith.addf %gather3A_475, %gather3A_480 : vector<16xf32>
    %exp3A_487 = math.exp %add3A_486 : vector<16xf32>
    %add3A_488 = arith.constant 1.000000e+00 : f32
    %add3A_489 = vector.broadcast %add3A_488 : f32 to vector<16xf32>
    %add3A_490 = arith.addf %add3A_489, %exp3A_487 : vector<16xf32>
    %div3A_491 = arith.divf %bitcast3A_485, %add3A_490 : vector<16xf32>
    %swap3A_492 = arith.constant 0 : index
    %swap3A_493 = tpu.vector_load %arg11[%swap3A_492] {strides = array<i32>} : memref<80xf32, #tpu.memory_space<vmem>>, vector<16xf32>,
    tpu.vector_store %arg11[%swap3A_492], %div3A_491 {strides = array<i32>} : memref<80xf32, #tpu.memory_space<vmem>>, vector<16xf32>,
    %get3A_494 = arith.constant 0 : i32
    %get3A_495 = arith.index_cast %get3A_494 : i32 to index
    %get3A_496 = arith.constant 16 : index
    %get3A_497 = tpu.vector_load %arg8[%get3A_495, %get3A_496] {strides = array<i32>} : memref<3x80xi32, #tpu.memory_space<vmem>>, vector<16xi32>,
    %gather3A_498 = tpu.vector_load_idx %arg7[%get3A_497] : memref<10240xf32, #tpu.memory_space<vmem>>[vector<16xi32>], vector<16xf32>,
    %get3A_499 = arith.constant 1 : i32
    %get3A_500 = arith.index_cast %get3A_499 : i32 to index
    %get3A_501 = arith.constant 16 : index
    %get3A_502 = tpu.vector_load %arg8[%get3A_500, %get3A_501] {strides = array<i32>} : memref<3x80xi32, #tpu.memory_space<vmem>>, vector<16xi32>,
    %gather3A_503 = tpu.vector_load_idx %arg7[%get3A_502] : memref<10240xf32, #tpu.memory_space<vmem>>[vector<16xi32>], vector<16xf32>,
    %get3A_504 = arith.constant 2 : i32
    %get3A_505 = arith.index_cast %get3A_504 : i32 to index
    %get3A_506 = arith.constant 16 : index
    %get3A_507 = tpu.vector_load %arg8[%get3A_505, %get3A_506] {strides = array<i32>} : memref<3x80xi32, #tpu.memory_space<vmem>>, vector<16xi32>,
    %bitcast3A_508 = vector.bitcast %get3A_507 : vector<16xi32> to vector<16xf32>
    %add3A_509 = arith.addf %gather3A_498, %gather3A_503 : vector<16xf32>
    %exp3A_510 = math.exp %add3A_509 : vector<16xf32>
    %add3A_511 = arith.constant 1.000000e+00 : f32
    %add3A_512 = vector.broadcast %add3A_511 : f32 to vector<16xf32>
    %add3A_513 = arith.addf %add3A_512, %exp3A_510 : vector<16xf32>
    %div3A_514 = arith.divf %bitcast3A_508, %add3A_513 : vector<16xf32>
    %swap3A_515 = arith.constant 16 : index
    %swap3A_516 = tpu.vector_load %arg11[%swap3A_515] {strides = array<i32>} : memref<80xf32, #tpu.memory_space<vmem>>, vector<16xf32>,
    tpu.vector_store %arg11[%swap3A_515], %div3A_514 {strides = array<i32>} : memref<80xf32, #tpu.memory_space<vmem>>, vector<16xf32>,
    %get3A_517 = arith.constant 0 : i32
    %get3A_518 = arith.index_cast %get3A_517 : i32 to index
    %get3A_519 = arith.constant 32 : index
    %get3A_520 = tpu.vector_load %arg8[%get3A_518, %get3A_519] {strides = array<i32>} : memref<3x80xi32, #tpu.memory_space<vmem>>, vector<16xi32>,
    %gather3A_521 = tpu.vector_load_idx %arg7[%get3A_520] : memref<10240xf32, #tpu.memory_space<vmem>>[vector<16xi32>], vector<16xf32>,
    %get3A_522 = arith.constant 1 : i32
    %get3A_523 = arith.index_cast %get3A_522 : i32 to index
    %get3A_524 = arith.constant 32 : index
    %get3A_525 = tpu.vector_load %arg8[%get3A_523, %get3A_524] {strides = array<i32>} : memref<3x80xi32, #tpu.memory_space<vmem>>, vector<16xi32>,
    %gather3A_526 = tpu.vector_load_idx %arg7[%get3A_525] : memref<10240xf32, #tpu.memory_space<vmem>>[vector<16xi32>], vector<16xf32>,
    %get3A_527 = arith.constant 2 : i32
    %get3A_528 = arith.index_cast %get3A_527 : i32 to index
    %get3A_529 = arith.constant 32 : index
    %get3A_530 = tpu.vector_load %arg8[%get3A_528, %get3A_529] {strides = array<i32>} : memref<3x80xi32, #tpu.memory_space<vmem>>, vector<16xi32>,
    %bitcast3A_531 = vector.bitcast %get3A_530 : vector<16xi32> to vector<16xf32>
    %add3A_532 = arith.addf %gather3A_521, %gather3A_526 : vector<16xf32>
    %exp3A_533 = math.exp %add3A_532 : vector<16xf32>
    %add3A_534 = arith.constant 1.000000e+00 : f32
    %add3A_535 = vector.broadcast %add3A_534 : f32 to vector<16xf32>
    %add3A_536 = arith.addf %add3A_535, %exp3A_533 : vector<16xf32>
    %div3A_537 = arith.divf %bitcast3A_531, %add3A_536 : vector<16xf32>
    %swap3A_538 = arith.constant 32 : index
    %swap3A_539 = tpu.vector_load %arg11[%swap3A_538] {strides = array<i32>} : memref<80xf32, #tpu.memory_space<vmem>>, vector<16xf32>,
    tpu.vector_store %arg11[%swap3A_538], %div3A_537 {strides = array<i32>} : memref<80xf32, #tpu.memory_space<vmem>>, vector<16xf32>,
    %get3A_540 = arith.constant 0 : i32
    %get3A_541 = arith.index_cast %get3A_540 : i32 to index
    %get3A_542 = arith.constant 48 : index
    %get3A_543 = tpu.vector_load %arg8[%get3A_541, %get3A_542] {strides = array<i32>} : memref<3x80xi32, #tpu.memory_space<vmem>>, vector<16xi32>,
    %gather3A_544 = tpu.vector_load_idx %arg7[%get3A_543] : memref<10240xf32, #tpu.memory_space<vmem>>[vector<16xi32>], vector<16xf32>,
    %get3A_545 = arith.constant 1 : i32
    %get3A_546 = arith.index_cast %get3A_545 : i32 to index
    %get3A_547 = arith.constant 48 : index
    %get3A_548 = tpu.vector_load %arg8[%get3A_546, %get3A_547] {strides = array<i32>} : memref<3x80xi32, #tpu.memory_space<vmem>>, vector<16xi32>,
    %gather3A_549 = tpu.vector_load_idx %arg7[%get3A_548] : memref<10240xf32, #tpu.memory_space<vmem>>[vector<16xi32>], vector<16xf32>,
    %get3A_550 = arith.constant 2 : i32
    %get3A_551 = arith.index_cast %get3A_550 : i32 to index
    %get3A_552 = arith.constant 48 : index
    %get3A_553 = tpu.vector_load %arg8[%get3A_551, %get3A_552] {strides = array<i32>} : memref<3x80xi32, #tpu.memory_space<vmem>>, vector<16xi32>,
    %bitcast3A_554 = vector.bitcast %get3A_553 : vector<16xi32> to vector<16xf32>
    %add3A_555 = arith.addf %gather3A_544, %gather3A_549 : vector<16xf32>
    %exp3A_556 = math.exp %add3A_555 : vector<16xf32>
    %add3A_557 = arith.constant 1.000000e+00 : f32
    %add3A_558 = vector.broadcast %add3A_557 : f32 to vector<16xf32>
    %add3A_559 = arith.addf %add3A_558, %exp3A_556 : vector<16xf32>
    %div3A_560 = arith.divf %bitcast3A_554, %add3A_559 : vector<16xf32>
    %swap3A_561 = arith.constant 48 : index
    %swap3A_562 = tpu.vector_load %arg11[%swap3A_561] {strides = array<i32>} : memref<80xf32, #tpu.memory_space<vmem>>, vector<16xf32>,
    tpu.vector_store %arg11[%swap3A_561], %div3A_560 {strides = array<i32>} : memref<80xf32, #tpu.memory_space<vmem>>, vector<16xf32>,
    %get3A_563 = arith.constant 0 : i32
    %get3A_564 = arith.index_cast %get3A_563 : i32 to index
    %get3A_565 = arith.constant 64 : index
    %get3A_566 = tpu.vector_load %arg8[%get3A_564, %get3A_565] {strides = array<i32>} : memref<3x80xi32, #tpu.memory_space<vmem>>, vector<16xi32>,
    %gather3A_567 = tpu.vector_load_idx %arg7[%get3A_566] : memref<10240xf32, #tpu.memory_space<vmem>>[vector<16xi32>], vector<16xf32>,
    %get3A_568 = arith.constant 1 : i32
    %get3A_569 = arith.index_cast %get3A_568 : i32 to index
    %get3A_570 = arith.constant 64 : index
    %get3A_571 = tpu.vector_load %arg8[%get3A_569, %get3A_570] {strides = array<i32>} : memref<3x80xi32, #tpu.memory_space<vmem>>, vector<16xi32>,
    %gather3A_572 = tpu.vector_load_idx %arg7[%get3A_571] : memref<10240xf32, #tpu.memory_space<vmem>>[vector<16xi32>], vector<16xf32>,
    %get3A_573 = arith.constant 2 : i32
    %get3A_574 = arith.index_cast %get3A_573 : i32 to index
    %get3A_575 = arith.constant 64 : index
    %get3A_576 = tpu.vector_load %arg8[%get3A_574, %get3A_575] {strides = array<i32>} : memref<3x80xi32, #tpu.memory_space<vmem>>, vector<16xi32>,
    %bitcast3A_577 = vector.bitcast %get3A_576 : vector<16xi32> to vector<16xf32>
    %add3A_578 = arith.addf %gather3A_567, %gather3A_572 : vector<16xf32>
    %exp3A_579 = math.exp %add3A_578 : vector<16xf32>
    %add3A_580 = arith.constant 1.000000e+00 : f32
    %add3A_581 = vector.broadcast %add3A_580 : f32 to vector<16xf32>
    %add3A_582 = arith.addf %add3A_581, %exp3A_579 : vector<16xf32>
    %div3A_583 = arith.divf %bitcast3A_577, %add3A_582 : vector<16xf32>
    %swap3A_584 = arith.constant 64 : index
    %swap3A_585 = tpu.vector_load %arg11[%swap3A_584] {strides = array<i32>} : memref<80xf32, #tpu.memory_space<vmem>>, vector<16xf32>,
    tpu.vector_store %arg11[%swap3A_584], %div3A_583 {strides = array<i32>} : memref<80xf32, #tpu.memory_space<vmem>>, vector<16xf32>,
    %parallel_loop3A_586 = arith.constant 0 : i32
    %parallel_loop3A_587 = arith.constant 80 : i32
    %parallel_loop3A_588 = arith.constant 1 : i32
    scf.for %parallel_loop3A_752 = %parallel_loop3A_586 to %parallel_loop3A_587 step %parallel_loop3A_588  : i32 {
      %parallel_loop3A_753 = vector.broadcast %parallel_loop3A_752 : i32 to vector<16xi32>
      %parallel_loop3A_754 = tpu.vector_load_idx %arg11[%parallel_loop3A_753] : memref<80xf32, #tpu.memory_space<vmem>>[vector<16xi32>], vector<16xf32>,
      %parallel_loop3A_755 = arith.index_cast %parallel_loop3A_752 : i32 to index
      %parallel_loop3A_756 = arith.constant 0 : index
      %parallel_loop3A_757 = tpu.vector_load %arg12[%parallel_loop3A_755, %parallel_loop3A_756] {strides = array<i32>} : memref<80x128xf32, #tpu.memory_space<vmem>>, vector<16xf32>,
      %parallel_loop3A_758 = arith.mulf %parallel_loop3A_757, %parallel_loop3A_754 : vector<16xf32>
      %parallel_loop3A_759 = arith.index_cast %parallel_loop3A_752 : i32 to index
      %parallel_loop3A_760 = arith.constant 0 : index
      %parallel_loop3A_761 = tpu.vector_load %arg12[%parallel_loop3A_759, %parallel_loop3A_760] {strides = array<i32>} : memref<80x128xf32, #tpu.memory_space<vmem>>, vector<16xf32>,
      tpu.vector_store %arg12[%parallel_loop3A_759, %parallel_loop3A_760], %parallel_loop3A_758 {strides = array<i32>} : memref<80x128xf32, #tpu.memory_space<vmem>>, vector<16xf32>,
      %parallel_loop3A_762 = arith.index_cast %parallel_loop3A_752 : i32 to index
      %parallel_loop3A_763 = arith.constant 16 : index
      %parallel_loop3A_764 = tpu.vector_load %arg12[%parallel_loop3A_762, %parallel_loop3A_763] {strides = array<i32>} : memref<80x128xf32, #tpu.memory_space<vmem>>, vector<16xf32>,
      %parallel_loop3A_765 = arith.mulf %parallel_loop3A_764, %parallel_loop3A_754 : vector<16xf32>
      %parallel_loop3A_766 = arith.index_cast %parallel_loop3A_752 : i32 to index
      %parallel_loop3A_767 = arith.constant 16 : index
      %parallel_loop3A_768 = tpu.vector_load %arg12[%parallel_loop3A_766, %parallel_loop3A_767] {strides = array<i32>} : memref<80x128xf32, #tpu.memory_space<vmem>>, vector<16xf32>,
      tpu.vector_store %arg12[%parallel_loop3A_766, %parallel_loop3A_767], %parallel_loop3A_765 {strides = array<i32>} : memref<80x128xf32, #tpu.memory_space<vmem>>, vector<16xf32>,
      %parallel_loop3A_769 = arith.index_cast %parallel_loop3A_752 : i32 to index
      %parallel_loop3A_770 = arith.constant 32 : index
      %parallel_loop3A_771 = tpu.vector_load %arg12[%parallel_loop3A_769, %parallel_loop3A_770] {strides = array<i32>} : memref<80x128xf32, #tpu.memory_space<vmem>>, vector<16xf32>,
      %parallel_loop3A_772 = arith.mulf %parallel_loop3A_771, %parallel_loop3A_754 : vector<16xf32>
      %parallel_loop3A_773 = arith.index_cast %parallel_loop3A_752 : i32 to index
      %parallel_loop3A_774 = arith.constant 32 : index
      %parallel_loop3A_775 = tpu.vector_load %arg12[%parallel_loop3A_773, %parallel_loop3A_774] {strides = array<i32>} : memref<80x128xf32, #tpu.memory_space<vmem>>, vector<16xf32>,
      tpu.vector_store %arg12[%parallel_loop3A_773, %parallel_loop3A_774], %parallel_loop3A_772 {strides = array<i32>} : memref<80x128xf32, #tpu.memory_space<vmem>>, vector<16xf32>,
      %parallel_loop3A_776 = arith.index_cast %parallel_loop3A_752 : i32 to index
      %parallel_loop3A_777 = arith.constant 48 : index
      %parallel_loop3A_778 = tpu.vector_load %arg12[%parallel_loop3A_776, %parallel_loop3A_777] {strides = array<i32>} : memref<80x128xf32, #tpu.memory_space<vmem>>, vector<16xf32>,
      %parallel_loop3A_779 = arith.mulf %parallel_loop3A_778, %parallel_loop3A_754 : vector<16xf32>
      %parallel_loop3A_780 = arith.index_cast %parallel_loop3A_752 : i32 to index
      %parallel_loop3A_781 = arith.constant 48 : index
      %parallel_loop3A_782 = tpu.vector_load %arg12[%parallel_loop3A_780, %parallel_loop3A_781] {strides = array<i32>} : memref<80x128xf32, #tpu.memory_space<vmem>>, vector<16xf32>,
      tpu.vector_store %arg12[%parallel_loop3A_780, %parallel_loop3A_781], %parallel_loop3A_779 {strides = array<i32>} : memref<80x128xf32, #tpu.memory_space<vmem>>, vector<16xf32>,
      %parallel_loop3A_783 = arith.index_cast %parallel_loop3A_752 : i32 to index
      %parallel_loop3A_784 = arith.constant 64 : index
      %parallel_loop3A_785 = tpu.vector_load %arg12[%parallel_loop3A_783, %parallel_loop3A_784] {strides = array<i32>} : memref<80x128xf32, #tpu.memory_space<vmem>>, vector<16xf32>,
      %parallel_loop3A_786 = arith.mulf %parallel_loop3A_785, %parallel_loop3A_754 : vector<16xf32>
      %parallel_loop3A_787 = arith.index_cast %parallel_loop3A_752 : i32 to index
      %parallel_loop3A_788 = arith.constant 64 : index
      %parallel_loop3A_789 = tpu.vector_load %arg12[%parallel_loop3A_787, %parallel_loop3A_788] {strides = array<i32>} : memref<80x128xf32, #tpu.memory_space<vmem>>, vector<16xf32>,
      tpu.vector_store %arg12[%parallel_loop3A_787, %parallel_loop3A_788], %parallel_loop3A_786 {strides = array<i32>} : memref<80x128xf32, #tpu.memory_space<vmem>>, vector<16xf32>,
      %parallel_loop3A_790 = arith.index_cast %parallel_loop3A_752 : i32 to index
      %parallel_loop3A_791 = arith.constant 80 : index
      %parallel_loop3A_792 = tpu.vector_load %arg12[%parallel_loop3A_790, %parallel_loop3A_791] {strides = array<i32>} : memref<80x128xf32, #tpu.memory_space<vmem>>, vector<16xf32>,
      %parallel_loop3A_793 = arith.mulf %parallel_loop3A_792, %parallel_loop3A_754 : vector<16xf32>
      %parallel_loop3A_794 = arith.index_cast %parallel_loop3A_752 : i32 to index
      %parallel_loop3A_795 = arith.constant 80 : index
      %parallel_loop3A_796 = tpu.vector_load %arg12[%parallel_loop3A_794, %parallel_loop3A_795] {strides = array<i32>} : memref<80x128xf32, #tpu.memory_space<vmem>>, vector<16xf32>,
      tpu.vector_store %arg12[%parallel_loop3A_794, %parallel_loop3A_795], %parallel_loop3A_793 {strides = array<i32>} : memref<80x128xf32, #tpu.memory_space<vmem>>, vector<16xf32>,
      %parallel_loop3A_797 = arith.index_cast %parallel_loop3A_752 : i32 to index
      %parallel_loop3A_798 = arith.constant 96 : index
      %parallel_loop3A_799 = tpu.vector_load %arg12[%parallel_loop3A_797, %parallel_loop3A_798] {strides = array<i32>} : memref<80x128xf32, #tpu.memory_space<vmem>>, vector<16xf32>,
      %parallel_loop3A_800 = arith.mulf %parallel_loop3A_799, %parallel_loop3A_754 : vector<16xf32>
      %parallel_loop3A_801 = arith.index_cast %parallel_loop3A_752 : i32 to index
      %parallel_loop3A_802 = arith.constant 96 : index
      %parallel_loop3A_803 = tpu.vector_load %arg12[%parallel_loop3A_801, %parallel_loop3A_802] {strides = array<i32>} : memref<80x128xf32, #tpu.memory_space<vmem>>, vector<16xf32>,
      tpu.vector_store %arg12[%parallel_loop3A_801, %parallel_loop3A_802], %parallel_loop3A_800 {strides = array<i32>} : memref<80x128xf32, #tpu.memory_space<vmem>>, vector<16xf32>,
      %parallel_loop3A_804 = arith.index_cast %parallel_loop3A_752 : i32 to index
      %parallel_loop3A_805 = arith.constant 112 : index
      %parallel_loop3A_806 = tpu.vector_load %arg12[%parallel_loop3A_804, %parallel_loop3A_805] {strides = array<i32>} : memref<80x128xf32, #tpu.memory_space<vmem>>, vector<16xf32>,
      %parallel_loop3A_807 = arith.mulf %parallel_loop3A_806, %parallel_loop3A_754 : vector<16xf32>
      %parallel_loop3A_808 = arith.index_cast %parallel_loop3A_752 : i32 to index
      %parallel_loop3A_809 = arith.constant 112 : index
      %parallel_loop3A_810 = tpu.vector_load %arg12[%parallel_loop3A_808, %parallel_loop3A_809] {strides = array<i32>} : memref<80x128xf32, #tpu.memory_space<vmem>>, vector<16xf32>,
      tpu.vector_store %arg12[%parallel_loop3A_808, %parallel_loop3A_809], %parallel_loop3A_807 {strides = array<i32>} : memref<80x128xf32, #tpu.memory_space<vmem>>, vector<16xf32>,
    } {sc.loop_unroll_factor = 4 : i64, sc.parallel_access}
    %dma_start3A_589 = arith.constant 1 : i32
    %dma_start3A_590 = arith.constant 0 : i32
    %dma_start3A_591 = tpu.memref_slice %arg8[%dma_start3A_589, %dma_start3A_590] : memref<3x80xi32, #tpu.memory_space<vmem>> -> memref<1x80xi32, #tpu.memory_space<vmem>>
    %dma_start3A_592 = tpu.memref_squeeze %dma_start3A_591 : memref<1x80xi32, #tpu.memory_space<vmem>> -> memref<80xi32, #tpu.memory_space<vmem>>
    %dma_start3A_593 = arith.constant 0 : i32
    %dma_start3A_594 = arith.constant 0 : i32
    %dma_start3A_595 = tpu.memref_slice %arg15[%dma_start3A_593, %dma_start3A_594] : memref<10240x128xf32, #tpu.memory_space<vmem_shared>> -> memref<10240x128xf32, #tpu.memory_space<vmem_shared>>
    tpu.enqueue_indirect_dma source(%arg12 : memref<80x128xf32, #tpu.memory_space<vmem>>) target(%dma_start3A_595 : memref<10240x128xf32, #tpu.memory_space<vmem_shared>>) offsets(%dma_start3A_592 : memref<80xi32, #tpu.memory_space<vmem>>) semaphore(%arg19 : memref<!tpu.dma_semaphore, #tpu.memory_space<semaphore_mem>>) {add = true}
    %dma_wait3A_596 = arith.constant 0 : i32
    %dma_wait3A_597 = arith.constant 0 : i32
    %dma_wait3A_598 = tpu.memref_slice %arg9[%dma_wait3A_596, %dma_wait3A_597] : memref<3x80xi32, #tpu.memory_space<vmem>> -> memref<1x80xi32, #tpu.memory_space<vmem>>
    %dma_wait3A_599 = tpu.memref_squeeze %dma_wait3A_598 : memref<1x80xi32, #tpu.memory_space<vmem>> -> memref<80xi32, #tpu.memory_space<vmem>>
    %dma_wait3A_600 = arith.constant 0 : i32
    %dma_wait3A_601 = arith.constant 0 : i32
    %dma_wait3A_602 = tpu.memref_slice %arg2[%dma_wait3A_600, %dma_wait3A_601] : memref<10000x128xf32, #tpu.memory_space<hbm>> -> memref<10000x128xf32, #tpu.memory_space<hbm>>
    tpu.wait_indirect_dma semaphore(%arg17 : memref<!tpu.dma_semaphore, #tpu.memory_space<semaphore_mem>>) src(%dma_wait3A_602 : memref<10000x128xf32, #tpu.memory_space<hbm>>) dst(%arg13 : memref<80x128xf32, #tpu.memory_space<vmem>>)
    %get3A_603 = arith.constant 0 : i32
    %get3A_604 = arith.index_cast %get3A_603 : i32 to index
    %get3A_605 = arith.constant 0 : index
    %get3A_606 = tpu.vector_load %arg9[%get3A_604, %get3A_605] {strides = array<i32>} : memref<3x80xi32, #tpu.memory_space<vmem>>, vector<16xi32>,
    %gather3A_607 = tpu.vector_load_idx %arg7[%get3A_606] : memref<10240xf32, #tpu.memory_space<vmem>>[vector<16xi32>], vector<16xf32>,
    %get3A_608 = arith.constant 1 : i32
    %get3A_609 = arith.index_cast %get3A_608 : i32 to index
    %get3A_610 = arith.constant 0 : index
    %get3A_611 = tpu.vector_load %arg9[%get3A_609, %get3A_610] {strides = array<i32>} : memref<3x80xi32, #tpu.memory_space<vmem>>, vector<16xi32>,
    %gather3A_612 = tpu.vector_load_idx %arg7[%get3A_611] : memref<10240xf32, #tpu.memory_space<vmem>>[vector<16xi32>], vector<16xf32>,
    %get3A_613 = arith.constant 2 : i32
    %get3A_614 = arith.index_cast %get3A_613 : i32 to index
    %get3A_615 = arith.constant 0 : index
    %get3A_616 = tpu.vector_load %arg9[%get3A_614, %get3A_615] {strides = array<i32>} : memref<3x80xi32, #tpu.memory_space<vmem>>, vector<16xi32>,
    %bitcast3A_617 = vector.bitcast %get3A_616 : vector<16xi32> to vector<16xf32>
    %add3A_618 = arith.addf %gather3A_607, %gather3A_612 : vector<16xf32>
    %exp3A_619 = math.exp %add3A_618 : vector<16xf32>
    %add3A_620 = arith.constant 1.000000e+00 : f32
    %add3A_621 = vector.broadcast %add3A_620 : f32 to vector<16xf32>
    %add3A_622 = arith.addf %add3A_621, %exp3A_619 : vector<16xf32>
    %div3A_623 = arith.divf %bitcast3A_617, %add3A_622 : vector<16xf32>
    %swap3A_624 = arith.constant 0 : index
    %swap3A_625 = tpu.vector_load %arg11[%swap3A_624] {strides = array<i32>} : memref<80xf32, #tpu.memory_space<vmem>>, vector<16xf32>,
    tpu.vector_store %arg11[%swap3A_624], %div3A_623 {strides = array<i32>} : memref<80xf32, #tpu.memory_space<vmem>>, vector<16xf32>,
    %get3A_626 = arith.constant 0 : i32
    %get3A_627 = arith.index_cast %get3A_626 : i32 to index
    %get3A_628 = arith.constant 16 : index
    %get3A_629 = tpu.vector_load %arg9[%get3A_627, %get3A_628] {strides = array<i32>} : memref<3x80xi32, #tpu.memory_space<vmem>>, vector<16xi32>,
    %gather3A_630 = tpu.vector_load_idx %arg7[%get3A_629] : memref<10240xf32, #tpu.memory_space<vmem>>[vector<16xi32>], vector<16xf32>,
    %get3A_631 = arith.constant 1 : i32
    %get3A_632 = arith.index_cast %get3A_631 : i32 to index
    %get3A_633 = arith.constant 16 : index
    %get3A_634 = tpu.vector_load %arg9[%get3A_632, %get3A_633] {strides = array<i32>} : memref<3x80xi32, #tpu.memory_space<vmem>>, vector<16xi32>,
    %gather3A_635 = tpu.vector_load_idx %arg7[%get3A_634] : memref<10240xf32, #tpu.memory_space<vmem>>[vector<16xi32>], vector<16xf32>,
    %get3A_636 = arith.constant 2 : i32
    %get3A_637 = arith.index_cast %get3A_636 : i32 to index
    %get3A_638 = arith.constant 16 : index
    %get3A_639 = tpu.vector_load %arg9[%get3A_637, %get3A_638] {strides = array<i32>} : memref<3x80xi32, #tpu.memory_space<vmem>>, vector<16xi32>,
    %bitcast3A_640 = vector.bitcast %get3A_639 : vector<16xi32> to vector<16xf32>
    %add3A_641 = arith.addf %gather3A_630, %gather3A_635 : vector<16xf32>
    %exp3A_642 = math.exp %add3A_641 : vector<16xf32>
    %add3A_643 = arith.constant 1.000000e+00 : f32
    %add3A_644 = vector.broadcast %add3A_643 : f32 to vector<16xf32>
    %add3A_645 = arith.addf %add3A_644, %exp3A_642 : vector<16xf32>
    %div3A_646 = arith.divf %bitcast3A_640, %add3A_645 : vector<16xf32>
    %swap3A_647 = arith.constant 16 : index
    %swap3A_648 = tpu.vector_load %arg11[%swap3A_647] {strides = array<i32>} : memref<80xf32, #tpu.memory_space<vmem>>, vector<16xf32>,
    tpu.vector_store %arg11[%swap3A_647], %div3A_646 {strides = array<i32>} : memref<80xf32, #tpu.memory_space<vmem>>, vector<16xf32>,
    %get3A_649 = arith.constant 0 : i32
    %get3A_650 = arith.index_cast %get3A_649 : i32 to index
    %get3A_651 = arith.constant 32 : index
    %get3A_652 = tpu.vector_load %arg9[%get3A_650, %get3A_651] {strides = array<i32>} : memref<3x80xi32, #tpu.memory_space<vmem>>, vector<16xi32>,
    %gather3A_653 = tpu.vector_load_idx %arg7[%get3A_652] : memref<10240xf32, #tpu.memory_space<vmem>>[vector<16xi32>], vector<16xf32>,
    %get3A_654 = arith.constant 1 : i32
    %get3A_655 = arith.index_cast %get3A_654 : i32 to index
    %get3A_656 = arith.constant 32 : index
    %get3A_657 = tpu.vector_load %arg9[%get3A_655, %get3A_656] {strides = array<i32>} : memref<3x80xi32, #tpu.memory_space<vmem>>, vector<16xi32>,
    %gather3A_658 = tpu.vector_load_idx %arg7[%get3A_657] : memref<10240xf32, #tpu.memory_space<vmem>>[vector<16xi32>], vector<16xf32>,
    %get3A_659 = arith.constant 2 : i32
    %get3A_660 = arith.index_cast %get3A_659 : i32 to index
    %get3A_661 = arith.constant 32 : index
    %get3A_662 = tpu.vector_load %arg9[%get3A_660, %get3A_661] {strides = array<i32>} : memref<3x80xi32, #tpu.memory_space<vmem>>, vector<16xi32>,
    %bitcast3A_663 = vector.bitcast %get3A_662 : vector<16xi32> to vector<16xf32>
    %add3A_664 = arith.addf %gather3A_653, %gather3A_658 : vector<16xf32>
    %exp3A_665 = math.exp %add3A_664 : vector<16xf32>
    %add3A_666 = arith.constant 1.000000e+00 : f32
    %add3A_667 = vector.broadcast %add3A_666 : f32 to vector<16xf32>
    %add3A_668 = arith.addf %add3A_667, %exp3A_665 : vector<16xf32>
    %div3A_669 = arith.divf %bitcast3A_663, %add3A_668 : vector<16xf32>
    %swap3A_670 = arith.constant 32 : index
    %swap3A_671 = tpu.vector_load %arg11[%swap3A_670] {strides = array<i32>} : memref<80xf32, #tpu.memory_space<vmem>>, vector<16xf32>,
    tpu.vector_store %arg11[%swap3A_670], %div3A_669 {strides = array<i32>} : memref<80xf32, #tpu.memory_space<vmem>>, vector<16xf32>,
    %get3A_672 = arith.constant 0 : i32
    %get3A_673 = arith.index_cast %get3A_672 : i32 to index
    %get3A_674 = arith.constant 48 : index
    %get3A_675 = tpu.vector_load %arg9[%get3A_673, %get3A_674] {strides = array<i32>} : memref<3x80xi32, #tpu.memory_space<vmem>>, vector<16xi32>,
    %gather3A_676 = tpu.vector_load_idx %arg7[%get3A_675] : memref<10240xf32, #tpu.memory_space<vmem>>[vector<16xi32>], vector<16xf32>,
    %get3A_677 = arith.constant 1 : i32
    %get3A_678 = arith.index_cast %get3A_677 : i32 to index
    %get3A_679 = arith.constant 48 : index
    %get3A_680 = tpu.vector_load %arg9[%get3A_678, %get3A_679] {strides = array<i32>} : memref<3x80xi32, #tpu.memory_space<vmem>>, vector<16xi32>,
    %gather3A_681 = tpu.vector_load_idx %arg7[%get3A_680] : memref<10240xf32, #tpu.memory_space<vmem>>[vector<16xi32>], vector<16xf32>,
    %get3A_682 = arith.constant 2 : i32
    %get3A_683 = arith.index_cast %get3A_682 : i32 to index
    %get3A_684 = arith.constant 48 : index
    %get3A_685 = tpu.vector_load %arg9[%get3A_683, %get3A_684] {strides = array<i32>} : memref<3x80xi32, #tpu.memory_space<vmem>>, vector<16xi32>,
    %bitcast3A_686 = vector.bitcast %get3A_685 : vector<16xi32> to vector<16xf32>
    %add3A_687 = arith.addf %gather3A_676, %gather3A_681 : vector<16xf32>
    %exp3A_688 = math.exp %add3A_687 : vector<16xf32>
    %add3A_689 = arith.constant 1.000000e+00 : f32
    %add3A_690 = vector.broadcast %add3A_689 : f32 to vector<16xf32>
    %add3A_691 = arith.addf %add3A_690, %exp3A_688 : vector<16xf32>
    %div3A_692 = arith.divf %bitcast3A_686, %add3A_691 : vector<16xf32>
    %swap3A_693 = arith.constant 48 : index
    %swap3A_694 = tpu.vector_load %arg11[%swap3A_693] {strides = array<i32>} : memref<80xf32, #tpu.memory_space<vmem>>, vector<16xf32>,
    tpu.vector_store %arg11[%swap3A_693], %div3A_692 {strides = array<i32>} : memref<80xf32, #tpu.memory_space<vmem>>, vector<16xf32>,
    %get3A_695 = arith.constant 0 : i32
    %get3A_696 = arith.index_cast %get3A_695 : i32 to index
    %get3A_697 = arith.constant 64 : index
    %get3A_698 = tpu.vector_load %arg9[%get3A_696, %get3A_697] {strides = array<i32>} : memref<3x80xi32, #tpu.memory_space<vmem>>, vector<16xi32>,
    %gather3A_699 = tpu.vector_load_idx %arg7[%get3A_698] : memref<10240xf32, #tpu.memory_space<vmem>>[vector<16xi32>], vector<16xf32>,
    %get3A_700 = arith.constant 1 : i32
    %get3A_701 = arith.index_cast %get3A_700 : i32 to index
    %get3A_702 = arith.constant 64 : index
    %get3A_703 = tpu.vector_load %arg9[%get3A_701, %get3A_702] {strides = array<i32>} : memref<3x80xi32, #tpu.memory_space<vmem>>, vector<16xi32>,
    %gather3A_704 = tpu.vector_load_idx %arg7[%get3A_703] : memref<10240xf32, #tpu.memory_space<vmem>>[vector<16xi32>], vector<16xf32>,
    %get3A_705 = arith.constant 2 : i32
    %get3A_706 = arith.index_cast %get3A_705 : i32 to index
    %get3A_707 = arith.constant 64 : index
    %get3A_708 = tpu.vector_load %arg9[%get3A_706, %get3A_707] {strides = array<i32>} : memref<3x80xi32, #tpu.memory_space<vmem>>, vector<16xi32>,
    %bitcast3A_709 = vector.bitcast %get3A_708 : vector<16xi32> to vector<16xf32>
    %add3A_710 = arith.addf %gather3A_699, %gather3A_704 : vector<16xf32>
    %exp3A_711 = math.exp %add3A_710 : vector<16xf32>
    %add3A_712 = arith.constant 1.000000e+00 : f32
    %add3A_713 = vector.broadcast %add3A_712 : f32 to vector<16xf32>
    %add3A_714 = arith.addf %add3A_713, %exp3A_711 : vector<16xf32>
    %div3A_715 = arith.divf %bitcast3A_709, %add3A_714 : vector<16xf32>
    %swap3A_716 = arith.constant 64 : index
    %swap3A_717 = tpu.vector_load %arg11[%swap3A_716] {strides = array<i32>} : memref<80xf32, #tpu.memory_space<vmem>>, vector<16xf32>,
    tpu.vector_store %arg11[%swap3A_716], %div3A_715 {strides = array<i32>} : memref<80xf32, #tpu.memory_space<vmem>>, vector<16xf32>,
    %parallel_loop3A_718 = arith.constant 0 : i32
    %parallel_loop3A_719 = arith.constant 80 : i32
    %parallel_loop3A_720 = arith.constant 1 : i32
    scf.for %parallel_loop3A_752 = %parallel_loop3A_718 to %parallel_loop3A_719 step %parallel_loop3A_720  : i32 {
      %parallel_loop3A_753 = vector.broadcast %parallel_loop3A_752 : i32 to vector<16xi32>
      %parallel_loop3A_754 = tpu.vector_load_idx %arg11[%parallel_loop3A_753] : memref<80xf32, #tpu.memory_space<vmem>>[vector<16xi32>], vector<16xf32>,
      %parallel_loop3A_755 = arith.index_cast %parallel_loop3A_752 : i32 to index
      %parallel_loop3A_756 = arith.constant 0 : index
      %parallel_loop3A_757 = tpu.vector_load %arg13[%parallel_loop3A_755, %parallel_loop3A_756] {strides = array<i32>} : memref<80x128xf32, #tpu.memory_space<vmem>>, vector<16xf32>,
      %parallel_loop3A_758 = arith.mulf %parallel_loop3A_757, %parallel_loop3A_754 : vector<16xf32>
      %parallel_loop3A_759 = arith.index_cast %parallel_loop3A_752 : i32 to index
      %parallel_loop3A_760 = arith.constant 0 : index
      %parallel_loop3A_761 = tpu.vector_load %arg13[%parallel_loop3A_759, %parallel_loop3A_760] {strides = array<i32>} : memref<80x128xf32, #tpu.memory_space<vmem>>, vector<16xf32>,
      tpu.vector_store %arg13[%parallel_loop3A_759, %parallel_loop3A_760], %parallel_loop3A_758 {strides = array<i32>} : memref<80x128xf32, #tpu.memory_space<vmem>>, vector<16xf32>,
      %parallel_loop3A_762 = arith.index_cast %parallel_loop3A_752 : i32 to index
      %parallel_loop3A_763 = arith.constant 16 : index
      %parallel_loop3A_764 = tpu.vector_load %arg13[%parallel_loop3A_762, %parallel_loop3A_763] {strides = array<i32>} : memref<80x128xf32, #tpu.memory_space<vmem>>, vector<16xf32>,
      %parallel_loop3A_765 = arith.mulf %parallel_loop3A_764, %parallel_loop3A_754 : vector<16xf32>
      %parallel_loop3A_766 = arith.index_cast %parallel_loop3A_752 : i32 to index
      %parallel_loop3A_767 = arith.constant 16 : index
      %parallel_loop3A_768 = tpu.vector_load %arg13[%parallel_loop3A_766, %parallel_loop3A_767] {strides = array<i32>} : memref<80x128xf32, #tpu.memory_space<vmem>>, vector<16xf32>,
      tpu.vector_store %arg13[%parallel_loop3A_766, %parallel_loop3A_767], %parallel_loop3A_765 {strides = array<i32>} : memref<80x128xf32, #tpu.memory_space<vmem>>, vector<16xf32>,
      %parallel_loop3A_769 = arith.index_cast %parallel_loop3A_752 : i32 to index
      %parallel_loop3A_770 = arith.constant 32 : index
      %parallel_loop3A_771 = tpu.vector_load %arg13[%parallel_loop3A_769, %parallel_loop3A_770] {strides = array<i32>} : memref<80x128xf32, #tpu.memory_space<vmem>>, vector<16xf32>,
      %parallel_loop3A_772 = arith.mulf %parallel_loop3A_771, %parallel_loop3A_754 : vector<16xf32>
      %parallel_loop3A_773 = arith.index_cast %parallel_loop3A_752 : i32 to index
      %parallel_loop3A_774 = arith.constant 32 : index
      %parallel_loop3A_775 = tpu.vector_load %arg13[%parallel_loop3A_773, %parallel_loop3A_774] {strides = array<i32>} : memref<80x128xf32, #tpu.memory_space<vmem>>, vector<16xf32>,
      tpu.vector_store %arg13[%parallel_loop3A_773, %parallel_loop3A_774], %parallel_loop3A_772 {strides = array<i32>} : memref<80x128xf32, #tpu.memory_space<vmem>>, vector<16xf32>,
      %parallel_loop3A_776 = arith.index_cast %parallel_loop3A_752 : i32 to index
      %parallel_loop3A_777 = arith.constant 48 : index
      %parallel_loop3A_778 = tpu.vector_load %arg13[%parallel_loop3A_776, %parallel_loop3A_777] {strides = array<i32>} : memref<80x128xf32, #tpu.memory_space<vmem>>, vector<16xf32>,
      %parallel_loop3A_779 = arith.mulf %parallel_loop3A_778, %parallel_loop3A_754 : vector<16xf32>
      %parallel_loop3A_780 = arith.index_cast %parallel_loop3A_752 : i32 to index
      %parallel_loop3A_781 = arith.constant 48 : index
      %parallel_loop3A_782 = tpu.vector_load %arg13[%parallel_loop3A_780, %parallel_loop3A_781] {strides = array<i32>} : memref<80x128xf32, #tpu.memory_space<vmem>>, vector<16xf32>,
      tpu.vector_store %arg13[%parallel_loop3A_780, %parallel_loop3A_781], %parallel_loop3A_779 {strides = array<i32>} : memref<80x128xf32, #tpu.memory_space<vmem>>, vector<16xf32>,
      %parallel_loop3A_783 = arith.index_cast %parallel_loop3A_752 : i32 to index
      %parallel_loop3A_784 = arith.constant 64 : index
      %parallel_loop3A_785 = tpu.vector_load %arg13[%parallel_loop3A_783, %parallel_loop3A_784] {strides = array<i32>} : memref<80x128xf32, #tpu.memory_space<vmem>>, vector<16xf32>,
      %parallel_loop3A_786 = arith.mulf %parallel_loop3A_785, %parallel_loop3A_754 : vector<16xf32>
      %parallel_loop3A_787 = arith.index_cast %parallel_loop3A_752 : i32 to index
      %parallel_loop3A_788 = arith.constant 64 : index
      %parallel_loop3A_789 = tpu.vector_load %arg13[%parallel_loop3A_787, %parallel_loop3A_788] {strides = array<i32>} : memref<80x128xf32, #tpu.memory_space<vmem>>, vector<16xf32>,
      tpu.vector_store %arg13[%parallel_loop3A_787, %parallel_loop3A_788], %parallel_loop3A_786 {strides = array<i32>} : memref<80x128xf32, #tpu.memory_space<vmem>>, vector<16xf32>,
      %parallel_loop3A_790 = arith.index_cast %parallel_loop3A_752 : i32 to index
      %parallel_loop3A_791 = arith.constant 80 : index
      %parallel_loop3A_792 = tpu.vector_load %arg13[%parallel_loop3A_790, %parallel_loop3A_791] {strides = array<i32>} : memref<80x128xf32, #tpu.memory_space<vmem>>, vector<16xf32>,
      %parallel_loop3A_793 = arith.mulf %parallel_loop3A_792, %parallel_loop3A_754 : vector<16xf32>
      %parallel_loop3A_794 = arith.index_cast %parallel_loop3A_752 : i32 to index
      %parallel_loop3A_795 = arith.constant 80 : index
      %parallel_loop3A_796 = tpu.vector_load %arg13[%parallel_loop3A_794, %parallel_loop3A_795] {strides = array<i32>} : memref<80x128xf32, #tpu.memory_space<vmem>>, vector<16xf32>,
      tpu.vector_store %arg13[%parallel_loop3A_794, %parallel_loop3A_795], %parallel_loop3A_793 {strides = array<i32>} : memref<80x128xf32, #tpu.memory_space<vmem>>, vector<16xf32>,
      %parallel_loop3A_797 = arith.index_cast %parallel_loop3A_752 : i32 to index
      %parallel_loop3A_798 = arith.constant 96 : index
      %parallel_loop3A_799 = tpu.vector_load %arg13[%parallel_loop3A_797, %parallel_loop3A_798] {strides = array<i32>} : memref<80x128xf32, #tpu.memory_space<vmem>>, vector<16xf32>,
      %parallel_loop3A_800 = arith.mulf %parallel_loop3A_799, %parallel_loop3A_754 : vector<16xf32>
      %parallel_loop3A_801 = arith.index_cast %parallel_loop3A_752 : i32 to index
      %parallel_loop3A_802 = arith.constant 96 : index
      %parallel_loop3A_803 = tpu.vector_load %arg13[%parallel_loop3A_801, %parallel_loop3A_802] {strides = array<i32>} : memref<80x128xf32, #tpu.memory_space<vmem>>, vector<16xf32>,
      tpu.vector_store %arg13[%parallel_loop3A_801, %parallel_loop3A_802], %parallel_loop3A_800 {strides = array<i32>} : memref<80x128xf32, #tpu.memory_space<vmem>>, vector<16xf32>,
      %parallel_loop3A_804 = arith.index_cast %parallel_loop3A_752 : i32 to index
      %parallel_loop3A_805 = arith.constant 112 : index
      %parallel_loop3A_806 = tpu.vector_load %arg13[%parallel_loop3A_804, %parallel_loop3A_805] {strides = array<i32>} : memref<80x128xf32, #tpu.memory_space<vmem>>, vector<16xf32>,
      %parallel_loop3A_807 = arith.mulf %parallel_loop3A_806, %parallel_loop3A_754 : vector<16xf32>
      %parallel_loop3A_808 = arith.index_cast %parallel_loop3A_752 : i32 to index
      %parallel_loop3A_809 = arith.constant 112 : index
      %parallel_loop3A_810 = tpu.vector_load %arg13[%parallel_loop3A_808, %parallel_loop3A_809] {strides = array<i32>} : memref<80x128xf32, #tpu.memory_space<vmem>>, vector<16xf32>,
      tpu.vector_store %arg13[%parallel_loop3A_808, %parallel_loop3A_809], %parallel_loop3A_807 {strides = array<i32>} : memref<80x128xf32, #tpu.memory_space<vmem>>, vector<16xf32>,
    } {sc.loop_unroll_factor = 4 : i64, sc.parallel_access}
    %dma_start3A_721 = arith.constant 1 : i32
    %dma_start3A_722 = arith.constant 0 : i32
    %dma_start3A_723 = tpu.memref_slice %arg9[%dma_start3A_721, %dma_start3A_722] : memref<3x80xi32, #tpu.memory_space<vmem>> -> memref<1x80xi32, #tpu.memory_space<vmem>>
    %dma_start3A_724 = tpu.memref_squeeze %dma_start3A_723 : memref<1x80xi32, #tpu.memory_space<vmem>> -> memref<80xi32, #tpu.memory_space<vmem>>
    %dma_start3A_725 = arith.constant 0 : i32
    %dma_start3A_726 = arith.constant 0 : i32
    %dma_start3A_727 = tpu.memref_slice %arg15[%dma_start3A_725, %dma_start3A_726] : memref<10240x128xf32, #tpu.memory_space<vmem_shared>> -> memref<10240x128xf32, #tpu.memory_space<vmem_shared>>
    tpu.enqueue_indirect_dma source(%arg13 : memref<80x128xf32, #tpu.memory_space<vmem>>) target(%dma_start3A_727 : memref<10240x128xf32, #tpu.memory_space<vmem_shared>>) offsets(%dma_start3A_724 : memref<80xi32, #tpu.memory_space<vmem>>) semaphore(%arg20 : memref<!tpu.dma_semaphore, #tpu.memory_space<semaphore_mem>>) {add = true}
    %dma_wait3A_728 = arith.constant 1 : i32
    %dma_wait3A_729 = arith.constant 0 : i32
    %dma_wait3A_730 = tpu.memref_slice %arg10[%dma_wait3A_728, %dma_wait3A_729] : memref<3x80xi32, #tpu.memory_space<vmem>> -> memref<1x80xi32, #tpu.memory_space<vmem>>
    %dma_wait3A_731 = tpu.memref_squeeze %dma_wait3A_730 : memref<1x80xi32, #tpu.memory_space<vmem>> -> memref<80xi32, #tpu.memory_space<vmem>>
    %dma_wait3A_732 = arith.constant 0 : i32
    %dma_wait3A_733 = arith.constant 0 : i32
    %dma_wait3A_734 = tpu.memref_slice %arg15[%dma_wait3A_732, %dma_wait3A_733] : memref<10240x128xf32, #tpu.memory_space<vmem_shared>> -> memref<10240x128xf32, #tpu.memory_space<vmem_shared>>
    tpu.wait_indirect_dma semaphore(%arg21 : memref<!tpu.dma_semaphore, #tpu.memory_space<semaphore_mem>>) src(%arg14 : memref<80x128xf32, #tpu.memory_space<vmem>>) dst(%dma_wait3A_734 : memref<10240x128xf32, #tpu.memory_space<vmem_shared>>)
    %dma_wait3A_735 = arith.constant 1 : i32
    %dma_wait3A_736 = arith.constant 0 : i32
    %dma_wait3A_737 = tpu.memref_slice %arg8[%dma_wait3A_735, %dma_wait3A_736] : memref<3x80xi32, #tpu.memory_space<vmem>> -> memref<1x80xi32, #tpu.memory_space<vmem>>
    %dma_wait3A_738 = tpu.memref_squeeze %dma_wait3A_737 : memref<1x80xi32, #tpu.memory_space<vmem>> -> memref<80xi32, #tpu.memory_space<vmem>>
    %dma_wait3A_739 = arith.constant 0 : i32
    %dma_wait3A_740 = arith.constant 0 : i32
    %dma_wait3A_741 = tpu.memref_slice %arg15[%dma_wait3A_739, %dma_wait3A_740] : memref<10240x128xf32, #tpu.memory_space<vmem_shared>> -> memref<10240x128xf32, #tpu.memory_space<vmem_shared>>
    tpu.wait_indirect_dma semaphore(%arg19 : memref<!tpu.dma_semaphore, #tpu.memory_space<semaphore_mem>>) src(%arg12 : memref<80x128xf32, #tpu.memory_space<vmem>>) dst(%dma_wait3A_741 : memref<10240x128xf32, #tpu.memory_space<vmem_shared>>)
    %dma_wait3A_742 = arith.constant 1 : i32
    %dma_wait3A_743 = arith.constant 0 : i32
    %dma_wait3A_744 = tpu.memref_slice %arg9[%dma_wait3A_742, %dma_wait3A_743] : memref<3x80xi32, #tpu.memory_space<vmem>> -> memref<1x80xi32, #tpu.memory_space<vmem>>
    %dma_wait3A_745 = tpu.memref_squeeze %dma_wait3A_744 : memref<1x80xi32, #tpu.memory_space<vmem>> -> memref<80xi32, #tpu.memory_space<vmem>>
    %dma_wait3A_746 = arith.constant 0 : i32
    %dma_wait3A_747 = arith.constant 0 : i32
    %dma_wait3A_748 = tpu.memref_slice %arg15[%dma_wait3A_746, %dma_wait3A_747] : memref<10240x128xf32, #tpu.memory_space<vmem_shared>> -> memref<10240x128xf32, #tpu.memory_space<vmem_shared>>
    tpu.wait_indirect_dma semaphore(%arg20 : memref<!tpu.dma_semaphore, #tpu.memory_space<semaphore_mem>>) src(%arg13 : memref<80x128xf32, #tpu.memory_space<vmem>>) dst(%dma_wait3A_748 : memref<10240x128xf32, #tpu.memory_space<vmem_shared>>)
    %barrier3A_749 = arith.constant 0 : index
    tpu.barrier barrier_id(%barrier3A_749)
    %mul3A_750 = arith.constant 640 : i32
    %mul3A_751 = arith.muli %arg1, %mul3A_750 : i32
    "tpu.region"() ({
      %run_scoped3A = tpu.sem_alloc : memref<!tpu.dma_semaphore, #tpu.memory_space<semaphore_mem>>
      %dma_start3A_752 = arith.constant 0 : i32
      %dma_start3A_753 = arith.constant 0 : i32
      %dma_start3A_754 = tpu.memref_slice %arg6[%arg0, %dma_start3A_752, %dma_start3A_753] : memref<2x10240x128xf32, #tpu.memory_space<hbm>> -> memref<1x10240x128xf32, #tpu.memory_space<hbm>>
      %dma_start3A_755 = tpu.memref_squeeze %dma_start3A_754 : memref<1x10240x128xf32, #tpu.memory_space<hbm>> -> memref<10240x128xf32, #tpu.memory_space<hbm>>
      %dma_start3A_756 = arith.constant 0 : i32
      %dma_start3A_757 = tpu.memref_slice %dma_start3A_755[%mul3A_751, %dma_start3A_756] : memref<10240x128xf32, #tpu.memory_space<hbm>> -> memref<640x128xf32, #tpu.memory_space<hbm>>
      %dma_start3A_758 = arith.constant 0 : i32
      %dma_start3A_759 = tpu.memref_slice %arg15[%mul3A_751, %dma_start3A_758] : memref<10240x128xf32, #tpu.memory_space<vmem_shared>> -> memref<640x128xf32, #tpu.memory_space<vmem_shared>>
      tpu.enqueue_dma source(%dma_start3A_759 : memref<640x128xf32, #tpu.memory_space<vmem_shared>>) target(%dma_start3A_757 : memref<640x128xf32, #tpu.memory_space<hbm>>) target_semaphore(%run_scoped3A : memref<!tpu.dma_semaphore, #tpu.memory_space<semaphore_mem>>)
      %dma_wait3A_760 = arith.constant 0 : i32
      %dma_wait3A_761 = arith.constant 0 : i32
      %dma_wait3A_762 = tpu.memref_slice %arg6[%arg0, %dma_wait3A_760, %dma_wait3A_761] : memref<2x10240x128xf32, #tpu.memory_space<hbm>> -> memref<1x10240x128xf32, #tpu.memory_space<hbm>>
      %dma_wait3A_763 = tpu.memref_squeeze %dma_wait3A_762 : memref<1x10240x128xf32, #tpu.memory_space<hbm>> -> memref<10240x128xf32, #tpu.memory_space<hbm>>
      %dma_wait3A_764 = arith.constant 0 : i32
      %dma_wait3A_765 = tpu.memref_slice %dma_wait3A_763[%mul3A_751, %dma_wait3A_764] : memref<10240x128xf32, #tpu.memory_space<hbm>> -> memref<640x128xf32, #tpu.memory_space<hbm>>
      %dma_wait3A_766 = arith.constant 0 : i32
      %dma_wait3A_767 = tpu.memref_slice %arg15[%mul3A_751, %dma_wait3A_766] : memref<10240x128xf32, #tpu.memory_space<vmem_shared>> -> memref<640x128xf32, #tpu.memory_space<vmem_shared>>
      tpu.wait_dma2 semaphore(%run_scoped3A : memref<!tpu.dma_semaphore, #tpu.memory_space<semaphore_mem>>) src(%dma_wait3A_767 : memref<640x128xf32, #tpu.memory_space<vmem_shared>>) dst(%dma_wait3A_765 : memref<640x128xf32, #tpu.memory_space<hbm>>)
      tpu.yield
    }) : () -> ()
    return
  }
}

module attributes {stable_mosaic.version = 14 : i64} {
  func.func @_matmul_body(%arg0: i32, %arg1: memref<1000x128xf32, #tpu.memory_space<vmem>>, %arg2: memref<128x128xf32, #tpu.memory_space<vmem>>, %arg3: memref<1x128xf32, #tpu.memory_space<vmem>>, %arg4: memref<1000x128xf32, #tpu.memory_space<vmem>>) attributes {dimension_semantics = [#tpu.dimension_semantics<arbitrary>], iteration_bounds = array<i64: 10>, scalar_prefetch = 0 : i64, scratch_operands = 0 : i64, tpu.core_type = #tpu.core_type<tc>, window_params = [{transform_indices = @transform_0, window_bounds = array<i64: 1000, 128>}, {pipeline_mode = #tpu.pipeline_mode<synchronous>, transform_indices = @transform_1, window_bounds = array<i64: 128, 128>}, {pipeline_mode = #tpu.pipeline_mode<synchronous>, transform_indices = @transform_2, window_bounds = array<i64: 1, 128>}, {transform_indices = @transform_3, window_bounds = array<i64: 1000, 128>}]} {
    %get3A = arith.constant 0 : index
    %get3A_0 = arith.constant 0 : index
    %get3A_1 = vector.load %arg1[%get3A, %get3A_0] : memref<1000x128xf32, #tpu.memory_space<vmem>>, vector<1000x128xf32>
    %get3A_2 = arith.constant 0 : index
    %get3A_3 = arith.constant 0 : index
    %get3A_4 = vector.load %arg2[%get3A_2, %get3A_3] : memref<128x128xf32, #tpu.memory_space<vmem>>, vector<128x128xf32>
    %dot_general3A = arith.constant dense<0.000000e+00> : vector<1000x128xf32>
    %dot_general3A_5 = tpu.matmul %get3A_1, %get3A_4, %dot_general3A {dimension_numbers = #tpu.dot_dimension_numbers<[1], [0], [0], [1], [0, 0, 1, 1], [], []>, transpose_lhs_hint = false} : vector<1000x128xf32>, vector<128x128xf32>, vector<1000x128xf32> -> vector<1000x128xf32>
    %get3A_6 = arith.constant 0 : index
    %get3A_7 = arith.constant 0 : index
    %get3A_8 = vector.load %arg3[%get3A_6, %get3A_7] : memref<1x128xf32, #tpu.memory_space<vmem>>, vector<1x128xf32>
    %add3A = vector.broadcast %get3A_8 : vector<1x128xf32> to vector<1000x128xf32>
    %add3A_9 = arith.addf %dot_general3A_5, %add3A : vector<1000x128xf32>
    %swap3A = arith.constant 0 : index
    %swap3A_10 = arith.constant 0 : index
    %swap3A_11 = vector.load %arg4[%swap3A, %swap3A_10] : memref<1000x128xf32, #tpu.memory_space<vmem>>, vector<1000x128xf32>
    tpu.vector_store %arg4[%swap3A, %swap3A_10], %add3A_9 {strides = array<i32>} : memref<1000x128xf32, #tpu.memory_space<vmem>>, vector<1000x128xf32>,
    return
  }
  func.func @transform_0(%arg0: i32) -> (i32, i32) {
    %c0_i32 = arith.constant 0 : i32
    %c0_i32_0 = arith.constant 0 : i32
    return %arg0, %c0_i32 : i32, i32
  }
  func.func @transform_1(%arg0: i32) -> (i32, i32) {
    %c0_i32 = arith.constant 0 : i32
    %c0_i32_0 = arith.constant 0 : i32
    %c0_i32_1 = arith.constant 0 : i32
    return %c0_i32, %c0_i32_0 : i32, i32
  }
  func.func @transform_2(%arg0: i32) -> (i32, i32) {
    %c0_i32 = arith.constant 0 : i32
    %c0_i32_0 = arith.constant 0 : i32
    %c0_i32_1 = arith.constant 0 : i32
    return %c0_i32, %c0_i32_0 : i32, i32
  }
  func.func @transform_3(%arg0: i32) -> (i32, i32) {
    %c0_i32 = arith.constant 0 : i32
    %c0_i32_0 = arith.constant 0 : i32
    return %arg0, %c0_i32 : i32, i32
  }
}

module attributes {stable_mosaic.version = 14 : i64} {
  func.func @_combine_body(%arg0: i32, %arg1: memref<2x1024x128xf32, #tpu.memory_space<vmem>>, %arg2: memref<1024x128xf32, #tpu.memory_space<vmem>>) attributes {dimension_semantics = [#tpu.dimension_semantics<arbitrary>], iteration_bounds = array<i64: 10>, scalar_prefetch = 0 : i64, scratch_operands = 0 : i64, tpu.core_type = #tpu.core_type<tc>, window_params = [{transform_indices = @transform_0, window_bounds = array<i64: 2, 1024, 128>}, {transform_indices = @transform_1, window_bounds = array<i64: 1024, 128>}]} {
    %get3A = arith.constant 0 : index
    %get3A_0 = arith.constant 0 : index
    %get3A_1 = arith.constant 0 : index
    %get3A_2 = vector.load %arg1[%get3A, %get3A_0, %get3A_1] : memref<2x1024x128xf32, #tpu.memory_space<vmem>>, vector<1x1024x128xf32>
    %get3A_3 = vector.shape_cast %get3A_2 : vector<1x1024x128xf32> to vector<1024x128xf32>
    %get3A_4 = arith.constant 1 : index
    %get3A_5 = arith.constant 0 : index
    %get3A_6 = arith.constant 0 : index
    %get3A_7 = vector.load %arg1[%get3A_4, %get3A_5, %get3A_6] : memref<2x1024x128xf32, #tpu.memory_space<vmem>>, vector<1x1024x128xf32>
    %get3A_8 = vector.shape_cast %get3A_7 : vector<1x1024x128xf32> to vector<1024x128xf32>
    %add3A = arith.addf %get3A_3, %get3A_8 : vector<1024x128xf32>
    %swap3A = arith.constant 0 : index
    %swap3A_9 = arith.constant 0 : index
    %swap3A_10 = vector.load %arg2[%swap3A, %swap3A_9] : memref<1024x128xf32, #tpu.memory_space<vmem>>, vector<1024x128xf32>
    tpu.vector_store %arg2[%swap3A, %swap3A_9], %add3A {strides = array<i32>} : memref<1024x128xf32, #tpu.memory_space<vmem>>, vector<1024x128xf32>,
    return
  }
  func.func @transform_0(%arg0: i32) -> (i32, i32, i32) {
    %c0_i32 = arith.constant 0 : i32
    %c0_i32_0 = arith.constant 0 : i32
    %c0_i32_1 = arith.constant 0 : i32
    return %c0_i32, %arg0, %c0_i32_0 : i32, i32, i32
  }
  func.func @transform_1(%arg0: i32) -> (i32, i32) {
    %c0_i32 = arith.constant 0 : i32
    %c0_i32_0 = arith.constant 0 : i32
    return %arg0, %c0_i32 : i32, i32
  }
}

</mosaic_0001>

<sc_bundles>
// kernel: kernel.5.cloned.1.call-start
scs
__scs_entry_jumppad:
0x0: {  	(pc) =	sbr.rel $0x88, $3  }
0x1: {  	(tag) =	ssettag $0x0;
	lr =	simm.s32 $0x1  }
0x2: {  	[smem:$0x3F9B] =	sst lr;
	_ =	strace $0xD0000000  }
0x3: {  	_ = 	snop  }
0x4: {  	_ = 	snop  }
0x5: {  	_ = 	snop  }
0x6: {  	_ = 	snop  }
0x7: {  	_ = 	snop  }
__scs_overlays_trampoline_lowered:
0x8: {  	[smem:$0x3FAA] =	sst s0  }
0x9: {  	[smem:$0x3FAB] =	sst s1  }
0xa: {  	[smem:$0x3FAC] =	sst s2  }
0xb: {  	[smem:$0x3FAD] =	sst s3  }
0xc: {  	[smem:$0x3FAE] =	sst s4  }
0xd: {  	[smem:$0x3FAF] =	sst s5  }
0xe: {  	[smem:$0x3FB0] =	sst s6  }
0xf: {  	[smem:$0x3FB1] =	sst s7  }
0x10: {  	[smem:$0x3FB2] =	sst s8  }
0x11: {  	[smem:$0x3FB3] =	sst s9;
	s0 =	simm.s32 @!p0 $0x0  }
0x12: {  	s1 =	sld [smem:$0x3F99];
	s0 =	simm.s32 @p0 $0x1  }
0x13: {  	[smem:$0x3FB4] =	sst s0;
	s0 =	simm.s32 @!p1 $0x0  }
0x14: {  	s2 =	sld [smem:$0x3F98];
	s0 =	simm.s32 @p1 $0x1  }
0x15: {  	[smem:$0x3FB5] =	sst s0;
	s0 =	simm.s32 @!p2 $0x0  }
0x16: {  	s3 =	sld [smem:$0x3FDB];
	s0 =	simm.s32 @p2 $0x1  }
0x17: {  	s4 =	simm.s32 $0x1BF5;
	[smem:$0x3FB7] =	sst s0  }
0x18: {  	s0 =	sld [smem:$0x3F9A];
	_ =	swait.ge [sflag:s4], $0x0  }
0x19: {  	s7 =	sld [smem:$0x3F9B]  }
0x1a: {  	s8 =	sadd.s32 $0xFFFFE003, lr  }
0x1b: {  	s9 =	sadd.s32 $0xFFFFFEF7, lr;
	s5 =	simm.s32 $0xFFFFFFFF;
	p2 =	slt.u32 s8, $0xFFFFF086  }
0x1c: {  	p1 =	slt.u32 s9, $0xF7A;
	s5 =	simm.s32 @!p2 $0x0  }
0x1d: {  	s5 =	simm.s32 @p1 $0x1;
	p0 =	seq.s32 s7, s2  }
0x1e: {  	s7 =	smul.u32 @!p0 $0xF7A, s2;
	p2 =	seq.s32 @!p0 s5, $0x0  }
0x1f: {  	s9 =	smul.u32 $0xF7A, s1;
	s8 =	simm.s32 @!p0 $0x1BF5;
	p2 =	por !p2, p0  }
0x20: {  	[sflag:s8] =	ssyncset.s32 @!p0 $0xFFFFF086;
	s6 =	sadd.s32 @!p0 s3, s7;
	s7 =	simm.s32 @!p0 $0x108  }
0x21: {  	s3 =	sadd.s32 s3, s9;
	s6 =	sadd.s32 @!p0 $0x88, s6;
	s7 =	simm.s32 @p2 $0x1082  }
0x22: {  	[simem:s7], [sflag:s8] =	dma.local @!p0 [hbm:s6], $0xF7A  }
0x23: {  	s9 =	sor.u32 $0xD0000000, s2;
	s6 =	simm.s32 $0x108;
	_ =	swait.ge @!p0 [sflag:s8], $0x0  }
0x24: {  	s3 =	sadd.s32 $0x88, s3;
	s6 =	simm.s32 @!p1 $0x1082;
	[sflag:s4] =	ssyncset.s32 $0xFFFFF086  }
0x25: {  	[simem:s6], [sflag:s4] =	dma.local [hbm:s3], $0xF7A  }
0x26: {  	[smem:$0x3F9B] =	sst s1;
	(tag) =	ssettag s2;
	_ =	strace s9  }
0x27: {  	s1 =	sld [smem:$0x3FAB]  }
0x28: {  	s2 =	sld [smem:$0x3FAC]  }
0x29: {  	s4 =	sld [smem:$0x3FAE]  }
0x2a: {  	p0 =	seq.s32 s5, $0x0;
	s5 =	sld [smem:$0x3FAF]  }
0x2b: {  	s6 =	sld [smem:$0x3FB0]  }
0x2c: {  	s7 =	sld [smem:$0x3FB1]  }
0x2d: {  	s3 =	simm.s32 $0x108;
	s8 =	sld [smem:$0x3FB2]  }
0x2e: {  	s3 =	simm.s32 @!p0 $0x1082;
	s9 =	sld [smem:$0x3FB3]  }
0x2f: {  	lr =	sadd.s32 s0, s3;
	s0 =	sld [smem:$0x3FAA]  }
0x30: {  	s3 =	sld [smem:$0x3FAD]  }
0x31: {  	[smem:$0x3FB6] =	sst s10  }
0x32: {  	s10 =	sld [smem:$0x3FB4];
	_ =	sdelay $0x3  }
0x33: {  	p0 =	seq.s32 s10, $0x1;
	s10 =	sld [smem:$0x3FB6];
	_ =	sdelay $0x3  }
0x34: {  	[smem:$0x3FB6] =	sst s10  }
0x35: {  	s10 =	sld [smem:$0x3FB5];
	_ =	sdelay $0x3  }
0x36: {  	p1 =	seq.s32 s10, $0x1;
	s10 =	sld [smem:$0x3FB6];
	_ =	sdelay $0x3  }
0x37: {  	[smem:$0x3FB6] =	sst s10  }
0x38: {  	s10 =	sld [smem:$0x3FB7]  }
0x39: {  	_ = 	snop;
	(pc) =	sbr.ind lr, $3  }
0x3a: {  	_ = 	snop  }
0x3b: {  	_ = 	snop  }
0x3c: {  	p2 =	seq.s32 s10, $0x1;
	s10 =	sld [smem:$0x3FB6]  }
0x3d: {  	_ =	shalt  }
0x3e: {  	_ =	shalt  }
0x3f: {  	_ =	shalt  }
0x40: {  	_ =	shalt  }
0x41: {  	_ =	shalt  }
0x42: {  	_ =	shalt  }
0x43: {  	_ =	shalt  }
0x44: {  	_ =	shalt  }
0x45: {  	_ =	shalt  }
0x46: {  	_ =	shalt  }
0x47: {  	_ =	shalt  }
0x48: {  	_ =	shalt  }
0x49: {  	_ =	shalt  }
0x4a: {  	_ =	shalt  }
0x4b: {  	_ =	shalt  }
0x4c: {  	_ =	shalt  }
0x4d: {  	_ =	shalt  }
0x4e: {  	_ =	shalt  }
0x4f: {  	_ =	shalt  }
0x50: {  	_ =	shalt  }
0x51: {  	_ =	shalt  }
0x52: {  	_ =	shalt  }
0x53: {  	_ =	shalt  }
0x54: {  	_ =	shalt  }
0x55: {  	_ =	shalt  }
0x56: {  	_ =	shalt  }
0x57: {  	_ =	shalt  }
0x58: {  	_ =	shalt  }
0x59: {  	_ =	shalt  }
0x5a: {  	_ =	shalt  }
0x5b: {  	_ =	shalt  }
0x5c: {  	_ =	shalt  }
0x5d: {  	_ =	shalt  }
0x5e: {  	_ =	shalt  }
0x5f: {  	_ =	shalt  }
0x60: {  	_ =	shalt  }
0x61: {  	_ =	shalt  }
0x62: {  	_ =	shalt  }
0x63: {  	_ =	shalt  }
0x64: {  	_ =	shalt  }
0x65: {  	_ =	shalt  }
0x66: {  	_ =	shalt  }
0x67: {  	_ =	shalt  }
0x68: {  	_ =	shalt  }
0x69: {  	_ =	shalt  }
0x6a: {  	_ =	shalt  }
0x6b: {  	_ =	shalt  }
0x6c: {  	_ =	shalt  }
0x6d: {  	_ =	shalt  }
0x6e: {  	_ =	shalt  }
0x6f: {  	_ =	shalt  }
0x70: {  	_ =	shalt  }
0x71: {  	_ =	shalt  }
0x72: {  	_ =	shalt  }
0x73: {  	_ =	shalt  }
0x74: {  	_ =	shalt  }
0x75: {  	_ =	shalt  }
0x76: {  	_ =	shalt  }
0x77: {  	_ =	shalt  }
0x78: {  	_ =	shalt  }
0x79: {  	_ =	shalt  }
0x7a: {  	_ =	shalt  }
0x7b: {  	_ =	shalt  }
0x7c: {  	_ =	shalt  }
0x7d: {  	_ =	shalt  }
0x7e: {  	_ =	shalt  }
0x7f: {  	_ =	shalt  }
0x80: {  	_ =	shalt  }
0x81: {  	_ =	shalt  }
0x82: {  	_ =	shalt  }
0x83: {  	_ =	shalt  }
0x84: {  	_ =	shalt  }
0x85: {  	_ =	shalt  }
0x86: {  	_ =	shalt  }
0x87: {  	_ =	shalt  }
.Lfunc_end0:
.L_simem_size_0:
called_computation_lowered:
.L_overlay_start_0:
0x88: {  	s2 =	sld [smem:$0x3FD9]  }
0x89: {  	s3 =	sld [smem:$0x3FFE];
	_ =	sdelay $0x1  }
0x8a: {  	s1 =	srdreg.scid  }
0x8b: {  	s0 =	sand.u32 $0x1, s1  }
0x8c: {  	s17 =	sshll.u32 s0, $0xA;
	s2 =	sadd.s32 s3, s2  }
0x8d: {  	s2 =	sadd.s32 s2, s17  }
0x8e: {  	[smem:$0x3FC2] =	sst s2  }
0x8f: {  	_ = 	snop  }
0x90: {  	s2 =	sld [smem:$0x3FD0];
	(tm) =	ssettm $0x1  }
0x91: {  	s18 =	sld [smem:$0x3FFB];
	_ =	sdelay $0x3  }
0x92: {  	_ =	strace s18  }
0x93: {  	s3 =	sld [smem:$0x3FFC];
	_ =	sdelay $0x3  }
0x94: {  	_ =	strace s3  }
0x95: {  	s3 =	sld [smem:$0x3FFD];
	_ =	sdelay $0x3  }
0x96: {  	_ =	strace s3  }
0x97: {  	_ =	strace $0x8FFFFFFF  }
0x98: {  	s19 =	sld [smem:$0x3FDB];
	_ =	sdelay $0x1  }
0x99: {  	s4 =	simm.s32 $_scs_section_size  }
0x9a: {  	s5 =	simm.s32 $_size__tile_overlayer_lowered;
	s6 =	simm.s32 $_tile_overlayer_lowered  }
0x9b: {  	s22 =	simm.s32 $0x1BFF;
	s21 =	sshll.u32 s6, $0x1;
	s3 =	sadd.s32 s4, s19  }
0x9c: {  	s7 =	simm.s32 $0x0;
	s20 =	sshll.u32 s5, $0x1;
	s5 =	sadd.s32 s21, s3  }
0x9d: {  	[timem:s7], [sflag:s22] =	dma.local [hbm:s5], s20  }
0x9e: {  	_ =	swait.ge [sflag:s22], s20  }
0x9f: {  	s4 =	ssub.s32 $0x0, s20;
	[sflag:s22] =	ssyncset.done $0x0  }
0xa0: {  	[sflag:s22] =	ssyncadd.s32 s4;
	_ =	sdelay $0x1  }
0xa1: {  	s23 =	simm.s32 $0x1B8B  }
0xa2: {  	_ =	swait.ge [sflag:s23], $0x1  }
0xa3: {  	[sflag:s23] =	ssyncset.done $0x0  }
0xa4: {  	s25 =	simm.s32 $0x1B8E;
	s24 =	sld [smem:$0x3FFE];
	[sflag:s23] =	ssyncadd.s32 $0xFFFFFFFF  }
0xa5: {  	s26 =	simm.s32 $execute0_lowered;
	[smem:$0x3FD2] =	sst s25  }
0xa6: {  	s5 =	sshll.u32 s26, $0x1;
	_ =	strace $0x80000046;
	[dreg:$0x1] =	wrdreg $0xFFFFFFFF  }
0xa7: {  	s28 =	simm.s32 $_size_execute0_lowered;
	s3 =	sadd.s32 s3, s5;
	[dreg:$0x0] =	wrdreg $0x0  }
0xa8: {  	s5 =	sshll.u32 s28, $0x1;
	[dreg:$0x2] =	wrdreg s3  }
0xa9: {  	[dreg:$0x3] =	wrdreg s5  }
0xaa: {  	[dreg:$0x4] =	wrdreg $0xC0  }
0xab: {  	_ =	task [dreg:s7], $0x5FFFF  }
0xac: {  	[dreg:$0x1] =	wrdreg $0xFFFFFFFF  }
0xad: {  	[dreg:$0x0] =	wrdreg $0x60  }
0xae: {  	[dreg:$0x2] =	wrdreg s2  }
0xaf: {  	[dreg:$0x3] =	wrdreg s24  }
0xb0: {  	[dreg:$0x4] =	wrdreg $0xA6800  }
0xb1: {  	[dreg:$0x5] =	wrdreg $0x9  }
0xb2: {  	_ =	task.clear_ibuf [dreg:s7], $0x6FFFF;
	_ =	strace $0x90000046  }
0xb3: {  	s29 =	simm.s32 $0x9;
	_ =	strace $0x80000048  }
0xb4: {  	_ =	swait.ge [sflag:s29], $0x1  }
0xb5: {  	[sflag:s29] =	ssyncadd.s32 $0xFFFFFFFF  }
0xb6: {  	_ =	strace $0x90000048  }
0xb7: {  	_ =	sfence  }
0xb8: {  	s30 =	sld [smem:$0x0];
	_ =	sdelay $0x2  }
0xb9: {  	s31 =	sshll.u32 s1, $0xD;
	s1 =	sshrl.u32 s1, $0x2  }
0xba: {  	s3 =	sand.u32 $0x4000, s31;
	s1 =	sadd.s32 s1, s30  }
0xbb: {  	s0 =	sor.u32 s3, s0;
	s1 =	sshll.u32 s1, $0x11  }
0xbc: {  	s0 =	sor.u32 s1, s0  }
0xbd: {  	s0 =	sadd.s32 $0x8F2B, s0  }
0xbe: {  	[sflag:s0] =	ssyncadd.remote.s32 $0x1  }
0xbf: {  	_ =	sfence.sel $0xFFFF  }
0xc0: {  	[dreg:$0x0] =	wrdreg $0xFFFFFFFF;
	(pc) =	sbr.abs _section_cstart, $3  }
0xc1: {  	[dreg:$0x1] =	wrdreg $0xFFFFFFFF  }
0xc2: {  	_ =	task.clear_ibuf [dreg:s7], $0x2FFFF;
	_ =	strace $0x9FFFFFFF  }
0xc3: {  	(tm) =	ssettm $0x7FFFFFFF  }
tec
execute0_lowered:
.L_overlay_start_1:
0x0: {  	(tag) =	ssettag $0x1  }
0x1: {  	s1 =	rddreg [dreg:$0x0]  }
0x2: {  	s0 =	rddreg [dreg:$0x1]  }
0x3: {  	s2 =	rddreg [dreg:$0x2]  }
0x4: {  	s3 =	simm.s32 $0x0;
	s17 =	srdreg.scid;
	s11 =	stileid.u32  }
0x5: {  	s28 =	simm.s32 $0x2E00;
	s29 =	simm.s32 $0x2880;
	s30 =	simm.s32 $0x2C00  }
0x6: {  	s31 =	simm.s32 $0x7E80;
	[smem:$0x7FF] =	sst s3;
	s16 =	sadd.s32 $0x800, s0  }
0x7: {  	s4 =	sadd.s32 $0xE00, s0;
	s3 =	sand.u32 $0x1, s17;
	s5 =	sadd.s32 $0x3F600, s0  }
0x8: {  	s6 =	smul.u32 $0x50000, s11;
	s19 =	sshll.u32 s11, $0x6;
	s13 =	sadd.s32 $0xE80, s0  }
0x9: {  	s26 =	smul.u32 $0x2800, s11;
	_ =	strace $0x80000047;
	[dreg:$0x4] =	wrdreg s16  }
0xa: {  	[dreg:$0x5] =	wrdreg s5;
	s18 =	sshll.u32 s3, $0x4;
	s7 =	smul.u32 $0x28000, s3  }
0xb: {  	s3 =	ssub.s32 $0x2, s3;
	s16 =	sor.u32 $0x1C07, s19;
	s19 =	simm.s32 $0x7  }
0xc: {  	s5 =	sor.u32 s11, s18;
	s8 =	sshrl.u32 s3, $0x1;
	s6 =	sshrl.u32 s6, $0x2  }
0xd: {  	[dreg:$0x6] =	wrdreg s16;
	s9 =	smul.u32 $0xFA00, s5;
	s7 =	sadd.s32 s7, s0  }
0xe: {  	s3 =	ssub.s32 s3, s8;
	s6 =	sadd.s32 s6, s2;
	s10 =	smul.u32 $0x1F40, s5  }
0xf: {  	s5 =	smul.u32 $0x7D, s5;
	s8 =	simm.s32 $0x0;
	s25 =	sadd.s32 $0x41E00, s7  }
0x10: {  	s3 =	smax.u32 s3, $0x1;
	s7 =	sshrl.u32 s6, $0x3;
	s6 =	simm.s32 $0x3  }
0x11: {  	s9 =	sshrl.u32 s9, $0x3;
	s12 =	sadd.s32 $0x2, s5;
	s14 =	sadd.s32 $0x3, s5  }
0x12: {  	s15 =	sadd.s32 $0x4, s5;
	[dreg:$0xc] =	wrdreg s3;
	s0 =	sadd.s32 s26, s25  }
0x13: {  	s25 =	simm.s32 $0x5680;
	s26 =	simm.s32 $0x1;
	[dreg:$0xd] =	wrdreg s7  }
0x14: {  	s20 =	sadd.s32 s4, s9;
	s4 =	sadd.s32 s4, s10;
	[dreg:$0xe] =	wrdreg s0  }
0x15: {  	s5 =	simm.s32 $0x4;
	[dreg:$0x7] =	wrdreg s4;
	s21 =	sadd.s32 $0x40, s20  }
0x16: {  	s0 =	simm.s32 $0x2;
	s22 =	sadd.s32 $0x80, s20;
	[dreg:$0x8] =	wrdreg s21  }
0x17: {  	s9 =	simm.s32 $0x5;
	s23 =	sadd.s32 $0xC0, s20;
	[dreg:$0x9] =	wrdreg s22  }
0x18: {  	s10 =	simm.s32 $0x6;
	s24 =	sadd.s32 $0x1F00, s20;
	[dreg:$0xa] =	wrdreg s23  }
0x19: {  	s20 =	simm.s32 $0x2800;
	s4 =	simm.s32 $0x2A80;
	[dreg:$0xb] =	wrdreg s24  }
0x1a: {  	s21 =	simm.s32 $0x2A00;
	s22 =	simm.s32 $0x50;
	s23 =	simm.s32 $0x2E80  }
.LBB2_1:
0x1b: {  	s3 =	rddreg [dreg:$0x5]  }
0x1c: {  	[spmem:s7], [sflag:s16] =	dma.local [hbm:s3], $0x2800  }
0x1d: {  	_ =	swait.ge [sflag:s19], $0x2800  }
0x1e: {  	[sflag:s19] =	ssyncset.done $0x0  }
0x1f: {  	s18 =	simm.s32 $0x0;
	s24 =	rddreg [dreg:$0x4];
	[sflag:s19] =	ssyncadd.s32 $0xFFFFD800  }
0x20: {  	[tilespmem:s18], [sflag:$0x7] =	stream.linear.gather [hbm4b:s24+s18], $0x2800, $0x38;
	[tilespmem:$0x1E680] =	vst v63  }
0x21: {  	_ =	swait.ge [sflag:s19], $0x2800  }
0x22: {  	[sflag:s19] =	ssyncset.done $0x0  }
0x23: {  	s7 =	simm.s32 $0x0;
	s3 =	simm.s32 $0x40;
	[sflag:s19] =	ssyncadd.s32 $0xFFFFD800  }
.LBB2_2:
0x24: {  	p0 =	sne.s32 s3, $0x9FC0;
	v0 =	vld [tilespmem:s7+$0x0];
	_ =	sdelay $0x2  }
.Ltmp0:
0x25: {  	(pc) =	sbr.rel @p0 .LBB2_2-.Ltmp0, $4  }
0x26: {  	_ = 	snop  }
0x27: {  	v0 =	vmax.f32 v0, $0.0e+00  }
0x28: {  	v0 =	vmin.f32 v0, $1.000000000e+01  }
0x29: {  	[tilespmem:s7+$0x0] =	vst v0;
	s7 =	sshra.s32 s3, $0x2;
	s3 =	sadd.s32 $0x40, s3  }
0x2a: {  	v0 =	vld [tilespmem:s7+$0x0];
	_ =	sdelay $0x4  }
0x2b: {  	v0 =	vmax.f32 v0, $0.0e+00  }
0x2c: {  	v0 =	vmin.f32 v0, $1.000000000e+01  }
0x2d: {  	[tilespmem:s7+$0x0] =	vst v0  }
0x2e: {  	[bflag:$0x0] =	sbarrier.arrive $0xFFFF  }
0x2f: {  	s17 =	simm.s32 $0x0;
	s3 =	rddreg [dreg:$0x7]  }
0x30: {  	[tilespmem:s20], [sflag:$0x7] =	stream.linear.gather [hbm4b:s3+s17], $0x180, $0x38;
	[tilespmem:$0x1E680] =	vst v63  }
0x31: {  	_ =	swait.ge [sflag:s19], $0x180  }
0x32: {  	[sflag:s19] =	ssyncset.done $0x0  }
0x33: {  	s18 =	rddreg [dreg:$0x8];
	[sflag:s19] =	ssyncadd.s32 $0xFFFFFE80  }
0x34: {  	[tilespmem:s21], [sflag:$0x7] =	stream.linear.gather [hbm4b:s18+s17], $0x180, $0x38;
	[tilespmem:$0x1E680] =	vst v63  }
0x35: {  	_ =	swait.ge [sflag:s19], $0x180  }
0x36: {  	[sflag:s19] =	ssyncset.done $0x0  }
0x37: {  	[sflag:s19] =	ssyncadd.s32 $0xFFFFFE80  }
0x38: {  	[tilespmem:s23], [sflag:$0x1] =	stream.indirect.gather [hbm4b:s1+s22], $0x80, s20, s22, $0xb8;
	[tilespmem:$0x1E680] =	vst v63  }
0x39: {  	_ = 	snop  }
0x3a: {  	[tilespmem:s25], [sflag:$0x2] =	stream.indirect.gather [hbm4b:s1+s22], $0x80, s21, s22, $0xb8;
	[tilespmem:$0x1E680] =	vst v63  }
0x3b: {  	_ =	swait.ge [sflag:s26], $0x2800  }
0x3c: {  	[sflag:s26] =	ssyncset.done $0x0  }
0x3d: {  	[sflag:s26] =	ssyncadd.s32 $0xFFFFD800  }
0x3e: {  	v0 =	vld [tilespmem:$0x2800]  }
0x3f: {  	v1 =	vld [tilespmem:$0x2880];
	_ =	sdelay $0x6  }
0x40: {  	v0 =	vld.idx.msk [tilespmem:v0+s17+$0x0], $0xffff  }
0x41: {  	v1 =	vld.idx.msk [tilespmem:v1+s17+$0x0], $0xffff;
	_ =	sdelay $0x4  }
0x42: {  	v0 =	vadd.f32 v1, v0;
	_ =	sdelay $0x1  }
0x43: {  	v0 =	vmul.f32 $1.442695020e+00, v0;
	_ =	sdelay $0x1  }
0x44: {  	(erf) = vpow2.f32 v0;
	_ =	sdelay $0x8  }
0x45: {  	v0 =	vpop (erf)  }
0x46: {  	v0 =	vadd.f32 $1.000000000e+00, v0;
	_ =	sdelay $0x1  }
0x47: {  	(erf) = vrcp.f32 v0;
	_ =	sdelay $0x3  }
0x48: {  	v1 =	vld [tilespmem:$0x2810]  }
0x49: {  	v0 =	vld [tilespmem:$0x2900]  }
0x4a: {  	v2 =	vld [tilespmem:$0x2890];
	_ =	sdelay $0x2  }
0x4b: {  	v3 =	vpop (erf)  }
0x4c: {  	v0 =	vmul.f32 v3, v0;
	_ =	sdelay $0x1  }
0x4d: {  	[tilespmem:$0x2E00] =	vst v0  }
0x4e: {  	v0 =	vld.idx.msk [tilespmem:v1+s17+$0x0], $0xffff  }
0x4f: {  	v1 =	vld.idx.msk [tilespmem:v2+s17+$0x0], $0xffff;
	_ =	sdelay $0x4  }
0x50: {  	v0 =	vadd.f32 v1, v0;
	_ =	sdelay $0x1  }
0x51: {  	v0 =	vmul.f32 $1.442695020e+00, v0;
	_ =	sdelay $0x1  }
0x52: {  	(erf) = vpow2.f32 v0;
	_ =	sdelay $0x8  }
0x53: {  	v0 =	vpop (erf)  }
0x54: {  	v0 =	vadd.f32 $1.000000000e+00, v0;
	_ =	sdelay $0x1  }
0x55: {  	(erf) = vrcp.f32 v0;
	_ =	sdelay $0x3  }
0x56: {  	v1 =	vld [tilespmem:$0x2820]  }
0x57: {  	v0 =	vld [tilespmem:$0x2910]  }
0x58: {  	v2 =	vld [tilespmem:$0x28A0];
	_ =	sdelay $0x2  }
0x59: {  	v3 =	vpop (erf)  }
0x5a: {  	v0 =	vmul.f32 v3, v0;
	_ =	sdelay $0x1  }
0x5b: {  	[tilespmem:$0x2E10] =	vst v0  }
0x5c: {  	v0 =	vld.idx.msk [tilespmem:v1+s17+$0x0], $0xffff  }
0x5d: {  	v1 =	vld.idx.msk [tilespmem:v2+s17+$0x0], $0xffff;
	_ =	sdelay $0x4  }
0x5e: {  	v0 =	vadd.f32 v1, v0;
	_ =	sdelay $0x1  }
0x5f: {  	v0 =	vmul.f32 $1.442695020e+00, v0;
	_ =	sdelay $0x1  }
0x60: {  	(erf) = vpow2.f32 v0;
	_ =	sdelay $0x8  }
0x61: {  	v0 =	vpop (erf)  }
0x62: {  	v0 =	vadd.f32 $1.000000000e+00, v0;
	_ =	sdelay $0x1  }
0x63: {  	(erf) = vrcp.f32 v0;
	_ =	sdelay $0x3  }
0x64: {  	v1 =	vld [tilespmem:$0x2830]  }
0x65: {  	v0 =	vld [tilespmem:$0x2920]  }
0x66: {  	v2 =	vld [tilespmem:$0x28B0];
	_ =	sdelay $0x2  }
0x67: {  	v3 =	vpop (erf)  }
0x68: {  	v0 =	vmul.f32 v3, v0;
	_ =	sdelay $0x1  }
0x69: {  	[tilespmem:$0x2E20] =	vst v0  }
0x6a: {  	v0 =	vld.idx.msk [tilespmem:v1+s17+$0x0], $0xffff  }
0x6b: {  	v1 =	vld.idx.msk [tilespmem:v2+s17+$0x0], $0xffff;
	_ =	sdelay $0x4  }
0x6c: {  	v0 =	vadd.f32 v1, v0;
	_ =	sdelay $0x1  }
0x6d: {  	v0 =	vmul.f32 $1.442695020e+00, v0;
	_ =	sdelay $0x1  }
0x6e: {  	(erf) = vpow2.f32 v0;
	_ =	sdelay $0x8  }
0x6f: {  	v0 =	vpop (erf)  }
0x70: {  	v0 =	vadd.f32 $1.000000000e+00, v0;
	_ =	sdelay $0x1  }
0x71: {  	(erf) = vrcp.f32 v0;
	_ =	sdelay $0x3  }
0x72: {  	v1 =	vld [tilespmem:$0x2840]  }
0x73: {  	v0 =	vld [tilespmem:$0x2930]  }
0x74: {  	v2 =	vld [tilespmem:$0x28C0];
	_ =	sdelay $0x2  }
0x75: {  	v3 =	vpop (erf)  }
0x76: {  	v0 =	vmul.f32 v3, v0;
	_ =	sdelay $0x1  }
0x77: {  	[tilespmem:$0x2E30] =	vst v0  }
0x78: {  	v0 =	vld.idx.msk [tilespmem:v1+s17+$0x0], $0xffff  }
0x79: {  	v1 =	vld.idx.msk [tilespmem:v2+s17+$0x0], $0xffff;
	_ =	sdelay $0x4  }
0x7a: {  	v0 =	vadd.f32 v1, v0;
	_ =	sdelay $0x1  }
0x7b: {  	v0 =	vmul.f32 $1.442695020e+00, v0;
	_ =	sdelay $0x1  }
0x7c: {  	(erf) = vpow2.f32 v0;
	_ =	sdelay $0x8  }
0x7d: {  	v0 =	vpop (erf)  }
0x7e: {  	v0 =	vadd.f32 $1.000000000e+00, v0;
	_ =	sdelay $0x1  }
0x7f: {  	(erf) = vrcp.f32 v0;
	_ =	sdelay $0x4  }
0x80: {  	s24 =	simm.s32 $0x2;
	v1 =	vmov s17;
	v0 =	vld [tilespmem:$0x2940]  }
0x81: {  	v2 =	vmov s24;
	v1 =	vand.u32 $0xFFFFFFFC, v1  }
0x82: {  	v2 =	vand.u32 $0xFFFFFFFE, v2;
	v1 =	vbroadcast v1, $0x0  }
0x83: {  	v2 =	vbroadcast v2, $0x0  }
0x84: {  	v3 =	vpop (erf)  }
0x85: {  	v0 =	vmul.f32 v3, v0;
	_ =	sdelay $0x1  }
0x86: {  	[tilespmem:$0x2E40] =	vst v0  }
0x87: {  	v0 =	vld.idx.msk [tilespmem:v1+s28+$0x0], $0xffff  }
0x88: {  	s16 =	simm.s32 $0x2F80;
	v1 =	vld.idx.msk [tilespmem:v2+s28+$0x0], $0xffff  }
0x89: {  	v3 =	vld [tilespmem:s16+$0x70]  }
0x8a: {  	v4 =	vld [tilespmem:s16+$0xFFFFFF00]  }
0x8b: {  	s7 =	simm.s32 $0x1;
	v5 =	vld [tilespmem:s16+$0xFFFFFF10]  }
0x8c: {  	v2 =	vmov s7;
	v6 =	vld [tilespmem:s16+$0xFFFFFF20]  }
0x8d: {  	v7 =	vld [tilespmem:s16+$0xFFFFFF30];
	v2 =	vand.u32 $0xFFFFFFFD, v2  }
0x8e: {  	v8 =	vld [tilespmem:s16+$0xFFFFFF40];
	v2 =	vbroadcast v2, $0x0  }
0x8f: {  	v9 =	vld [tilespmem:s16+$0xFFFFFF50]  }
0x90: {  	v10 =	vld [tilespmem:s16+$0xFFFFFF60];
	v4 =	vmul.f32 v4, v0  }
0x91: {  	v12 =	vld [tilespmem:s16+$0x40];
	v3 =	vmul.f32 v3, v1  }
0x92: {  	[tilespmem:s16+$0xFFFFFF00] =	vst v4;
	v4 =	vmul.f32 v5, v0;
	v5 =	vld [tilespmem:s16+$0xFFFFFF70]  }
0x93: {  	[tilespmem:s16+$0x70] =	vst v3;
	v3 =	vmul.f32 v6, v0;
	v6 =	vld [tilespmem:s16+$0xFFFFFF80]  }
0x94: {  	v2 =	vld.idx.msk [tilespmem:v2+s28+$0x0], $0xffff;
	[tilespmem:s16+$0xFFFFFF10] =	vst v4;
	v4 =	vmul.f32 v7, v0  }
0x95: {  	v7 =	vld [tilespmem:s16+$0xFFFFFF90];
	[tilespmem:s16+$0xFFFFFF20] =	vst v3;
	v3 =	vmul.f32 v8, v0  }
0x96: {  	v8 =	vld [tilespmem:s16+$0xFFFFFFA0];
	[tilespmem:s16+$0xFFFFFF30] =	vst v4;
	v4 =	vmul.f32 v9, v0  }
0x97: {  	v9 =	vld [tilespmem:s16+$0xFFFFFFB0];
	[tilespmem:s16+$0xFFFFFF40] =	vst v3;
	v3 =	vmul.f32 v10, v0  }
0x98: {  	v10 =	vld [tilespmem:s16+$0xFFFFFFC0];
	v5 =	vmul.f32 v5, v0;
	[tilespmem:s16+$0xFFFFFF50] =	vst v4  }
0x99: {  	v4 =	vmul.f32 v6, v2;
	v6 =	vld [tilespmem:s16+$0xFFFFFFD0];
	[tilespmem:s16+$0xFFFFFF60] =	vst v3  }
0x9a: {  	s11 =	simm.s32 $0x3;
	v3 =	vld [tilespmem:s16+$0xFFFFFFE0];
	v7 =	vmul.f32 v7, v2;
	[tilespmem:s16+$0xFFFFFF70] =	vst v5  }
0x9b: {  	v11 =	vmov s11;
	v5 =	vld [tilespmem:s16+$0xFFFFFFF0];
	[tilespmem:s16+$0xFFFFFF80] =	vst v4;
	v4 =	vmul.f32 v8, v2  }
0x9c: {  	v8 =	vld [tilespmem:s16+$0x0];
	[tilespmem:s16+$0xFFFFFF90] =	vst v7;
	v7 =	vmul.f32 v9, v2  }
0x9d: {  	v9 =	vld [tilespmem:s16+$0x10];
	[tilespmem:s16+$0xFFFFFFA0] =	vst v4;
	v4 =	vmul.f32 v10, v2  }
0x9e: {  	[tilespmem:s16+$0xFFFFFFB0] =	vst v7;
	v6 =	vmul.f32 v6, v2;
	v7 =	vld [tilespmem:s16+$0x20]  }
0x9f: {  	v10 =	vld [tilespmem:s16+$0x30];
	v3 =	vmul.f32 v3, v2;
	[tilespmem:s16+$0xFFFFFFC0] =	vst v4  }
0xa0: {  	v0 =	vld.idx.msk [tilespmem:v11+s28+$0x0], $0xffff;
	v2 =	vmul.f32 v5, v2;
	[tilespmem:s16+$0xFFFFFFD0] =	vst v6  }
0xa1: {  	[tilespmem:s16+$0xFFFFFFE0] =	vst v3;
	v4 =	vmul.f32 v8, v1;
	v3 =	vld [tilespmem:s16+$0x50]  }
0xa2: {  	s17 =	simm.s32 $0x4;
	[tilespmem:s16+$0xFFFFFFF0] =	vst v2;
	v5 =	vmul.f32 v9, v1;
	v2 =	vld [tilespmem:s16+$0x60]  }
0xa3: {  	s18 =	simm.s32 $0x7;
	v6 =	vmov s17;
	[tilespmem:s16+$0x0] =	vst v4;
	v8 =	vmul.f32 v7, v1;
	v7 =	vld [tilespmem:s16+$0x80]  }
0xa4: {  	s24 =	simm.s32 $0x5;
	v11 =	vand.u32 $0xFFFFFFFC, v6;
	v6 =	vld [tilespmem:s16+$0x90];
	v4 =	vmov s18;
	v9 =	vmul.f32 v10, v1;
	[tilespmem:s16+$0x10] =	vst v5  }
0xa5: {  	s11 =	simm.s32 $0x6;
	s7 =	simm.s32 $0x2F80;
	s17 =	simm.s32 $0x8;
	v10 =	vmul.f32 v12, v1;
	v5 =	vbroadcast v11, $0x0;
	v11 =	vmov s24;
	[tilespmem:s16+$0x20] =	vst v8;
	v8 =	vld [tilespmem:s16+$0xA0]  }
.LBB2_4:
0xa6: {  	p0 =	slt.u32 s17, $0x4C;
	v11 =	vand.u32 $0xFFFFFFFD, v11;
	v12 =	vmov s11;
	[tilespmem:s16+$0x30] =	vst v9;
	v3 =	vmul.f32 v3, v1;
	v9 =	vld [tilespmem:s16+$0xB0]  }
0xa7: {  	v11 =	vbroadcast v11, $0x0;
	v12 =	vand.u32 $0xFFFFFFFE, v12;
	[tilespmem:s16+$0x40] =	vst v10;
	v1 =	vmul.f32 v2, v1;
	v2 =	vld [tilespmem:s16+$0xC0]  }
0xa8: {  	v10 =	vbroadcast v12, $0x0;
	[tilespmem:s16+$0x50] =	vst v3;
	v3 =	vmul.f32 v7, v0;
	v7 =	vld [tilespmem:s16+$0xD0]  }
0xa9: {  	[tilespmem:s16+$0x60] =	vst v1;
	v1 =	vmul.f32 v6, v0;
	v6 =	vld [tilespmem:s16+$0xE0]  }
0xaa: {  	[tilespmem:s16+$0x80] =	vst v3;
	v3 =	vmul.f32 v8, v0;
	v8 =	vld [tilespmem:s16+$0xF0]  }
0xab: {  	v4 =	vld.idx.msk [tilespmem:v4+s28+$0x0], $0xffff;
	[tilespmem:s16+$0x90] =	vst v1;
	v1 =	vmul.f32 v9, v0  }
0xac: {  	v5 =	vld.idx.msk [tilespmem:v5+s28+$0x0], $0xffff;
	[tilespmem:s16+$0xA0] =	vst v3;
	v2 =	vmul.f32 v2, v0  }
0xad: {  	v3 =	vld.idx.msk [tilespmem:v11+s28+$0x0], $0xffff;
	[tilespmem:s16+$0xB0] =	vst v1;
	v7 =	vmul.f32 v7, v0  }
0xae: {  	s16 =	sadd.s32 $0x200, s16;
	v1 =	vld.idx.msk [tilespmem:v10+s28+$0x0], $0xffff;
	[tilespmem:s7+$0xC0] =	vst v2;
	v2 =	vmul.f32 v6, v0  }
0xaf: {  	v6 =	vld [tilespmem:s16+$0x70];
	[tilespmem:s7+$0xD0] =	vst v7;
	v8 =	vmul.f32 v8, v0  }
0xb0: {  	v7 =	vld [tilespmem:s16+$0xFFFFFF00];
	[tilespmem:s7+$0xE0] =	vst v2  }
0xb1: {  	v0 =	vmov v4;
	v2 =	vld [tilespmem:s16+$0xFFFFFF10];
	[tilespmem:s7+$0xF0] =	vst v8;
	s7 =	smov.u32 s16  }
0xb2: {  	v4 =	vld [tilespmem:s16+$0xFFFFFF20]  }
0xb3: {  	v8 =	vld [tilespmem:s16+$0xFFFFFF30]  }
0xb4: {  	v9 =	vld [tilespmem:s16+$0xFFFFFF40];
	v6 =	vmul.f32 v6, v1  }
0xb5: {  	v7 =	vmul.f32 v7, v5;
	v10 =	vld [tilespmem:s16+$0xFFFFFF50]  }
0xb6: {  	v2 =	vmul.f32 v2, v5;
	v11 =	vld [tilespmem:s16+$0xFFFFFF60];
	[tilespmem:s16+$0x70] =	vst v6  }
0xb7: {  	[tilespmem:s16+$0xFFFFFF00] =	vst v7;
	v4 =	vmul.f32 v4, v5;
	v6 =	vld [tilespmem:s16+$0xFFFFFF70]  }
0xb8: {  	[tilespmem:s16+$0xFFFFFF10] =	vst v2;
	v2 =	vmul.f32 v8, v5;
	v7 =	vld [tilespmem:s16+$0xFFFFFF80]  }
0xb9: {  	[tilespmem:s16+$0xFFFFFF20] =	vst v4;
	v4 =	vmul.f32 v9, v5;
	v8 =	vld [tilespmem:s16+$0xFFFFFF90]  }
0xba: {  	[tilespmem:s16+$0xFFFFFF30] =	vst v2;
	v2 =	vmul.f32 v10, v5;
	v9 =	vld [tilespmem:s16+$0xFFFFFFA0]  }
0xbb: {  	[tilespmem:s16+$0xFFFFFF40] =	vst v4;
	v4 =	vmul.f32 v11, v5;
	v10 =	vld [tilespmem:s16+$0xFFFFFFB0]  }
0xbc: {  	[tilespmem:s16+$0xFFFFFF50] =	vst v2;
	v2 =	vmul.f32 v6, v5;
	v5 =	vld [tilespmem:s16+$0xFFFFFFC0]  }
0xbd: {  	[tilespmem:s16+$0xFFFFFF60] =	vst v4;
	v4 =	vmul.f32 v7, v3;
	v6 =	vld [tilespmem:s16+$0xFFFFFFD0]  }
0xbe: {  	[tilespmem:s16+$0xFFFFFF70] =	vst v2;
	v2 =	vmul.f32 v8, v3;
	v7 =	vld [tilespmem:s16+$0xFFFFFFE0]  }
0xbf: {  	[tilespmem:s16+$0xFFFFFF80] =	vst v4;
	v4 =	vmul.f32 v9, v3;
	v8 =	vld [tilespmem:s16+$0xFFFFFFF0]  }
0xc0: {  	[tilespmem:s16+$0xFFFFFF90] =	vst v2;
	v2 =	vmul.f32 v10, v3;
	v9 =	vld [tilespmem:s16+$0x0]  }
0xc1: {  	[tilespmem:s16+$0xFFFFFFA0] =	vst v4;
	v4 =	vmul.f32 v5, v3;
	v5 =	vld [tilespmem:s16+$0x10]  }
0xc2: {  	[tilespmem:s16+$0xFFFFFFB0] =	vst v2;
	v2 =	vmul.f32 v6, v3;
	v6 =	vld [tilespmem:s16+$0x20]  }
0xc3: {  	[tilespmem:s16+$0xFFFFFFC0] =	vst v4;
	v4 =	vmul.f32 v7, v3;
	v10 =	vld [tilespmem:s16+$0x30]  }
0xc4: {  	[tilespmem:s16+$0xFFFFFFD0] =	vst v2;
	v2 =	vmul.f32 v8, v3;
	v8 =	vld [tilespmem:s16+$0x40]  }
.Ltmp1:
0xc5: {  	[tilespmem:s16+$0xFFFFFFE0] =	vst v4;
	v4 =	vmul.f32 v9, v1;
	v3 =	vld [tilespmem:s16+$0x50];
	(pc) =	sbr.rel @p0 .LBB2_4-.Ltmp1, $4  }
0xc6: {  	[tilespmem:s16+$0xFFFFFFF0] =	vst v2;
	v5 =	vmul.f32 v5, v1;
	v2 =	vld [tilespmem:s16+$0x60]  }
0xc7: {  	s3 =	sadd.s32 $0x3, s17;
	v9 =	vmov s17;
	[tilespmem:s16+$0x0] =	vst v4;
	v12 =	vmul.f32 v6, v1;
	v7 =	vld [tilespmem:s16+$0x80]  }
0xc8: {  	s11 =	sadd.s32 $0x1, s17;
	v11 =	vand.u32 $0xFFFFFFFC, v9;
	v4 =	vmov s3;
	[tilespmem:s16+$0x10] =	vst v5;
	v9 =	vmul.f32 v10, v1;
	v6 =	vld [tilespmem:s16+$0x90]  }
0xc9: {  	v5 =	vbroadcast v11, $0x0;
	v11 =	vmov s11;
	s11 =	sadd.s32 $0x2, s17;
	s17 =	sadd.s32 $0x4, s17;
	[tilespmem:s16+$0x20] =	vst v12;
	v10 =	vmul.f32 v8, v1;
	v8 =	vld [tilespmem:s16+$0xA0]  }
0xca: {  	v12 =	vld [tilespmem:s16+$0xB0]  }
0xcb: {  	v14 =	vld [tilespmem:s16+$0xC0]  }
0xcc: {  	v13 =	vmov s11;
	v15 =	vld [tilespmem:s16+$0xD0]  }
0xcd: {  	v16 =	vld [tilespmem:s16+$0xE0];
	[tilespmem:s16+$0x30] =	vst v9;
	v3 =	vmul.f32 v3, v1;
	v13 =	vand.u32 $0xFFFFFFFE, v13  }
0xce: {  	v11 =	vand.u32 $0xFFFFFFFD, v11;
	v4 =	vld.idx.msk [tilespmem:v4+s28+$0x0], $0xffff;
	[tilespmem:s16+$0x40] =	vst v10;
	v1 =	vmul.f32 v2, v1;
	v13 =	vbroadcast v13, $0x0  }
0xcf: {  	s17 =	sadd.s32 $0x200, s16;
	v11 =	vbroadcast v11, $0x0;
	v2 =	vld.idx.msk [tilespmem:v5+s28+$0x0], $0xffff;
	v7 =	vmul.f32 v7, v0;
	[tilespmem:s16+$0x50] =	vst v3  }
0xd0: {  	v9 =	vld [tilespmem:s17+$0xFFFFFF00];
	v3 =	vmul.f32 v6, v0;
	[tilespmem:s16+$0x60] =	vst v1  }
0xd1: {  	[tilespmem:s16+$0x80] =	vst v7;
	v7 =	vld [tilespmem:s16+$0xF0];
	v1 =	vmul.f32 v8, v0  }
0xd2: {  	v10 =	vld [tilespmem:s17+$0xFFFFFF10];
	[tilespmem:s16+$0x90] =	vst v3;
	v3 =	vmul.f32 v12, v0  }
0xd3: {  	v8 =	vld [tilespmem:s17+$0x70];
	[tilespmem:s16+$0xA0] =	vst v1;
	v1 =	vmul.f32 v14, v0  }
0xd4: {  	[tilespmem:s16+$0xB0] =	vst v3;
	v3 =	vmul.f32 v15, v0;
	v6 =	vld.idx.msk [tilespmem:v13+s28+$0x0], $0xffff  }
0xd5: {  	v5 =	vld.idx.msk [tilespmem:v11+s28+$0x0], $0xffff;
	[tilespmem:s7+$0xC0] =	vst v1;
	v1 =	vmul.f32 v16, v0  }
0xd6: {  	v11 =	vld [tilespmem:s17+$0xFFFFFF20];
	[tilespmem:s7+$0xD0] =	vst v3;
	v0 =	vmul.f32 v7, v0  }
0xd7: {  	v3 =	vld [tilespmem:s17+$0xFFFFFF30];
	[tilespmem:s7+$0xE0] =	vst v1  }
0xd8: {  	v1 =	vld [tilespmem:s17+$0xFFFFFF40];
	[tilespmem:s7+$0xF0] =	vst v0;
	v0 =	vmul.f32 v9, v2  }
0xd9: {  	v7 =	vmul.f32 v8, v6;
	v8 =	vld [tilespmem:s17+$0xFFFFFF50]  }
0xda: {  	v9 =	vmul.f32 v10, v2;
	v10 =	vld [tilespmem:s17+$0xFFFFFF60];
	[tilespmem:s17+$0xFFFFFF00] =	vst v0  }
0xdb: {  	v0 =	vmul.f32 v11, v2;
	[tilespmem:s17+$0x70] =	vst v7;
	v7 =	vld [tilespmem:s17+$0xFFFFFF70]  }
0xdc: {  	[tilespmem:s17+$0xFFFFFF10] =	vst v9;
	v9 =	vld [tilespmem:s17+$0xFFFFFF80];
	v3 =	vmul.f32 v3, v2  }
0xdd: {  	[tilespmem:s17+$0xFFFFFF20] =	vst v0;
	v0 =	vmul.f32 v1, v2;
	v1 =	vld [tilespmem:s17+$0xFFFFFF90]  }
0xde: {  	[tilespmem:s17+$0xFFFFFF30] =	vst v3;
	v3 =	vmul.f32 v8, v2;
	v8 =	vld [tilespmem:s17+$0xFFFFFFA0]  }
0xdf: {  	[tilespmem:s17+$0xFFFFFF40] =	vst v0;
	v0 =	vmul.f32 v10, v2;
	v10 =	vld [tilespmem:s17+$0xFFFFFFB0]  }
0xe0: {  	[tilespmem:s17+$0xFFFFFF50] =	vst v3;
	v2 =	vmul.f32 v7, v2;
	v3 =	vld [tilespmem:s17+$0xFFFFFFC0]  }
0xe1: {  	[tilespmem:s17+$0xFFFFFF60] =	vst v0;
	v0 =	vmul.f32 v9, v5;
	v7 =	vld [tilespmem:s17+$0xFFFFFFD0]  }
0xe2: {  	v1 =	vmul.f32 v1, v5;
	[tilespmem:s17+$0xFFFFFF70] =	vst v2;
	v2 =	vld [tilespmem:s17+$0xFFFFFFE0]  }
0xe3: {  	[tilespmem:s17+$0xFFFFFF80] =	vst v0;
	v0 =	vmul.f32 v8, v5;
	v8 =	vld [tilespmem:s17+$0xFFFFFFF0]  }
0xe4: {  	v9 =	vld [tilespmem:s17+$0x0];
	[tilespmem:s17+$0xFFFFFF90] =	vst v1;
	v1 =	vmul.f32 v10, v5  }
0xe5: {  	[tilespmem:s17+$0xFFFFFFA0] =	vst v0;
	v0 =	vmul.f32 v3, v5;
	v3 =	vld [tilespmem:s17+$0x10]  }
0xe6: {  	[tilespmem:s17+$0xFFFFFFB0] =	vst v1;
	v1 =	vmul.f32 v7, v5;
	v7 =	vld [tilespmem:s17+$0x20]  }
0xe7: {  	[tilespmem:s17+$0xFFFFFFC0] =	vst v0;
	v0 =	vmul.f32 v2, v5;
	v2 =	vld [tilespmem:s17+$0x30]  }
0xe8: {  	[tilespmem:s17+$0xFFFFFFD0] =	vst v1;
	v1 =	vmul.f32 v8, v5;
	v5 =	vld [tilespmem:s17+$0x40]  }
0xe9: {  	v8 =	vld [tilespmem:s17+$0x50];
	[tilespmem:s17+$0xFFFFFFE0] =	vst v0;
	v0 =	vmul.f32 v9, v6  }
0xea: {  	[tilespmem:s17+$0xFFFFFFF0] =	vst v1;
	v1 =	vmul.f32 v3, v6;
	v3 =	vld [tilespmem:s17+$0x60]  }
0xeb: {  	[tilespmem:s17+$0x0] =	vst v0;
	v0 =	vmul.f32 v7, v6;
	v7 =	vld [tilespmem:s17+$0x80]  }
0xec: {  	[tilespmem:s17+$0x10] =	vst v1;
	v1 =	vmul.f32 v2, v6;
	v2 =	vld [tilespmem:s17+$0x90]  }
0xed: {  	[tilespmem:s17+$0x20] =	vst v0;
	v0 =	vmul.f32 v5, v6;
	v5 =	vld [tilespmem:s17+$0xA0]  }
0xee: {  	[tilespmem:s17+$0x30] =	vst v1;
	v1 =	vmul.f32 v8, v6;
	v8 =	vld [tilespmem:s17+$0xB0]  }
0xef: {  	[tilespmem:s17+$0x40] =	vst v0;
	v0 =	vmul.f32 v3, v6;
	v3 =	vld [tilespmem:s17+$0xC0]  }
0xf0: {  	v6 =	vld [tilespmem:s17+$0xD0];
	[tilespmem:s17+$0x50] =	vst v1;
	v1 =	vmul.f32 v7, v4  }
0xf1: {  	[tilespmem:s17+$0x60] =	vst v0;
	v0 =	vmul.f32 v2, v4;
	v2 =	vld [tilespmem:s17+$0xE0]  }
0xf2: {  	[tilespmem:s17+$0x80] =	vst v1;
	v1 =	vmul.f32 v5, v4;
	v5 =	vld [tilespmem:s17+$0xF0]  }
0xf3: {  	[tilespmem:s17+$0x90] =	vst v0;
	v0 =	vmul.f32 v8, v4  }
0xf4: {  	[tilespmem:s17+$0xA0] =	vst v1;
	v1 =	vmul.f32 v3, v4  }
0xf5: {  	[tilespmem:s17+$0xB0] =	vst v0;
	v0 =	vmul.f32 v6, v4  }
0xf6: {  	[tilespmem:s17+$0xC0] =	vst v1;
	v1 =	vmul.f32 v2, v4  }
0xf7: {  	[tilespmem:s17+$0xD0] =	vst v0;
	v0 =	vmul.f32 v5, v4  }
0xf8: {  	[tilespmem:s17+$0xE0] =	vst v1  }
0xf9: {  	[tilespmem:s17+$0xF0] =	vst v0  }
0xfa: {  	[spmem:s2] =	stream.indirect.scatter.add.f32 [tilespmem:s23], [sflag:$0x4], $0x80, s29, s22, $0xb8;
	[tilespmem:$0x1E680] =	vst v63  }
0xfb: {  	s18 =	simm.s32 $0x0;
	s3 =	rddreg [dreg:$0x9]  }
0xfc: {  	[tilespmem:s30], [sflag:$0x7] =	stream.linear.gather [hbm4b:s3+s18], $0x180, $0x38;
	[tilespmem:$0x1E680] =	vst v63  }
0xfd: {  	_ =	swait.ge [sflag:s19], $0x180  }
0xfe: {  	[sflag:s19] =	ssyncset.done $0x0  }
0xff: {  	[sflag:s19] =	ssyncadd.s32 $0xFFFFFE80  }
0x100: {  	[tilespmem:s31], [sflag:$0x3] =	stream.indirect.gather [hbm4b:s1+s22], $0x80, s30, s22, $0xb8;
	[tilespmem:$0x1E680] =	vst v63  }
0x101: {  	_ =	swait.ge [sflag:s0], $0x2800  }
0x102: {  	[sflag:s0] =	ssyncset.done $0x0  }
0x103: {  	[sflag:s0] =	ssyncadd.s32 $0xFFFFD800  }
0x104: {  	v0 =	vld [tilespmem:$0x2A00]  }
0x105: {  	v1 =	vld [tilespmem:$0x2A80];
	_ =	sdelay $0x6  }
0x106: {  	v0 =	vld.idx.msk [tilespmem:v0+s18+$0x0], $0xffff  }
0x107: {  	v1 =	vld.idx.msk [tilespmem:v1+s18+$0x0], $0xffff;
	_ =	sdelay $0x4  }
0x108: {  	v0 =	vadd.f32 v1, v0;
	_ =	sdelay $0x1  }
0x109: {  	v0 =	vmul.f32 $1.442695020e+00, v0;
	_ =	sdelay $0x1  }
0x10a: {  	(erf) = vpow2.f32 v0;
	_ =	sdelay $0x8  }
0x10b: {  	v0 =	vpop (erf)  }
0x10c: {  	v0 =	vadd.f32 $1.000000000e+00, v0;
	_ =	sdelay $0x1  }
0x10d: {  	(erf) = vrcp.f32 v0;
	_ =	sdelay $0x3  }
0x10e: {  	v1 =	vld [tilespmem:$0x2A10]  }
0x10f: {  	v0 =	vld [tilespmem:$0x2B00]  }
0x110: {  	v2 =	vld [tilespmem:$0x2A90];
	_ =	sdelay $0x2  }
0x111: {  	v3 =	vpop (erf)  }
0x112: {  	v0 =	vmul.f32 v3, v0;
	_ =	sdelay $0x1  }
0x113: {  	[tilespmem:$0x2E00] =	vst v0  }
0x114: {  	v0 =	vld.idx.msk [tilespmem:v1+s18+$0x0], $0xffff  }
0x115: {  	v1 =	vld.idx.msk [tilespmem:v2+s18+$0x0], $0xffff;
	_ =	sdelay $0x4  }
0x116: {  	v0 =	vadd.f32 v1, v0;
	_ =	sdelay $0x1  }
0x117: {  	v0 =	vmul.f32 $1.442695020e+00, v0;
	_ =	sdelay $0x1  }
0x118: {  	(erf) = vpow2.f32 v0;
	_ =	sdelay $0x8  }
0x119: {  	v0 =	vpop (erf)  }
0x11a: {  	v0 =	vadd.f32 $1.000000000e+00, v0;
	_ =	sdelay $0x1  }
0x11b: {  	(erf) = vrcp.f32 v0;
	_ =	sdelay $0x3  }
0x11c: {  	v1 =	vld [tilespmem:$0x2A20]  }
0x11d: {  	v0 =	vld [tilespmem:$0x2B10]  }
0x11e: {  	v2 =	vld [tilespmem:$0x2AA0];
	_ =	sdelay $0x2  }
0x11f: {  	v3 =	vpop (erf)  }
0x120: {  	v0 =	vmul.f32 v3, v0;
	_ =	sdelay $0x1  }
0x121: {  	[tilespmem:$0x2E10] =	vst v0  }
0x122: {  	v0 =	vld.idx.msk [tilespmem:v1+s18+$0x0], $0xffff  }
0x123: {  	v1 =	vld.idx.msk [tilespmem:v2+s18+$0x0], $0xffff;
	_ =	sdelay $0x4  }
0x124: {  	v0 =	vadd.f32 v1, v0;
	_ =	sdelay $0x1  }
0x125: {  	v0 =	vmul.f32 $1.442695020e+00, v0;
	_ =	sdelay $0x1  }
0x126: {  	(erf) = vpow2.f32 v0;
	_ =	sdelay $0x8  }
0x127: {  	v0 =	vpop (erf)  }
0x128: {  	v0 =	vadd.f32 $1.000000000e+00, v0;
	_ =	sdelay $0x1  }
0x129: {  	(erf) = vrcp.f32 v0;
	_ =	sdelay $0x3  }
0x12a: {  	v1 =	vld [tilespmem:$0x2A30]  }
0x12b: {  	v0 =	vld [tilespmem:$0x2B20]  }
0x12c: {  	v2 =	vld [tilespmem:$0x2AB0];
	_ =	sdelay $0x2  }
0x12d: {  	v3 =	vpop (erf)  }
0x12e: {  	v0 =	vmul.f32 v3, v0;
	_ =	sdelay $0x1  }
0x12f: {  	[tilespmem:$0x2E20] =	vst v0  }
0x130: {  	v0 =	vld.idx.msk [tilespmem:v1+s18+$0x0], $0xffff  }
0x131: {  	v1 =	vld.idx.msk [tilespmem:v2+s18+$0x0], $0xffff;
	_ =	sdelay $0x4  }
0x132: {  	v0 =	vadd.f32 v1, v0;
	_ =	sdelay $0x1  }
0x133: {  	v0 =	vmul.f32 $1.442695020e+00, v0;
	_ =	sdelay $0x1  }
0x134: {  	(erf) = vpow2.f32 v0;
	_ =	sdelay $0x8  }
0x135: {  	v0 =	vpop (erf)  }
0x136: {  	v0 =	vadd.f32 $1.000000000e+00, v0;
	_ =	sdelay $0x1  }
0x137: {  	(erf) = vrcp.f32 v0;
	_ =	sdelay $0x3  }
0x138: {  	v1 =	vld [tilespmem:$0x2A40]  }
0x139: {  	v0 =	vld [tilespmem:$0x2B30]  }
0x13a: {  	v2 =	vld [tilespmem:$0x2AC0];
	_ =	sdelay $0x2  }
0x13b: {  	v3 =	vpop (erf)  }
0x13c: {  	v0 =	vmul.f32 v3, v0;
	_ =	sdelay $0x1  }
0x13d: {  	[tilespmem:$0x2E30] =	vst v0  }
0x13e: {  	v0 =	vld.idx.msk [tilespmem:v1+s18+$0x0], $0xffff  }
0x13f: {  	v1 =	vld.idx.msk [tilespmem:v2+s18+$0x0], $0xffff;
	_ =	sdelay $0x4  }
0x140: {  	v0 =	vadd.f32 v1, v0;
	_ =	sdelay $0x1  }
0x141: {  	v0 =	vmul.f32 $1.442695020e+00, v0;
	_ =	sdelay $0x1  }
0x142: {  	(erf) = vpow2.f32 v0;
	_ =	sdelay $0x8  }
0x143: {  	v0 =	vpop (erf)  }
0x144: {  	v0 =	vadd.f32 $1.000000000e+00, v0;
	_ =	sdelay $0x1  }
0x145: {  	(erf) = vrcp.f32 v0;
	_ =	sdelay $0x4  }
0x146: {  	s24 =	simm.s32 $0x2;
	v1 =	vmov s18;
	v0 =	vld [tilespmem:$0x2B40]  }
0x147: {  	v2 =	vmov s24;
	v1 =	vand.u32 $0xFFFFFFFC, v1  }
0x148: {  	v2 =	vand.u32 $0xFFFFFFFE, v2;
	v1 =	vbroadcast v1, $0x0  }
0x149: {  	v2 =	vbroadcast v2, $0x0  }
0x14a: {  	v3 =	vpop (erf)  }
0x14b: {  	v0 =	vmul.f32 v3, v0;
	_ =	sdelay $0x1  }
0x14c: {  	[tilespmem:$0x2E40] =	vst v0  }
0x14d: {  	v0 =	vld.idx.msk [tilespmem:v1+s28+$0x0], $0xffff  }
0x14e: {  	s16 =	simm.s32 $0x5780;
	v1 =	vld.idx.msk [tilespmem:v2+s28+$0x0], $0xffff  }
0x14f: {  	v3 =	vld [tilespmem:s16+$0x70]  }
0x150: {  	v4 =	vld [tilespmem:s16+$0xFFFFFF00]  }
0x151: {  	s7 =	simm.s32 $0x1;
	v5 =	vld [tilespmem:s16+$0xFFFFFF10]  }
0x152: {  	v2 =	vmov s7;
	v6 =	vld [tilespmem:s16+$0xFFFFFF20]  }
0x153: {  	v7 =	vld [tilespmem:s16+$0xFFFFFF30];
	v2 =	vand.u32 $0xFFFFFFFD, v2  }
0x154: {  	v8 =	vld [tilespmem:s16+$0xFFFFFF40];
	v2 =	vbroadcast v2, $0x0  }
0x155: {  	v9 =	vld [tilespmem:s16+$0xFFFFFF50]  }
0x156: {  	v10 =	vld [tilespmem:s16+$0xFFFFFF60];
	v4 =	vmul.f32 v4, v0  }
0x157: {  	v63 =	vld [tilespmem:s16+$0x40];
	v3 =	vmul.f32 v3, v1  }
0x158: {  	[tilespmem:s16+$0xFFFFFF00] =	vst v4;
	v4 =	vmul.f32 v5, v0;
	v5 =	vld [tilespmem:s16+$0xFFFFFF70]  }
0x159: {  	[tilespmem:s16+$0x70] =	vst v3;
	v3 =	vmul.f32 v6, v0;
	v6 =	vld [tilespmem:s16+$0xFFFFFF80]  }
0x15a: {  	v2 =	vld.idx.msk [tilespmem:v2+s28+$0x0], $0xffff;
	[tilespmem:s16+$0xFFFFFF10] =	vst v4;
	v4 =	vmul.f32 v7, v0  }
0x15b: {  	v7 =	vld [tilespmem:s16+$0xFFFFFF90];
	[tilespmem:s16+$0xFFFFFF20] =	vst v3;
	v3 =	vmul.f32 v8, v0  }
0x15c: {  	v8 =	vld [tilespmem:s16+$0xFFFFFFA0];
	[tilespmem:s16+$0xFFFFFF30] =	vst v4;
	v4 =	vmul.f32 v9, v0  }
0x15d: {  	v9 =	vld [tilespmem:s16+$0xFFFFFFB0];
	[tilespmem:s16+$0xFFFFFF40] =	vst v3;
	v3 =	vmul.f32 v10, v0  }
0x15e: {  	v10 =	vld [tilespmem:s16+$0xFFFFFFC0];
	v5 =	vmul.f32 v5, v0;
	[tilespmem:s16+$0xFFFFFF50] =	vst v4  }
0x15f: {  	v4 =	vmul.f32 v6, v2;
	v6 =	vld [tilespmem:s16+$0xFFFFFFD0];
	[tilespmem:s16+$0xFFFFFF60] =	vst v3  }
0x160: {  	s11 =	simm.s32 $0x3;
	v3 =	vld [tilespmem:s16+$0xFFFFFFE0];
	v7 =	vmul.f32 v7, v2;
	[tilespmem:s16+$0xFFFFFF70] =	vst v5  }
0x161: {  	v11 =	vmov s11;
	v5 =	vld [tilespmem:s16+$0xFFFFFFF0];
	[tilespmem:s16+$0xFFFFFF80] =	vst v4;
	v4 =	vmul.f32 v8, v2  }
0x162: {  	v8 =	vld [tilespmem:s16+$0x0];
	[tilespmem:s16+$0xFFFFFF90] =	vst v7;
	v7 =	vmul.f32 v9, v2  }
0x163: {  	v9 =	vld [tilespmem:s16+$0x10];
	[tilespmem:s16+$0xFFFFFFA0] =	vst v4;
	v4 =	vmul.f32 v10, v2  }
0x164: {  	[tilespmem:s16+$0xFFFFFFB0] =	vst v7;
	v6 =	vmul.f32 v6, v2;
	v7 =	vld [tilespmem:s16+$0x20]  }
0x165: {  	v10 =	vld [tilespmem:s16+$0x30];
	v3 =	vmul.f32 v3, v2;
	[tilespmem:s16+$0xFFFFFFC0] =	vst v4  }
0x166: {  	v0 =	vld.idx.msk [tilespmem:v11+s28+$0x0], $0xffff;
	v2 =	vmul.f32 v5, v2;
	[tilespmem:s16+$0xFFFFFFD0] =	vst v6  }
0x167: {  	[tilespmem:s16+$0xFFFFFFE0] =	vst v3;
	v4 =	vmul.f32 v8, v1;
	v3 =	vld [tilespmem:s16+$0x50]  }
0x168: {  	s17 =	simm.s32 $0x4;
	[tilespmem:s16+$0xFFFFFFF0] =	vst v2;
	v5 =	vmul.f32 v9, v1;
	v2 =	vld [tilespmem:s16+$0x60]  }
0x169: {  	s18 =	simm.s32 $0x7;
	v6 =	vmov s17;
	[tilespmem:s16+$0x0] =	vst v4;
	v8 =	vmul.f32 v7, v1;
	v7 =	vld [tilespmem:s16+$0x80]  }
0x16a: {  	s24 =	simm.s32 $0x5;
	v11 =	vand.u32 $0xFFFFFFFC, v6;
	v6 =	vld [tilespmem:s16+$0x90];
	v4 =	vmov s18;
	v9 =	vmul.f32 v10, v1;
	[tilespmem:s16+$0x10] =	vst v5  }
0x16b: {  	s11 =	simm.s32 $0x6;
	s7 =	simm.s32 $0x5780;
	s17 =	simm.s32 $0x8;
	v10 =	vmul.f32 v63, v1;
	v5 =	vbroadcast v11, $0x0;
	v11 =	vmov s24;
	[tilespmem:s16+$0x20] =	vst v8;
	v8 =	vld [tilespmem:s16+$0xA0]  }
.LBB2_6:
0x16c: {  	p0 =	slt.u32 s17, $0x4C;
	v11 =	vand.u32 $0xFFFFFFFD, v11;
	v12 =	vmov s11;
	[tilespmem:s16+$0x30] =	vst v9;
	v3 =	vmul.f32 v3, v1;
	v9 =	vld [tilespmem:s16+$0xB0]  }
0x16d: {  	v11 =	vbroadcast v11, $0x0;
	v12 =	vand.u32 $0xFFFFFFFE, v12;
	[tilespmem:s16+$0x40] =	vst v10;
	v1 =	vmul.f32 v2, v1;
	v2 =	vld [tilespmem:s16+$0xC0]  }
0x16e: {  	v10 =	vbroadcast v12, $0x0;
	[tilespmem:s16+$0x50] =	vst v3;
	v3 =	vmul.f32 v7, v0;
	v7 =	vld [tilespmem:s16+$0xD0]  }
0x16f: {  	[tilespmem:s16+$0x60] =	vst v1;
	v1 =	vmul.f32 v6, v0;
	v6 =	vld [tilespmem:s16+$0xE0]  }
0x170: {  	[tilespmem:s16+$0x80] =	vst v3;
	v3 =	vmul.f32 v8, v0;
	v8 =	vld [tilespmem:s16+$0xF0]  }
0x171: {  	v4 =	vld.idx.msk [tilespmem:v4+s28+$0x0], $0xffff;
	[tilespmem:s16+$0x90] =	vst v1;
	v1 =	vmul.f32 v9, v0  }
0x172: {  	v5 =	vld.idx.msk [tilespmem:v5+s28+$0x0], $0xffff;
	[tilespmem:s16+$0xA0] =	vst v3;
	v2 =	vmul.f32 v2, v0  }
0x173: {  	v3 =	vld.idx.msk [tilespmem:v11+s28+$0x0], $0xffff;
	[tilespmem:s16+$0xB0] =	vst v1;
	v7 =	vmul.f32 v7, v0  }
0x174: {  	s16 =	sadd.s32 $0x200, s16;
	v1 =	vld.idx.msk [tilespmem:v10+s28+$0x0], $0xffff;
	[tilespmem:s7+$0xC0] =	vst v2;
	v2 =	vmul.f32 v6, v0  }
0x175: {  	v6 =	vld [tilespmem:s16+$0x70];
	[tilespmem:s7+$0xD0] =	vst v7;
	v8 =	vmul.f32 v8, v0  }
0x176: {  	v7 =	vld [tilespmem:s16+$0xFFFFFF00];
	[tilespmem:s7+$0xE0] =	vst v2  }
0x177: {  	v0 =	vmov v4;
	v2 =	vld [tilespmem:s16+$0xFFFFFF10];
	[tilespmem:s7+$0xF0] =	vst v8;
	s7 =	smov.u32 s16  }
0x178: {  	v4 =	vld [tilespmem:s16+$0xFFFFFF20]  }
0x179: {  	v8 =	vld [tilespmem:s16+$0xFFFFFF30]  }
0x17a: {  	v9 =	vld [tilespmem:s16+$0xFFFFFF40];
	v6 =	vmul.f32 v6, v1  }
0x17b: {  	v7 =	vmul.f32 v7, v5;
	v10 =	vld [tilespmem:s16+$0xFFFFFF50]  }
0x17c: {  	v2 =	vmul.f32 v2, v5;
	v11 =	vld [tilespmem:s16+$0xFFFFFF60];
	[tilespmem:s16+$0x70] =	vst v6  }
0x17d: {  	[tilespmem:s16+$0xFFFFFF00] =	vst v7;
	v4 =	vmul.f32 v4, v5;
	v6 =	vld [tilespmem:s16+$0xFFFFFF70]  }
0x17e: {  	[tilespmem:s16+$0xFFFFFF10] =	vst v2;
	v2 =	vmul.f32 v8, v5;
	v7 =	vld [tilespmem:s16+$0xFFFFFF80]  }
0x17f: {  	[tilespmem:s16+$0xFFFFFF20] =	vst v4;
	v4 =	vmul.f32 v9, v5;
	v8 =	vld [tilespmem:s16+$0xFFFFFF90]  }
0x180: {  	[tilespmem:s16+$0xFFFFFF30] =	vst v2;
	v2 =	vmul.f32 v10, v5;
	v9 =	vld [tilespmem:s16+$0xFFFFFFA0]  }
0x181: {  	[tilespmem:s16+$0xFFFFFF40] =	vst v4;
	v4 =	vmul.f32 v11, v5;
	v10 =	vld [tilespmem:s16+$0xFFFFFFB0]  }
0x182: {  	[tilespmem:s16+$0xFFFFFF50] =	vst v2;
	v2 =	vmul.f32 v6, v5;
	v5 =	vld [tilespmem:s16+$0xFFFFFFC0]  }
0x183: {  	[tilespmem:s16+$0xFFFFFF60] =	vst v4;
	v4 =	vmul.f32 v7, v3;
	v6 =	vld [tilespmem:s16+$0xFFFFFFD0]  }
0x184: {  	[tilespmem:s16+$0xFFFFFF70] =	vst v2;
	v2 =	vmul.f32 v8, v3;
	v7 =	vld [tilespmem:s16+$0xFFFFFFE0]  }
0x185: {  	[tilespmem:s16+$0xFFFFFF80] =	vst v4;
	v4 =	vmul.f32 v9, v3;
	v8 =	vld [tilespmem:s16+$0xFFFFFFF0]  }
0x186: {  	[tilespmem:s16+$0xFFFFFF90] =	vst v2;
	v2 =	vmul.f32 v10, v3;
	v9 =	vld [tilespmem:s16+$0x0]  }
0x187: {  	[tilespmem:s16+$0xFFFFFFA0] =	vst v4;
	v4 =	vmul.f32 v5, v3;
	v5 =	vld [tilespmem:s16+$0x10]  }
0x188: {  	[tilespmem:s16+$0xFFFFFFB0] =	vst v2;
	v2 =	vmul.f32 v6, v3;
	v6 =	vld [tilespmem:s16+$0x20]  }
0x189: {  	[tilespmem:s16+$0xFFFFFFC0] =	vst v4;
	v4 =	vmul.f32 v7, v3;
	v10 =	vld [tilespmem:s16+$0x30]  }
0x18a: {  	[tilespmem:s16+$0xFFFFFFD0] =	vst v2;
	v2 =	vmul.f32 v8, v3;
	v8 =	vld [tilespmem:s16+$0x40]  }
.Ltmp2:
0x18b: {  	[tilespmem:s16+$0xFFFFFFE0] =	vst v4;
	v4 =	vmul.f32 v9, v1;
	v3 =	vld [tilespmem:s16+$0x50];
	(pc) =	sbr.rel @p0 .LBB2_6-.Ltmp2, $4  }
0x18c: {  	[tilespmem:s16+$0xFFFFFFF0] =	vst v2;
	v5 =	vmul.f32 v5, v1;
	v2 =	vld [tilespmem:s16+$0x60]  }
0x18d: {  	s3 =	sadd.s32 $0x3, s17;
	v9 =	vmov s17;
	[tilespmem:s16+$0x0] =	vst v4;
	v12 =	vmul.f32 v6, v1;
	v7 =	vld [tilespmem:s16+$0x80]  }
0x18e: {  	s11 =	sadd.s32 $0x1, s17;
	v11 =	vand.u32 $0xFFFFFFFC, v9;
	v4 =	vmov s3;
	[tilespmem:s16+$0x10] =	vst v5;
	v9 =	vmul.f32 v10, v1;
	v6 =	vld [tilespmem:s16+$0x90]  }
0x18f: {  	v5 =	vbroadcast v11, $0x0;
	v11 =	vmov s11;
	s11 =	sadd.s32 $0x2, s17;
	s17 =	sadd.s32 $0x4, s17;
	[tilespmem:s16+$0x20] =	vst v12;
	v10 =	vmul.f32 v8, v1;
	v8 =	vld [tilespmem:s16+$0xA0]  }
0x190: {  	[dreg:$0xf] =	wrdreg s8  }
0x191: {  	v12 =	vld [tilespmem:s16+$0xB0]  }
0x192: {  	v14 =	vld [tilespmem:s16+$0xC0]  }
0x193: {  	v15 =	vld [tilespmem:s16+$0xD0]  }
0x194: {  	v16 =	vld [tilespmem:s16+$0xE0]  }
0x195: {  	v3 =	vmul.f32 v3, v1;
	s24 =	sadd.s32 $0x200, s16;
	[tilespmem:s16+$0x30] =	vst v9;
	v46 =	vld.idx.msk [tilespmem:v5+s28+$0x0], $0xffff  }
0x196: {  	[tilespmem:s16+$0x40] =	vst v10;
	v45 =	vmul.f32 v2, v1;
	v53 =	vld [tilespmem:s24+$0xFFFFFF00]  }
0x197: {  	v55 =	vld [tilespmem:s24+$0xFFFFFF10];
	v7 =	vmul.f32 v7, v0;
	[tilespmem:s16+$0x50] =	vst v3  }
0x198: {  	v57 =	vld [tilespmem:s24+$0xFFFFFF20];
	v47 =	vmul.f32 v6, v0;
	[tilespmem:s16+$0x60] =	vst v45  }
0x199: {  	v59 =	vld [tilespmem:s24+$0xFFFFFF30];
	[tilespmem:s16+$0x80] =	vst v7;
	v49 =	vmul.f32 v8, v0  }
0x19a: {  	v60 =	vld [tilespmem:s24+$0xFFFFFF40];
	[tilespmem:s16+$0x90] =	vst v47;
	v50 =	vmul.f32 v12, v0  }
0x19b: {  	v11 =	vand.u32 $0xFFFFFFFD, v11;
	v63 =	vld [tilespmem:s24+$0xFFFFFF50];
	[tilespmem:s16+$0xA0] =	vst v49;
	v62 =	vmul.f32 v53, v46  }
0x19c: {  	v11 =	vbroadcast v11, $0x0;
	v44 =	vld [tilespmem:s16+$0xF0];
	v12 =	vmul.f32 v55, v46;
	[tilespmem:s16+$0xB0] =	vst v50  }
0x19d: {  	v4 =	vld.idx.msk [tilespmem:v4+s28+$0x0], $0xffff;
	v52 =	vmul.f32 v14, v0;
	v14 =	vmul.f32 v57, v46;
	[tilespmem:s24+$0xFFFFFF00] =	vst v62  }
0x19e: {  	v51 =	vld [tilespmem:s24+$0x70];
	v3 =	vmul.f32 v59, v46;
	[tilespmem:s24+$0xFFFFFF10] =	vst v12  }
0x19f: {  	v54 =	vmul.f32 v15, v0;
	v15 =	vld [tilespmem:s24+$0xFFFFFF70];
	v17 =	vmul.f32 v60, v46;
	[tilespmem:s24+$0xFFFFFF20] =	vst v14  }
0x1a0: {  	v56 =	vmul.f32 v16, v0;
	v16 =	vld [tilespmem:s24+$0xFFFFFF80];
	v19 =	vmul.f32 v63, v46;
	[tilespmem:s24+$0xFFFFFF30] =	vst v3  }
0x1a1: {  	v58 =	vmul.f32 v44, v0;
	v44 =	vld [tilespmem:s24+$0x80];
	[tilespmem:s24+$0xFFFFFF40] =	vst v17  }
0x1a2: {  	v13 =	vmov s11;
	v48 =	vld.idx.msk [tilespmem:v11+s28+$0x0], $0xffff;
	[tilespmem:s24+$0xFFFFFF50] =	vst v19  }
0x1a3: {  	v13 =	vand.u32 $0xFFFFFFFE, v13;
	v18 =	vld [tilespmem:s24+$0xFFFFFF90];
	[tilespmem:s7+$0xC0] =	vst v52  }
0x1a4: {  	v20 =	vld [tilespmem:s24+$0xFFFFFFA0];
	v13 =	vbroadcast v13, $0x0;
	[tilespmem:s7+$0xD0] =	vst v54  }
0x1a5: {  	v22 =	vld [tilespmem:s24+$0xFFFFFFB0];
	[tilespmem:s7+$0xE0] =	vst v56;
	v2 =	vmul.f32 v15, v46  }
0x1a6: {  	v23 =	vld [tilespmem:s24+$0xFFFFFFC0];
	[tilespmem:s7+$0xF0] =	vst v58;
	v53 =	vmul.f32 v44, v4  }
0x1a7: {  	v25 =	vld [tilespmem:s24+$0xFFFFFFD0];
	v24 =	vmul.f32 v16, v48;
	[tilespmem:s24+$0xFFFFFF70] =	vst v2  }
0x1a8: {  	v26 =	vld [tilespmem:s24+$0xFFFFFFE0];
	v1 =	vmul.f32 v18, v48;
	[tilespmem:s24+$0x80] =	vst v53  }
0x1a9: {  	v28 =	vld [tilespmem:s24+$0xFFFFFFF0];
	v27 =	vmul.f32 v20, v48;
	[tilespmem:s24+$0xFFFFFF80] =	vst v24  }
0x1aa: {  	v6 =	vld.idx.msk [tilespmem:v13+s28+$0x0], $0xffff;
	v29 =	vmul.f32 v22, v48;
	[tilespmem:s24+$0xFFFFFF90] =	vst v1  }
0x1ab: {  	v13 =	vld [tilespmem:s24+$0xFFFFFF60];
	v31 =	vmul.f32 v23, v48;
	[tilespmem:s24+$0xFFFFFFA0] =	vst v27  }
0x1ac: {  	v30 =	vld [tilespmem:s24+$0x0];
	v33 =	vmul.f32 v25, v48;
	[tilespmem:s24+$0xFFFFFFB0] =	vst v29  }
0x1ad: {  	v32 =	vld [tilespmem:s24+$0x10];
	v35 =	vmul.f32 v26, v48;
	[tilespmem:s24+$0xFFFFFFC0] =	vst v31  }
0x1ae: {  	v34 =	vld [tilespmem:s24+$0x20];
	v37 =	vmul.f32 v28, v48;
	[tilespmem:s24+$0xFFFFFFD0] =	vst v33  }
0x1af: {  	v36 =	vld [tilespmem:s24+$0x30];
	v61 =	vmul.f32 v51, v6;
	[tilespmem:s24+$0xFFFFFFE0] =	vst v35  }
0x1b0: {  	v38 =	vld [tilespmem:s24+$0x40];
	v21 =	vmul.f32 v13, v46;
	[tilespmem:s24+$0xFFFFFFF0] =	vst v37  }
0x1b1: {  	v40 =	vld [tilespmem:s24+$0x50];
	v39 =	vmul.f32 v30, v6;
	[tilespmem:s24+$0x70] =	vst v61  }
0x1b2: {  	v42 =	vld [tilespmem:s24+$0x60];
	v41 =	vmul.f32 v32, v6;
	[tilespmem:s24+$0xFFFFFF60] =	vst v21  }
0x1b3: {  	v50 =	vld [tilespmem:s24+$0xB0];
	v43 =	vmul.f32 v34, v6;
	[tilespmem:s24+$0x0] =	vst v39  }
0x1b4: {  	v52 =	vld [tilespmem:s24+$0xC0];
	v45 =	vmul.f32 v36, v6;
	[tilespmem:s24+$0x10] =	vst v41  }
0x1b5: {  	v56 =	vld [tilespmem:s24+$0xE0];
	v47 =	vmul.f32 v38, v6;
	[tilespmem:s24+$0x20] =	vst v43  }
0x1b6: {  	v58 =	vld [tilespmem:s24+$0xF0];
	v49 =	vmul.f32 v40, v6;
	[tilespmem:s24+$0x30] =	vst v45  }
0x1b7: {  	v54 =	vld [tilespmem:s24+$0xD0];
	v51 =	vmul.f32 v42, v6;
	[tilespmem:s24+$0x40] =	vst v47  }
0x1b8: {  	v48 =	vld [tilespmem:s24+$0xA0];
	v59 =	vmul.f32 v50, v4;
	[tilespmem:s24+$0x50] =	vst v49  }
0x1b9: {  	v46 =	vld [tilespmem:s24+$0x90];
	v60 =	vmul.f32 v52, v4;
	[tilespmem:s24+$0x60] =	vst v51  }
0x1ba: {  	v62 =	vmul.f32 v56, v4;
	[tilespmem:s24+$0xB0] =	vst v59  }
0x1bb: {  	v63 =	vmul.f32 v58, v4;
	[tilespmem:s24+$0xC0] =	vst v60  }
0x1bc: {  	v61 =	vmul.f32 v54, v4;
	[tilespmem:s24+$0xE0] =	vst v62  }
0x1bd: {  	[tilespmem:s24+$0xF0] =	vst v63;
	v57 =	vmul.f32 v48, v4  }
0x1be: {  	[tilespmem:s24+$0xD0] =	vst v61;
	v55 =	vmul.f32 v46, v4  }
0x1bf: {  	[tilespmem:s24+$0xA0] =	vst v57  }
0x1c0: {  	[tilespmem:s24+$0x90] =	vst v55  }
0x1c1: {  	[spmem:s2] =	stream.indirect.scatter.add.f32 [tilespmem:s25], [sflag:$0x5], $0x80, s4, s22, $0xb8;
	[tilespmem:$0x1E680] =	vst v63  }
0x1c2: {  	_ =	swait.ge [sflag:s5], $0x2800  }
0x1c3: {  	[sflag:s5] =	ssyncset.done $0x0  }
0x1c4: {  	s16 =	simm.s32 $0x0;
	s3 =	rddreg [dreg:$0xa];
	[sflag:s5] =	ssyncadd.s32 $0xFFFFD800  }
0x1c5: {  	[tilespmem:s20], [sflag:$0x7] =	stream.linear.gather [hbm4b:s3+s16], $0x180, $0x38;
	[tilespmem:$0x1E680] =	vst v63  }
0x1c6: {  	_ =	swait.ge [sflag:s19], $0x180  }
0x1c7: {  	[sflag:s19] =	ssyncset.done $0x0  }
0x1c8: {  	s17 =	simm.s32 $0x0;
	[sflag:s19] =	ssyncadd.s32 $0xFFFFFE80  }
0x1c9: {  	[tilespmem:s23], [sflag:$0x1] =	stream.indirect.gather [hbm4b:s1+s22], $0x80, s20, s22, $0xb8;
	[tilespmem:$0x1E680] =	vst v63  }
.LBB2_8:
0x1ca: {  	_ =	swait.ge [sflag:s6], $0x2800  }
0x1cb: {  	[sflag:s6] =	ssyncset.done $0x0  }
0x1cc: {  	[sflag:s6] =	ssyncadd.s32 $0xFFFFD800  }
0x1cd: {  	v0 =	vld [tilespmem:$0x2C00]  }
0x1ce: {  	v1 =	vld [tilespmem:$0x2C80];
	_ =	sdelay $0x6  }
0x1cf: {  	v0 =	vld.idx.msk [tilespmem:v0+s16+$0x0], $0xffff  }
0x1d0: {  	v1 =	vld.idx.msk [tilespmem:v1+s16+$0x0], $0xffff;
	_ =	sdelay $0x4  }
0x1d1: {  	v0 =	vadd.f32 v1, v0;
	_ =	sdelay $0x1  }
0x1d2: {  	v0 =	vmul.f32 $1.442695020e+00, v0;
	_ =	sdelay $0x1  }
0x1d3: {  	(erf) = vpow2.f32 v0;
	_ =	sdelay $0x8  }
0x1d4: {  	v0 =	vpop (erf)  }
0x1d5: {  	v0 =	vadd.f32 $1.000000000e+00, v0;
	_ =	sdelay $0x1  }
0x1d6: {  	(erf) = vrcp.f32 v0;
	_ =	sdelay $0x3  }
0x1d7: {  	v1 =	vld [tilespmem:$0x2C10]  }
0x1d8: {  	v0 =	vld [tilespmem:$0x2D00]  }
0x1d9: {  	v2 =	vld [tilespmem:$0x2C90];
	_ =	sdelay $0x2  }
0x1da: {  	v3 =	vpop (erf)  }
0x1db: {  	v0 =	vmul.f32 v3, v0;
	_ =	sdelay $0x1  }
0x1dc: {  	[tilespmem:$0x2E00] =	vst v0  }
0x1dd: {  	v0 =	vld.idx.msk [tilespmem:v1+s16+$0x0], $0xffff  }
0x1de: {  	v1 =	vld.idx.msk [tilespmem:v2+s16+$0x0], $0xffff;
	_ =	sdelay $0x4  }
0x1df: {  	v0 =	vadd.f32 v1, v0;
	_ =	sdelay $0x1  }
0x1e0: {  	v0 =	vmul.f32 $1.442695020e+00, v0;
	_ =	sdelay $0x1  }
0x1e1: {  	(erf) = vpow2.f32 v0;
	_ =	sdelay $0x8  }
0x1e2: {  	v0 =	vpop (erf)  }
0x1e3: {  	v0 =	vadd.f32 $1.000000000e+00, v0;
	_ =	sdelay $0x1  }
0x1e4: {  	(erf) = vrcp.f32 v0;
	_ =	sdelay $0x3  }
0x1e5: {  	v1 =	vld [tilespmem:$0x2C20]  }
0x1e6: {  	v0 =	vld [tilespmem:$0x2D10]  }
0x1e7: {  	v2 =	vld [tilespmem:$0x2CA0];
	_ =	sdelay $0x2  }
0x1e8: {  	v3 =	vpop (erf)  }
0x1e9: {  	v0 =	vmul.f32 v3, v0;
	_ =	sdelay $0x1  }
0x1ea: {  	[tilespmem:$0x2E10] =	vst v0  }
0x1eb: {  	v0 =	vld.idx.msk [tilespmem:v1+s16+$0x0], $0xffff  }
0x1ec: {  	v1 =	vld.idx.msk [tilespmem:v2+s16+$0x0], $0xffff;
	_ =	sdelay $0x4  }
0x1ed: {  	v0 =	vadd.f32 v1, v0;
	_ =	sdelay $0x1  }
0x1ee: {  	v0 =	vmul.f32 $1.442695020e+00, v0;
	_ =	sdelay $0x1  }
0x1ef: {  	(erf) = vpow2.f32 v0;
	_ =	sdelay $0x8  }
0x1f0: {  	v0 =	vpop (erf)  }
0x1f1: {  	v0 =	vadd.f32 $1.000000000e+00, v0;
	_ =	sdelay $0x1  }
0x1f2: {  	(erf) = vrcp.f32 v0;
	_ =	sdelay $0x3  }
0x1f3: {  	v1 =	vld [tilespmem:$0x2C30]  }
0x1f4: {  	v0 =	vld [tilespmem:$0x2D20]  }
0x1f5: {  	v2 =	vld [tilespmem:$0x2CB0];
	_ =	sdelay $0x2  }
0x1f6: {  	v3 =	vpop (erf)  }
0x1f7: {  	v0 =	vmul.f32 v3, v0;
	_ =	sdelay $0x1  }
0x1f8: {  	[tilespmem:$0x2E20] =	vst v0  }
0x1f9: {  	v0 =	vld.idx.msk [tilespmem:v1+s16+$0x0], $0xffff  }
0x1fa: {  	v1 =	vld.idx.msk [tilespmem:v2+s16+$0x0], $0xffff;
	_ =	sdelay $0x4  }
0x1fb: {  	v0 =	vadd.f32 v1, v0;
	_ =	sdelay $0x1  }
0x1fc: {  	v0 =	vmul.f32 $1.442695020e+00, v0;
	_ =	sdelay $0x1  }
0x1fd: {  	(erf) = vpow2.f32 v0;
	_ =	sdelay $0x8  }
0x1fe: {  	v0 =	vpop (erf)  }
0x1ff: {  	v0 =	vadd.f32 $1.000000000e+00, v0;
	_ =	sdelay $0x1  }
0x200: {  	(erf) = vrcp.f32 v0;
	_ =	sdelay $0x3  }
0x201: {  	v1 =	vld [tilespmem:$0x2C40]  }
0x202: {  	v0 =	vld [tilespmem:$0x2D30]  }
0x203: {  	v2 =	vld [tilespmem:$0x2CC0];
	_ =	sdelay $0x2  }
0x204: {  	v3 =	vpop (erf)  }
0x205: {  	v0 =	vmul.f32 v3, v0;
	_ =	sdelay $0x1  }
0x206: {  	[tilespmem:$0x2E30] =	vst v0  }
0x207: {  	v0 =	vld.idx.msk [tilespmem:v1+s16+$0x0], $0xffff  }
0x208: {  	v1 =	vld.idx.msk [tilespmem:v2+s16+$0x0], $0xffff;
	_ =	sdelay $0x4  }
0x209: {  	v0 =	vadd.f32 v1, v0;
	_ =	sdelay $0x1  }
0x20a: {  	v0 =	vmul.f32 $1.442695020e+00, v0;
	_ =	sdelay $0x1  }
0x20b: {  	(erf) = vpow2.f32 v0;
	_ =	sdelay $0x8  }
0x20c: {  	v0 =	vpop (erf)  }
0x20d: {  	v0 =	vadd.f32 $1.000000000e+00, v0;
	_ =	sdelay $0x1  }
0x20e: {  	(erf) = vrcp.f32 v0;
	_ =	sdelay $0x4  }
0x20f: {  	s3 =	simm.s32 $0x2;
	v1 =	vmov s16;
	v0 =	vld [tilespmem:$0x2D40]  }
0x210: {  	v2 =	vmov s3;
	v1 =	vand.u32 $0xFFFFFFFC, v1  }
0x211: {  	v2 =	vand.u32 $0xFFFFFFFE, v2;
	v1 =	vbroadcast v1, $0x0  }
0x212: {  	v2 =	vbroadcast v2, $0x0  }
0x213: {  	v3 =	vpop (erf)  }
0x214: {  	v0 =	vmul.f32 v3, v0;
	_ =	sdelay $0x1  }
0x215: {  	[tilespmem:$0x2E40] =	vst v0  }
0x216: {  	v0 =	vld.idx.msk [tilespmem:v1+s28+$0x0], $0xffff  }
0x217: {  	s24 =	simm.s32 $0x7F80;
	v1 =	vld.idx.msk [tilespmem:v2+s28+$0x0], $0xffff  }
0x218: {  	v3 =	vld [tilespmem:s24+$0x70]  }
0x219: {  	v4 =	vld [tilespmem:s24+$0xFFFFFF00]  }
0x21a: {  	s7 =	simm.s32 $0x1;
	v5 =	vld [tilespmem:s24+$0xFFFFFF10]  }
0x21b: {  	v2 =	vmov s7;
	v6 =	vld [tilespmem:s24+$0xFFFFFF20]  }
0x21c: {  	v7 =	vld [tilespmem:s24+$0xFFFFFF30];
	v2 =	vand.u32 $0xFFFFFFFD, v2  }
0x21d: {  	v8 =	vld [tilespmem:s24+$0xFFFFFF40];
	v2 =	vbroadcast v2, $0x0  }
0x21e: {  	v9 =	vld [tilespmem:s24+$0xFFFFFF50]  }
0x21f: {  	v10 =	vld [tilespmem:s24+$0xFFFFFF60];
	v4 =	vmul.f32 v4, v0  }
0x220: {  	v12 =	vld [tilespmem:s24+$0x40];
	v3 =	vmul.f32 v3, v1  }
0x221: {  	[tilespmem:s24+$0xFFFFFF00] =	vst v4;
	v4 =	vmul.f32 v5, v0;
	v5 =	vld [tilespmem:s24+$0xFFFFFF70]  }
0x222: {  	[tilespmem:s24+$0x70] =	vst v3;
	v3 =	vmul.f32 v6, v0;
	v6 =	vld [tilespmem:s24+$0xFFFFFF80]  }
0x223: {  	v2 =	vld.idx.msk [tilespmem:v2+s28+$0x0], $0xffff;
	[tilespmem:s24+$0xFFFFFF10] =	vst v4;
	v4 =	vmul.f32 v7, v0  }
0x224: {  	v7 =	vld [tilespmem:s24+$0xFFFFFF90];
	[tilespmem:s24+$0xFFFFFF20] =	vst v3;
	v3 =	vmul.f32 v8, v0  }
0x225: {  	v8 =	vld [tilespmem:s24+$0xFFFFFFA0];
	[tilespmem:s24+$0xFFFFFF30] =	vst v4;
	v4 =	vmul.f32 v9, v0  }
0x226: {  	v9 =	vld [tilespmem:s24+$0xFFFFFFB0];
	[tilespmem:s24+$0xFFFFFF40] =	vst v3;
	v3 =	vmul.f32 v10, v0  }
0x227: {  	v10 =	vld [tilespmem:s24+$0xFFFFFFC0];
	v5 =	vmul.f32 v5, v0;
	[tilespmem:s24+$0xFFFFFF50] =	vst v4  }
0x228: {  	v4 =	vmul.f32 v6, v2;
	v6 =	vld [tilespmem:s24+$0xFFFFFFD0];
	[tilespmem:s24+$0xFFFFFF60] =	vst v3  }
0x229: {  	s8 =	simm.s32 $0x3;
	v3 =	vld [tilespmem:s24+$0xFFFFFFE0];
	v7 =	vmul.f32 v7, v2;
	[tilespmem:s24+$0xFFFFFF70] =	vst v5  }
0x22a: {  	v11 =	vmov s8;
	v5 =	vld [tilespmem:s24+$0xFFFFFFF0];
	[tilespmem:s24+$0xFFFFFF80] =	vst v4;
	v4 =	vmul.f32 v8, v2  }
0x22b: {  	v8 =	vld [tilespmem:s24+$0x0];
	[tilespmem:s24+$0xFFFFFF90] =	vst v7;
	v7 =	vmul.f32 v9, v2  }
0x22c: {  	v9 =	vld [tilespmem:s24+$0x10];
	[tilespmem:s24+$0xFFFFFFA0] =	vst v4;
	v4 =	vmul.f32 v10, v2  }
0x22d: {  	[tilespmem:s24+$0xFFFFFFB0] =	vst v7;
	v6 =	vmul.f32 v6, v2;
	v7 =	vld [tilespmem:s24+$0x20]  }
0x22e: {  	v10 =	vld [tilespmem:s24+$0x30];
	v3 =	vmul.f32 v3, v2;
	[tilespmem:s24+$0xFFFFFFC0] =	vst v4  }
0x22f: {  	v0 =	vld.idx.msk [tilespmem:v11+s28+$0x0], $0xffff;
	v2 =	vmul.f32 v5, v2;
	[tilespmem:s24+$0xFFFFFFD0] =	vst v6  }
0x230: {  	[tilespmem:s24+$0xFFFFFFE0] =	vst v3;
	v4 =	vmul.f32 v8, v1;
	v3 =	vld [tilespmem:s24+$0x50]  }
0x231: {  	s11 =	simm.s32 $0x4;
	[tilespmem:s24+$0xFFFFFFF0] =	vst v2;
	v5 =	vmul.f32 v9, v1;
	v2 =	vld [tilespmem:s24+$0x60]  }
0x232: {  	s18 =	simm.s32 $0x7;
	v6 =	vmov s11;
	[tilespmem:s24+$0x0] =	vst v4;
	v8 =	vmul.f32 v7, v1;
	v7 =	vld [tilespmem:s24+$0x80]  }
0x233: {  	s7 =	simm.s32 $0x5;
	v11 =	vand.u32 $0xFFFFFFFC, v6;
	v6 =	vld [tilespmem:s24+$0x90];
	v4 =	vmov s18;
	v9 =	vmul.f32 v10, v1;
	[tilespmem:s24+$0x10] =	vst v5  }
0x234: {  	s11 =	simm.s32 $0x6;
	s18 =	simm.s32 $0x8;
	v10 =	vmul.f32 v12, v1;
	v5 =	vbroadcast v11, $0x0;
	v11 =	vmov s7;
	s7 =	simm.s32 $0x7F80;
	[tilespmem:s24+$0x20] =	vst v8;
	v8 =	vld [tilespmem:s24+$0xA0]  }
.LBB2_9:
0x235: {  	p0 =	slt.u32 s18, $0x4C;
	v11 =	vand.u32 $0xFFFFFFFD, v11;
	v12 =	vmov s11;
	[tilespmem:s24+$0x30] =	vst v9;
	v3 =	vmul.f32 v3, v1;
	v9 =	vld [tilespmem:s24+$0xB0]  }
0x236: {  	v11 =	vbroadcast v11, $0x0;
	v12 =	vand.u32 $0xFFFFFFFE, v12;
	[tilespmem:s24+$0x40] =	vst v10;
	v1 =	vmul.f32 v2, v1;
	v2 =	vld [tilespmem:s24+$0xC0]  }
0x237: {  	v10 =	vbroadcast v12, $0x0;
	[tilespmem:s24+$0x50] =	vst v3;
	v3 =	vmul.f32 v7, v0;
	v7 =	vld [tilespmem:s24+$0xD0]  }
0x238: {  	[tilespmem:s24+$0x60] =	vst v1;
	v1 =	vmul.f32 v6, v0;
	v6 =	vld [tilespmem:s24+$0xE0]  }
0x239: {  	[tilespmem:s24+$0x80] =	vst v3;
	v3 =	vmul.f32 v8, v0;
	v8 =	vld [tilespmem:s24+$0xF0]  }
0x23a: {  	v4 =	vld.idx.msk [tilespmem:v4+s28+$0x0], $0xffff;
	[tilespmem:s24+$0x90] =	vst v1;
	v1 =	vmul.f32 v9, v0  }
0x23b: {  	v5 =	vld.idx.msk [tilespmem:v5+s28+$0x0], $0xffff;
	[tilespmem:s24+$0xA0] =	vst v3;
	v2 =	vmul.f32 v2, v0  }
0x23c: {  	v3 =	vld.idx.msk [tilespmem:v11+s28+$0x0], $0xffff;
	[tilespmem:s24+$0xB0] =	vst v1;
	v7 =	vmul.f32 v7, v0  }
0x23d: {  	s24 =	sadd.s32 $0x200, s24;
	v1 =	vld.idx.msk [tilespmem:v10+s28+$0x0], $0xffff;
	[tilespmem:s7+$0xC0] =	vst v2;
	v2 =	vmul.f32 v6, v0  }
0x23e: {  	v6 =	vld [tilespmem:s24+$0x70];
	[tilespmem:s7+$0xD0] =	vst v7;
	v8 =	vmul.f32 v8, v0  }
0x23f: {  	v7 =	vld [tilespmem:s24+$0xFFFFFF00];
	[tilespmem:s7+$0xE0] =	vst v2  }
0x240: {  	v0 =	vmov v4;
	v2 =	vld [tilespmem:s24+$0xFFFFFF10];
	[tilespmem:s7+$0xF0] =	vst v8;
	s7 =	smov.u32 s24  }
0x241: {  	v4 =	vld [tilespmem:s24+$0xFFFFFF20]  }
0x242: {  	v8 =	vld [tilespmem:s24+$0xFFFFFF30]  }
0x243: {  	v9 =	vld [tilespmem:s24+$0xFFFFFF40];
	v6 =	vmul.f32 v6, v1  }
0x244: {  	v7 =	vmul.f32 v7, v5;
	v10 =	vld [tilespmem:s24+$0xFFFFFF50]  }
0x245: {  	v2 =	vmul.f32 v2, v5;
	v11 =	vld [tilespmem:s24+$0xFFFFFF60];
	[tilespmem:s24+$0x70] =	vst v6  }
0x246: {  	[tilespmem:s24+$0xFFFFFF00] =	vst v7;
	v4 =	vmul.f32 v4, v5;
	v6 =	vld [tilespmem:s24+$0xFFFFFF70]  }
0x247: {  	[tilespmem:s24+$0xFFFFFF10] =	vst v2;
	v2 =	vmul.f32 v8, v5;
	v7 =	vld [tilespmem:s24+$0xFFFFFF80]  }
0x248: {  	[tilespmem:s24+$0xFFFFFF20] =	vst v4;
	v4 =	vmul.f32 v9, v5;
	v8 =	vld [tilespmem:s24+$0xFFFFFF90]  }
0x249: {  	[tilespmem:s24+$0xFFFFFF30] =	vst v2;
	v2 =	vmul.f32 v10, v5;
	v9 =	vld [tilespmem:s24+$0xFFFFFFA0]  }
0x24a: {  	[tilespmem:s24+$0xFFFFFF40] =	vst v4;
	v4 =	vmul.f32 v11, v5;
	v10 =	vld [tilespmem:s24+$0xFFFFFFB0]  }
0x24b: {  	[tilespmem:s24+$0xFFFFFF50] =	vst v2;
	v2 =	vmul.f32 v6, v5;
	v5 =	vld [tilespmem:s24+$0xFFFFFFC0]  }
0x24c: {  	[tilespmem:s24+$0xFFFFFF60] =	vst v4;
	v4 =	vmul.f32 v7, v3;
	v6 =	vld [tilespmem:s24+$0xFFFFFFD0]  }
0x24d: {  	[tilespmem:s24+$0xFFFFFF70] =	vst v2;
	v2 =	vmul.f32 v8, v3;
	v7 =	vld [tilespmem:s24+$0xFFFFFFE0]  }
0x24e: {  	[tilespmem:s24+$0xFFFFFF80] =	vst v4;
	v4 =	vmul.f32 v9, v3;
	v8 =	vld [tilespmem:s24+$0xFFFFFFF0]  }
0x24f: {  	[tilespmem:s24+$0xFFFFFF90] =	vst v2;
	v2 =	vmul.f32 v10, v3;
	v9 =	vld [tilespmem:s24+$0x0]  }
0x250: {  	[tilespmem:s24+$0xFFFFFFA0] =	vst v4;
	v4 =	vmul.f32 v5, v3;
	v5 =	vld [tilespmem:s24+$0x10]  }
0x251: {  	[tilespmem:s24+$0xFFFFFFB0] =	vst v2;
	v2 =	vmul.f32 v6, v3;
	v6 =	vld [tilespmem:s24+$0x20]  }
0x252: {  	[tilespmem:s24+$0xFFFFFFC0] =	vst v4;
	v4 =	vmul.f32 v7, v3;
	v10 =	vld [tilespmem:s24+$0x30]  }
0x253: {  	[tilespmem:s24+$0xFFFFFFD0] =	vst v2;
	v2 =	vmul.f32 v8, v3;
	v8 =	vld [tilespmem:s24+$0x40]  }
.Ltmp3:
0x254: {  	[tilespmem:s24+$0xFFFFFFE0] =	vst v4;
	v4 =	vmul.f32 v9, v1;
	v3 =	vld [tilespmem:s24+$0x50];
	(pc) =	sbr.rel @p0 .LBB2_9-.Ltmp3, $4  }
0x255: {  	[tilespmem:s24+$0xFFFFFFF0] =	vst v2;
	v5 =	vmul.f32 v5, v1;
	v2 =	vld [tilespmem:s24+$0x60]  }
0x256: {  	s3 =	sadd.s32 $0x3, s18;
	v9 =	vmov s18;
	[tilespmem:s24+$0x0] =	vst v4;
	v12 =	vmul.f32 v6, v1;
	v7 =	vld [tilespmem:s24+$0x80]  }
0x257: {  	s11 =	sadd.s32 $0x1, s18;
	v11 =	vand.u32 $0xFFFFFFFC, v9;
	v4 =	vmov s3;
	[tilespmem:s24+$0x10] =	vst v5;
	v9 =	vmul.f32 v10, v1;
	v6 =	vld [tilespmem:s24+$0x90]  }
0x258: {  	v5 =	vbroadcast v11, $0x0;
	v11 =	vmov s11;
	s11 =	sadd.s32 $0x2, s18;
	s18 =	sadd.s32 $0x4, s18;
	[tilespmem:s24+$0x20] =	vst v12;
	v10 =	vmul.f32 v8, v1;
	v8 =	vld [tilespmem:s24+$0xA0]  }
0x259: {  	v12 =	vld [tilespmem:s24+$0xB0]  }
0x25a: {  	v14 =	vld [tilespmem:s24+$0xC0]  }
0x25b: {  	v13 =	vmov s11;
	v15 =	vld [tilespmem:s24+$0xD0]  }
0x25c: {  	v16 =	vld [tilespmem:s24+$0xE0];
	[tilespmem:s24+$0x30] =	vst v9;
	v3 =	vmul.f32 v3, v1;
	v13 =	vand.u32 $0xFFFFFFFE, v13  }
0x25d: {  	v11 =	vand.u32 $0xFFFFFFFD, v11;
	v4 =	vld.idx.msk [tilespmem:v4+s28+$0x0], $0xffff;
	[tilespmem:s24+$0x40] =	vst v10;
	v1 =	vmul.f32 v2, v1;
	v13 =	vbroadcast v13, $0x0  }
0x25e: {  	s8 =	sadd.s32 $0x200, s24;
	v11 =	vbroadcast v11, $0x0;
	v2 =	vld.idx.msk [tilespmem:v5+s28+$0x0], $0xffff;
	v7 =	vmul.f32 v7, v0;
	[tilespmem:s24+$0x50] =	vst v3  }
0x25f: {  	v9 =	vld [tilespmem:s8+$0xFFFFFF00];
	v3 =	vmul.f32 v6, v0;
	[tilespmem:s24+$0x60] =	vst v1  }
0x260: {  	[tilespmem:s24+$0x80] =	vst v7;
	v7 =	vld [tilespmem:s24+$0xF0];
	v1 =	vmul.f32 v8, v0  }
0x261: {  	v10 =	vld [tilespmem:s8+$0xFFFFFF10];
	[tilespmem:s24+$0x90] =	vst v3;
	v3 =	vmul.f32 v12, v0  }
0x262: {  	v8 =	vld [tilespmem:s8+$0x70];
	[tilespmem:s24+$0xA0] =	vst v1;
	v1 =	vmul.f32 v14, v0  }
0x263: {  	[tilespmem:s24+$0xB0] =	vst v3;
	v3 =	vmul.f32 v15, v0;
	v6 =	vld.idx.msk [tilespmem:v13+s28+$0x0], $0xffff  }
0x264: {  	v5 =	vld.idx.msk [tilespmem:v11+s28+$0x0], $0xffff;
	[tilespmem:s7+$0xC0] =	vst v1;
	v1 =	vmul.f32 v16, v0  }
0x265: {  	v11 =	vld [tilespmem:s8+$0xFFFFFF20];
	[tilespmem:s7+$0xD0] =	vst v3;
	v0 =	vmul.f32 v7, v0  }
0x266: {  	v3 =	vld [tilespmem:s8+$0xFFFFFF30];
	[tilespmem:s7+$0xE0] =	vst v1  }
0x267: {  	v1 =	vld [tilespmem:s8+$0xFFFFFF40];
	[tilespmem:s7+$0xF0] =	vst v0;
	v0 =	vmul.f32 v9, v2  }
0x268: {  	v7 =	vmul.f32 v8, v6;
	v8 =	vld [tilespmem:s8+$0xFFFFFF50]  }
0x269: {  	v9 =	vmul.f32 v10, v2;
	v10 =	vld [tilespmem:s8+$0xFFFFFF60];
	[tilespmem:s8+$0xFFFFFF00] =	vst v0  }
0x26a: {  	v0 =	vmul.f32 v11, v2;
	[tilespmem:s8+$0x70] =	vst v7;
	v7 =	vld [tilespmem:s8+$0xFFFFFF70]  }
0x26b: {  	[tilespmem:s8+$0xFFFFFF10] =	vst v9;
	v9 =	vld [tilespmem:s8+$0xFFFFFF80];
	v3 =	vmul.f32 v3, v2  }
0x26c: {  	[tilespmem:s8+$0xFFFFFF20] =	vst v0;
	v0 =	vmul.f32 v1, v2;
	v1 =	vld [tilespmem:s8+$0xFFFFFF90]  }
0x26d: {  	[tilespmem:s8+$0xFFFFFF30] =	vst v3;
	v3 =	vmul.f32 v8, v2;
	v8 =	vld [tilespmem:s8+$0xFFFFFFA0]  }
0x26e: {  	[tilespmem:s8+$0xFFFFFF40] =	vst v0;
	v0 =	vmul.f32 v10, v2;
	v10 =	vld [tilespmem:s8+$0xFFFFFFB0]  }
0x26f: {  	[tilespmem:s8+$0xFFFFFF50] =	vst v3;
	v2 =	vmul.f32 v7, v2;
	v3 =	vld [tilespmem:s8+$0xFFFFFFC0]  }
0x270: {  	[tilespmem:s8+$0xFFFFFF60] =	vst v0;
	v0 =	vmul.f32 v9, v5;
	v7 =	vld [tilespmem:s8+$0xFFFFFFD0]  }
0x271: {  	v1 =	vmul.f32 v1, v5;
	[tilespmem:s8+$0xFFFFFF70] =	vst v2;
	v2 =	vld [tilespmem:s8+$0xFFFFFFE0]  }
0x272: {  	[tilespmem:s8+$0xFFFFFF80] =	vst v0;
	v0 =	vmul.f32 v8, v5;
	v8 =	vld [tilespmem:s8+$0xFFFFFFF0]  }
0x273: {  	v9 =	vld [tilespmem:s8+$0x0];
	[tilespmem:s8+$0xFFFFFF90] =	vst v1;
	v1 =	vmul.f32 v10, v5  }
0x274: {  	[tilespmem:s8+$0xFFFFFFA0] =	vst v0;
	v0 =	vmul.f32 v3, v5;
	v3 =	vld [tilespmem:s8+$0x10]  }
0x275: {  	[tilespmem:s8+$0xFFFFFFB0] =	vst v1;
	v1 =	vmul.f32 v7, v5;
	v7 =	vld [tilespmem:s8+$0x20]  }
0x276: {  	[tilespmem:s8+$0xFFFFFFC0] =	vst v0;
	v0 =	vmul.f32 v2, v5;
	v2 =	vld [tilespmem:s8+$0x30]  }
0x277: {  	[tilespmem:s8+$0xFFFFFFD0] =	vst v1;
	v1 =	vmul.f32 v8, v5;
	v5 =	vld [tilespmem:s8+$0x40]  }
0x278: {  	v8 =	vld [tilespmem:s8+$0x50];
	[tilespmem:s8+$0xFFFFFFE0] =	vst v0;
	v0 =	vmul.f32 v9, v6  }
0x279: {  	[tilespmem:s8+$0xFFFFFFF0] =	vst v1;
	v1 =	vmul.f32 v3, v6;
	v3 =	vld [tilespmem:s8+$0x60]  }
0x27a: {  	[tilespmem:s8+$0x0] =	vst v0;
	v0 =	vmul.f32 v7, v6;
	v7 =	vld [tilespmem:s8+$0x80]  }
0x27b: {  	[tilespmem:s8+$0x10] =	vst v1;
	v1 =	vmul.f32 v2, v6;
	v2 =	vld [tilespmem:s8+$0x90]  }
0x27c: {  	[tilespmem:s8+$0x20] =	vst v0;
	v0 =	vmul.f32 v5, v6;
	v5 =	vld [tilespmem:s8+$0xA0]  }
0x27d: {  	[tilespmem:s8+$0x30] =	vst v1;
	v1 =	vmul.f32 v8, v6;
	v8 =	vld [tilespmem:s8+$0xB0]  }
0x27e: {  	[tilespmem:s8+$0x40] =	vst v0;
	v0 =	vmul.f32 v3, v6;
	v3 =	vld [tilespmem:s8+$0xC0]  }
0x27f: {  	v6 =	vld [tilespmem:s8+$0xD0];
	[tilespmem:s8+$0x50] =	vst v1;
	v1 =	vmul.f32 v7, v4  }
0x280: {  	[tilespmem:s8+$0x60] =	vst v0;
	v0 =	vmul.f32 v2, v4;
	v2 =	vld [tilespmem:s8+$0xE0]  }
0x281: {  	[tilespmem:s8+$0x80] =	vst v1;
	v1 =	vmul.f32 v5, v4;
	v5 =	vld [tilespmem:s8+$0xF0]  }
0x282: {  	[tilespmem:s8+$0x90] =	vst v0;
	v0 =	vmul.f32 v8, v4  }
0x283: {  	[tilespmem:s8+$0xA0] =	vst v1;
	v1 =	vmul.f32 v3, v4  }
0x284: {  	[tilespmem:s8+$0xB0] =	vst v0;
	v0 =	vmul.f32 v6, v4  }
0x285: {  	[tilespmem:s8+$0xC0] =	vst v1;
	v1 =	vmul.f32 v2, v4  }
0x286: {  	[tilespmem:s8+$0xD0] =	vst v0;
	v0 =	vmul.f32 v5, v4  }
0x287: {  	[tilespmem:s8+$0xE0] =	vst v1  }
0x288: {  	s3 =	simm.s32 $0x2C80;
	s24 =	smul.u32 $0x3, s17;
	[tilespmem:s8+$0xF0] =	vst v0  }
0x289: {  	[spmem:s2] =	stream.indirect.scatter.add.f32 [tilespmem:s31], [sflag:$0x6], $0x80, s3, s22, $0xb8;
	[tilespmem:$0x1E680] =	vst v63  }
0x28a: {  	s11 =	sadd.s32 s24, s12;
	_ =	swait.ge [sflag:s9], $0x2800  }
0x28b: {  	s3 =	sshll.u32 s11, $0x6;
	[sflag:s9] =	ssyncset.done $0x0  }
0x28c: {  	s18 =	simm.s32 $0x0;
	s3 =	sadd.s32 s3, s13;
	[sflag:s9] =	ssyncadd.s32 $0xFFFFD800  }
0x28d: {  	[tilespmem:s21], [sflag:$0x7] =	stream.linear.gather [hbm4b:s3+s18], $0x180, $0x38;
	[tilespmem:$0x1E680] =	vst v63  }
0x28e: {  	_ =	swait.ge [sflag:s19], $0x180  }
0x28f: {  	[sflag:s19] =	ssyncset.done $0x0  }
0x290: {  	[sflag:s19] =	ssyncadd.s32 $0xFFFFFE80  }
0x291: {  	[tilespmem:s25], [sflag:$0x2] =	stream.indirect.gather [hbm4b:s1+s22], $0x80, s21, s22, $0xb8;
	[tilespmem:$0x1E680] =	vst v63  }
0x292: {  	_ =	swait.ge [sflag:s26], $0x2800  }
0x293: {  	[sflag:s26] =	ssyncset.done $0x0  }
0x294: {  	[sflag:s26] =	ssyncadd.s32 $0xFFFFD800  }
0x295: {  	v0 =	vld [tilespmem:$0x2800]  }
0x296: {  	v1 =	vld [tilespmem:$0x2880];
	_ =	sdelay $0x6  }
0x297: {  	v0 =	vld.idx.msk [tilespmem:v0+s18+$0x0], $0xffff  }
0x298: {  	v1 =	vld.idx.msk [tilespmem:v1+s18+$0x0], $0xffff;
	_ =	sdelay $0x4  }
0x299: {  	v0 =	vadd.f32 v1, v0;
	_ =	sdelay $0x1  }
0x29a: {  	v0 =	vmul.f32 $1.442695020e+00, v0;
	_ =	sdelay $0x1  }
0x29b: {  	(erf) = vpow2.f32 v0;
	_ =	sdelay $0x8  }
0x29c: {  	v0 =	vpop (erf)  }
0x29d: {  	v0 =	vadd.f32 $1.000000000e+00, v0;
	_ =	sdelay $0x1  }
0x29e: {  	(erf) = vrcp.f32 v0;
	_ =	sdelay $0x3  }
0x29f: {  	v1 =	vld [tilespmem:$0x2810]  }
0x2a0: {  	v0 =	vld [tilespmem:$0x2900]  }
0x2a1: {  	v2 =	vld [tilespmem:$0x2890];
	_ =	sdelay $0x2  }
0x2a2: {  	v3 =	vpop (erf)  }
0x2a3: {  	v0 =	vmul.f32 v3, v0;
	_ =	sdelay $0x1  }
0x2a4: {  	[tilespmem:$0x2E00] =	vst v0  }
0x2a5: {  	v0 =	vld.idx.msk [tilespmem:v1+s18+$0x0], $0xffff  }
0x2a6: {  	v1 =	vld.idx.msk [tilespmem:v2+s18+$0x0], $0xffff;
	_ =	sdelay $0x4  }
0x2a7: {  	v0 =	vadd.f32 v1, v0;
	_ =	sdelay $0x1  }
0x2a8: {  	v0 =	vmul.f32 $1.442695020e+00, v0;
	_ =	sdelay $0x1  }
0x2a9: {  	(erf) = vpow2.f32 v0;
	_ =	sdelay $0x8  }
0x2aa: {  	v0 =	vpop (erf)  }
0x2ab: {  	v0 =	vadd.f32 $1.000000000e+00, v0;
	_ =	sdelay $0x1  }
0x2ac: {  	(erf) = vrcp.f32 v0;
	_ =	sdelay $0x3  }
0x2ad: {  	v1 =	vld [tilespmem:$0x2820]  }
0x2ae: {  	v0 =	vld [tilespmem:$0x2910]  }
0x2af: {  	v2 =	vld [tilespmem:$0x28A0];
	_ =	sdelay $0x2  }
0x2b0: {  	v3 =	vpop (erf)  }
0x2b1: {  	v0 =	vmul.f32 v3, v0;
	_ =	sdelay $0x1  }
0x2b2: {  	[tilespmem:$0x2E10] =	vst v0  }
0x2b3: {  	v0 =	vld.idx.msk [tilespmem:v1+s18+$0x0], $0xffff  }
0x2b4: {  	v1 =	vld.idx.msk [tilespmem:v2+s18+$0x0], $0xffff;
	_ =	sdelay $0x4  }
0x2b5: {  	v0 =	vadd.f32 v1, v0;
	_ =	sdelay $0x1  }
0x2b6: {  	v0 =	vmul.f32 $1.442695020e+00, v0;
	_ =	sdelay $0x1  }
0x2b7: {  	(erf) = vpow2.f32 v0;
	_ =	sdelay $0x8  }
0x2b8: {  	v0 =	vpop (erf)  }
0x2b9: {  	v0 =	vadd.f32 $1.000000000e+00, v0;
	_ =	sdelay $0x1  }
0x2ba: {  	(erf) = vrcp.f32 v0;
	_ =	sdelay $0x3  }
0x2bb: {  	v1 =	vld [tilespmem:$0x2830]  }
0x2bc: {  	v0 =	vld [tilespmem:$0x2920]  }
0x2bd: {  	v2 =	vld [tilespmem:$0x28B0];
	_ =	sdelay $0x2  }
0x2be: {  	v3 =	vpop (erf)  }
0x2bf: {  	v0 =	vmul.f32 v3, v0;
	_ =	sdelay $0x1  }
0x2c0: {  	[tilespmem:$0x2E20] =	vst v0  }
0x2c1: {  	v0 =	vld.idx.msk [tilespmem:v1+s18+$0x0], $0xffff  }
0x2c2: {  	v1 =	vld.idx.msk [tilespmem:v2+s18+$0x0], $0xffff;
	_ =	sdelay $0x4  }
0x2c3: {  	v0 =	vadd.f32 v1, v0;
	_ =	sdelay $0x1  }
0x2c4: {  	v0 =	vmul.f32 $1.442695020e+00, v0;
	_ =	sdelay $0x1  }
0x2c5: {  	(erf) = vpow2.f32 v0;
	_ =	sdelay $0x8  }
0x2c6: {  	v0 =	vpop (erf)  }
0x2c7: {  	v0 =	vadd.f32 $1.000000000e+00, v0;
	_ =	sdelay $0x1  }
0x2c8: {  	(erf) = vrcp.f32 v0;
	_ =	sdelay $0x3  }
0x2c9: {  	v1 =	vld [tilespmem:$0x2840]  }
0x2ca: {  	v0 =	vld [tilespmem:$0x2930]  }
0x2cb: {  	v2 =	vld [tilespmem:$0x28C0];
	_ =	sdelay $0x2  }
0x2cc: {  	v3 =	vpop (erf)  }
0x2cd: {  	v0 =	vmul.f32 v3, v0;
	_ =	sdelay $0x1  }
0x2ce: {  	[tilespmem:$0x2E30] =	vst v0  }
0x2cf: {  	v0 =	vld.idx.msk [tilespmem:v1+s18+$0x0], $0xffff  }
0x2d0: {  	v1 =	vld.idx.msk [tilespmem:v2+s18+$0x0], $0xffff;
	_ =	sdelay $0x4  }
0x2d1: {  	v0 =	vadd.f32 v1, v0;
	_ =	sdelay $0x1  }
0x2d2: {  	v0 =	vmul.f32 $1.442695020e+00, v0;
	_ =	sdelay $0x1  }
0x2d3: {  	(erf) = vpow2.f32 v0;
	_ =	sdelay $0x8  }
0x2d4: {  	v0 =	vpop (erf)  }
0x2d5: {  	v0 =	vadd.f32 $1.000000000e+00, v0;
	_ =	sdelay $0x1  }
0x2d6: {  	(erf) = vrcp.f32 v0;
	_ =	sdelay $0x4  }
0x2d7: {  	s8 =	simm.s32 $0x2;
	v1 =	vmov s18;
	v0 =	vld [tilespmem:$0x2940]  }
0x2d8: {  	v2 =	vmov s8;
	v1 =	vand.u32 $0xFFFFFFFC, v1  }
0x2d9: {  	v2 =	vand.u32 $0xFFFFFFFE, v2;
	v1 =	vbroadcast v1, $0x0  }
0x2da: {  	v2 =	vbroadcast v2, $0x0  }
0x2db: {  	v3 =	vpop (erf)  }
0x2dc: {  	v0 =	vmul.f32 v3, v0;
	_ =	sdelay $0x1  }
0x2dd: {  	[tilespmem:$0x2E40] =	vst v0  }
0x2de: {  	v0 =	vld.idx.msk [tilespmem:v1+s28+$0x0], $0xffff  }
0x2df: {  	s7 =	simm.s32 $0x2F80;
	v1 =	vld.idx.msk [tilespmem:v2+s28+$0x0], $0xffff  }
0x2e0: {  	v3 =	vld [tilespmem:s7+$0x70]  }
0x2e1: {  	v4 =	vld [tilespmem:s7+$0xFFFFFF00]  }
0x2e2: {  	s11 =	simm.s32 $0x1;
	v5 =	vld [tilespmem:s7+$0xFFFFFF10]  }
0x2e3: {  	v2 =	vmov s11;
	v6 =	vld [tilespmem:s7+$0xFFFFFF20]  }
0x2e4: {  	v7 =	vld [tilespmem:s7+$0xFFFFFF30];
	v2 =	vand.u32 $0xFFFFFFFD, v2  }
0x2e5: {  	v8 =	vld [tilespmem:s7+$0xFFFFFF40];
	v2 =	vbroadcast v2, $0x0  }
0x2e6: {  	v9 =	vld [tilespmem:s7+$0xFFFFFF50]  }
0x2e7: {  	v10 =	vld [tilespmem:s7+$0xFFFFFF60];
	v4 =	vmul.f32 v4, v0  }
0x2e8: {  	v63 =	vld [tilespmem:s7+$0x40];
	v3 =	vmul.f32 v3, v1  }
0x2e9: {  	[tilespmem:s7+$0xFFFFFF00] =	vst v4;
	v4 =	vmul.f32 v5, v0;
	v5 =	vld [tilespmem:s7+$0xFFFFFF70]  }
0x2ea: {  	[tilespmem:s7+$0x70] =	vst v3;
	v3 =	vmul.f32 v6, v0;
	v6 =	vld [tilespmem:s7+$0xFFFFFF80]  }
0x2eb: {  	v2 =	vld.idx.msk [tilespmem:v2+s28+$0x0], $0xffff;
	[tilespmem:s7+$0xFFFFFF10] =	vst v4;
	v4 =	vmul.f32 v7, v0  }
0x2ec: {  	v7 =	vld [tilespmem:s7+$0xFFFFFF90];
	[tilespmem:s7+$0xFFFFFF20] =	vst v3;
	v3 =	vmul.f32 v8, v0  }
0x2ed: {  	v8 =	vld [tilespmem:s7+$0xFFFFFFA0];
	[tilespmem:s7+$0xFFFFFF30] =	vst v4;
	v4 =	vmul.f32 v9, v0  }
0x2ee: {  	v9 =	vld [tilespmem:s7+$0xFFFFFFB0];
	[tilespmem:s7+$0xFFFFFF40] =	vst v3;
	v3 =	vmul.f32 v10, v0  }
0x2ef: {  	v10 =	vld [tilespmem:s7+$0xFFFFFFC0];
	v5 =	vmul.f32 v5, v0;
	[tilespmem:s7+$0xFFFFFF50] =	vst v4  }
0x2f0: {  	v4 =	vmul.f32 v6, v2;
	v6 =	vld [tilespmem:s7+$0xFFFFFFD0];
	[tilespmem:s7+$0xFFFFFF60] =	vst v3  }
0x2f1: {  	s18 =	simm.s32 $0x3;
	v3 =	vld [tilespmem:s7+$0xFFFFFFE0];
	v7 =	vmul.f32 v7, v2;
	[tilespmem:s7+$0xFFFFFF70] =	vst v5  }
0x2f2: {  	v11 =	vmov s18;
	v5 =	vld [tilespmem:s7+$0xFFFFFFF0];
	[tilespmem:s7+$0xFFFFFF80] =	vst v4;
	v4 =	vmul.f32 v8, v2  }
0x2f3: {  	v8 =	vld [tilespmem:s7+$0x0];
	[tilespmem:s7+$0xFFFFFF90] =	vst v7;
	v7 =	vmul.f32 v9, v2  }
0x2f4: {  	v9 =	vld [tilespmem:s7+$0x10];
	[tilespmem:s7+$0xFFFFFFA0] =	vst v4;
	v4 =	vmul.f32 v10, v2  }
0x2f5: {  	[tilespmem:s7+$0xFFFFFFB0] =	vst v7;
	v6 =	vmul.f32 v6, v2;
	v7 =	vld [tilespmem:s7+$0x20]  }
0x2f6: {  	v10 =	vld [tilespmem:s7+$0x30];
	v3 =	vmul.f32 v3, v2;
	[tilespmem:s7+$0xFFFFFFC0] =	vst v4  }
0x2f7: {  	v0 =	vld.idx.msk [tilespmem:v11+s28+$0x0], $0xffff;
	v2 =	vmul.f32 v5, v2;
	[tilespmem:s7+$0xFFFFFFD0] =	vst v6  }
0x2f8: {  	[tilespmem:s7+$0xFFFFFFE0] =	vst v3;
	v4 =	vmul.f32 v8, v1;
	v3 =	vld [tilespmem:s7+$0x50]  }
0x2f9: {  	s8 =	simm.s32 $0x4;
	[tilespmem:s7+$0xFFFFFFF0] =	vst v2;
	v5 =	vmul.f32 v9, v1;
	v2 =	vld [tilespmem:s7+$0x60]  }
0x2fa: {  	s11 =	simm.s32 $0x7;
	v6 =	vmov s8;
	[tilespmem:s7+$0x0] =	vst v4;
	v8 =	vmul.f32 v7, v1;
	v7 =	vld [tilespmem:s7+$0x80]  }
0x2fb: {  	s18 =	simm.s32 $0x5;
	v11 =	vand.u32 $0xFFFFFFFC, v6;
	v6 =	vld [tilespmem:s7+$0x90];
	v4 =	vmov s11;
	v9 =	vmul.f32 v10, v1;
	[tilespmem:s7+$0x10] =	vst v5  }
0x2fc: {  	s3 =	simm.s32 $0x6;
	s11 =	simm.s32 $0x8;
	v10 =	vmul.f32 v63, v1;
	v5 =	vbroadcast v11, $0x0;
	v11 =	vmov s18;
	s18 =	simm.s32 $0x2F80;
	[tilespmem:s7+$0x20] =	vst v8;
	v8 =	vld [tilespmem:s7+$0xA0]  }
.LBB2_11:
0x2fd: {  	p0 =	slt.u32 s11, $0x4C;
	v11 =	vand.u32 $0xFFFFFFFD, v11;
	v12 =	vmov s3;
	[tilespmem:s7+$0x30] =	vst v9;
	v3 =	vmul.f32 v3, v1;
	v9 =	vld [tilespmem:s7+$0xB0]  }
0x2fe: {  	v11 =	vbroadcast v11, $0x0;
	v12 =	vand.u32 $0xFFFFFFFE, v12;
	[tilespmem:s7+$0x40] =	vst v10;
	v1 =	vmul.f32 v2, v1;
	v2 =	vld [tilespmem:s7+$0xC0]  }
0x2ff: {  	v10 =	vbroadcast v12, $0x0;
	[tilespmem:s7+$0x50] =	vst v3;
	v3 =	vmul.f32 v7, v0;
	v7 =	vld [tilespmem:s7+$0xD0]  }
0x300: {  	[tilespmem:s7+$0x60] =	vst v1;
	v1 =	vmul.f32 v6, v0;
	v6 =	vld [tilespmem:s7+$0xE0]  }
0x301: {  	[tilespmem:s7+$0x80] =	vst v3;
	v3 =	vmul.f32 v8, v0;
	v8 =	vld [tilespmem:s7+$0xF0]  }
0x302: {  	v4 =	vld.idx.msk [tilespmem:v4+s28+$0x0], $0xffff;
	[tilespmem:s7+$0x90] =	vst v1;
	v1 =	vmul.f32 v9, v0  }
0x303: {  	v5 =	vld.idx.msk [tilespmem:v5+s28+$0x0], $0xffff;
	[tilespmem:s7+$0xA0] =	vst v3;
	v2 =	vmul.f32 v2, v0  }
0x304: {  	v3 =	vld.idx.msk [tilespmem:v11+s28+$0x0], $0xffff;
	[tilespmem:s7+$0xB0] =	vst v1;
	v7 =	vmul.f32 v7, v0  }
0x305: {  	s7 =	sadd.s32 $0x200, s7;
	v1 =	vld.idx.msk [tilespmem:v10+s28+$0x0], $0xffff;
	[tilespmem:s18+$0xC0] =	vst v2;
	v2 =	vmul.f32 v6, v0  }
0x306: {  	v6 =	vld [tilespmem:s7+$0x70];
	[tilespmem:s18+$0xD0] =	vst v7;
	v8 =	vmul.f32 v8, v0  }
0x307: {  	v7 =	vld [tilespmem:s7+$0xFFFFFF00];
	[tilespmem:s18+$0xE0] =	vst v2  }
0x308: {  	v0 =	vmov v4;
	v2 =	vld [tilespmem:s7+$0xFFFFFF10];
	[tilespmem:s18+$0xF0] =	vst v8;
	s18 =	smov.u32 s7  }
0x309: {  	v4 =	vld [tilespmem:s7+$0xFFFFFF20]  }
0x30a: {  	v8 =	vld [tilespmem:s7+$0xFFFFFF30]  }
0x30b: {  	v9 =	vld [tilespmem:s7+$0xFFFFFF40];
	v6 =	vmul.f32 v6, v1  }
0x30c: {  	v7 =	vmul.f32 v7, v5;
	v10 =	vld [tilespmem:s7+$0xFFFFFF50]  }
0x30d: {  	v2 =	vmul.f32 v2, v5;
	v11 =	vld [tilespmem:s7+$0xFFFFFF60];
	[tilespmem:s7+$0x70] =	vst v6  }
0x30e: {  	[tilespmem:s7+$0xFFFFFF00] =	vst v7;
	v4 =	vmul.f32 v4, v5;
	v6 =	vld [tilespmem:s7+$0xFFFFFF70]  }
0x30f: {  	[tilespmem:s7+$0xFFFFFF10] =	vst v2;
	v2 =	vmul.f32 v8, v5;
	v7 =	vld [tilespmem:s7+$0xFFFFFF80]  }
0x310: {  	[tilespmem:s7+$0xFFFFFF20] =	vst v4;
	v4 =	vmul.f32 v9, v5;
	v8 =	vld [tilespmem:s7+$0xFFFFFF90]  }
0x311: {  	[tilespmem:s7+$0xFFFFFF30] =	vst v2;
	v2 =	vmul.f32 v10, v5;
	v9 =	vld [tilespmem:s7+$0xFFFFFFA0]  }
0x312: {  	[tilespmem:s7+$0xFFFFFF40] =	vst v4;
	v4 =	vmul.f32 v11, v5;
	v10 =	vld [tilespmem:s7+$0xFFFFFFB0]  }
0x313: {  	[tilespmem:s7+$0xFFFFFF50] =	vst v2;
	v2 =	vmul.f32 v6, v5;
	v5 =	vld [tilespmem:s7+$0xFFFFFFC0]  }
0x314: {  	[tilespmem:s7+$0xFFFFFF60] =	vst v4;
	v4 =	vmul.f32 v7, v3;
	v6 =	vld [tilespmem:s7+$0xFFFFFFD0]  }
0x315: {  	[tilespmem:s7+$0xFFFFFF70] =	vst v2;
	v2 =	vmul.f32 v8, v3;
	v7 =	vld [tilespmem:s7+$0xFFFFFFE0]  }
0x316: {  	[tilespmem:s7+$0xFFFFFF80] =	vst v4;
	v4 =	vmul.f32 v9, v3;
	v8 =	vld [tilespmem:s7+$0xFFFFFFF0]  }
0x317: {  	[tilespmem:s7+$0xFFFFFF90] =	vst v2;
	v2 =	vmul.f32 v10, v3;
	v9 =	vld [tilespmem:s7+$0x0]  }
0x318: {  	[tilespmem:s7+$0xFFFFFFA0] =	vst v4;
	v4 =	vmul.f32 v5, v3;
	v5 =	vld [tilespmem:s7+$0x10]  }
0x319: {  	[tilespmem:s7+$0xFFFFFFB0] =	vst v2;
	v2 =	vmul.f32 v6, v3;
	v6 =	vld [tilespmem:s7+$0x20]  }
0x31a: {  	[tilespmem:s7+$0xFFFFFFC0] =	vst v4;
	v4 =	vmul.f32 v7, v3;
	v10 =	vld [tilespmem:s7+$0x30]  }
0x31b: {  	[tilespmem:s7+$0xFFFFFFD0] =	vst v2;
	v2 =	vmul.f32 v8, v3;
	v8 =	vld [tilespmem:s7+$0x40]  }
.Ltmp4:
0x31c: {  	[tilespmem:s7+$0xFFFFFFE0] =	vst v4;
	v4 =	vmul.f32 v9, v1;
	v3 =	vld [tilespmem:s7+$0x50];
	(pc) =	sbr.rel @p0 .LBB2_11-.Ltmp4, $4  }
0x31d: {  	[tilespmem:s7+$0xFFFFFFF0] =	vst v2;
	v5 =	vmul.f32 v5, v1;
	v2 =	vld [tilespmem:s7+$0x60]  }
0x31e: {  	s3 =	sadd.s32 $0x3, s11;
	v9 =	vmov s11;
	[tilespmem:s7+$0x0] =	vst v4;
	v12 =	vmul.f32 v6, v1;
	v7 =	vld [tilespmem:s7+$0x80]  }
0x31f: {  	s8 =	sadd.s32 $0x1, s11;
	v11 =	vand.u32 $0xFFFFFFFC, v9;
	v4 =	vmov s3;
	[tilespmem:s7+$0x10] =	vst v5;
	v9 =	vmul.f32 v10, v1;
	v6 =	vld [tilespmem:s7+$0x90]  }
0x320: {  	s3 =	sadd.s32 $0x2, s11;
	s11 =	sadd.s32 $0x4, s11;
	v5 =	vbroadcast v11, $0x0;
	v11 =	vmov s8;
	[tilespmem:s7+$0x20] =	vst v12;
	v10 =	vmul.f32 v8, v1;
	v8 =	vld [tilespmem:s7+$0xA0]  }
0x321: {  	v12 =	vld [tilespmem:s7+$0xB0]  }
0x322: {  	v14 =	vld [tilespmem:s7+$0xC0]  }
0x323: {  	v13 =	vmov s3;
	v15 =	vld [tilespmem:s7+$0xD0]  }
0x324: {  	v16 =	vld [tilespmem:s7+$0xE0];
	[tilespmem:s7+$0x30] =	vst v9;
	v3 =	vmul.f32 v3, v1;
	v13 =	vand.u32 $0xFFFFFFFE, v13  }
0x325: {  	v11 =	vand.u32 $0xFFFFFFFD, v11;
	v4 =	vld.idx.msk [tilespmem:v4+s28+$0x0], $0xffff;
	[tilespmem:s7+$0x40] =	vst v10;
	v1 =	vmul.f32 v2, v1;
	v13 =	vbroadcast v13, $0x0  }
0x326: {  	s11 =	sadd.s32 $0x200, s7;
	v11 =	vbroadcast v11, $0x0;
	v2 =	vld.idx.msk [tilespmem:v5+s28+$0x0], $0xffff;
	v7 =	vmul.f32 v7, v0;
	[tilespmem:s7+$0x50] =	vst v3  }
0x327: {  	v9 =	vld [tilespmem:s11+$0xFFFFFF00];
	v3 =	vmul.f32 v6, v0;
	[tilespmem:s7+$0x60] =	vst v1  }
0x328: {  	[tilespmem:s7+$0x80] =	vst v7;
	v7 =	vld [tilespmem:s7+$0xF0];
	v1 =	vmul.f32 v8, v0  }
0x329: {  	v10 =	vld [tilespmem:s11+$0xFFFFFF10];
	[tilespmem:s7+$0x90] =	vst v3;
	v3 =	vmul.f32 v12, v0  }
0x32a: {  	v8 =	vld [tilespmem:s11+$0x70];
	[tilespmem:s7+$0xA0] =	vst v1;
	v1 =	vmul.f32 v14, v0  }
0x32b: {  	[tilespmem:s7+$0xB0] =	vst v3;
	v3 =	vmul.f32 v15, v0;
	v6 =	vld.idx.msk [tilespmem:v13+s28+$0x0], $0xffff  }
0x32c: {  	v5 =	vld.idx.msk [tilespmem:v11+s28+$0x0], $0xffff;
	[tilespmem:s18+$0xC0] =	vst v1;
	v1 =	vmul.f32 v16, v0  }
0x32d: {  	v11 =	vld [tilespmem:s11+$0xFFFFFF20];
	[tilespmem:s18+$0xD0] =	vst v3;
	v0 =	vmul.f32 v7, v0  }
0x32e: {  	v3 =	vld [tilespmem:s11+$0xFFFFFF30];
	[tilespmem:s18+$0xE0] =	vst v1  }
0x32f: {  	v1 =	vld [tilespmem:s11+$0xFFFFFF40];
	[tilespmem:s18+$0xF0] =	vst v0;
	v0 =	vmul.f32 v9, v2  }
0x330: {  	v7 =	vmul.f32 v8, v6;
	v8 =	vld [tilespmem:s11+$0xFFFFFF50]  }
0x331: {  	v9 =	vmul.f32 v10, v2;
	v10 =	vld [tilespmem:s11+$0xFFFFFF60];
	[tilespmem:s11+$0xFFFFFF00] =	vst v0  }
0x332: {  	v0 =	vmul.f32 v11, v2;
	[tilespmem:s11+$0x70] =	vst v7;
	v7 =	vld [tilespmem:s11+$0xFFFFFF70]  }
0x333: {  	[tilespmem:s11+$0xFFFFFF10] =	vst v9;
	v9 =	vld [tilespmem:s11+$0xFFFFFF80];
	v3 =	vmul.f32 v3, v2  }
0x334: {  	[tilespmem:s11+$0xFFFFFF20] =	vst v0;
	v0 =	vmul.f32 v1, v2;
	v1 =	vld [tilespmem:s11+$0xFFFFFF90]  }
0x335: {  	[tilespmem:s11+$0xFFFFFF30] =	vst v3;
	v3 =	vmul.f32 v8, v2;
	v8 =	vld [tilespmem:s11+$0xFFFFFFA0]  }
0x336: {  	[tilespmem:s11+$0xFFFFFF40] =	vst v0;
	v0 =	vmul.f32 v10, v2;
	v10 =	vld [tilespmem:s11+$0xFFFFFFB0]  }
0x337: {  	[tilespmem:s11+$0xFFFFFF50] =	vst v3;
	v2 =	vmul.f32 v7, v2;
	v3 =	vld [tilespmem:s11+$0xFFFFFFC0]  }
0x338: {  	[tilespmem:s11+$0xFFFFFF60] =	vst v0;
	v0 =	vmul.f32 v9, v5;
	v7 =	vld [tilespmem:s11+$0xFFFFFFD0]  }
0x339: {  	v1 =	vmul.f32 v1, v5;
	[tilespmem:s11+$0xFFFFFF70] =	vst v2;
	v2 =	vld [tilespmem:s11+$0xFFFFFFE0]  }
0x33a: {  	[tilespmem:s11+$0xFFFFFF80] =	vst v0;
	v0 =	vmul.f32 v8, v5;
	v8 =	vld [tilespmem:s11+$0xFFFFFFF0]  }
0x33b: {  	v9 =	vld [tilespmem:s11+$0x0];
	[tilespmem:s11+$0xFFFFFF90] =	vst v1;
	v1 =	vmul.f32 v10, v5  }
0x33c: {  	[tilespmem:s11+$0xFFFFFFA0] =	vst v0;
	v0 =	vmul.f32 v3, v5;
	v3 =	vld [tilespmem:s11+$0x10]  }
0x33d: {  	[tilespmem:s11+$0xFFFFFFB0] =	vst v1;
	v1 =	vmul.f32 v7, v5;
	v7 =	vld [tilespmem:s11+$0x20]  }
0x33e: {  	[tilespmem:s11+$0xFFFFFFC0] =	vst v0;
	v0 =	vmul.f32 v2, v5;
	v2 =	vld [tilespmem:s11+$0x30]  }
0x33f: {  	[tilespmem:s11+$0xFFFFFFD0] =	vst v1;
	v1 =	vmul.f32 v8, v5;
	v5 =	vld [tilespmem:s11+$0x40]  }
0x340: {  	v8 =	vld [tilespmem:s11+$0x50];
	[tilespmem:s11+$0xFFFFFFE0] =	vst v0;
	v0 =	vmul.f32 v9, v6  }
0x341: {  	[tilespmem:s11+$0xFFFFFFF0] =	vst v1;
	v1 =	vmul.f32 v3, v6;
	v3 =	vld [tilespmem:s11+$0x60]  }
0x342: {  	[tilespmem:s11+$0x0] =	vst v0;
	v0 =	vmul.f32 v7, v6;
	v7 =	vld [tilespmem:s11+$0x80]  }
0x343: {  	[tilespmem:s11+$0x10] =	vst v1;
	v1 =	vmul.f32 v2, v6;
	v2 =	vld [tilespmem:s11+$0x90]  }
0x344: {  	[tilespmem:s11+$0x20] =	vst v0;
	v0 =	vmul.f32 v5, v6;
	v5 =	vld [tilespmem:s11+$0xA0]  }
0x345: {  	[tilespmem:s11+$0x30] =	vst v1;
	v1 =	vmul.f32 v8, v6;
	v8 =	vld [tilespmem:s11+$0xB0]  }
0x346: {  	[tilespmem:s11+$0x40] =	vst v0;
	v0 =	vmul.f32 v3, v6;
	v3 =	vld [tilespmem:s11+$0xC0]  }
0x347: {  	v6 =	vld [tilespmem:s11+$0xD0];
	[tilespmem:s11+$0x50] =	vst v1;
	v1 =	vmul.f32 v7, v4  }
0x348: {  	[tilespmem:s11+$0x60] =	vst v0;
	v0 =	vmul.f32 v2, v4;
	v2 =	vld [tilespmem:s11+$0xE0]  }
0x349: {  	[tilespmem:s11+$0x80] =	vst v1;
	v1 =	vmul.f32 v5, v4;
	v5 =	vld [tilespmem:s11+$0xF0]  }
0x34a: {  	[tilespmem:s11+$0x90] =	vst v0;
	v0 =	vmul.f32 v8, v4  }
0x34b: {  	[tilespmem:s11+$0xA0] =	vst v1;
	v1 =	vmul.f32 v3, v4  }
0x34c: {  	[tilespmem:s11+$0xB0] =	vst v0;
	v0 =	vmul.f32 v6, v4  }
0x34d: {  	[tilespmem:s11+$0xC0] =	vst v1;
	v1 =	vmul.f32 v2, v4  }
0x34e: {  	[tilespmem:s11+$0xD0] =	vst v0;
	v0 =	vmul.f32 v5, v4  }
0x34f: {  	[tilespmem:s11+$0xE0] =	vst v1  }
0x350: {  	[tilespmem:s11+$0xF0] =	vst v0  }
0x351: {  	[spmem:s2] =	stream.indirect.scatter.add.f32 [tilespmem:s23], [sflag:$0x4], $0x80, s29, s22, $0xb8;
	[tilespmem:$0x1E680] =	vst v63  }
0x352: {  	s7 =	sadd.s32 s24, s14;
	_ =	swait.ge [sflag:s10], $0x2800  }
0x353: {  	s3 =	sshll.u32 s7, $0x6;
	[sflag:s10] =	ssyncset.done $0x0  }
0x354: {  	s8 =	simm.s32 $0x0;
	s3 =	sadd.s32 s3, s13;
	[sflag:s10] =	ssyncadd.s32 $0xFFFFD800  }
0x355: {  	[tilespmem:s30], [sflag:$0x7] =	stream.linear.gather [hbm4b:s3+s8], $0x180, $0x38;
	[tilespmem:$0x1E680] =	vst v63  }
0x356: {  	_ =	swait.ge [sflag:s19], $0x180  }
0x357: {  	[sflag:s19] =	ssyncset.done $0x0  }
0x358: {  	[sflag:s19] =	ssyncadd.s32 $0xFFFFFE80  }
0x359: {  	[tilespmem:s31], [sflag:$0x3] =	stream.indirect.gather [hbm4b:s1+s22], $0x80, s30, s22, $0xb8;
	[tilespmem:$0x1E680] =	vst v63  }
0x35a: {  	_ =	swait.ge [sflag:s0], $0x2800  }
0x35b: {  	[sflag:s0] =	ssyncset.done $0x0  }
0x35c: {  	[sflag:s0] =	ssyncadd.s32 $0xFFFFD800  }
0x35d: {  	v0 =	vld [tilespmem:$0x2A00]  }
0x35e: {  	v1 =	vld [tilespmem:$0x2A80];
	_ =	sdelay $0x6  }
0x35f: {  	v0 =	vld.idx.msk [tilespmem:v0+s8+$0x0], $0xffff  }
0x360: {  	v1 =	vld.idx.msk [tilespmem:v1+s8+$0x0], $0xffff;
	_ =	sdelay $0x4  }
0x361: {  	v0 =	vadd.f32 v1, v0;
	_ =	sdelay $0x1  }
0x362: {  	v0 =	vmul.f32 $1.442695020e+00, v0;
	_ =	sdelay $0x1  }
0x363: {  	(erf) = vpow2.f32 v0;
	_ =	sdelay $0x8  }
0x364: {  	v0 =	vpop (erf)  }
0x365: {  	v0 =	vadd.f32 $1.000000000e+00, v0;
	_ =	sdelay $0x1  }
0x366: {  	(erf) = vrcp.f32 v0;
	_ =	sdelay $0x3  }
0x367: {  	v1 =	vld [tilespmem:$0x2A10]  }
0x368: {  	v0 =	vld [tilespmem:$0x2B00]  }
0x369: {  	v2 =	vld [tilespmem:$0x2A90];
	_ =	sdelay $0x2  }
0x36a: {  	v3 =	vpop (erf)  }
0x36b: {  	v0 =	vmul.f32 v3, v0;
	_ =	sdelay $0x1  }
0x36c: {  	[tilespmem:$0x2E00] =	vst v0  }
0x36d: {  	v0 =	vld.idx.msk [tilespmem:v1+s8+$0x0], $0xffff  }
0x36e: {  	v1 =	vld.idx.msk [tilespmem:v2+s8+$0x0], $0xffff;
	_ =	sdelay $0x4  }
0x36f: {  	v0 =	vadd.f32 v1, v0;
	_ =	sdelay $0x1  }
0x370: {  	v0 =	vmul.f32 $1.442695020e+00, v0;
	_ =	sdelay $0x1  }
0x371: {  	(erf) = vpow2.f32 v0;
	_ =	sdelay $0x8  }
0x372: {  	v0 =	vpop (erf)  }
0x373: {  	v0 =	vadd.f32 $1.000000000e+00, v0;
	_ =	sdelay $0x1  }
0x374: {  	(erf) = vrcp.f32 v0;
	_ =	sdelay $0x3  }
0x375: {  	v1 =	vld [tilespmem:$0x2A20]  }
0x376: {  	v0 =	vld [tilespmem:$0x2B10]  }
0x377: {  	v2 =	vld [tilespmem:$0x2AA0];
	_ =	sdelay $0x2  }
0x378: {  	v3 =	vpop (erf)  }
0x379: {  	v0 =	vmul.f32 v3, v0;
	_ =	sdelay $0x1  }
0x37a: {  	[tilespmem:$0x2E10] =	vst v0  }
0x37b: {  	v0 =	vld.idx.msk [tilespmem:v1+s8+$0x0], $0xffff  }
0x37c: {  	v1 =	vld.idx.msk [tilespmem:v2+s8+$0x0], $0xffff;
	_ =	sdelay $0x4  }
0x37d: {  	v0 =	vadd.f32 v1, v0;
	_ =	sdelay $0x1  }
0x37e: {  	v0 =	vmul.f32 $1.442695020e+00, v0;
	_ =	sdelay $0x1  }
0x37f: {  	(erf) = vpow2.f32 v0;
	_ =	sdelay $0x8  }
0x380: {  	v0 =	vpop (erf)  }
0x381: {  	v0 =	vadd.f32 $1.000000000e+00, v0;
	_ =	sdelay $0x1  }
0x382: {  	(erf) = vrcp.f32 v0;
	_ =	sdelay $0x3  }
0x383: {  	v1 =	vld [tilespmem:$0x2A30]  }
0x384: {  	v0 =	vld [tilespmem:$0x2B20]  }
0x385: {  	v2 =	vld [tilespmem:$0x2AB0];
	_ =	sdelay $0x2  }
0x386: {  	v3 =	vpop (erf)  }
0x387: {  	v0 =	vmul.f32 v3, v0;
	_ =	sdelay $0x1  }
0x388: {  	[tilespmem:$0x2E20] =	vst v0  }
0x389: {  	v0 =	vld.idx.msk [tilespmem:v1+s8+$0x0], $0xffff  }
0x38a: {  	v1 =	vld.idx.msk [tilespmem:v2+s8+$0x0], $0xffff;
	_ =	sdelay $0x4  }
0x38b: {  	v0 =	vadd.f32 v1, v0;
	_ =	sdelay $0x1  }
0x38c: {  	v0 =	vmul.f32 $1.442695020e+00, v0;
	_ =	sdelay $0x1  }
0x38d: {  	(erf) = vpow2.f32 v0;
	_ =	sdelay $0x8  }
0x38e: {  	v0 =	vpop (erf)  }
0x38f: {  	v0 =	vadd.f32 $1.000000000e+00, v0;
	_ =	sdelay $0x1  }
0x390: {  	(erf) = vrcp.f32 v0;
	_ =	sdelay $0x3  }
0x391: {  	v1 =	vld [tilespmem:$0x2A40]  }
0x392: {  	v0 =	vld [tilespmem:$0x2B30]  }
0x393: {  	v2 =	vld [tilespmem:$0x2AC0];
	_ =	sdelay $0x2  }
0x394: {  	v3 =	vpop (erf)  }
0x395: {  	v0 =	vmul.f32 v3, v0;
	_ =	sdelay $0x1  }
0x396: {  	[tilespmem:$0x2E30] =	vst v0  }
0x397: {  	v0 =	vld.idx.msk [tilespmem:v1+s8+$0x0], $0xffff  }
0x398: {  	v1 =	vld.idx.msk [tilespmem:v2+s8+$0x0], $0xffff;
	_ =	sdelay $0x4  }
0x399: {  	v0 =	vadd.f32 v1, v0;
	_ =	sdelay $0x1  }
0x39a: {  	v0 =	vmul.f32 $1.442695020e+00, v0;
	_ =	sdelay $0x1  }
0x39b: {  	(erf) = vpow2.f32 v0;
	_ =	sdelay $0x8  }
0x39c: {  	v0 =	vpop (erf)  }
0x39d: {  	v0 =	vadd.f32 $1.000000000e+00, v0;
	_ =	sdelay $0x1  }
0x39e: {  	(erf) = vrcp.f32 v0;
	_ =	sdelay $0x4  }
0x39f: {  	s11 =	simm.s32 $0x2;
	v1 =	vmov s8;
	v0 =	vld [tilespmem:$0x2B40]  }
0x3a0: {  	v2 =	vmov s11;
	v1 =	vand.u32 $0xFFFFFFFC, v1  }
0x3a1: {  	v2 =	vand.u32 $0xFFFFFFFE, v2;
	v1 =	vbroadcast v1, $0x0  }
0x3a2: {  	v2 =	vbroadcast v2, $0x0  }
0x3a3: {  	v3 =	vpop (erf)  }
0x3a4: {  	v0 =	vmul.f32 v3, v0;
	_ =	sdelay $0x1  }
0x3a5: {  	[tilespmem:$0x2E40] =	vst v0  }
0x3a6: {  	v0 =	vld.idx.msk [tilespmem:v1+s28+$0x0], $0xffff  }
0x3a7: {  	s7 =	simm.s32 $0x5780;
	v1 =	vld.idx.msk [tilespmem:v2+s28+$0x0], $0xffff  }
0x3a8: {  	v3 =	vld [tilespmem:s7+$0x70]  }
0x3a9: {  	v4 =	vld [tilespmem:s7+$0xFFFFFF00]  }
0x3aa: {  	s18 =	simm.s32 $0x1;
	v5 =	vld [tilespmem:s7+$0xFFFFFF10]  }
0x3ab: {  	v2 =	vmov s18;
	v6 =	vld [tilespmem:s7+$0xFFFFFF20]  }
0x3ac: {  	v7 =	vld [tilespmem:s7+$0xFFFFFF30];
	v2 =	vand.u32 $0xFFFFFFFD, v2  }
0x3ad: {  	v8 =	vld [tilespmem:s7+$0xFFFFFF40];
	v2 =	vbroadcast v2, $0x0  }
0x3ae: {  	v9 =	vld [tilespmem:s7+$0xFFFFFF50]  }
0x3af: {  	v10 =	vld [tilespmem:s7+$0xFFFFFF60];
	v4 =	vmul.f32 v4, v0  }
0x3b0: {  	v63 =	vld [tilespmem:s7+$0x40];
	v3 =	vmul.f32 v3, v1  }
0x3b1: {  	[tilespmem:s7+$0xFFFFFF00] =	vst v4;
	v4 =	vmul.f32 v5, v0;
	v5 =	vld [tilespmem:s7+$0xFFFFFF70]  }
0x3b2: {  	[tilespmem:s7+$0x70] =	vst v3;
	v3 =	vmul.f32 v6, v0;
	v6 =	vld [tilespmem:s7+$0xFFFFFF80]  }
0x3b3: {  	v2 =	vld.idx.msk [tilespmem:v2+s28+$0x0], $0xffff;
	[tilespmem:s7+$0xFFFFFF10] =	vst v4;
	v4 =	vmul.f32 v7, v0  }
0x3b4: {  	v7 =	vld [tilespmem:s7+$0xFFFFFF90];
	[tilespmem:s7+$0xFFFFFF20] =	vst v3;
	v3 =	vmul.f32 v8, v0  }
0x3b5: {  	v8 =	vld [tilespmem:s7+$0xFFFFFFA0];
	[tilespmem:s7+$0xFFFFFF30] =	vst v4;
	v4 =	vmul.f32 v9, v0  }
0x3b6: {  	v9 =	vld [tilespmem:s7+$0xFFFFFFB0];
	[tilespmem:s7+$0xFFFFFF40] =	vst v3;
	v3 =	vmul.f32 v10, v0  }
0x3b7: {  	v10 =	vld [tilespmem:s7+$0xFFFFFFC0];
	v5 =	vmul.f32 v5, v0;
	[tilespmem:s7+$0xFFFFFF50] =	vst v4  }
0x3b8: {  	v4 =	vmul.f32 v6, v2;
	v6 =	vld [tilespmem:s7+$0xFFFFFFD0];
	[tilespmem:s7+$0xFFFFFF60] =	vst v3  }
0x3b9: {  	s8 =	simm.s32 $0x3;
	v3 =	vld [tilespmem:s7+$0xFFFFFFE0];
	v7 =	vmul.f32 v7, v2;
	[tilespmem:s7+$0xFFFFFF70] =	vst v5  }
0x3ba: {  	v11 =	vmov s8;
	v5 =	vld [tilespmem:s7+$0xFFFFFFF0];
	[tilespmem:s7+$0xFFFFFF80] =	vst v4;
	v4 =	vmul.f32 v8, v2  }
0x3bb: {  	v8 =	vld [tilespmem:s7+$0x0];
	[tilespmem:s7+$0xFFFFFF90] =	vst v7;
	v7 =	vmul.f32 v9, v2  }
0x3bc: {  	v9 =	vld [tilespmem:s7+$0x10];
	[tilespmem:s7+$0xFFFFFFA0] =	vst v4;
	v4 =	vmul.f32 v10, v2  }
0x3bd: {  	[tilespmem:s7+$0xFFFFFFB0] =	vst v7;
	v6 =	vmul.f32 v6, v2;
	v7 =	vld [tilespmem:s7+$0x20]  }
0x3be: {  	v10 =	vld [tilespmem:s7+$0x30];
	v3 =	vmul.f32 v3, v2;
	[tilespmem:s7+$0xFFFFFFC0] =	vst v4  }
0x3bf: {  	v0 =	vld.idx.msk [tilespmem:v11+s28+$0x0], $0xffff;
	v2 =	vmul.f32 v5, v2;
	[tilespmem:s7+$0xFFFFFFD0] =	vst v6  }
0x3c0: {  	[tilespmem:s7+$0xFFFFFFE0] =	vst v3;
	v4 =	vmul.f32 v8, v1;
	v3 =	vld [tilespmem:s7+$0x50]  }
0x3c1: {  	s11 =	simm.s32 $0x4;
	[tilespmem:s7+$0xFFFFFFF0] =	vst v2;
	v5 =	vmul.f32 v9, v1;
	v2 =	vld [tilespmem:s7+$0x60]  }
0x3c2: {  	s18 =	simm.s32 $0x7;
	v6 =	vmov s11;
	[tilespmem:s7+$0x0] =	vst v4;
	v8 =	vmul.f32 v7, v1;
	v7 =	vld [tilespmem:s7+$0x80]  }
0x3c3: {  	s8 =	simm.s32 $0x5;
	v11 =	vand.u32 $0xFFFFFFFC, v6;
	v6 =	vld [tilespmem:s7+$0x90];
	v4 =	vmov s18;
	v9 =	vmul.f32 v10, v1;
	[tilespmem:s7+$0x10] =	vst v5  }
0x3c4: {  	s3 =	simm.s32 $0x6;
	s11 =	simm.s32 $0x8;
	v10 =	vmul.f32 v63, v1;
	s18 =	simm.s32 $0x5780;
	v5 =	vbroadcast v11, $0x0;
	v11 =	vmov s8;
	[tilespmem:s7+$0x20] =	vst v8;
	v8 =	vld [tilespmem:s7+$0xA0]  }
.LBB2_13:
0x3c5: {  	p0 =	slt.u32 s11, $0x4C;
	v11 =	vand.u32 $0xFFFFFFFD, v11;
	v12 =	vmov s3;
	[tilespmem:s7+$0x30] =	vst v9;
	v3 =	vmul.f32 v3, v1;
	v9 =	vld [tilespmem:s7+$0xB0]  }
0x3c6: {  	v11 =	vbroadcast v11, $0x0;
	v12 =	vand.u32 $0xFFFFFFFE, v12;
	[tilespmem:s7+$0x40] =	vst v10;
	v1 =	vmul.f32 v2, v1;
	v2 =	vld [tilespmem:s7+$0xC0]  }
0x3c7: {  	v10 =	vbroadcast v12, $0x0;
	[tilespmem:s7+$0x50] =	vst v3;
	v3 =	vmul.f32 v7, v0;
	v7 =	vld [tilespmem:s7+$0xD0]  }
0x3c8: {  	[tilespmem:s7+$0x60] =	vst v1;
	v1 =	vmul.f32 v6, v0;
	v6 =	vld [tilespmem:s7+$0xE0]  }
0x3c9: {  	[tilespmem:s7+$0x80] =	vst v3;
	v3 =	vmul.f32 v8, v0;
	v8 =	vld [tilespmem:s7+$0xF0]  }
0x3ca: {  	v4 =	vld.idx.msk [tilespmem:v4+s28+$0x0], $0xffff;
	[tilespmem:s7+$0x90] =	vst v1;
	v1 =	vmul.f32 v9, v0  }
0x3cb: {  	v5 =	vld.idx.msk [tilespmem:v5+s28+$0x0], $0xffff;
	[tilespmem:s7+$0xA0] =	vst v3;
	v2 =	vmul.f32 v2, v0  }
0x3cc: {  	v3 =	vld.idx.msk [tilespmem:v11+s28+$0x0], $0xffff;
	[tilespmem:s7+$0xB0] =	vst v1;
	v7 =	vmul.f32 v7, v0  }
0x3cd: {  	s7 =	sadd.s32 $0x200, s7;
	v1 =	vld.idx.msk [tilespmem:v10+s28+$0x0], $0xffff;
	[tilespmem:s18+$0xC0] =	vst v2;
	v2 =	vmul.f32 v6, v0  }
0x3ce: {  	v6 =	vld [tilespmem:s7+$0x70];
	[tilespmem:s18+$0xD0] =	vst v7;
	v8 =	vmul.f32 v8, v0  }
0x3cf: {  	v7 =	vld [tilespmem:s7+$0xFFFFFF00];
	[tilespmem:s18+$0xE0] =	vst v2  }
0x3d0: {  	v0 =	vmov v4;
	v2 =	vld [tilespmem:s7+$0xFFFFFF10];
	[tilespmem:s18+$0xF0] =	vst v8;
	s18 =	smov.u32 s7  }
0x3d1: {  	v4 =	vld [tilespmem:s7+$0xFFFFFF20]  }
0x3d2: {  	v8 =	vld [tilespmem:s7+$0xFFFFFF30]  }
0x3d3: {  	v9 =	vld [tilespmem:s7+$0xFFFFFF40];
	v6 =	vmul.f32 v6, v1  }
0x3d4: {  	v7 =	vmul.f32 v7, v5;
	v10 =	vld [tilespmem:s7+$0xFFFFFF50]  }
0x3d5: {  	v2 =	vmul.f32 v2, v5;
	v11 =	vld [tilespmem:s7+$0xFFFFFF60];
	[tilespmem:s7+$0x70] =	vst v6  }
0x3d6: {  	[tilespmem:s7+$0xFFFFFF00] =	vst v7;
	v4 =	vmul.f32 v4, v5;
	v6 =	vld [tilespmem:s7+$0xFFFFFF70]  }
0x3d7: {  	[tilespmem:s7+$0xFFFFFF10] =	vst v2;
	v2 =	vmul.f32 v8, v5;
	v7 =	vld [tilespmem:s7+$0xFFFFFF80]  }
0x3d8: {  	[tilespmem:s7+$0xFFFFFF20] =	vst v4;
	v4 =	vmul.f32 v9, v5;
	v8 =	vld [tilespmem:s7+$0xFFFFFF90]  }
0x3d9: {  	[tilespmem:s7+$0xFFFFFF30] =	vst v2;
	v2 =	vmul.f32 v10, v5;
	v9 =	vld [tilespmem:s7+$0xFFFFFFA0]  }
0x3da: {  	[tilespmem:s7+$0xFFFFFF40] =	vst v4;
	v4 =	vmul.f32 v11, v5;
	v10 =	vld [tilespmem:s7+$0xFFFFFFB0]  }
0x3db: {  	[tilespmem:s7+$0xFFFFFF50] =	vst v2;
	v2 =	vmul.f32 v6, v5;
	v5 =	vld [tilespmem:s7+$0xFFFFFFC0]  }
0x3dc: {  	[tilespmem:s7+$0xFFFFFF60] =	vst v4;
	v4 =	vmul.f32 v7, v3;
	v6 =	vld [tilespmem:s7+$0xFFFFFFD0]  }
0x3dd: {  	[tilespmem:s7+$0xFFFFFF70] =	vst v2;
	v2 =	vmul.f32 v8, v3;
	v7 =	vld [tilespmem:s7+$0xFFFFFFE0]  }
0x3de: {  	[tilespmem:s7+$0xFFFFFF80] =	vst v4;
	v4 =	vmul.f32 v9, v3;
	v8 =	vld [tilespmem:s7+$0xFFFFFFF0]  }
0x3df: {  	[tilespmem:s7+$0xFFFFFF90] =	vst v2;
	v2 =	vmul.f32 v10, v3;
	v9 =	vld [tilespmem:s7+$0x0]  }
0x3e0: {  	[tilespmem:s7+$0xFFFFFFA0] =	vst v4;
	v4 =	vmul.f32 v5, v3;
	v5 =	vld [tilespmem:s7+$0x10]  }
0x3e1: {  	[tilespmem:s7+$0xFFFFFFB0] =	vst v2;
	v2 =	vmul.f32 v6, v3;
	v6 =	vld [tilespmem:s7+$0x20]  }
0x3e2: {  	[tilespmem:s7+$0xFFFFFFC0] =	vst v4;
	v4 =	vmul.f32 v7, v3;
	v10 =	vld [tilespmem:s7+$0x30]  }
0x3e3: {  	[tilespmem:s7+$0xFFFFFFD0] =	vst v2;
	v2 =	vmul.f32 v8, v3;
	v8 =	vld [tilespmem:s7+$0x40]  }
.Ltmp5:
0x3e4: {  	[tilespmem:s7+$0xFFFFFFE0] =	vst v4;
	v4 =	vmul.f32 v9, v1;
	v3 =	vld [tilespmem:s7+$0x50];
	(pc) =	sbr.rel @p0 .LBB2_13-.Ltmp5, $4  }
0x3e5: {  	[tilespmem:s7+$0xFFFFFFF0] =	vst v2;
	v5 =	vmul.f32 v5, v1;
	v2 =	vld [tilespmem:s7+$0x60]  }
0x3e6: {  	s3 =	sadd.s32 $0x3, s11;
	v9 =	vmov s11;
	[tilespmem:s7+$0x0] =	vst v4;
	v12 =	vmul.f32 v6, v1;
	v7 =	vld [tilespmem:s7+$0x80]  }
0x3e7: {  	s8 =	sadd.s32 $0x1, s11;
	v11 =	vand.u32 $0xFFFFFFFC, v9;
	v4 =	vmov s3;
	[tilespmem:s7+$0x10] =	vst v5;
	v9 =	vmul.f32 v10, v1;
	v6 =	vld [tilespmem:s7+$0x90]  }
0x3e8: {  	s3 =	sadd.s32 $0x2, s11;
	s11 =	sadd.s32 $0x4, s11;
	v5 =	vbroadcast v11, $0x0;
	v11 =	vmov s8;
	[tilespmem:s7+$0x20] =	vst v12;
	v10 =	vmul.f32 v8, v1;
	v8 =	vld [tilespmem:s7+$0xA0]  }
0x3e9: {  	v12 =	vld [tilespmem:s7+$0xB0]  }
0x3ea: {  	v14 =	vld [tilespmem:s7+$0xC0]  }
0x3eb: {  	v15 =	vld [tilespmem:s7+$0xD0]  }
0x3ec: {  	v16 =	vld [tilespmem:s7+$0xE0]  }
0x3ed: {  	v44 =	vld [tilespmem:s7+$0xF0];
	[tilespmem:s7+$0x30] =	vst v9;
	v3 =	vmul.f32 v3, v1  }
0x3ee: {  	v4 =	vld.idx.msk [tilespmem:v4+s28+$0x0], $0xffff;
	[tilespmem:s7+$0x40] =	vst v10;
	v45 =	vmul.f32 v2, v1  }
0x3ef: {  	s11 =	sadd.s32 $0x200, s7;
	v46 =	vld.idx.msk [tilespmem:v5+s28+$0x0], $0xffff;
	v7 =	vmul.f32 v7, v0;
	[tilespmem:s7+$0x50] =	vst v3  }
0x3f0: {  	v51 =	vld [tilespmem:s11+$0x70];
	v47 =	vmul.f32 v6, v0;
	[tilespmem:s7+$0x60] =	vst v45  }
0x3f1: {  	v53 =	vld [tilespmem:s11+$0xFFFFFF00];
	[tilespmem:s7+$0x80] =	vst v7;
	v49 =	vmul.f32 v8, v0  }
0x3f2: {  	v55 =	vld [tilespmem:s11+$0xFFFFFF10];
	[tilespmem:s7+$0x90] =	vst v47;
	v50 =	vmul.f32 v12, v0  }
0x3f3: {  	v11 =	vand.u32 $0xFFFFFFFD, v11;
	v57 =	vld [tilespmem:s11+$0xFFFFFF20];
	v52 =	vmul.f32 v14, v0;
	[tilespmem:s7+$0xA0] =	vst v49  }
0x3f4: {  	v11 =	vbroadcast v11, $0x0;
	v59 =	vld [tilespmem:s11+$0xFFFFFF30];
	v54 =	vmul.f32 v15, v0;
	[tilespmem:s7+$0xB0] =	vst v50  }
0x3f5: {  	v60 =	vld [tilespmem:s11+$0xFFFFFF40];
	v56 =	vmul.f32 v16, v0;
	[tilespmem:s18+$0xC0] =	vst v52  }
0x3f6: {  	v63 =	vld [tilespmem:s11+$0xFFFFFF50];
	v58 =	vmul.f32 v44, v0;
	[tilespmem:s18+$0xD0] =	vst v54  }
0x3f7: {  	v15 =	vld [tilespmem:s11+$0xFFFFFF70];
	v62 =	vmul.f32 v53, v46;
	[tilespmem:s18+$0xE0] =	vst v56  }
0x3f8: {  	v16 =	vld [tilespmem:s11+$0xFFFFFF80];
	v12 =	vmul.f32 v55, v46;
	[tilespmem:s18+$0xF0] =	vst v58  }
0x3f9: {  	v44 =	vld [tilespmem:s11+$0x80];
	v14 =	vmul.f32 v57, v46;
	[tilespmem:s11+$0xFFFFFF00] =	vst v62  }
0x3fa: {  	v3 =	vmul.f32 v59, v46;
	v48 =	vld.idx.msk [tilespmem:v11+s28+$0x0], $0xffff;
	[tilespmem:s11+$0xFFFFFF10] =	vst v12  }
0x3fb: {  	v13 =	vmov s3;
	v18 =	vld [tilespmem:s11+$0xFFFFFF90];
	v17 =	vmul.f32 v60, v46;
	[tilespmem:s11+$0xFFFFFF20] =	vst v14  }
0x3fc: {  	v13 =	vand.u32 $0xFFFFFFFE, v13;
	v20 =	vld [tilespmem:s11+$0xFFFFFFA0];
	v19 =	vmul.f32 v63, v46;
	[tilespmem:s11+$0xFFFFFF30] =	vst v3  }
0x3fd: {  	v22 =	vld [tilespmem:s11+$0xFFFFFFB0];
	v13 =	vbroadcast v13, $0x0;
	[tilespmem:s11+$0xFFFFFF40] =	vst v17;
	v2 =	vmul.f32 v15, v46  }
0x3fe: {  	v23 =	vld [tilespmem:s11+$0xFFFFFFC0];
	[tilespmem:s11+$0xFFFFFF50] =	vst v19;
	v53 =	vmul.f32 v44, v4  }
0x3ff: {  	v25 =	vld [tilespmem:s11+$0xFFFFFFD0];
	v24 =	vmul.f32 v16, v48;
	[tilespmem:s11+$0xFFFFFF70] =	vst v2  }
0x400: {  	v26 =	vld [tilespmem:s11+$0xFFFFFFE0];
	v1 =	vmul.f32 v18, v48;
	[tilespmem:s11+$0x80] =	vst v53  }
0x401: {  	v28 =	vld [tilespmem:s11+$0xFFFFFFF0];
	v27 =	vmul.f32 v20, v48;
	[tilespmem:s11+$0xFFFFFF80] =	vst v24  }
0x402: {  	v50 =	vld [tilespmem:s11+$0xB0];
	v29 =	vmul.f32 v22, v48;
	[tilespmem:s11+$0xFFFFFF90] =	vst v1  }
0x403: {  	v6 =	vld.idx.msk [tilespmem:v13+s28+$0x0], $0xffff;
	v31 =	vmul.f32 v23, v48;
	[tilespmem:s11+$0xFFFFFFA0] =	vst v27  }
0x404: {  	v13 =	vld [tilespmem:s11+$0xFFFFFF60];
	v33 =	vmul.f32 v25, v48;
	[tilespmem:s11+$0xFFFFFFB0] =	vst v29  }
0x405: {  	v30 =	vld [tilespmem:s11+$0x0];
	v35 =	vmul.f32 v26, v48;
	[tilespmem:s11+$0xFFFFFFC0] =	vst v31  }
0x406: {  	v32 =	vld [tilespmem:s11+$0x10];
	v37 =	vmul.f32 v28, v48;
	[tilespmem:s11+$0xFFFFFFD0] =	vst v33  }
0x407: {  	v34 =	vld [tilespmem:s11+$0x20];
	v59 =	vmul.f32 v50, v4;
	[tilespmem:s11+$0xFFFFFFE0] =	vst v35  }
0x408: {  	v36 =	vld [tilespmem:s11+$0x30];
	v61 =	vmul.f32 v51, v6;
	[tilespmem:s11+$0xFFFFFFF0] =	vst v37  }
0x409: {  	v38 =	vld [tilespmem:s11+$0x40];
	v21 =	vmul.f32 v13, v46;
	[tilespmem:s11+$0xB0] =	vst v59  }
0x40a: {  	v40 =	vld [tilespmem:s11+$0x50];
	v39 =	vmul.f32 v30, v6;
	[tilespmem:s11+$0x70] =	vst v61  }
0x40b: {  	v42 =	vld [tilespmem:s11+$0x60];
	v41 =	vmul.f32 v32, v6;
	[tilespmem:s11+$0xFFFFFF60] =	vst v21  }
0x40c: {  	v52 =	vld [tilespmem:s11+$0xC0];
	v43 =	vmul.f32 v34, v6;
	[tilespmem:s11+$0x0] =	vst v39  }
0x40d: {  	v56 =	vld [tilespmem:s11+$0xE0];
	v45 =	vmul.f32 v36, v6;
	[tilespmem:s11+$0x10] =	vst v41  }
0x40e: {  	v58 =	vld [tilespmem:s11+$0xF0];
	v47 =	vmul.f32 v38, v6;
	[tilespmem:s11+$0x20] =	vst v43  }
0x40f: {  	v54 =	vld [tilespmem:s11+$0xD0];
	v49 =	vmul.f32 v40, v6;
	[tilespmem:s11+$0x30] =	vst v45  }
0x410: {  	v48 =	vld [tilespmem:s11+$0xA0];
	v51 =	vmul.f32 v42, v6;
	[tilespmem:s11+$0x40] =	vst v47  }
0x411: {  	v46 =	vld [tilespmem:s11+$0x90];
	v60 =	vmul.f32 v52, v4;
	[tilespmem:s11+$0x50] =	vst v49  }
0x412: {  	v62 =	vmul.f32 v56, v4;
	[tilespmem:s11+$0x60] =	vst v51  }
0x413: {  	v63 =	vmul.f32 v58, v4;
	[tilespmem:s11+$0xC0] =	vst v60  }
0x414: {  	v61 =	vmul.f32 v54, v4;
	[tilespmem:s11+$0xE0] =	vst v62  }
0x415: {  	[tilespmem:s11+$0xF0] =	vst v63;
	v57 =	vmul.f32 v48, v4  }
0x416: {  	[tilespmem:s11+$0xD0] =	vst v61;
	v55 =	vmul.f32 v46, v4  }
0x417: {  	[tilespmem:s11+$0xA0] =	vst v57  }
0x418: {  	[tilespmem:s11+$0x90] =	vst v55  }
0x419: {  	[spmem:s2] =	stream.indirect.scatter.add.f32 [tilespmem:s25], [sflag:$0x5], $0x80, s4, s22, $0xb8;
	[tilespmem:$0x1E680] =	vst v63  }
0x41a: {  	s17 =	sadd.s32 $0x1, s17;
	s18 =	sadd.s32 s24, s15;
	_ =	swait.ge [sflag:s5], $0x2800  }
0x41b: {  	p0 =	sne.s32 s17, $0x28;
	s3 =	sshll.u32 s18, $0x6;
	[sflag:s5] =	ssyncset.done $0x0  }
0x41c: {  	s24 =	simm.s32 $0x0;
	s3 =	sadd.s32 s3, s13;
	[sflag:s5] =	ssyncadd.s32 $0xFFFFD800  }
0x41d: {  	[tilespmem:s20], [sflag:$0x7] =	stream.linear.gather [hbm4b:s3+s24], $0x180, $0x38;
	[tilespmem:$0x1E680] =	vst v63  }
.Ltmp6:
0x41e: {  	_ = 	snop;
	(pc) =	sbr.rel @p0 .LBB2_8-.Ltmp6, $4  }
0x41f: {  	_ =	swait.ge [sflag:s19], $0x180  }
0x420: {  	[sflag:s19] =	ssyncset.done $0x0  }
0x421: {  	[sflag:s19] =	ssyncadd.s32 $0xFFFFFE80  }
0x422: {  	[tilespmem:s23], [sflag:$0x1] =	stream.indirect.gather [hbm4b:s1+s22], $0x80, s20, s22, $0xb8;
	[tilespmem:$0x1E680] =	vst v63  }
0x423: {  	_ =	swait.ge [sflag:s6], $0x2800  }
0x424: {  	[sflag:s6] =	ssyncset.done $0x0  }
0x425: {  	[sflag:s6] =	ssyncadd.s32 $0xFFFFD800  }
0x426: {  	v0 =	vld [tilespmem:$0x2C00]  }
0x427: {  	v1 =	vld [tilespmem:$0x2C80];
	_ =	sdelay $0x5  }
0x428: {  	s7 =	simm.s32 $0x0  }
0x429: {  	v0 =	vld.idx.msk [tilespmem:v0+s7+$0x0], $0xffff  }
0x42a: {  	v1 =	vld.idx.msk [tilespmem:v1+s7+$0x0], $0xffff;
	_ =	sdelay $0x4  }
0x42b: {  	v0 =	vadd.f32 v1, v0;
	_ =	sdelay $0x1  }
0x42c: {  	v0 =	vmul.f32 $1.442695020e+00, v0;
	_ =	sdelay $0x1  }
0x42d: {  	(erf) = vpow2.f32 v0;
	_ =	sdelay $0x8  }
0x42e: {  	v0 =	vpop (erf)  }
0x42f: {  	v0 =	vadd.f32 $1.000000000e+00, v0;
	_ =	sdelay $0x1  }
0x430: {  	(erf) = vrcp.f32 v0;
	_ =	sdelay $0x3  }
0x431: {  	v1 =	vld [tilespmem:$0x2C10]  }
0x432: {  	v0 =	vld [tilespmem:$0x2D00]  }
0x433: {  	v2 =	vld [tilespmem:$0x2C90];
	_ =	sdelay $0x2  }
0x434: {  	v3 =	vpop (erf)  }
0x435: {  	v0 =	vmul.f32 v3, v0;
	_ =	sdelay $0x1  }
0x436: {  	[tilespmem:$0x2E00] =	vst v0  }
0x437: {  	v0 =	vld.idx.msk [tilespmem:v1+s7+$0x0], $0xffff  }
0x438: {  	v1 =	vld.idx.msk [tilespmem:v2+s7+$0x0], $0xffff;
	_ =	sdelay $0x4  }
0x439: {  	v0 =	vadd.f32 v1, v0;
	_ =	sdelay $0x1  }
0x43a: {  	v0 =	vmul.f32 $1.442695020e+00, v0;
	_ =	sdelay $0x1  }
0x43b: {  	(erf) = vpow2.f32 v0;
	_ =	sdelay $0x8  }
0x43c: {  	v0 =	vpop (erf)  }
0x43d: {  	v0 =	vadd.f32 $1.000000000e+00, v0;
	_ =	sdelay $0x1  }
0x43e: {  	(erf) = vrcp.f32 v0;
	_ =	sdelay $0x3  }
0x43f: {  	v1 =	vld [tilespmem:$0x2C20]  }
0x440: {  	v0 =	vld [tilespmem:$0x2D10]  }
0x441: {  	v2 =	vld [tilespmem:$0x2CA0];
	_ =	sdelay $0x2  }
0x442: {  	v3 =	vpop (erf)  }
0x443: {  	v0 =	vmul.f32 v3, v0;
	_ =	sdelay $0x1  }
0x444: {  	[tilespmem:$0x2E10] =	vst v0  }
0x445: {  	v0 =	vld.idx.msk [tilespmem:v1+s7+$0x0], $0xffff  }
0x446: {  	v1 =	vld.idx.msk [tilespmem:v2+s7+$0x0], $0xffff;
	_ =	sdelay $0x4  }
0x447: {  	v0 =	vadd.f32 v1, v0;
	_ =	sdelay $0x1  }
0x448: {  	v0 =	vmul.f32 $1.442695020e+00, v0;
	_ =	sdelay $0x1  }
0x449: {  	(erf) = vpow2.f32 v0;
	_ =	sdelay $0x8  }
0x44a: {  	v0 =	vpop (erf)  }
0x44b: {  	v0 =	vadd.f32 $1.000000000e+00, v0;
	_ =	sdelay $0x1  }
0x44c: {  	(erf) = vrcp.f32 v0;
	_ =	sdelay $0x3  }
0x44d: {  	v1 =	vld [tilespmem:$0x2C30]  }
0x44e: {  	v0 =	vld [tilespmem:$0x2D20]  }
0x44f: {  	v2 =	vld [tilespmem:$0x2CB0];
	_ =	sdelay $0x2  }
0x450: {  	v3 =	vpop (erf)  }
0x451: {  	v0 =	vmul.f32 v3, v0;
	_ =	sdelay $0x1  }
0x452: {  	[tilespmem:$0x2E20] =	vst v0  }
0x453: {  	v0 =	vld.idx.msk [tilespmem:v1+s7+$0x0], $0xffff  }
0x454: {  	v1 =	vld.idx.msk [tilespmem:v2+s7+$0x0], $0xffff;
	_ =	sdelay $0x4  }
0x455: {  	v0 =	vadd.f32 v1, v0;
	_ =	sdelay $0x1  }
0x456: {  	v0 =	vmul.f32 $1.442695020e+00, v0;
	_ =	sdelay $0x1  }
0x457: {  	(erf) = vpow2.f32 v0;
	_ =	sdelay $0x8  }
0x458: {  	v0 =	vpop (erf)  }
0x459: {  	v0 =	vadd.f32 $1.000000000e+00, v0;
	_ =	sdelay $0x1  }
0x45a: {  	(erf) = vrcp.f32 v0;
	_ =	sdelay $0x3  }
0x45b: {  	v1 =	vld [tilespmem:$0x2C40]  }
0x45c: {  	v0 =	vld [tilespmem:$0x2D30]  }
0x45d: {  	v2 =	vld [tilespmem:$0x2CC0];
	_ =	sdelay $0x2  }
0x45e: {  	v3 =	vpop (erf)  }
0x45f: {  	v0 =	vmul.f32 v3, v0;
	_ =	sdelay $0x1  }
0x460: {  	[tilespmem:$0x2E30] =	vst v0  }
0x461: {  	v0 =	vld.idx.msk [tilespmem:v1+s7+$0x0], $0xffff  }
0x462: {  	v1 =	vld.idx.msk [tilespmem:v2+s7+$0x0], $0xffff;
	_ =	sdelay $0x4  }
0x463: {  	v0 =	vadd.f32 v1, v0;
	_ =	sdelay $0x1  }
0x464: {  	v0 =	vmul.f32 $1.442695020e+00, v0;
	_ =	sdelay $0x1  }
0x465: {  	(erf) = vpow2.f32 v0;
	_ =	sdelay $0x8  }
0x466: {  	v0 =	vpop (erf)  }
0x467: {  	v0 =	vadd.f32 $1.000000000e+00, v0;
	_ =	sdelay $0x1  }
0x468: {  	(erf) = vrcp.f32 v0;
	_ =	sdelay $0x4  }
0x469: {  	s3 =	simm.s32 $0x2;
	v1 =	vmov s7;
	v0 =	vld [tilespmem:$0x2D40]  }
0x46a: {  	v2 =	vmov s3;
	v1 =	vand.u32 $0xFFFFFFFC, v1  }
0x46b: {  	v2 =	vand.u32 $0xFFFFFFFE, v2;
	v1 =	vbroadcast v1, $0x0  }
0x46c: {  	v2 =	vbroadcast v2, $0x0  }
0x46d: {  	v3 =	vpop (erf)  }
0x46e: {  	v0 =	vmul.f32 v3, v0;
	_ =	sdelay $0x1  }
0x46f: {  	[tilespmem:$0x2E40] =	vst v0  }
0x470: {  	v0 =	vld.idx.msk [tilespmem:v1+s28+$0x0], $0xffff  }
0x471: {  	s7 =	simm.s32 $0x7F80;
	v1 =	vld.idx.msk [tilespmem:v2+s28+$0x0], $0xffff  }
0x472: {  	v3 =	vld [tilespmem:s7+$0x70]  }
0x473: {  	v4 =	vld [tilespmem:s7+$0xFFFFFF00]  }
0x474: {  	s16 =	simm.s32 $0x1;
	v5 =	vld [tilespmem:s7+$0xFFFFFF10]  }
0x475: {  	v2 =	vmov s16;
	v6 =	vld [tilespmem:s7+$0xFFFFFF20]  }
0x476: {  	v7 =	vld [tilespmem:s7+$0xFFFFFF30];
	v2 =	vand.u32 $0xFFFFFFFD, v2  }
0x477: {  	v8 =	vld [tilespmem:s7+$0xFFFFFF40];
	v2 =	vbroadcast v2, $0x0  }
0x478: {  	v9 =	vld [tilespmem:s7+$0xFFFFFF50]  }
0x479: {  	v10 =	vld [tilespmem:s7+$0xFFFFFF60];
	v4 =	vmul.f32 v4, v0  }
0x47a: {  	v12 =	vld [tilespmem:s7+$0x40];
	v3 =	vmul.f32 v3, v1  }
0x47b: {  	[tilespmem:s7+$0xFFFFFF00] =	vst v4;
	v4 =	vmul.f32 v5, v0;
	v5 =	vld [tilespmem:s7+$0xFFFFFF70]  }
0x47c: {  	[tilespmem:s7+$0x70] =	vst v3;
	v3 =	vmul.f32 v6, v0;
	v6 =	vld [tilespmem:s7+$0xFFFFFF80]  }
0x47d: {  	v2 =	vld.idx.msk [tilespmem:v2+s28+$0x0], $0xffff;
	[tilespmem:s7+$0xFFFFFF10] =	vst v4;
	v4 =	vmul.f32 v7, v0  }
0x47e: {  	v7 =	vld [tilespmem:s7+$0xFFFFFF90];
	[tilespmem:s7+$0xFFFFFF20] =	vst v3;
	v3 =	vmul.f32 v8, v0  }
0x47f: {  	v8 =	vld [tilespmem:s7+$0xFFFFFFA0];
	[tilespmem:s7+$0xFFFFFF30] =	vst v4;
	v4 =	vmul.f32 v9, v0  }
0x480: {  	v9 =	vld [tilespmem:s7+$0xFFFFFFB0];
	[tilespmem:s7+$0xFFFFFF40] =	vst v3;
	v3 =	vmul.f32 v10, v0  }
0x481: {  	v10 =	vld [tilespmem:s7+$0xFFFFFFC0];
	v5 =	vmul.f32 v5, v0;
	[tilespmem:s7+$0xFFFFFF50] =	vst v4  }
0x482: {  	v4 =	vmul.f32 v6, v2;
	v6 =	vld [tilespmem:s7+$0xFFFFFFD0];
	[tilespmem:s7+$0xFFFFFF60] =	vst v3  }
0x483: {  	s17 =	simm.s32 $0x3;
	v3 =	vld [tilespmem:s7+$0xFFFFFFE0];
	v7 =	vmul.f32 v7, v2;
	[tilespmem:s7+$0xFFFFFF70] =	vst v5  }
0x484: {  	v11 =	vmov s17;
	v5 =	vld [tilespmem:s7+$0xFFFFFFF0];
	[tilespmem:s7+$0xFFFFFF80] =	vst v4;
	v4 =	vmul.f32 v8, v2  }
0x485: {  	v8 =	vld [tilespmem:s7+$0x0];
	[tilespmem:s7+$0xFFFFFF90] =	vst v7;
	v7 =	vmul.f32 v9, v2  }
0x486: {  	v9 =	vld [tilespmem:s7+$0x10];
	[tilespmem:s7+$0xFFFFFFA0] =	vst v4;
	v4 =	vmul.f32 v10, v2  }
0x487: {  	[tilespmem:s7+$0xFFFFFFB0] =	vst v7;
	v6 =	vmul.f32 v6, v2;
	v7 =	vld [tilespmem:s7+$0x20]  }
0x488: {  	v10 =	vld [tilespmem:s7+$0x30];
	v3 =	vmul.f32 v3, v2;
	[tilespmem:s7+$0xFFFFFFC0] =	vst v4  }
0x489: {  	v0 =	vld.idx.msk [tilespmem:v11+s28+$0x0], $0xffff;
	v2 =	vmul.f32 v5, v2;
	[tilespmem:s7+$0xFFFFFFD0] =	vst v6  }
0x48a: {  	[tilespmem:s7+$0xFFFFFFE0] =	vst v3;
	v4 =	vmul.f32 v8, v1;
	v3 =	vld [tilespmem:s7+$0x50]  }
0x48b: {  	s18 =	simm.s32 $0x4;
	[tilespmem:s7+$0xFFFFFFF0] =	vst v2;
	v5 =	vmul.f32 v9, v1;
	v2 =	vld [tilespmem:s7+$0x60]  }
0x48c: {  	s24 =	simm.s32 $0x7;
	v6 =	vmov s18;
	[tilespmem:s7+$0x0] =	vst v4;
	v8 =	vmul.f32 v7, v1;
	v7 =	vld [tilespmem:s7+$0x80]  }
0x48d: {  	s8 =	simm.s32 $0x5;
	v11 =	vand.u32 $0xFFFFFFFC, v6;
	v6 =	vld [tilespmem:s7+$0x90];
	v4 =	vmov s24;
	v9 =	vmul.f32 v10, v1;
	[tilespmem:s7+$0x10] =	vst v5  }
0x48e: {  	s11 =	simm.s32 $0x8;
	s3 =	simm.s32 $0x6;
	s16 =	simm.s32 $0x7F80;
	v10 =	vmul.f32 v12, v1;
	v5 =	vbroadcast v11, $0x0;
	v11 =	vmov s8;
	[tilespmem:s7+$0x20] =	vst v8;
	v8 =	vld [tilespmem:s7+$0xA0]  }
.LBB2_16:
0x48f: {  	p0 =	slt.u32 s11, $0x4C;
	v11 =	vand.u32 $0xFFFFFFFD, v11;
	v12 =	vmov s3;
	[tilespmem:s7+$0x30] =	vst v9;
	v3 =	vmul.f32 v3, v1;
	v9 =	vld [tilespmem:s7+$0xB0]  }
0x490: {  	v11 =	vbroadcast v11, $0x0;
	v12 =	vand.u32 $0xFFFFFFFE, v12;
	[tilespmem:s7+$0x40] =	vst v10;
	v1 =	vmul.f32 v2, v1;
	v2 =	vld [tilespmem:s7+$0xC0]  }
0x491: {  	v10 =	vbroadcast v12, $0x0;
	[tilespmem:s7+$0x50] =	vst v3;
	v3 =	vmul.f32 v7, v0;
	v7 =	vld [tilespmem:s7+$0xD0]  }
0x492: {  	[tilespmem:s7+$0x60] =	vst v1;
	v1 =	vmul.f32 v6, v0;
	v6 =	vld [tilespmem:s7+$0xE0]  }
0x493: {  	[tilespmem:s7+$0x80] =	vst v3;
	v3 =	vmul.f32 v8, v0;
	v8 =	vld [tilespmem:s7+$0xF0]  }
0x494: {  	v4 =	vld.idx.msk [tilespmem:v4+s28+$0x0], $0xffff;
	[tilespmem:s7+$0x90] =	vst v1;
	v1 =	vmul.f32 v9, v0  }
0x495: {  	v5 =	vld.idx.msk [tilespmem:v5+s28+$0x0], $0xffff;
	[tilespmem:s7+$0xA0] =	vst v3;
	v2 =	vmul.f32 v2, v0  }
0x496: {  	v3 =	vld.idx.msk [tilespmem:v11+s28+$0x0], $0xffff;
	[tilespmem:s7+$0xB0] =	vst v1;
	v7 =	vmul.f32 v7, v0  }
0x497: {  	s7 =	sadd.s32 $0x200, s7;
	v1 =	vld.idx.msk [tilespmem:v10+s28+$0x0], $0xffff;
	[tilespmem:s16+$0xC0] =	vst v2;
	v2 =	vmul.f32 v6, v0  }
0x498: {  	v6 =	vld [tilespmem:s7+$0x70];
	[tilespmem:s16+$0xD0] =	vst v7;
	v8 =	vmul.f32 v8, v0  }
0x499: {  	v7 =	vld [tilespmem:s7+$0xFFFFFF00];
	[tilespmem:s16+$0xE0] =	vst v2  }
0x49a: {  	v0 =	vmov v4;
	v2 =	vld [tilespmem:s7+$0xFFFFFF10];
	[tilespmem:s16+$0xF0] =	vst v8;
	s16 =	smov.u32 s7  }
0x49b: {  	v4 =	vld [tilespmem:s7+$0xFFFFFF20]  }
0x49c: {  	v8 =	vld [tilespmem:s7+$0xFFFFFF30]  }
0x49d: {  	v9 =	vld [tilespmem:s7+$0xFFFFFF40];
	v6 =	vmul.f32 v6, v1  }
0x49e: {  	v7 =	vmul.f32 v7, v5;
	v10 =	vld [tilespmem:s7+$0xFFFFFF50]  }
0x49f: {  	v2 =	vmul.f32 v2, v5;
	v11 =	vld [tilespmem:s7+$0xFFFFFF60];
	[tilespmem:s7+$0x70] =	vst v6  }
0x4a0: {  	[tilespmem:s7+$0xFFFFFF00] =	vst v7;
	v4 =	vmul.f32 v4, v5;
	v6 =	vld [tilespmem:s7+$0xFFFFFF70]  }
0x4a1: {  	[tilespmem:s7+$0xFFFFFF10] =	vst v2;
	v2 =	vmul.f32 v8, v5;
	v7 =	vld [tilespmem:s7+$0xFFFFFF80]  }
0x4a2: {  	[tilespmem:s7+$0xFFFFFF20] =	vst v4;
	v4 =	vmul.f32 v9, v5;
	v8 =	vld [tilespmem:s7+$0xFFFFFF90]  }
0x4a3: {  	[tilespmem:s7+$0xFFFFFF30] =	vst v2;
	v2 =	vmul.f32 v10, v5;
	v9 =	vld [tilespmem:s7+$0xFFFFFFA0]  }
0x4a4: {  	[tilespmem:s7+$0xFFFFFF40] =	vst v4;
	v4 =	vmul.f32 v11, v5;
	v10 =	vld [tilespmem:s7+$0xFFFFFFB0]  }
0x4a5: {  	[tilespmem:s7+$0xFFFFFF50] =	vst v2;
	v2 =	vmul.f32 v6, v5;
	v5 =	vld [tilespmem:s7+$0xFFFFFFC0]  }
0x4a6: {  	[tilespmem:s7+$0xFFFFFF60] =	vst v4;
	v4 =	vmul.f32 v7, v3;
	v6 =	vld [tilespmem:s7+$0xFFFFFFD0]  }
0x4a7: {  	[tilespmem:s7+$0xFFFFFF70] =	vst v2;
	v2 =	vmul.f32 v8, v3;
	v7 =	vld [tilespmem:s7+$0xFFFFFFE0]  }
0x4a8: {  	[tilespmem:s7+$0xFFFFFF80] =	vst v4;
	v4 =	vmul.f32 v9, v3;
	v8 =	vld [tilespmem:s7+$0xFFFFFFF0]  }
0x4a9: {  	[tilespmem:s7+$0xFFFFFF90] =	vst v2;
	v2 =	vmul.f32 v10, v3;
	v9 =	vld [tilespmem:s7+$0x0]  }
0x4aa: {  	[tilespmem:s7+$0xFFFFFFA0] =	vst v4;
	v4 =	vmul.f32 v5, v3;
	v5 =	vld [tilespmem:s7+$0x10]  }
0x4ab: {  	[tilespmem:s7+$0xFFFFFFB0] =	vst v2;
	v2 =	vmul.f32 v6, v3;
	v6 =	vld [tilespmem:s7+$0x20]  }
0x4ac: {  	[tilespmem:s7+$0xFFFFFFC0] =	vst v4;
	v4 =	vmul.f32 v7, v3;
	v10 =	vld [tilespmem:s7+$0x30]  }
0x4ad: {  	[tilespmem:s7+$0xFFFFFFD0] =	vst v2;
	v2 =	vmul.f32 v8, v3;
	v8 =	vld [tilespmem:s7+$0x40]  }
.Ltmp7:
0x4ae: {  	[tilespmem:s7+$0xFFFFFFE0] =	vst v4;
	v4 =	vmul.f32 v9, v1;
	v3 =	vld [tilespmem:s7+$0x50];
	(pc) =	sbr.rel @p0 .LBB2_16-.Ltmp7, $4  }
0x4af: {  	[tilespmem:s7+$0xFFFFFFF0] =	vst v2;
	v5 =	vmul.f32 v5, v1;
	v2 =	vld [tilespmem:s7+$0x60]  }
0x4b0: {  	s3 =	sadd.s32 $0x3, s11;
	v9 =	vmov s11;
	[tilespmem:s7+$0x0] =	vst v4;
	v12 =	vmul.f32 v6, v1;
	v7 =	vld [tilespmem:s7+$0x80]  }
0x4b1: {  	s8 =	sadd.s32 $0x1, s11;
	v11 =	vand.u32 $0xFFFFFFFC, v9;
	v4 =	vmov s3;
	[tilespmem:s7+$0x10] =	vst v5;
	v9 =	vmul.f32 v10, v1;
	v6 =	vld [tilespmem:s7+$0x90]  }
0x4b2: {  	s3 =	sadd.s32 $0x2, s11;
	s11 =	sadd.s32 $0x4, s11;
	v5 =	vbroadcast v11, $0x0;
	v11 =	vmov s8;
	[tilespmem:s7+$0x20] =	vst v12;
	v10 =	vmul.f32 v8, v1;
	v8 =	vld [tilespmem:s7+$0xA0]  }
0x4b3: {  	v12 =	vld [tilespmem:s7+$0xB0]  }
0x4b4: {  	v14 =	vld [tilespmem:s7+$0xC0]  }
0x4b5: {  	v13 =	vmov s3;
	v15 =	vld [tilespmem:s7+$0xD0]  }
0x4b6: {  	v16 =	vld [tilespmem:s7+$0xE0];
	[tilespmem:s7+$0x30] =	vst v9;
	v3 =	vmul.f32 v3, v1;
	v13 =	vand.u32 $0xFFFFFFFE, v13  }
0x4b7: {  	v11 =	vand.u32 $0xFFFFFFFD, v11;
	v4 =	vld.idx.msk [tilespmem:v4+s28+$0x0], $0xffff;
	[tilespmem:s7+$0x40] =	vst v10;
	v1 =	vmul.f32 v2, v1;
	v13 =	vbroadcast v13, $0x0  }
0x4b8: {  	s11 =	sadd.s32 $0x200, s7;
	v11 =	vbroadcast v11, $0x0;
	v2 =	vld.idx.msk [tilespmem:v5+s28+$0x0], $0xffff;
	v7 =	vmul.f32 v7, v0;
	[tilespmem:s7+$0x50] =	vst v3  }
0x4b9: {  	v9 =	vld [tilespmem:s11+$0xFFFFFF00];
	v3 =	vmul.f32 v6, v0;
	[tilespmem:s7+$0x60] =	vst v1  }
0x4ba: {  	[tilespmem:s7+$0x80] =	vst v7;
	v7 =	vld [tilespmem:s7+$0xF0];
	v1 =	vmul.f32 v8, v0  }
0x4bb: {  	v10 =	vld [tilespmem:s11+$0xFFFFFF10];
	[tilespmem:s7+$0x90] =	vst v3;
	v3 =	vmul.f32 v12, v0  }
0x4bc: {  	v8 =	vld [tilespmem:s11+$0x70];
	[tilespmem:s7+$0xA0] =	vst v1;
	v1 =	vmul.f32 v14, v0  }
0x4bd: {  	[tilespmem:s7+$0xB0] =	vst v3;
	v3 =	vmul.f32 v15, v0;
	v6 =	vld.idx.msk [tilespmem:v13+s28+$0x0], $0xffff  }
0x4be: {  	v5 =	vld.idx.msk [tilespmem:v11+s28+$0x0], $0xffff;
	[tilespmem:s16+$0xC0] =	vst v1;
	v1 =	vmul.f32 v16, v0  }
0x4bf: {  	v11 =	vld [tilespmem:s11+$0xFFFFFF20];
	[tilespmem:s16+$0xD0] =	vst v3;
	v0 =	vmul.f32 v7, v0  }
0x4c0: {  	v3 =	vld [tilespmem:s11+$0xFFFFFF30];
	[tilespmem:s16+$0xE0] =	vst v1  }
0x4c1: {  	v1 =	vld [tilespmem:s11+$0xFFFFFF40];
	[tilespmem:s16+$0xF0] =	vst v0;
	v0 =	vmul.f32 v9, v2  }
0x4c2: {  	v7 =	vmul.f32 v8, v6;
	v8 =	vld [tilespmem:s11+$0xFFFFFF50]  }
0x4c3: {  	v9 =	vmul.f32 v10, v2;
	v10 =	vld [tilespmem:s11+$0xFFFFFF60];
	[tilespmem:s11+$0xFFFFFF00] =	vst v0  }
0x4c4: {  	v0 =	vmul.f32 v11, v2;
	[tilespmem:s11+$0x70] =	vst v7;
	v7 =	vld [tilespmem:s11+$0xFFFFFF70]  }
0x4c5: {  	[tilespmem:s11+$0xFFFFFF10] =	vst v9;
	v9 =	vld [tilespmem:s11+$0xFFFFFF80];
	v3 =	vmul.f32 v3, v2  }
0x4c6: {  	[tilespmem:s11+$0xFFFFFF20] =	vst v0;
	v0 =	vmul.f32 v1, v2;
	v1 =	vld [tilespmem:s11+$0xFFFFFF90]  }
0x4c7: {  	[tilespmem:s11+$0xFFFFFF30] =	vst v3;
	v3 =	vmul.f32 v8, v2;
	v8 =	vld [tilespmem:s11+$0xFFFFFFA0]  }
0x4c8: {  	[tilespmem:s11+$0xFFFFFF40] =	vst v0;
	v0 =	vmul.f32 v10, v2;
	v10 =	vld [tilespmem:s11+$0xFFFFFFB0]  }
0x4c9: {  	[tilespmem:s11+$0xFFFFFF50] =	vst v3;
	v2 =	vmul.f32 v7, v2;
	v3 =	vld [tilespmem:s11+$0xFFFFFFC0]  }
0x4ca: {  	[tilespmem:s11+$0xFFFFFF60] =	vst v0;
	v0 =	vmul.f32 v9, v5;
	v7 =	vld [tilespmem:s11+$0xFFFFFFD0]  }
0x4cb: {  	v1 =	vmul.f32 v1, v5;
	[tilespmem:s11+$0xFFFFFF70] =	vst v2;
	v2 =	vld [tilespmem:s11+$0xFFFFFFE0]  }
0x4cc: {  	[tilespmem:s11+$0xFFFFFF80] =	vst v0;
	v0 =	vmul.f32 v8, v5;
	v8 =	vld [tilespmem:s11+$0xFFFFFFF0]  }
0x4cd: {  	v9 =	vld [tilespmem:s11+$0x0];
	[tilespmem:s11+$0xFFFFFF90] =	vst v1;
	v1 =	vmul.f32 v10, v5  }
0x4ce: {  	[tilespmem:s11+$0xFFFFFFA0] =	vst v0;
	v0 =	vmul.f32 v3, v5;
	v3 =	vld [tilespmem:s11+$0x10]  }
0x4cf: {  	[tilespmem:s11+$0xFFFFFFB0] =	vst v1;
	v1 =	vmul.f32 v7, v5;
	v7 =	vld [tilespmem:s11+$0x20]  }
0x4d0: {  	[tilespmem:s11+$0xFFFFFFC0] =	vst v0;
	v0 =	vmul.f32 v2, v5;
	v2 =	vld [tilespmem:s11+$0x30]  }
0x4d1: {  	[tilespmem:s11+$0xFFFFFFD0] =	vst v1;
	v1 =	vmul.f32 v8, v5;
	v5 =	vld [tilespmem:s11+$0x40]  }
0x4d2: {  	v8 =	vld [tilespmem:s11+$0x50];
	[tilespmem:s11+$0xFFFFFFE0] =	vst v0;
	v0 =	vmul.f32 v9, v6  }
0x4d3: {  	[tilespmem:s11+$0xFFFFFFF0] =	vst v1;
	v1 =	vmul.f32 v3, v6;
	v3 =	vld [tilespmem:s11+$0x60]  }
0x4d4: {  	[tilespmem:s11+$0x0] =	vst v0;
	v0 =	vmul.f32 v7, v6;
	v7 =	vld [tilespmem:s11+$0x80]  }
0x4d5: {  	[tilespmem:s11+$0x10] =	vst v1;
	v1 =	vmul.f32 v2, v6;
	v2 =	vld [tilespmem:s11+$0x90]  }
0x4d6: {  	[tilespmem:s11+$0x20] =	vst v0;
	v0 =	vmul.f32 v5, v6;
	v5 =	vld [tilespmem:s11+$0xA0]  }
0x4d7: {  	[tilespmem:s11+$0x30] =	vst v1;
	v1 =	vmul.f32 v8, v6;
	v8 =	vld [tilespmem:s11+$0xB0]  }
0x4d8: {  	[tilespmem:s11+$0x40] =	vst v0;
	v0 =	vmul.f32 v3, v6;
	v3 =	vld [tilespmem:s11+$0xC0]  }
0x4d9: {  	v6 =	vld [tilespmem:s11+$0xD0];
	[tilespmem:s11+$0x50] =	vst v1;
	v1 =	vmul.f32 v7, v4  }
0x4da: {  	[tilespmem:s11+$0x60] =	vst v0;
	v0 =	vmul.f32 v2, v4;
	v2 =	vld [tilespmem:s11+$0xE0]  }
0x4db: {  	[tilespmem:s11+$0x80] =	vst v1;
	v1 =	vmul.f32 v5, v4;
	v5 =	vld [tilespmem:s11+$0xF0]  }
0x4dc: {  	[tilespmem:s11+$0x90] =	vst v0;
	v0 =	vmul.f32 v8, v4  }
0x4dd: {  	[tilespmem:s11+$0xA0] =	vst v1;
	v1 =	vmul.f32 v3, v4  }
0x4de: {  	[tilespmem:s11+$0xB0] =	vst v0;
	v0 =	vmul.f32 v6, v4  }
0x4df: {  	[tilespmem:s11+$0xC0] =	vst v1;
	v1 =	vmul.f32 v2, v4  }
0x4e0: {  	[tilespmem:s11+$0xD0] =	vst v0;
	v0 =	vmul.f32 v5, v4  }
0x4e1: {  	[tilespmem:s11+$0xE0] =	vst v1  }
0x4e2: {  	s18 =	simm.s32 $0x2C80;
	[tilespmem:s11+$0xF0] =	vst v0  }
0x4e3: {  	[spmem:s2] =	stream.indirect.scatter.add.f32 [tilespmem:s31], [sflag:$0x6], $0x80, s18, s22, $0xb8;
	[tilespmem:$0x1E680] =	vst v63  }
0x4e4: {  	_ =	swait.ge [sflag:s9], $0x2800  }
0x4e5: {  	[sflag:s9] =	ssyncset.done $0x0  }
0x4e6: {  	s24 =	simm.s32 $0x0;
	s8 =	rddreg [dreg:$0xb];
	[sflag:s9] =	ssyncadd.s32 $0xFFFFD800  }
0x4e7: {  	[tilespmem:s21], [sflag:$0x7] =	stream.linear.gather [hbm4b:s8+s24], $0x180, $0x38;
	[tilespmem:$0x1E680] =	vst v63  }
0x4e8: {  	_ =	swait.ge [sflag:s19], $0x180  }
0x4e9: {  	[sflag:s19] =	ssyncset.done $0x0  }
0x4ea: {  	[sflag:s19] =	ssyncadd.s32 $0xFFFFFE80  }
0x4eb: {  	[tilespmem:s25], [sflag:$0x2] =	stream.indirect.gather [hbm4b:s1+s22], $0x80, s21, s22, $0xb8;
	[tilespmem:$0x1E680] =	vst v63  }
0x4ec: {  	_ =	swait.ge [sflag:s26], $0x2800  }
0x4ed: {  	[sflag:s26] =	ssyncset.done $0x0  }
0x4ee: {  	[sflag:s26] =	ssyncadd.s32 $0xFFFFD800  }
0x4ef: {  	v0 =	vld [tilespmem:$0x2800]  }
0x4f0: {  	v1 =	vld [tilespmem:$0x2880];
	_ =	sdelay $0x6  }
0x4f1: {  	v0 =	vld.idx.msk [tilespmem:v0+s24+$0x0], $0xffff  }
0x4f2: {  	v1 =	vld.idx.msk [tilespmem:v1+s24+$0x0], $0xffff;
	_ =	sdelay $0x4  }
0x4f3: {  	v0 =	vadd.f32 v1, v0;
	_ =	sdelay $0x1  }
0x4f4: {  	v0 =	vmul.f32 $1.442695020e+00, v0;
	_ =	sdelay $0x1  }
0x4f5: {  	(erf) = vpow2.f32 v0;
	_ =	sdelay $0x8  }
0x4f6: {  	v0 =	vpop (erf)  }
0x4f7: {  	v0 =	vadd.f32 $1.000000000e+00, v0;
	_ =	sdelay $0x1  }
0x4f8: {  	(erf) = vrcp.f32 v0;
	_ =	sdelay $0x3  }
0x4f9: {  	v1 =	vld [tilespmem:$0x2810]  }
0x4fa: {  	v0 =	vld [tilespmem:$0x2900]  }
0x4fb: {  	v2 =	vld [tilespmem:$0x2890];
	_ =	sdelay $0x2  }
0x4fc: {  	v3 =	vpop (erf)  }
0x4fd: {  	v0 =	vmul.f32 v3, v0;
	_ =	sdelay $0x1  }
0x4fe: {  	[tilespmem:$0x2E00] =	vst v0  }
0x4ff: {  	v0 =	vld.idx.msk [tilespmem:v1+s24+$0x0], $0xffff  }
0x500: {  	v1 =	vld.idx.msk [tilespmem:v2+s24+$0x0], $0xffff;
	_ =	sdelay $0x4  }
0x501: {  	v0 =	vadd.f32 v1, v0;
	_ =	sdelay $0x1  }
0x502: {  	v0 =	vmul.f32 $1.442695020e+00, v0;
	_ =	sdelay $0x1  }
0x503: {  	(erf) = vpow2.f32 v0;
	_ =	sdelay $0x8  }
0x504: {  	v0 =	vpop (erf)  }
0x505: {  	v0 =	vadd.f32 $1.000000000e+00, v0;
	_ =	sdelay $0x1  }
0x506: {  	(erf) = vrcp.f32 v0;
	_ =	sdelay $0x3  }
0x507: {  	v1 =	vld [tilespmem:$0x2820]  }
0x508: {  	v0 =	vld [tilespmem:$0x2910]  }
0x509: {  	v2 =	vld [tilespmem:$0x28A0];
	_ =	sdelay $0x2  }
0x50a: {  	v3 =	vpop (erf)  }
0x50b: {  	v0 =	vmul.f32 v3, v0;
	_ =	sdelay $0x1  }
0x50c: {  	[tilespmem:$0x2E10] =	vst v0  }
0x50d: {  	v0 =	vld.idx.msk [tilespmem:v1+s24+$0x0], $0xffff  }
0x50e: {  	v1 =	vld.idx.msk [tilespmem:v2+s24+$0x0], $0xffff;
	_ =	sdelay $0x4  }
0x50f: {  	v0 =	vadd.f32 v1, v0;
	_ =	sdelay $0x1  }
0x510: {  	v0 =	vmul.f32 $1.442695020e+00, v0;
	_ =	sdelay $0x1  }
0x511: {  	(erf) = vpow2.f32 v0;
	_ =	sdelay $0x8  }
0x512: {  	v0 =	vpop (erf)  }
0x513: {  	v0 =	vadd.f32 $1.000000000e+00, v0;
	_ =	sdelay $0x1  }
0x514: {  	(erf) = vrcp.f32 v0;
	_ =	sdelay $0x3  }
0x515: {  	v1 =	vld [tilespmem:$0x2830]  }
0x516: {  	v0 =	vld [tilespmem:$0x2920]  }
0x517: {  	v2 =	vld [tilespmem:$0x28B0];
	_ =	sdelay $0x2  }
0x518: {  	v3 =	vpop (erf)  }
0x519: {  	v0 =	vmul.f32 v3, v0;
	_ =	sdelay $0x1  }
0x51a: {  	[tilespmem:$0x2E20] =	vst v0  }
0x51b: {  	v0 =	vld.idx.msk [tilespmem:v1+s24+$0x0], $0xffff  }
0x51c: {  	v1 =	vld.idx.msk [tilespmem:v2+s24+$0x0], $0xffff;
	_ =	sdelay $0x4  }
0x51d: {  	v0 =	vadd.f32 v1, v0;
	_ =	sdelay $0x1  }
0x51e: {  	v0 =	vmul.f32 $1.442695020e+00, v0;
	_ =	sdelay $0x1  }
0x51f: {  	(erf) = vpow2.f32 v0;
	_ =	sdelay $0x8  }
0x520: {  	v0 =	vpop (erf)  }
0x521: {  	v0 =	vadd.f32 $1.000000000e+00, v0;
	_ =	sdelay $0x1  }
0x522: {  	(erf) = vrcp.f32 v0;
	_ =	sdelay $0x3  }
0x523: {  	v1 =	vld [tilespmem:$0x2840]  }
0x524: {  	v0 =	vld [tilespmem:$0x2930]  }
0x525: {  	v2 =	vld [tilespmem:$0x28C0];
	_ =	sdelay $0x2  }
0x526: {  	v3 =	vpop (erf)  }
0x527: {  	v0 =	vmul.f32 v3, v0;
	_ =	sdelay $0x1  }
0x528: {  	[tilespmem:$0x2E30] =	vst v0  }
0x529: {  	v0 =	vld.idx.msk [tilespmem:v1+s24+$0x0], $0xffff  }
0x52a: {  	v1 =	vld.idx.msk [tilespmem:v2+s24+$0x0], $0xffff;
	_ =	sdelay $0x4  }
0x52b: {  	v0 =	vadd.f32 v1, v0;
	_ =	sdelay $0x1  }
0x52c: {  	v0 =	vmul.f32 $1.442695020e+00, v0;
	_ =	sdelay $0x1  }
0x52d: {  	(erf) = vpow2.f32 v0;
	_ =	sdelay $0x8  }
0x52e: {  	v0 =	vpop (erf)  }
0x52f: {  	v0 =	vadd.f32 $1.000000000e+00, v0;
	_ =	sdelay $0x1  }
0x530: {  	(erf) = vrcp.f32 v0;
	_ =	sdelay $0x4  }
0x531: {  	s11 =	simm.s32 $0x2;
	v1 =	vmov s24;
	v0 =	vld [tilespmem:$0x2940]  }
0x532: {  	v2 =	vmov s11;
	v1 =	vand.u32 $0xFFFFFFFC, v1  }
0x533: {  	v2 =	vand.u32 $0xFFFFFFFE, v2;
	v1 =	vbroadcast v1, $0x0  }
0x534: {  	v2 =	vbroadcast v2, $0x0  }
0x535: {  	v3 =	vpop (erf)  }
0x536: {  	v0 =	vmul.f32 v3, v0;
	_ =	sdelay $0x1  }
0x537: {  	[tilespmem:$0x2E40] =	vst v0  }
0x538: {  	v0 =	vld.idx.msk [tilespmem:v1+s28+$0x0], $0xffff  }
0x539: {  	s7 =	simm.s32 $0x2F80;
	v1 =	vld.idx.msk [tilespmem:v2+s28+$0x0], $0xffff  }
0x53a: {  	v3 =	vld [tilespmem:s7+$0x70]  }
0x53b: {  	v4 =	vld [tilespmem:s7+$0xFFFFFF00]  }
0x53c: {  	s16 =	simm.s32 $0x1;
	v5 =	vld [tilespmem:s7+$0xFFFFFF10]  }
0x53d: {  	v2 =	vmov s16;
	v6 =	vld [tilespmem:s7+$0xFFFFFF20]  }
0x53e: {  	v7 =	vld [tilespmem:s7+$0xFFFFFF30];
	v2 =	vand.u32 $0xFFFFFFFD, v2  }
0x53f: {  	v8 =	vld [tilespmem:s7+$0xFFFFFF40];
	v2 =	vbroadcast v2, $0x0  }
0x540: {  	v9 =	vld [tilespmem:s7+$0xFFFFFF50]  }
0x541: {  	v10 =	vld [tilespmem:s7+$0xFFFFFF60];
	v4 =	vmul.f32 v4, v0  }
0x542: {  	v63 =	vld [tilespmem:s7+$0x40];
	v3 =	vmul.f32 v3, v1  }
0x543: {  	[tilespmem:s7+$0xFFFFFF00] =	vst v4;
	v4 =	vmul.f32 v5, v0;
	v5 =	vld [tilespmem:s7+$0xFFFFFF70]  }
0x544: {  	[tilespmem:s7+$0x70] =	vst v3;
	v3 =	vmul.f32 v6, v0;
	v6 =	vld [tilespmem:s7+$0xFFFFFF80]  }
0x545: {  	v2 =	vld.idx.msk [tilespmem:v2+s28+$0x0], $0xffff;
	[tilespmem:s7+$0xFFFFFF10] =	vst v4;
	v4 =	vmul.f32 v7, v0  }
0x546: {  	v7 =	vld [tilespmem:s7+$0xFFFFFF90];
	[tilespmem:s7+$0xFFFFFF20] =	vst v3;
	v3 =	vmul.f32 v8, v0  }
0x547: {  	v8 =	vld [tilespmem:s7+$0xFFFFFFA0];
	[tilespmem:s7+$0xFFFFFF30] =	vst v4;
	v4 =	vmul.f32 v9, v0  }
0x548: {  	v9 =	vld [tilespmem:s7+$0xFFFFFFB0];
	[tilespmem:s7+$0xFFFFFF40] =	vst v3;
	v3 =	vmul.f32 v10, v0  }
0x549: {  	v10 =	vld [tilespmem:s7+$0xFFFFFFC0];
	v5 =	vmul.f32 v5, v0;
	[tilespmem:s7+$0xFFFFFF50] =	vst v4  }
0x54a: {  	v4 =	vmul.f32 v6, v2;
	v6 =	vld [tilespmem:s7+$0xFFFFFFD0];
	[tilespmem:s7+$0xFFFFFF60] =	vst v3  }
0x54b: {  	s17 =	simm.s32 $0x3;
	v3 =	vld [tilespmem:s7+$0xFFFFFFE0];
	v7 =	vmul.f32 v7, v2;
	[tilespmem:s7+$0xFFFFFF70] =	vst v5  }
0x54c: {  	v11 =	vmov s17;
	v5 =	vld [tilespmem:s7+$0xFFFFFFF0];
	[tilespmem:s7+$0xFFFFFF80] =	vst v4;
	v4 =	vmul.f32 v8, v2  }
0x54d: {  	v8 =	vld [tilespmem:s7+$0x0];
	[tilespmem:s7+$0xFFFFFF90] =	vst v7;
	v7 =	vmul.f32 v9, v2  }
0x54e: {  	v9 =	vld [tilespmem:s7+$0x10];
	[tilespmem:s7+$0xFFFFFFA0] =	vst v4;
	v4 =	vmul.f32 v10, v2  }
0x54f: {  	[tilespmem:s7+$0xFFFFFFB0] =	vst v7;
	v6 =	vmul.f32 v6, v2;
	v7 =	vld [tilespmem:s7+$0x20]  }
0x550: {  	v10 =	vld [tilespmem:s7+$0x30];
	v3 =	vmul.f32 v3, v2;
	[tilespmem:s7+$0xFFFFFFC0] =	vst v4  }
0x551: {  	v0 =	vld.idx.msk [tilespmem:v11+s28+$0x0], $0xffff;
	v2 =	vmul.f32 v5, v2;
	[tilespmem:s7+$0xFFFFFFD0] =	vst v6  }
0x552: {  	[tilespmem:s7+$0xFFFFFFE0] =	vst v3;
	v4 =	vmul.f32 v8, v1;
	v3 =	vld [tilespmem:s7+$0x50]  }
0x553: {  	s18 =	simm.s32 $0x4;
	[tilespmem:s7+$0xFFFFFFF0] =	vst v2;
	v5 =	vmul.f32 v9, v1;
	v2 =	vld [tilespmem:s7+$0x60]  }
0x554: {  	s24 =	simm.s32 $0x7;
	v6 =	vmov s18;
	[tilespmem:s7+$0x0] =	vst v4;
	v8 =	vmul.f32 v7, v1;
	v7 =	vld [tilespmem:s7+$0x80]  }
0x555: {  	s8 =	simm.s32 $0x5;
	v11 =	vand.u32 $0xFFFFFFFC, v6;
	v6 =	vld [tilespmem:s7+$0x90];
	v4 =	vmov s24;
	v9 =	vmul.f32 v10, v1;
	[tilespmem:s7+$0x10] =	vst v5  }
0x556: {  	s3 =	simm.s32 $0x6;
	s11 =	simm.s32 $0x8;
	s16 =	simm.s32 $0x2F80;
	v10 =	vmul.f32 v63, v1;
	v5 =	vbroadcast v11, $0x0;
	v11 =	vmov s8;
	[tilespmem:s7+$0x20] =	vst v8;
	v8 =	vld [tilespmem:s7+$0xA0]  }
.LBB2_18:
0x557: {  	p0 =	slt.u32 s11, $0x4C;
	v11 =	vand.u32 $0xFFFFFFFD, v11;
	v12 =	vmov s3;
	[tilespmem:s7+$0x30] =	vst v9;
	v3 =	vmul.f32 v3, v1;
	v9 =	vld [tilespmem:s7+$0xB0]  }
0x558: {  	v11 =	vbroadcast v11, $0x0;
	v12 =	vand.u32 $0xFFFFFFFE, v12;
	[tilespmem:s7+$0x40] =	vst v10;
	v1 =	vmul.f32 v2, v1;
	v2 =	vld [tilespmem:s7+$0xC0]  }
0x559: {  	v10 =	vbroadcast v12, $0x0;
	[tilespmem:s7+$0x50] =	vst v3;
	v3 =	vmul.f32 v7, v0;
	v7 =	vld [tilespmem:s7+$0xD0]  }
0x55a: {  	[tilespmem:s7+$0x60] =	vst v1;
	v1 =	vmul.f32 v6, v0;
	v6 =	vld [tilespmem:s7+$0xE0]  }
0x55b: {  	[tilespmem:s7+$0x80] =	vst v3;
	v3 =	vmul.f32 v8, v0;
	v8 =	vld [tilespmem:s7+$0xF0]  }
0x55c: {  	v4 =	vld.idx.msk [tilespmem:v4+s28+$0x0], $0xffff;
	[tilespmem:s7+$0x90] =	vst v1;
	v1 =	vmul.f32 v9, v0  }
0x55d: {  	v5 =	vld.idx.msk [tilespmem:v5+s28+$0x0], $0xffff;
	[tilespmem:s7+$0xA0] =	vst v3;
	v2 =	vmul.f32 v2, v0  }
0x55e: {  	v3 =	vld.idx.msk [tilespmem:v11+s28+$0x0], $0xffff;
	[tilespmem:s7+$0xB0] =	vst v1;
	v7 =	vmul.f32 v7, v0  }
0x55f: {  	s7 =	sadd.s32 $0x200, s7;
	v1 =	vld.idx.msk [tilespmem:v10+s28+$0x0], $0xffff;
	[tilespmem:s16+$0xC0] =	vst v2;
	v2 =	vmul.f32 v6, v0  }
0x560: {  	v6 =	vld [tilespmem:s7+$0x70];
	[tilespmem:s16+$0xD0] =	vst v7;
	v8 =	vmul.f32 v8, v0  }
0x561: {  	v7 =	vld [tilespmem:s7+$0xFFFFFF00];
	[tilespmem:s16+$0xE0] =	vst v2  }
0x562: {  	v0 =	vmov v4;
	v2 =	vld [tilespmem:s7+$0xFFFFFF10];
	[tilespmem:s16+$0xF0] =	vst v8;
	s16 =	smov.u32 s7  }
0x563: {  	v4 =	vld [tilespmem:s7+$0xFFFFFF20]  }
0x564: {  	v8 =	vld [tilespmem:s7+$0xFFFFFF30]  }
0x565: {  	v9 =	vld [tilespmem:s7+$0xFFFFFF40];
	v6 =	vmul.f32 v6, v1  }
0x566: {  	v7 =	vmul.f32 v7, v5;
	v10 =	vld [tilespmem:s7+$0xFFFFFF50]  }
0x567: {  	v2 =	vmul.f32 v2, v5;
	v11 =	vld [tilespmem:s7+$0xFFFFFF60];
	[tilespmem:s7+$0x70] =	vst v6  }
0x568: {  	[tilespmem:s7+$0xFFFFFF00] =	vst v7;
	v4 =	vmul.f32 v4, v5;
	v6 =	vld [tilespmem:s7+$0xFFFFFF70]  }
0x569: {  	[tilespmem:s7+$0xFFFFFF10] =	vst v2;
	v2 =	vmul.f32 v8, v5;
	v7 =	vld [tilespmem:s7+$0xFFFFFF80]  }
0x56a: {  	[tilespmem:s7+$0xFFFFFF20] =	vst v4;
	v4 =	vmul.f32 v9, v5;
	v8 =	vld [tilespmem:s7+$0xFFFFFF90]  }
0x56b: {  	[tilespmem:s7+$0xFFFFFF30] =	vst v2;
	v2 =	vmul.f32 v10, v5;
	v9 =	vld [tilespmem:s7+$0xFFFFFFA0]  }
0x56c: {  	[tilespmem:s7+$0xFFFFFF40] =	vst v4;
	v4 =	vmul.f32 v11, v5;
	v10 =	vld [tilespmem:s7+$0xFFFFFFB0]  }
0x56d: {  	[tilespmem:s7+$0xFFFFFF50] =	vst v2;
	v2 =	vmul.f32 v6, v5;
	v5 =	vld [tilespmem:s7+$0xFFFFFFC0]  }
0x56e: {  	[tilespmem:s7+$0xFFFFFF60] =	vst v4;
	v4 =	vmul.f32 v7, v3;
	v6 =	vld [tilespmem:s7+$0xFFFFFFD0]  }
0x56f: {  	[tilespmem:s7+$0xFFFFFF70] =	vst v2;
	v2 =	vmul.f32 v8, v3;
	v7 =	vld [tilespmem:s7+$0xFFFFFFE0]  }
0x570: {  	[tilespmem:s7+$0xFFFFFF80] =	vst v4;
	v4 =	vmul.f32 v9, v3;
	v8 =	vld [tilespmem:s7+$0xFFFFFFF0]  }
0x571: {  	[tilespmem:s7+$0xFFFFFF90] =	vst v2;
	v2 =	vmul.f32 v10, v3;
	v9 =	vld [tilespmem:s7+$0x0]  }
0x572: {  	[tilespmem:s7+$0xFFFFFFA0] =	vst v4;
	v4 =	vmul.f32 v5, v3;
	v5 =	vld [tilespmem:s7+$0x10]  }
0x573: {  	[tilespmem:s7+$0xFFFFFFB0] =	vst v2;
	v2 =	vmul.f32 v6, v3;
	v6 =	vld [tilespmem:s7+$0x20]  }
0x574: {  	[tilespmem:s7+$0xFFFFFFC0] =	vst v4;
	v4 =	vmul.f32 v7, v3;
	v10 =	vld [tilespmem:s7+$0x30]  }
0x575: {  	[tilespmem:s7+$0xFFFFFFD0] =	vst v2;
	v2 =	vmul.f32 v8, v3;
	v8 =	vld [tilespmem:s7+$0x40]  }
.Ltmp8:
0x576: {  	[tilespmem:s7+$0xFFFFFFE0] =	vst v4;
	v4 =	vmul.f32 v9, v1;
	v3 =	vld [tilespmem:s7+$0x50];
	(pc) =	sbr.rel @p0 .LBB2_18-.Ltmp8, $4  }
0x577: {  	[tilespmem:s7+$0xFFFFFFF0] =	vst v2;
	v5 =	vmul.f32 v5, v1;
	v2 =	vld [tilespmem:s7+$0x60]  }
0x578: {  	s3 =	sadd.s32 $0x3, s11;
	v9 =	vmov s11;
	[tilespmem:s7+$0x0] =	vst v4;
	v12 =	vmul.f32 v6, v1;
	v7 =	vld [tilespmem:s7+$0x80]  }
0x579: {  	s8 =	sadd.s32 $0x1, s11;
	v11 =	vand.u32 $0xFFFFFFFC, v9;
	v4 =	vmov s3;
	[tilespmem:s7+$0x10] =	vst v5;
	v9 =	vmul.f32 v10, v1;
	v6 =	vld [tilespmem:s7+$0x90]  }
0x57a: {  	s3 =	sadd.s32 $0x2, s11;
	s11 =	sadd.s32 $0x4, s11;
	v5 =	vbroadcast v11, $0x0;
	v11 =	vmov s8;
	[tilespmem:s7+$0x20] =	vst v12;
	v10 =	vmul.f32 v8, v1;
	v8 =	vld [tilespmem:s7+$0xA0]  }
0x57b: {  	v12 =	vld [tilespmem:s7+$0xB0]  }
0x57c: {  	v14 =	vld [tilespmem:s7+$0xC0]  }
0x57d: {  	v13 =	vmov s3;
	v15 =	vld [tilespmem:s7+$0xD0]  }
0x57e: {  	v16 =	vld [tilespmem:s7+$0xE0];
	[tilespmem:s7+$0x30] =	vst v9;
	v3 =	vmul.f32 v3, v1;
	v13 =	vand.u32 $0xFFFFFFFE, v13  }
0x57f: {  	v11 =	vand.u32 $0xFFFFFFFD, v11;
	v4 =	vld.idx.msk [tilespmem:v4+s28+$0x0], $0xffff;
	[tilespmem:s7+$0x40] =	vst v10;
	v1 =	vmul.f32 v2, v1;
	v13 =	vbroadcast v13, $0x0  }
0x580: {  	s11 =	sadd.s32 $0x200, s7;
	v11 =	vbroadcast v11, $0x0;
	v2 =	vld.idx.msk [tilespmem:v5+s28+$0x0], $0xffff;
	v7 =	vmul.f32 v7, v0;
	[tilespmem:s7+$0x50] =	vst v3  }
0x581: {  	v9 =	vld [tilespmem:s11+$0xFFFFFF00];
	v3 =	vmul.f32 v6, v0;
	[tilespmem:s7+$0x60] =	vst v1  }
0x582: {  	[tilespmem:s7+$0x80] =	vst v7;
	v7 =	vld [tilespmem:s7+$0xF0];
	v1 =	vmul.f32 v8, v0  }
0x583: {  	v10 =	vld [tilespmem:s11+$0xFFFFFF10];
	[tilespmem:s7+$0x90] =	vst v3;
	v3 =	vmul.f32 v12, v0  }
0x584: {  	v8 =	vld [tilespmem:s11+$0x70];
	[tilespmem:s7+$0xA0] =	vst v1;
	v1 =	vmul.f32 v14, v0  }
0x585: {  	[tilespmem:s7+$0xB0] =	vst v3;
	v3 =	vmul.f32 v15, v0;
	v6 =	vld.idx.msk [tilespmem:v13+s28+$0x0], $0xffff  }
0x586: {  	v5 =	vld.idx.msk [tilespmem:v11+s28+$0x0], $0xffff;
	[tilespmem:s16+$0xC0] =	vst v1;
	v1 =	vmul.f32 v16, v0  }
0x587: {  	v11 =	vld [tilespmem:s11+$0xFFFFFF20];
	[tilespmem:s16+$0xD0] =	vst v3;
	v0 =	vmul.f32 v7, v0  }
0x588: {  	v3 =	vld [tilespmem:s11+$0xFFFFFF30];
	[tilespmem:s16+$0xE0] =	vst v1  }
0x589: {  	v1 =	vld [tilespmem:s11+$0xFFFFFF40];
	[tilespmem:s16+$0xF0] =	vst v0;
	v0 =	vmul.f32 v9, v2  }
0x58a: {  	v7 =	vmul.f32 v8, v6;
	v8 =	vld [tilespmem:s11+$0xFFFFFF50]  }
0x58b: {  	v9 =	vmul.f32 v10, v2;
	v10 =	vld [tilespmem:s11+$0xFFFFFF60];
	[tilespmem:s11+$0xFFFFFF00] =	vst v0  }
0x58c: {  	v0 =	vmul.f32 v11, v2;
	[tilespmem:s11+$0x70] =	vst v7;
	v7 =	vld [tilespmem:s11+$0xFFFFFF70]  }
0x58d: {  	[tilespmem:s11+$0xFFFFFF10] =	vst v9;
	v9 =	vld [tilespmem:s11+$0xFFFFFF80];
	v3 =	vmul.f32 v3, v2  }
0x58e: {  	[tilespmem:s11+$0xFFFFFF20] =	vst v0;
	v0 =	vmul.f32 v1, v2;
	v1 =	vld [tilespmem:s11+$0xFFFFFF90]  }
0x58f: {  	[tilespmem:s11+$0xFFFFFF30] =	vst v3;
	v3 =	vmul.f32 v8, v2;
	v8 =	vld [tilespmem:s11+$0xFFFFFFA0]  }
0x590: {  	[tilespmem:s11+$0xFFFFFF40] =	vst v0;
	v0 =	vmul.f32 v10, v2;
	v10 =	vld [tilespmem:s11+$0xFFFFFFB0]  }
0x591: {  	[tilespmem:s11+$0xFFFFFF50] =	vst v3;
	v2 =	vmul.f32 v7, v2;
	v3 =	vld [tilespmem:s11+$0xFFFFFFC0]  }
0x592: {  	[tilespmem:s11+$0xFFFFFF60] =	vst v0;
	v0 =	vmul.f32 v9, v5;
	v7 =	vld [tilespmem:s11+$0xFFFFFFD0]  }
0x593: {  	v1 =	vmul.f32 v1, v5;
	[tilespmem:s11+$0xFFFFFF70] =	vst v2;
	v2 =	vld [tilespmem:s11+$0xFFFFFFE0]  }
0x594: {  	[tilespmem:s11+$0xFFFFFF80] =	vst v0;
	v0 =	vmul.f32 v8, v5;
	v8 =	vld [tilespmem:s11+$0xFFFFFFF0]  }
0x595: {  	v9 =	vld [tilespmem:s11+$0x0];
	[tilespmem:s11+$0xFFFFFF90] =	vst v1;
	v1 =	vmul.f32 v10, v5  }
0x596: {  	[tilespmem:s11+$0xFFFFFFA0] =	vst v0;
	v0 =	vmul.f32 v3, v5;
	v3 =	vld [tilespmem:s11+$0x10]  }
0x597: {  	[tilespmem:s11+$0xFFFFFFB0] =	vst v1;
	v1 =	vmul.f32 v7, v5;
	v7 =	vld [tilespmem:s11+$0x20]  }
0x598: {  	[tilespmem:s11+$0xFFFFFFC0] =	vst v0;
	v0 =	vmul.f32 v2, v5;
	v2 =	vld [tilespmem:s11+$0x30]  }
0x599: {  	[tilespmem:s11+$0xFFFFFFD0] =	vst v1;
	v1 =	vmul.f32 v8, v5;
	v5 =	vld [tilespmem:s11+$0x40]  }
0x59a: {  	v8 =	vld [tilespmem:s11+$0x50];
	[tilespmem:s11+$0xFFFFFFE0] =	vst v0;
	v0 =	vmul.f32 v9, v6  }
0x59b: {  	[tilespmem:s11+$0xFFFFFFF0] =	vst v1;
	v1 =	vmul.f32 v3, v6;
	v3 =	vld [tilespmem:s11+$0x60]  }
0x59c: {  	[tilespmem:s11+$0x0] =	vst v0;
	v0 =	vmul.f32 v7, v6;
	v7 =	vld [tilespmem:s11+$0x80]  }
0x59d: {  	[tilespmem:s11+$0x10] =	vst v1;
	v1 =	vmul.f32 v2, v6;
	v2 =	vld [tilespmem:s11+$0x90]  }
0x59e: {  	[tilespmem:s11+$0x20] =	vst v0;
	v0 =	vmul.f32 v5, v6;
	v5 =	vld [tilespmem:s11+$0xA0]  }
0x59f: {  	[tilespmem:s11+$0x30] =	vst v1;
	v1 =	vmul.f32 v8, v6;
	v8 =	vld [tilespmem:s11+$0xB0]  }
0x5a0: {  	[tilespmem:s11+$0x40] =	vst v0;
	v0 =	vmul.f32 v3, v6;
	v3 =	vld [tilespmem:s11+$0xC0]  }
0x5a1: {  	v6 =	vld [tilespmem:s11+$0xD0];
	[tilespmem:s11+$0x50] =	vst v1;
	v1 =	vmul.f32 v7, v4  }
0x5a2: {  	[tilespmem:s11+$0x60] =	vst v0;
	v0 =	vmul.f32 v2, v4;
	v2 =	vld [tilespmem:s11+$0xE0]  }
0x5a3: {  	[tilespmem:s11+$0x80] =	vst v1;
	v1 =	vmul.f32 v5, v4;
	v5 =	vld [tilespmem:s11+$0xF0]  }
0x5a4: {  	[tilespmem:s11+$0x90] =	vst v0;
	v0 =	vmul.f32 v8, v4  }
0x5a5: {  	[tilespmem:s11+$0xA0] =	vst v1;
	v1 =	vmul.f32 v3, v4  }
0x5a6: {  	[tilespmem:s11+$0xB0] =	vst v0;
	v0 =	vmul.f32 v6, v4  }
0x5a7: {  	[tilespmem:s11+$0xC0] =	vst v1;
	v1 =	vmul.f32 v2, v4  }
0x5a8: {  	[tilespmem:s11+$0xD0] =	vst v0;
	v0 =	vmul.f32 v5, v4  }
0x5a9: {  	[tilespmem:s11+$0xE0] =	vst v1  }
0x5aa: {  	[tilespmem:s11+$0xF0] =	vst v0  }
0x5ab: {  	[spmem:s2] =	stream.indirect.scatter.add.f32 [tilespmem:s23], [sflag:$0x4], $0x80, s29, s22, $0xb8;
	[tilespmem:$0x1E680] =	vst v63  }
0x5ac: {  	_ =	swait.ge [sflag:s0], $0x2800  }
0x5ad: {  	[sflag:s0] =	ssyncset.done $0x0  }
0x5ae: {  	[sflag:s0] =	ssyncadd.s32 $0xFFFFD800  }
0x5af: {  	v0 =	vld [tilespmem:$0x2A00]  }
0x5b0: {  	v1 =	vld [tilespmem:$0x2A80];
	_ =	sdelay $0x5  }
0x5b1: {  	s8 =	simm.s32 $0x0  }
0x5b2: {  	v0 =	vld.idx.msk [tilespmem:v0+s8+$0x0], $0xffff  }
0x5b3: {  	v1 =	vld.idx.msk [tilespmem:v1+s8+$0x0], $0xffff;
	_ =	sdelay $0x4  }
0x5b4: {  	v0 =	vadd.f32 v1, v0;
	_ =	sdelay $0x1  }
0x5b5: {  	v0 =	vmul.f32 $1.442695020e+00, v0;
	_ =	sdelay $0x1  }
0x5b6: {  	(erf) = vpow2.f32 v0;
	_ =	sdelay $0x8  }
0x5b7: {  	v0 =	vpop (erf)  }
0x5b8: {  	v0 =	vadd.f32 $1.000000000e+00, v0;
	_ =	sdelay $0x1  }
0x5b9: {  	(erf) = vrcp.f32 v0;
	_ =	sdelay $0x3  }
0x5ba: {  	v1 =	vld [tilespmem:$0x2A10]  }
0x5bb: {  	v0 =	vld [tilespmem:$0x2B00]  }
0x5bc: {  	v2 =	vld [tilespmem:$0x2A90];
	_ =	sdelay $0x2  }
0x5bd: {  	v3 =	vpop (erf)  }
0x5be: {  	v0 =	vmul.f32 v3, v0;
	_ =	sdelay $0x1  }
0x5bf: {  	[tilespmem:$0x2E00] =	vst v0  }
0x5c0: {  	v0 =	vld.idx.msk [tilespmem:v1+s8+$0x0], $0xffff  }
0x5c1: {  	v1 =	vld.idx.msk [tilespmem:v2+s8+$0x0], $0xffff;
	_ =	sdelay $0x4  }
0x5c2: {  	v0 =	vadd.f32 v1, v0;
	_ =	sdelay $0x1  }
0x5c3: {  	v0 =	vmul.f32 $1.442695020e+00, v0;
	_ =	sdelay $0x1  }
0x5c4: {  	(erf) = vpow2.f32 v0;
	_ =	sdelay $0x8  }
0x5c5: {  	v0 =	vpop (erf)  }
0x5c6: {  	v0 =	vadd.f32 $1.000000000e+00, v0;
	_ =	sdelay $0x1  }
0x5c7: {  	(erf) = vrcp.f32 v0;
	_ =	sdelay $0x3  }
0x5c8: {  	v1 =	vld [tilespmem:$0x2A20]  }
0x5c9: {  	v0 =	vld [tilespmem:$0x2B10]  }
0x5ca: {  	v2 =	vld [tilespmem:$0x2AA0];
	_ =	sdelay $0x2  }
0x5cb: {  	v3 =	vpop (erf)  }
0x5cc: {  	v0 =	vmul.f32 v3, v0;
	_ =	sdelay $0x1  }
0x5cd: {  	[tilespmem:$0x2E10] =	vst v0  }
0x5ce: {  	v0 =	vld.idx.msk [tilespmem:v1+s8+$0x0], $0xffff  }
0x5cf: {  	v1 =	vld.idx.msk [tilespmem:v2+s8+$0x0], $0xffff;
	_ =	sdelay $0x4  }
0x5d0: {  	v0 =	vadd.f32 v1, v0;
	_ =	sdelay $0x1  }
0x5d1: {  	v0 =	vmul.f32 $1.442695020e+00, v0;
	_ =	sdelay $0x1  }
0x5d2: {  	(erf) = vpow2.f32 v0;
	_ =	sdelay $0x8  }
0x5d3: {  	v0 =	vpop (erf)  }
0x5d4: {  	v0 =	vadd.f32 $1.000000000e+00, v0;
	_ =	sdelay $0x1  }
0x5d5: {  	(erf) = vrcp.f32 v0;
	_ =	sdelay $0x3  }
0x5d6: {  	v1 =	vld [tilespmem:$0x2A30]  }
0x5d7: {  	v0 =	vld [tilespmem:$0x2B20]  }
0x5d8: {  	v2 =	vld [tilespmem:$0x2AB0];
	_ =	sdelay $0x2  }
0x5d9: {  	v3 =	vpop (erf)  }
0x5da: {  	v0 =	vmul.f32 v3, v0;
	_ =	sdelay $0x1  }
0x5db: {  	[tilespmem:$0x2E20] =	vst v0  }
0x5dc: {  	v0 =	vld.idx.msk [tilespmem:v1+s8+$0x0], $0xffff  }
0x5dd: {  	v1 =	vld.idx.msk [tilespmem:v2+s8+$0x0], $0xffff;
	_ =	sdelay $0x4  }
0x5de: {  	v0 =	vadd.f32 v1, v0;
	_ =	sdelay $0x1  }
0x5df: {  	v0 =	vmul.f32 $1.442695020e+00, v0;
	_ =	sdelay $0x1  }
0x5e0: {  	(erf) = vpow2.f32 v0;
	_ =	sdelay $0x8  }
0x5e1: {  	v0 =	vpop (erf)  }
0x5e2: {  	v0 =	vadd.f32 $1.000000000e+00, v0;
	_ =	sdelay $0x1  }
0x5e3: {  	(erf) = vrcp.f32 v0;
	_ =	sdelay $0x3  }
0x5e4: {  	v1 =	vld [tilespmem:$0x2A40]  }
0x5e5: {  	v0 =	vld [tilespmem:$0x2B30]  }
0x5e6: {  	v2 =	vld [tilespmem:$0x2AC0];
	_ =	sdelay $0x2  }
0x5e7: {  	v3 =	vpop (erf)  }
0x5e8: {  	v0 =	vmul.f32 v3, v0;
	_ =	sdelay $0x1  }
0x5e9: {  	[tilespmem:$0x2E30] =	vst v0  }
0x5ea: {  	v0 =	vld.idx.msk [tilespmem:v1+s8+$0x0], $0xffff  }
0x5eb: {  	v1 =	vld.idx.msk [tilespmem:v2+s8+$0x0], $0xffff;
	_ =	sdelay $0x4  }
0x5ec: {  	v0 =	vadd.f32 v1, v0;
	_ =	sdelay $0x1  }
0x5ed: {  	v0 =	vmul.f32 $1.442695020e+00, v0;
	_ =	sdelay $0x1  }
0x5ee: {  	(erf) = vpow2.f32 v0;
	_ =	sdelay $0x8  }
0x5ef: {  	v0 =	vpop (erf)  }
0x5f0: {  	v0 =	vadd.f32 $1.000000000e+00, v0;
	_ =	sdelay $0x1  }
0x5f1: {  	(erf) = vrcp.f32 v0;
	_ =	sdelay $0x4  }
0x5f2: {  	s11 =	simm.s32 $0x2;
	v1 =	vmov s8;
	v0 =	vld [tilespmem:$0x2B40]  }
0x5f3: {  	v2 =	vmov s11;
	v1 =	vand.u32 $0xFFFFFFFC, v1  }
0x5f4: {  	v2 =	vand.u32 $0xFFFFFFFE, v2;
	v1 =	vbroadcast v1, $0x0  }
0x5f5: {  	v2 =	vbroadcast v2, $0x0  }
0x5f6: {  	v3 =	vpop (erf)  }
0x5f7: {  	v0 =	vmul.f32 v3, v0;
	_ =	sdelay $0x1  }
0x5f8: {  	[tilespmem:$0x2E40] =	vst v0  }
0x5f9: {  	v0 =	vld.idx.msk [tilespmem:v1+s28+$0x0], $0xffff  }
0x5fa: {  	s7 =	simm.s32 $0x5780;
	v1 =	vld.idx.msk [tilespmem:v2+s28+$0x0], $0xffff  }
0x5fb: {  	v3 =	vld [tilespmem:s7+$0x70]  }
0x5fc: {  	v4 =	vld [tilespmem:s7+$0xFFFFFF00]  }
0x5fd: {  	s16 =	simm.s32 $0x1;
	v5 =	vld [tilespmem:s7+$0xFFFFFF10]  }
0x5fe: {  	v2 =	vmov s16;
	v6 =	vld [tilespmem:s7+$0xFFFFFF20]  }
0x5ff: {  	v7 =	vld [tilespmem:s7+$0xFFFFFF30];
	v2 =	vand.u32 $0xFFFFFFFD, v2  }
0x600: {  	v8 =	vld [tilespmem:s7+$0xFFFFFF40];
	v2 =	vbroadcast v2, $0x0  }
0x601: {  	v9 =	vld [tilespmem:s7+$0xFFFFFF50]  }
0x602: {  	v10 =	vld [tilespmem:s7+$0xFFFFFF60];
	v4 =	vmul.f32 v4, v0  }
0x603: {  	v63 =	vld [tilespmem:s7+$0x40];
	v3 =	vmul.f32 v3, v1  }
0x604: {  	[tilespmem:s7+$0xFFFFFF00] =	vst v4;
	v4 =	vmul.f32 v5, v0;
	v5 =	vld [tilespmem:s7+$0xFFFFFF70]  }
0x605: {  	[tilespmem:s7+$0x70] =	vst v3;
	v3 =	vmul.f32 v6, v0;
	v6 =	vld [tilespmem:s7+$0xFFFFFF80]  }
0x606: {  	v2 =	vld.idx.msk [tilespmem:v2+s28+$0x0], $0xffff;
	[tilespmem:s7+$0xFFFFFF10] =	vst v4;
	v4 =	vmul.f32 v7, v0  }
0x607: {  	v7 =	vld [tilespmem:s7+$0xFFFFFF90];
	[tilespmem:s7+$0xFFFFFF20] =	vst v3;
	v3 =	vmul.f32 v8, v0  }
0x608: {  	v8 =	vld [tilespmem:s7+$0xFFFFFFA0];
	[tilespmem:s7+$0xFFFFFF30] =	vst v4;
	v4 =	vmul.f32 v9, v0  }
0x609: {  	v9 =	vld [tilespmem:s7+$0xFFFFFFB0];
	[tilespmem:s7+$0xFFFFFF40] =	vst v3;
	v3 =	vmul.f32 v10, v0  }
0x60a: {  	v10 =	vld [tilespmem:s7+$0xFFFFFFC0];
	v5 =	vmul.f32 v5, v0;
	[tilespmem:s7+$0xFFFFFF50] =	vst v4  }
0x60b: {  	v4 =	vmul.f32 v6, v2;
	v6 =	vld [tilespmem:s7+$0xFFFFFFD0];
	[tilespmem:s7+$0xFFFFFF60] =	vst v3  }
0x60c: {  	s17 =	simm.s32 $0x3;
	v3 =	vld [tilespmem:s7+$0xFFFFFFE0];
	v7 =	vmul.f32 v7, v2;
	[tilespmem:s7+$0xFFFFFF70] =	vst v5  }
0x60d: {  	v11 =	vmov s17;
	v5 =	vld [tilespmem:s7+$0xFFFFFFF0];
	[tilespmem:s7+$0xFFFFFF80] =	vst v4;
	v4 =	vmul.f32 v8, v2  }
0x60e: {  	v8 =	vld [tilespmem:s7+$0x0];
	[tilespmem:s7+$0xFFFFFF90] =	vst v7;
	v7 =	vmul.f32 v9, v2  }
0x60f: {  	v9 =	vld [tilespmem:s7+$0x10];
	[tilespmem:s7+$0xFFFFFFA0] =	vst v4;
	v4 =	vmul.f32 v10, v2  }
0x610: {  	[tilespmem:s7+$0xFFFFFFB0] =	vst v7;
	v6 =	vmul.f32 v6, v2;
	v7 =	vld [tilespmem:s7+$0x20]  }
0x611: {  	v10 =	vld [tilespmem:s7+$0x30];
	v3 =	vmul.f32 v3, v2;
	[tilespmem:s7+$0xFFFFFFC0] =	vst v4  }
0x612: {  	v0 =	vld.idx.msk [tilespmem:v11+s28+$0x0], $0xffff;
	v2 =	vmul.f32 v5, v2;
	[tilespmem:s7+$0xFFFFFFD0] =	vst v6  }
0x613: {  	[tilespmem:s7+$0xFFFFFFE0] =	vst v3;
	v4 =	vmul.f32 v8, v1;
	v3 =	vld [tilespmem:s7+$0x50]  }
0x614: {  	s18 =	simm.s32 $0x4;
	[tilespmem:s7+$0xFFFFFFF0] =	vst v2;
	v5 =	vmul.f32 v9, v1;
	v2 =	vld [tilespmem:s7+$0x60]  }
0x615: {  	s24 =	simm.s32 $0x7;
	v6 =	vmov s18;
	[tilespmem:s7+$0x0] =	vst v4;
	v8 =	vmul.f32 v7, v1;
	v7 =	vld [tilespmem:s7+$0x80]  }
0x616: {  	s8 =	simm.s32 $0x5;
	v11 =	vand.u32 $0xFFFFFFFC, v6;
	v6 =	vld [tilespmem:s7+$0x90];
	v4 =	vmov s24;
	v9 =	vmul.f32 v10, v1;
	[tilespmem:s7+$0x10] =	vst v5  }
0x617: {  	s3 =	simm.s32 $0x6;
	s11 =	simm.s32 $0x8;
	s16 =	simm.s32 $0x5780;
	v10 =	vmul.f32 v63, v1;
	v5 =	vbroadcast v11, $0x0;
	v11 =	vmov s8;
	[tilespmem:s7+$0x20] =	vst v8;
	v8 =	vld [tilespmem:s7+$0xA0]  }
.LBB2_20:
0x618: {  	p0 =	slt.u32 s11, $0x4C;
	v11 =	vand.u32 $0xFFFFFFFD, v11;
	v12 =	vmov s3;
	[tilespmem:s7+$0x30] =	vst v9;
	v3 =	vmul.f32 v3, v1;
	v9 =	vld [tilespmem:s7+$0xB0]  }
0x619: {  	v11 =	vbroadcast v11, $0x0;
	v12 =	vand.u32 $0xFFFFFFFE, v12;
	[tilespmem:s7+$0x40] =	vst v10;
	v1 =	vmul.f32 v2, v1;
	v2 =	vld [tilespmem:s7+$0xC0]  }
0x61a: {  	v10 =	vbroadcast v12, $0x0;
	[tilespmem:s7+$0x50] =	vst v3;
	v3 =	vmul.f32 v7, v0;
	v7 =	vld [tilespmem:s7+$0xD0]  }
0x61b: {  	[tilespmem:s7+$0x60] =	vst v1;
	v1 =	vmul.f32 v6, v0;
	v6 =	vld [tilespmem:s7+$0xE0]  }
0x61c: {  	[tilespmem:s7+$0x80] =	vst v3;
	v3 =	vmul.f32 v8, v0;
	v8 =	vld [tilespmem:s7+$0xF0]  }
0x61d: {  	v4 =	vld.idx.msk [tilespmem:v4+s28+$0x0], $0xffff;
	[tilespmem:s7+$0x90] =	vst v1;
	v1 =	vmul.f32 v9, v0  }
0x61e: {  	v5 =	vld.idx.msk [tilespmem:v5+s28+$0x0], $0xffff;
	[tilespmem:s7+$0xA0] =	vst v3;
	v2 =	vmul.f32 v2, v0  }
0x61f: {  	v3 =	vld.idx.msk [tilespmem:v11+s28+$0x0], $0xffff;
	[tilespmem:s7+$0xB0] =	vst v1;
	v7 =	vmul.f32 v7, v0  }
0x620: {  	s7 =	sadd.s32 $0x200, s7;
	v1 =	vld.idx.msk [tilespmem:v10+s28+$0x0], $0xffff;
	[tilespmem:s16+$0xC0] =	vst v2;
	v2 =	vmul.f32 v6, v0  }
0x621: {  	v6 =	vld [tilespmem:s7+$0x70];
	[tilespmem:s16+$0xD0] =	vst v7;
	v8 =	vmul.f32 v8, v0  }
0x622: {  	v7 =	vld [tilespmem:s7+$0xFFFFFF00];
	[tilespmem:s16+$0xE0] =	vst v2  }
0x623: {  	v0 =	vmov v4;
	v2 =	vld [tilespmem:s7+$0xFFFFFF10];
	[tilespmem:s16+$0xF0] =	vst v8;
	s16 =	smov.u32 s7  }
0x624: {  	v4 =	vld [tilespmem:s7+$0xFFFFFF20]  }
0x625: {  	v8 =	vld [tilespmem:s7+$0xFFFFFF30]  }
0x626: {  	v9 =	vld [tilespmem:s7+$0xFFFFFF40];
	v6 =	vmul.f32 v6, v1  }
0x627: {  	v7 =	vmul.f32 v7, v5;
	v10 =	vld [tilespmem:s7+$0xFFFFFF50]  }
0x628: {  	v2 =	vmul.f32 v2, v5;
	v11 =	vld [tilespmem:s7+$0xFFFFFF60];
	[tilespmem:s7+$0x70] =	vst v6  }
0x629: {  	[tilespmem:s7+$0xFFFFFF00] =	vst v7;
	v4 =	vmul.f32 v4, v5;
	v6 =	vld [tilespmem:s7+$0xFFFFFF70]  }
0x62a: {  	[tilespmem:s7+$0xFFFFFF10] =	vst v2;
	v2 =	vmul.f32 v8, v5;
	v7 =	vld [tilespmem:s7+$0xFFFFFF80]  }
0x62b: {  	[tilespmem:s7+$0xFFFFFF20] =	vst v4;
	v4 =	vmul.f32 v9, v5;
	v8 =	vld [tilespmem:s7+$0xFFFFFF90]  }
0x62c: {  	[tilespmem:s7+$0xFFFFFF30] =	vst v2;
	v2 =	vmul.f32 v10, v5;
	v9 =	vld [tilespmem:s7+$0xFFFFFFA0]  }
0x62d: {  	[tilespmem:s7+$0xFFFFFF40] =	vst v4;
	v4 =	vmul.f32 v11, v5;
	v10 =	vld [tilespmem:s7+$0xFFFFFFB0]  }
0x62e: {  	[tilespmem:s7+$0xFFFFFF50] =	vst v2;
	v2 =	vmul.f32 v6, v5;
	v5 =	vld [tilespmem:s7+$0xFFFFFFC0]  }
0x62f: {  	[tilespmem:s7+$0xFFFFFF60] =	vst v4;
	v4 =	vmul.f32 v7, v3;
	v6 =	vld [tilespmem:s7+$0xFFFFFFD0]  }
0x630: {  	[tilespmem:s7+$0xFFFFFF70] =	vst v2;
	v2 =	vmul.f32 v8, v3;
	v7 =	vld [tilespmem:s7+$0xFFFFFFE0]  }
0x631: {  	[tilespmem:s7+$0xFFFFFF80] =	vst v4;
	v4 =	vmul.f32 v9, v3;
	v8 =	vld [tilespmem:s7+$0xFFFFFFF0]  }
0x632: {  	[tilespmem:s7+$0xFFFFFF90] =	vst v2;
	v2 =	vmul.f32 v10, v3;
	v9 =	vld [tilespmem:s7+$0x0]  }
0x633: {  	[tilespmem:s7+$0xFFFFFFA0] =	vst v4;
	v4 =	vmul.f32 v5, v3;
	v5 =	vld [tilespmem:s7+$0x10]  }
0x634: {  	[tilespmem:s7+$0xFFFFFFB0] =	vst v2;
	v2 =	vmul.f32 v6, v3;
	v6 =	vld [tilespmem:s7+$0x20]  }
0x635: {  	[tilespmem:s7+$0xFFFFFFC0] =	vst v4;
	v4 =	vmul.f32 v7, v3;
	v10 =	vld [tilespmem:s7+$0x30]  }
0x636: {  	[tilespmem:s7+$0xFFFFFFD0] =	vst v2;
	v2 =	vmul.f32 v8, v3;
	v8 =	vld [tilespmem:s7+$0x40]  }
.Ltmp9:
0x637: {  	[tilespmem:s7+$0xFFFFFFE0] =	vst v4;
	v4 =	vmul.f32 v9, v1;
	v3 =	vld [tilespmem:s7+$0x50];
	(pc) =	sbr.rel @p0 .LBB2_20-.Ltmp9, $4  }
0x638: {  	[tilespmem:s7+$0xFFFFFFF0] =	vst v2;
	v5 =	vmul.f32 v5, v1;
	v2 =	vld [tilespmem:s7+$0x60]  }
0x639: {  	s3 =	sadd.s32 $0x3, s11;
	v9 =	vmov s11;
	[tilespmem:s7+$0x0] =	vst v4;
	v12 =	vmul.f32 v6, v1;
	v7 =	vld [tilespmem:s7+$0x80]  }
0x63a: {  	s8 =	sadd.s32 $0x1, s11;
	v11 =	vand.u32 $0xFFFFFFFC, v9;
	v4 =	vmov s3;
	[tilespmem:s7+$0x10] =	vst v5;
	v9 =	vmul.f32 v10, v1;
	v6 =	vld [tilespmem:s7+$0x90]  }
0x63b: {  	s3 =	sadd.s32 $0x2, s11;
	s11 =	sadd.s32 $0x4, s11;
	v5 =	vbroadcast v11, $0x0;
	v11 =	vmov s8;
	[tilespmem:s7+$0x20] =	vst v12;
	v10 =	vmul.f32 v8, v1;
	v8 =	vld [tilespmem:s7+$0xA0]  }
0x63c: {  	v12 =	vld [tilespmem:s7+$0xB0]  }
0x63d: {  	v14 =	vld [tilespmem:s7+$0xC0]  }
0x63e: {  	v15 =	vld [tilespmem:s7+$0xD0]  }
0x63f: {  	v16 =	vld [tilespmem:s7+$0xE0]  }
0x640: {  	v44 =	vld [tilespmem:s7+$0xF0];
	[tilespmem:s7+$0x30] =	vst v9;
	v3 =	vmul.f32 v3, v1  }
0x641: {  	v4 =	vld.idx.msk [tilespmem:v4+s28+$0x0], $0xffff;
	[tilespmem:s7+$0x40] =	vst v10;
	v45 =	vmul.f32 v2, v1  }
0x642: {  	s11 =	sadd.s32 $0x200, s7;
	v46 =	vld.idx.msk [tilespmem:v5+s28+$0x0], $0xffff;
	v7 =	vmul.f32 v7, v0;
	[tilespmem:s7+$0x50] =	vst v3  }
0x643: {  	v51 =	vld [tilespmem:s11+$0x70];
	v47 =	vmul.f32 v6, v0;
	[tilespmem:s7+$0x60] =	vst v45  }
0x644: {  	v53 =	vld [tilespmem:s11+$0xFFFFFF00];
	[tilespmem:s7+$0x80] =	vst v7;
	v49 =	vmul.f32 v8, v0  }
0x645: {  	v55 =	vld [tilespmem:s11+$0xFFFFFF10];
	[tilespmem:s7+$0x90] =	vst v47;
	v50 =	vmul.f32 v12, v0  }
0x646: {  	v11 =	vand.u32 $0xFFFFFFFD, v11;
	v57 =	vld [tilespmem:s11+$0xFFFFFF20];
	v52 =	vmul.f32 v14, v0;
	[tilespmem:s7+$0xA0] =	vst v49  }
0x647: {  	v11 =	vbroadcast v11, $0x0;
	v59 =	vld [tilespmem:s11+$0xFFFFFF30];
	v54 =	vmul.f32 v15, v0;
	[tilespmem:s7+$0xB0] =	vst v50  }
0x648: {  	v60 =	vld [tilespmem:s11+$0xFFFFFF40];
	v56 =	vmul.f32 v16, v0;
	[tilespmem:s16+$0xC0] =	vst v52  }
0x649: {  	v63 =	vld [tilespmem:s11+$0xFFFFFF50];
	v58 =	vmul.f32 v44, v0;
	[tilespmem:s16+$0xD0] =	vst v54  }
0x64a: {  	v15 =	vld [tilespmem:s11+$0xFFFFFF70];
	v62 =	vmul.f32 v53, v46;
	[tilespmem:s16+$0xE0] =	vst v56  }
0x64b: {  	v16 =	vld [tilespmem:s11+$0xFFFFFF80];
	v12 =	vmul.f32 v55, v46;
	[tilespmem:s16+$0xF0] =	vst v58  }
0x64c: {  	v44 =	vld [tilespmem:s11+$0x80];
	v14 =	vmul.f32 v57, v46;
	[tilespmem:s11+$0xFFFFFF00] =	vst v62  }
0x64d: {  	v3 =	vmul.f32 v59, v46;
	v48 =	vld.idx.msk [tilespmem:v11+s28+$0x0], $0xffff;
	[tilespmem:s11+$0xFFFFFF10] =	vst v12  }
0x64e: {  	v13 =	vmov s3;
	v18 =	vld [tilespmem:s11+$0xFFFFFF90];
	v17 =	vmul.f32 v60, v46;
	[tilespmem:s11+$0xFFFFFF20] =	vst v14  }
0x64f: {  	v13 =	vand.u32 $0xFFFFFFFE, v13;
	v20 =	vld [tilespmem:s11+$0xFFFFFFA0];
	v19 =	vmul.f32 v63, v46;
	[tilespmem:s11+$0xFFFFFF30] =	vst v3  }
0x650: {  	v22 =	vld [tilespmem:s11+$0xFFFFFFB0];
	v13 =	vbroadcast v13, $0x0;
	[tilespmem:s11+$0xFFFFFF40] =	vst v17;
	v2 =	vmul.f32 v15, v46  }
0x651: {  	v23 =	vld [tilespmem:s11+$0xFFFFFFC0];
	[tilespmem:s11+$0xFFFFFF50] =	vst v19;
	v53 =	vmul.f32 v44, v4  }
0x652: {  	v25 =	vld [tilespmem:s11+$0xFFFFFFD0];
	v24 =	vmul.f32 v16, v48;
	[tilespmem:s11+$0xFFFFFF70] =	vst v2  }
0x653: {  	v26 =	vld [tilespmem:s11+$0xFFFFFFE0];
	v1 =	vmul.f32 v18, v48;
	[tilespmem:s11+$0x80] =	vst v53  }
0x654: {  	v28 =	vld [tilespmem:s11+$0xFFFFFFF0];
	v27 =	vmul.f32 v20, v48;
	[tilespmem:s11+$0xFFFFFF80] =	vst v24  }
0x655: {  	v50 =	vld [tilespmem:s11+$0xB0];
	v29 =	vmul.f32 v22, v48;
	[tilespmem:s11+$0xFFFFFF90] =	vst v1  }
0x656: {  	v6 =	vld.idx.msk [tilespmem:v13+s28+$0x0], $0xffff;
	v31 =	vmul.f32 v23, v48;
	[tilespmem:s11+$0xFFFFFFA0] =	vst v27  }
0x657: {  	v13 =	vld [tilespmem:s11+$0xFFFFFF60];
	v33 =	vmul.f32 v25, v48;
	[tilespmem:s11+$0xFFFFFFB0] =	vst v29  }
0x658: {  	v30 =	vld [tilespmem:s11+$0x0];
	v35 =	vmul.f32 v26, v48;
	[tilespmem:s11+$0xFFFFFFC0] =	vst v31  }
0x659: {  	v32 =	vld [tilespmem:s11+$0x10];
	v37 =	vmul.f32 v28, v48;
	[tilespmem:s11+$0xFFFFFFD0] =	vst v33  }
0x65a: {  	v34 =	vld [tilespmem:s11+$0x20];
	v59 =	vmul.f32 v50, v4;
	[tilespmem:s11+$0xFFFFFFE0] =	vst v35  }
0x65b: {  	v36 =	vld [tilespmem:s11+$0x30];
	v61 =	vmul.f32 v51, v6;
	[tilespmem:s11+$0xFFFFFFF0] =	vst v37  }
0x65c: {  	v38 =	vld [tilespmem:s11+$0x40];
	v21 =	vmul.f32 v13, v46;
	[tilespmem:s11+$0xB0] =	vst v59  }
0x65d: {  	v40 =	vld [tilespmem:s11+$0x50];
	v39 =	vmul.f32 v30, v6;
	[tilespmem:s11+$0x70] =	vst v61  }
0x65e: {  	v42 =	vld [tilespmem:s11+$0x60];
	v41 =	vmul.f32 v32, v6;
	[tilespmem:s11+$0xFFFFFF60] =	vst v21  }
0x65f: {  	v52 =	vld [tilespmem:s11+$0xC0];
	v43 =	vmul.f32 v34, v6;
	[tilespmem:s11+$0x0] =	vst v39  }
0x660: {  	v56 =	vld [tilespmem:s11+$0xE0];
	v45 =	vmul.f32 v36, v6;
	[tilespmem:s11+$0x10] =	vst v41  }
0x661: {  	v58 =	vld [tilespmem:s11+$0xF0];
	v47 =	vmul.f32 v38, v6;
	[tilespmem:s11+$0x20] =	vst v43  }
0x662: {  	v54 =	vld [tilespmem:s11+$0xD0];
	v49 =	vmul.f32 v40, v6;
	[tilespmem:s11+$0x30] =	vst v45  }
0x663: {  	v48 =	vld [tilespmem:s11+$0xA0];
	v51 =	vmul.f32 v42, v6;
	[tilespmem:s11+$0x40] =	vst v47  }
0x664: {  	v46 =	vld [tilespmem:s11+$0x90];
	v60 =	vmul.f32 v52, v4;
	[tilespmem:s11+$0x50] =	vst v49  }
0x665: {  	v62 =	vmul.f32 v56, v4;
	[tilespmem:s11+$0x60] =	vst v51  }
0x666: {  	v63 =	vmul.f32 v58, v4;
	[tilespmem:s11+$0xC0] =	vst v60  }
0x667: {  	v61 =	vmul.f32 v54, v4;
	[tilespmem:s11+$0xE0] =	vst v62  }
0x668: {  	[tilespmem:s11+$0xF0] =	vst v63;
	v57 =	vmul.f32 v48, v4  }
0x669: {  	[tilespmem:s11+$0xD0] =	vst v61;
	v55 =	vmul.f32 v46, v4  }
0x66a: {  	[tilespmem:s11+$0xA0] =	vst v57  }
0x66b: {  	[tilespmem:s11+$0x90] =	vst v55  }
0x66c: {  	[spmem:s2] =	stream.indirect.scatter.add.f32 [tilespmem:s25], [sflag:$0x5], $0x80, s4, s22, $0xb8;
	[tilespmem:$0x1E680] =	vst v63  }
0x66d: {  	_ =	swait.ge [sflag:s10], $0x2800  }
0x66e: {  	[sflag:s10] =	ssyncset.done $0x0  }
0x66f: {  	[sflag:s10] =	ssyncadd.s32 $0xFFFFD800  }
0x670: {  	_ =	swait.ge [sflag:s5], $0x2800  }
0x671: {  	[sflag:s5] =	ssyncset.done $0x0  }
0x672: {  	[sflag:s5] =	ssyncadd.s32 $0xFFFFD800  }
0x673: {  	_ =	swait.ge [sflag:s9], $0x2800  }
0x674: {  	[sflag:s9] =	ssyncset.done $0x0  }
0x675: {  	[sflag:s9] =	ssyncadd.s32 $0xFFFFD800  }
0x676: {  	[bflag:$0x0] =	sbarrier.arrive $0xFFFF  }
0x677: {  	s16 =	rddreg [dreg:$0x6]  }
0x678: {  	s7 =	rddreg [dreg:$0xd]  }
0x679: {  	s18 =	rddreg [dreg:$0xe]  }
0x67a: {  	[hbm:s18], [sflag:s16] =	dma.local [spmem:s7], $0x2800  }
0x67b: {  	_ =	swait.ge [sflag:s19], $0x2800  }
0x67c: {  	s8 =	rddreg [dreg:$0xf]  }
0x67d: {  	s24 =	rddreg [dreg:$0xc];
	s8 =	sadd.s32 $0x1, s8  }
0x67e: {  	p0 =	sne.s32 s8, s24  }
.Ltmp10:
0x67f: {  	_ = 	snop;
	(pc) =	sbr.rel @p0 .LBB2_1-.Ltmp10, $3  }
0x680: {  	_ =	sdelay $0x1  }
0x681: {  	[sflag:s19] =	ssyncset.done $0x0  }
0x682: {  	[sflag:s19] =	ssyncadd.s32 $0xFFFFD800  }
0x683: {  	_ =	sfence.sel $0x180000  }
0x684: {  	[bflag:$0x0] =	sbarrier.arrive $0xFFFF  }
0x685: {  	_ =	strace $0x90000047  }
0x686: {  	s0 =	stileid.u32;
	[bflag:$0x2] =	sbarrier.arrive $0xFFFF  }
0x687: {  	p0 =	sne.s32 s0, $0x0;
	s0 =	rddreg [dreg:$0x3]  }
0x688: {  	s0 =	sadd.s32 @!p0 $0x100000, s0  }
0x689: {  	[sflag:s0] =	ssyncadd.tile.s32 @!p0 $0x1;
	_ =	shalt  }
.Lfunc_end2:
_tile_overlayer_lowered:
.L_overlay_start_2:
0x68a: {  	(tag) =	ssettag $0x2  }
0x68b: {  	s0 =	rddreg [dreg:$0x0];
	s2 =	stileid.u32  }
0x68c: {  	s1 =	rddreg [dreg:$0x1];
	p0 =	sne.s32 s2, $0x0  }
0x68d: {  	s3 =	rddreg [dreg:$0x2];
	[bflag:$0x3] =	sbarrier.arrive $0xFFFF;
	s2 =	simm.s32 @!p0 $0x1C07  }
0x68e: {  	[timem:s3], [sflag:s2] =	dma.local @!p0 [hbm:s0], s1  }
0x68f: {  	s0 =	simm.s32 @!p0 $0x7  }
0x690: {  	_ =	swait.ge @!p0 [sflag:s0], s1  }
0x691: {  	s1 =	ssub.s32 @!p0 $0x0, s1;
	[sflag:s0] =	ssyncset.done @!p0 $0x0  }
0x692: {  	[sflag:s0] =	ssyncadd.s32 @!p0 s1  }
0x693: {  	[bflag:$0x3] =	sbarrier.arrive $0xFFFF  }
0x694: {  	_ =	shalt  }

</sc_bundles>
